<compile_context>
chip_gen: v7x
topology: tpu7x:2x2x1
jax: 0.10.2.dev20260603
libtpu: 0.0.44.dev20260713+nightly
codegen_flags: <defaults>
</compile_context>

<pallas_src>
import dataclasses
import functools

import jax
import jax.numpy as jnp
from jax import lax
from jax.experimental import pallas as pl
from jax.experimental.pallas import tpu as pltpu
from jax.experimental.pallas import tpu_sc as plsc

_NC = 2
_NS = 16
_NW = _NC * _NS
_C = 128
_CAPC = 28
_CAP = _CAPC * _C


def _sc_compiler_params():
    cp = pltpu.CompilerParams()
    if "needs_layout_passes" in pltpu.CompilerParams.__dataclass_fields__:
        cp = dataclasses.replace(cp, needs_layout_passes=False)
    return cp


def _partition_edges(src_wk, dst_wk, half):
    kc = src_wk.shape[1]
    mesh = plsc.VectorSubcoreMesh(core_axis_name="c", subcore_axis_name="s")

    @functools.partial(
        pl.kernel,
        compiler_params=_sc_compiler_params(),
        out_type=(
            jax.ShapeDtypeStruct((_NW, 4, _CAP), jnp.int32),
            jax.ShapeDtypeStruct((_NW, 4, _CAP), jnp.int32),
            jax.ShapeDtypeStruct((_NW, 16), jnp.int32),
        ),
        mesh=mesh,
        scratch_types=[
            pltpu.VMEM((kc, _C), jnp.int32),
            pltpu.VMEM((kc, _C), jnp.int32),
            pltpu.VMEM((_CAP + 16,), jnp.int32),
            pltpu.VMEM((_CAP + 16,), jnp.int32),
            pltpu.VMEM((_CAP + 16,), jnp.int32),
            pltpu.VMEM((_CAP + 16,), jnp.int32),
            pltpu.VMEM((_CAP + 16,), jnp.int32),
            pltpu.VMEM((_CAP + 16,), jnp.int32),
            pltpu.VMEM((_CAP + 16,), jnp.int32),
            pltpu.VMEM((_CAP + 16,), jnp.int32),
            pltpu.VMEM((16,), jnp.int32),
        ],
    )
    def pk(src_hbm, dst_hbm, bsrc_hbm, bdst_hbm, cnt_hbm,
           sin, din, ss0, ss1, ss2, ss3, sd0, sd1, sd2, sd3, cnt_s):
        ssrc = (ss0, ss1, ss2, ss3)
        sdst = (sd0, sd1, sd2, sd3)
        core = lax.axis_index("c")
        sub = lax.axis_index("s")
        wid = core * _NS + sub
        pltpu.sync_copy(src_hbm.at[wid], sin)
        pltpu.sync_copy(dst_hbm.at[wid], din)

        fill_d = half + (lax.iota(jnp.int32, 16) & 7)
        fill_s = jnp.zeros((16,), jnp.int32)

        @pl.loop(0, _CAP + 16, step=16)
        def _(k):
            for b in range(4):
                ssrc[b][pl.ds(k, 16)] = fill_s
                sdst[b][pl.ds(k, 16)] = fill_d

        hvec = jnp.full((16,), half, jnp.int32)
        trash = jnp.full((16,), _CAP, jnp.int32)

        def body(k, ptrs):
            r = k // 8
            cl = (k % 8) * 16
            s16 = sin[r, pl.ds(cl, 16)]
            d16 = din[r, pl.ds(cl, 16)]
            ms = s16 < hvec
            md = d16 < hvec
            sr = jnp.where(ms, s16, s16 - hvec)
            dr = jnp.where(md, d16, d16 - hvec)
            masks = (ms & md, ms & (~md), (~ms) & md, (~ms) & (~md))
            out = []
            for b in range(4):
                m = masks[b]
                mi = m.astype(jnp.int32)
                pos = ptrs[b] + plsc.cumsum(mi) - mi
                idx = jnp.where(m, pos, trash)
                plsc.store_scatter(ssrc[b], [idx], sr)
                plsc.store_scatter(sdst[b], [idx], dr)
                out.append(ptrs[b] + plsc.all_reduce_population_count(m))
            return tuple(out)

        z = jnp.zeros((16,), jnp.int32)
        ptrs = lax.fori_loop(0, kc * 8, body, (z, z, z, z))

        lane = lax.iota(jnp.int32, 16)
        cvec = jnp.zeros((16,), jnp.int32)
        for b in range(4):
            cb = ((ptrs[b] + 255) // 256) * 2
            cvec = jnp.where(lane == b, cb, cvec)
        cnt_s[...] = cvec
        for b in range(4):
            pltpu.sync_copy(ssrc[b].at[pl.ds(0, _CAP)],
                            bsrc_hbm.at[wid].at[b])
            pltpu.sync_copy(sdst[b].at[pl.ds(0, _CAP)],
                            bdst_hbm.at[wid].at[b])
        pltpu.sync_copy(cnt_s, cnt_hbm.at[wid])

    return pk(src_wk, dst_wk)


def _aggregate(nodes_pad, bsrc4, bdst4, cnts, zeros_rows, half, hrows, d):
    stripe = hrows // _NS
    mesh = plsc.VectorSubcoreMesh(core_axis_name="c", subcore_axis_name="s")

    @functools.partial(
        pl.kernel,
        compiler_params=_sc_compiler_params(),
        out_type=jax.ShapeDtypeStruct((_NC, hrows, d), jnp.float32),
        mesh=mesh,
        scratch_types=[
            pltpu.VMEM((2 * _CAPC, _C), jnp.int32),
            pltpu.VMEM((2 * _CAPC, _C), jnp.int32),
            pltpu.VMEM((2, _C, d), jnp.float32),
            pltpu.VMEM_SHARED((hrows, d), jnp.float32),
            pltpu.VMEM_SHARED((hrows, d), jnp.float32),
            pltpu.VMEM((2, 16), jnp.int32),
            pltpu.SemaphoreType.DMA,
            pltpu.SemaphoreType.DMA,
            pltpu.SemaphoreType.DMA,
        ],
    )
    def ak(nodes_hbm, bsrc_hbm, bdst_hbm, cnt_hbm, zeros_hbm, agg_hbm,
           idx_s, idx_d, rows_v, table_sh, acc_sh, cnt_v,
           sem0, sem1, semi):
        core = lax.axis_index("c")
        sub = lax.axis_index("s")
        pltpu.sync_copy(cnt_hbm.at[sub], cnt_v.at[0])
        pltpu.sync_copy(cnt_hbm.at[sub + _NS], cnt_v.at[1])
        lane16 = lax.iota(jnp.int32, 16)
        pltpu.sync_copy(zeros_hbm, acc_sh.at[pl.ds(sub * stripe, stripe)])

        def idx_load(k, slot):
            p, li = k // 2, k % 2
            bidx = 2 * p + core
            w = sub + _NS * li
            sl = pl.ds(slot * _CAPC, _CAPC)
            return (pltpu.make_async_copy(bsrc_hbm.at[w].at[bidx],
                                          idx_s.at[sl], semi),
                    pltpu.make_async_copy(bdst_hbm.at[w].at[bidx],
                                          idx_d.at[sl], semi))

        for cp in idx_load(0, 0):
            cp.start()
        for cp in idx_load(0, 0):
            cp.wait()
        for k in range(4):
            p, li = k // 2, k % 2
            slot = k % 2
            if li == 0:
                plsc.subcore_barrier()
                pltpu.sync_copy(
                    nodes_hbm.at[pl.ds(p * half + sub * stripe, stripe)],
                    table_sh.at[pl.ds(sub * stripe, stripe)])
                plsc.subcore_barrier()
            if k + 1 < 4:
                for cp in idx_load(k + 1, (k + 1) % 2):
                    cp.start()

            def gather(row, buf, sem, base=slot * _CAPC):
                return pltpu.make_async_copy(
                    table_sh.at[idx_s.at[base + row]], rows_v.at[buf], sem)

            bidx = 2 * p + core
            nc = jnp.sum(jnp.where(lane16 == bidx, cnt_v[li], 0))
            gather(0, 0, sem0).start()

            def pair(i, carry, gather=gather, slot=slot):
                c0 = 2 * i
                gather(c0 + 1, 1, sem1).start()
                gather(c0, 0, sem0).wait()
                pltpu.sync_copy(rows_v.at[0],
                                acc_sh.at[idx_d.at[slot * _CAPC + c0]],
                                add=True)
                gather(c0 + 2, 0, sem0).start()
                gather(c0 + 1, 1, sem1).wait()
                pltpu.sync_copy(rows_v.at[1],
                                acc_sh.at[idx_d.at[slot * _CAPC + c0 + 1]],
                                add=True)
                return carry

            lax.fori_loop(0, nc // 2, pair, 0)
            gather(0, 0, sem0).wait()
            if k + 1 < 4:
                for cp in idx_load(k + 1, (k + 1) % 2):
                    cp.wait()

        plsc.subcore_barrier()
        pltpu.sync_copy(acc_sh.at[pl.ds(sub * stripe, stripe)],
                        agg_hbm.at[core].at[pl.ds(sub * stripe, stripe)])

    return ak(nodes_pad, bsrc4, bdst4, cnts, zeros_rows)


def _gates(agg_pad, h_in, bias, w6, b3, n, d):
    blk = 1000
    nb = n // (2 * blk)

    def body(agg_ref, h_ref, bias_ref, w6_ref, b3_ref, out_ref):
        agg = agg_ref[0] + bias_ref[...]
        m = jnp.max(agg, axis=-1, keepdims=True)
        e = jnp.exp(agg - m)
        a = e / jnp.sum(e, axis=-1, keepdims=True)
        h = h_ref[...]

        def mm(x, w):
            return jnp.dot(x, w, preferred_element_type=jnp.float32)

        r = jax.nn.sigmoid(mm(a, w6_ref[0]) + mm(h, w6_ref[1]) + b3_ref[0])
        z = jax.nn.sigmoid(mm(a, w6_ref[2]) + mm(h, w6_ref[3]) + b3_ref[1])
        hh = jnp.tanh(mm(a, w6_ref[4]) + mm(r * h, w6_ref[5]) + b3_ref[2])
        out_ref[...] = (1.0 - z) * h + z * hh

    return pl.pallas_call(
        body,
        grid=(n // blk,),
        in_specs=[
            pl.BlockSpec((1, blk, d), lambda i, nb=nb: (i // nb, i % nb, 0)),
            pl.BlockSpec((blk, d), lambda i: (i, 0)),
            pl.BlockSpec((1, d), lambda i: (0, 0)),
            pl.BlockSpec((6, d, d), lambda i: (0, 0, 0)),
            pl.BlockSpec((3, d), lambda i: (0, 0)),
        ],
        out_specs=pl.BlockSpec((blk, d), lambda i: (i, 0)),
        out_shape=jax.ShapeDtypeStruct((n, d), jnp.float32),
    )(agg_pad, h_in, bias, w6, b3)


def kernel(nodes_ft, adj_list, bias, Wr, br, Wz, bz, Wt, bt):
    n, d = nodes_ft.shape
    e = adj_list.shape[1]
    half = n // 2
    hrows = _NS * (-(-(half + _C // 2) // (8 * _NS)) * 8)
    n_dummy = hrows - half

    epw = -(-e // _NW)
    epw_pad = -(-epw // _C) * _C
    pw = epw_pad - epw
    dst = adj_list[0].reshape(_NW, epw)
    src = adj_list[1].reshape(_NW, epw)
    pad_d = jnp.broadcast_to(n + (jnp.arange(pw, dtype=jnp.int32) % n_dummy),
                             (_NW, pw))
    pad_s = jnp.zeros((_NW, pw), jnp.int32)
    src_wk = jnp.concatenate([src, pad_s], axis=1).reshape(_NW, -1, _C)
    dst_wk = jnp.concatenate([dst, pad_d], axis=1).reshape(_NW, -1, _C)

    bsrc, bdst, cnts = _partition_edges(src_wk, dst_wk, half)
    bsrc4 = bsrc.reshape(_NW, 4, _CAPC, _C)
    bdst4 = bdst.reshape(_NW, 4, _CAPC, _C)

    nodes_pad = jnp.pad(nodes_ft, ((0, 2 * hrows - n), (0, 0)))
    zeros_rows = jnp.zeros((hrows // _NS, d), jnp.float32)
    agg_pad = _aggregate(nodes_pad, bsrc4, bdst4, cnts, zeros_rows,
                         half, hrows, d)

    w6 = jnp.stack([Wr[:, :d].T, Wr[:, d:].T,
                    Wz[:, :d].T, Wz[:, d:].T,
                    Wt[:, :d].T, Wt[:, d:].T])
    b3 = jnp.stack([br, bz, bt])
    return _gates(agg_pad, nodes_ft, bias, w6, b3, n, d)

# --- scband reference (transcript-rebuilt; emitter-appended) ---
"""Pipeline reference for scband-ggnnconv-48524540510790 (READ-ONLY COPY).

The authoritative reference and input builder live on the scoring server;
editing this copy changes nothing except your own understanding.
"""

import jax, jax.numpy as jnp
import numpy as np

N, E, D = 10000, 320000, 128
PROPAGATE_STEP = 4

def setup_inputs(seed: int = 0) -> dict:
    key = jax.random.key(seed)
    ks = jax.random.split(key, 9)
    nodes_ft = jax.random.normal(ks[0], (N, D), dtype=jnp.float32)
    adj_list = jax.random.randint(ks[1], (2, E), 0, N, dtype=jnp.int32)
    # parameters (xavier-ish scale)
    bias = jax.random.normal(ks[2], (1, D), dtype=jnp.float32) * (2.0 / (1 + D)) ** 0.5
    s = (2.0 / (2 * D + D)) ** 0.5
    Wr = jax.random.normal(ks[3], (D, 2 * D), dtype=jnp.float32) * s
    br = jnp.zeros((D,), dtype=jnp.float32)
    Wz = jax.random.normal(ks[4], (D, 2 * D), dtype=jnp.float32) * s
    bz = jnp.zeros((D,), dtype=jnp.float32)
    Wt = jax.random.normal(ks[5], (D, 2 * D), dtype=jnp.float32) * s
    bt = jnp.zeros((D,), dtype=jnp.float32)
    return {"nodes_ft": nodes_ft, "adj_list": adj_list, "bias": bias,
            "Wr": Wr, "br": br, "Wz": Wz, "bz": bz, "Wt": Wt, "bt": bt}

def reference(nodes_ft, adj_list, bias, Wr, br, Wz, bz, Wt, bt):
    prior_h = nodes_ft
    h = prior_h
    for _ in range(PROPAGATE_STEP):
        # torch.index_select(prior_h, 0, adj_list[1])
        nodes_adj_state = jnp.take(prior_h, adj_list[1], axis=0)
        # scatter_('add', ..., adj_list[0], dim_size=N)
        nodes_adj_state = jax.ops.segment_sum(nodes_adj_state, adj_list[0], num_segments=prior_h.shape[0])
        nodes_adj_state = nodes_adj_state + bias
        nodes_adj_state = jax.nn.softmax(nodes_adj_state, axis=-1)
        tmp_state = jnp.concatenate((nodes_adj_state, prior_h), axis=-1)
        r = jax.nn.sigmoid(tmp_state @ Wr.T + br)
        z = jax.nn.sigmoid(tmp_state @ Wz.T + bz)
        h_hat = jnp.tanh(jnp.concatenate((nodes_adj_state, r * prior_h), axis=-1) @ Wt.T + bt)
        h = (1 - z) * prior_h + z * h_hat
        # NOTE: original torch code never updates prior_h inside the loop; replicated faithfully.
    return h

if __name__ == "__main__":
    import jax
    _d = setup_inputs()
    print(jax.jit(kernel)(*tuple(_d.values())))

</pallas_src>

<mosaic_0001>
#map = affine_map<(d0, d1) -> (0, 0, 0)>
#map1 = affine_map<(d0, d1) -> (0, 0)>
module attributes {stable_mosaic.version = 14 : i64} {
  func.func @pk(%arg0: i32, %arg1: i32, %arg2: memref<32x79x128xi32, #tpu.memory_space<hbm>>, %arg3: memref<32x79x128xi32, #tpu.memory_space<hbm>>, %arg4: memref<32x4x3584xi32, #tpu.memory_space<hbm>>, %arg5: memref<32x4x3584xi32, #tpu.memory_space<hbm>>, %arg6: memref<32x16xi32, #tpu.memory_space<hbm>>, %arg7: memref<79x128xi32, #tpu.memory_space<vmem>>, %arg8: memref<79x128xi32, #tpu.memory_space<vmem>>, %arg9: memref<3600xi32, #tpu.memory_space<vmem>>, %arg10: memref<3600xi32, #tpu.memory_space<vmem>>, %arg11: memref<3600xi32, #tpu.memory_space<vmem>>, %arg12: memref<3600xi32, #tpu.memory_space<vmem>>, %arg13: memref<3600xi32, #tpu.memory_space<vmem>>, %arg14: memref<3600xi32, #tpu.memory_space<vmem>>, %arg15: memref<3600xi32, #tpu.memory_space<vmem>>, %arg16: memref<3600xi32, #tpu.memory_space<vmem>>, %arg17: memref<16xi32, #tpu.memory_space<vmem>>) attributes {dimension_semantics = [#tpu.dimension_semantics<core_parallel>, #tpu.dimension_semantics<subcore_parallel>], iteration_bounds = array<i64: 2, 16>, scalar_prefetch = 0 : i64, scratch_operands = 11 : i64, tpu.core_type = #tpu.core_type<sc_vector_subcore>, window_params = [{transform_indices = #map}, {transform_indices = #map}, {transform_indices = #map}, {transform_indices = #map}, {transform_indices = #map1}]} {
    %mul3A = arith.constant 16 : i32
    %mul3A_0 = arith.muli %arg0, %mul3A : i32
    %add3A = arith.addi %mul3A_0, %arg1 : i32
    "tpu.region"() ({
      %run_scoped3A_190 = tpu.sem_alloc : memref<!tpu.dma_semaphore, #tpu.memory_space<semaphore_mem>>
      %dma_start3A = arith.constant 0 : i32
      %dma_start3A_191 = arith.constant 0 : i32
      %dma_start3A_192 = tpu.memref_slice %arg2[%add3A, %dma_start3A, %dma_start3A_191] : memref<32x79x128xi32, #tpu.memory_space<hbm>> -> memref<1x79x128xi32, #tpu.memory_space<hbm>>
      %dma_start3A_193 = tpu.memref_squeeze %dma_start3A_192 : memref<1x79x128xi32, #tpu.memory_space<hbm>> -> memref<79x128xi32, #tpu.memory_space<hbm>>
      %dma_start3A_194 = arith.constant 0 : i32
      %dma_start3A_195 = arith.constant 0 : i32
      %dma_start3A_196 = tpu.memref_slice %arg2[%add3A, %dma_start3A_194, %dma_start3A_195] : memref<32x79x128xi32, #tpu.memory_space<hbm>> -> memref<1x79x128xi32, #tpu.memory_space<hbm>>
      %dma_start3A_197 = tpu.memref_squeeze %dma_start3A_196 : memref<1x79x128xi32, #tpu.memory_space<hbm>> -> memref<79x128xi32, #tpu.memory_space<hbm>>
      tpu.enqueue_dma source(%dma_start3A_197 : memref<79x128xi32, #tpu.memory_space<hbm>>) target(%arg7 : memref<79x128xi32, #tpu.memory_space<vmem>>) target_semaphore(%run_scoped3A_190 : memref<!tpu.dma_semaphore, #tpu.memory_space<semaphore_mem>>)
      %dma_wait3A = arith.constant 0 : i32
      %dma_wait3A_198 = arith.constant 0 : i32
      %dma_wait3A_199 = tpu.memref_slice %arg2[%add3A, %dma_wait3A, %dma_wait3A_198] : memref<32x79x128xi32, #tpu.memory_space<hbm>> -> memref<1x79x128xi32, #tpu.memory_space<hbm>>
      %dma_wait3A_200 = tpu.memref_squeeze %dma_wait3A_199 : memref<1x79x128xi32, #tpu.memory_space<hbm>> -> memref<79x128xi32, #tpu.memory_space<hbm>>
      %dma_wait3A_201 = arith.constant 0 : i32
      %dma_wait3A_202 = arith.constant 0 : i32
      %dma_wait3A_203 = tpu.memref_slice %arg2[%add3A, %dma_wait3A_201, %dma_wait3A_202] : memref<32x79x128xi32, #tpu.memory_space<hbm>> -> memref<1x79x128xi32, #tpu.memory_space<hbm>>
      %dma_wait3A_204 = tpu.memref_squeeze %dma_wait3A_203 : memref<1x79x128xi32, #tpu.memory_space<hbm>> -> memref<79x128xi32, #tpu.memory_space<hbm>>
      tpu.wait_dma2 semaphore(%run_scoped3A_190 : memref<!tpu.dma_semaphore, #tpu.memory_space<semaphore_mem>>) src(%dma_wait3A_204 : memref<79x128xi32, #tpu.memory_space<hbm>>) dst(%arg7 : memref<79x128xi32, #tpu.memory_space<vmem>>)
      tpu.yield
    }) : () -> ()
    "tpu.region"() ({
      %run_scoped3A_190 = tpu.sem_alloc : memref<!tpu.dma_semaphore, #tpu.memory_space<semaphore_mem>>
      %dma_start3A = arith.constant 0 : i32
      %dma_start3A_191 = arith.constant 0 : i32
      %dma_start3A_192 = tpu.memref_slice %arg3[%add3A, %dma_start3A, %dma_start3A_191] : memref<32x79x128xi32, #tpu.memory_space<hbm>> -> memref<1x79x128xi32, #tpu.memory_space<hbm>>
      %dma_start3A_193 = tpu.memref_squeeze %dma_start3A_192 : memref<1x79x128xi32, #tpu.memory_space<hbm>> -> memref<79x128xi32, #tpu.memory_space<hbm>>
      %dma_start3A_194 = arith.constant 0 : i32
      %dma_start3A_195 = arith.constant 0 : i32
      %dma_start3A_196 = tpu.memref_slice %arg3[%add3A, %dma_start3A_194, %dma_start3A_195] : memref<32x79x128xi32, #tpu.memory_space<hbm>> -> memref<1x79x128xi32, #tpu.memory_space<hbm>>
      %dma_start3A_197 = tpu.memref_squeeze %dma_start3A_196 : memref<1x79x128xi32, #tpu.memory_space<hbm>> -> memref<79x128xi32, #tpu.memory_space<hbm>>
      tpu.enqueue_dma source(%dma_start3A_197 : memref<79x128xi32, #tpu.memory_space<hbm>>) target(%arg8 : memref<79x128xi32, #tpu.memory_space<vmem>>) target_semaphore(%run_scoped3A_190 : memref<!tpu.dma_semaphore, #tpu.memory_space<semaphore_mem>>)
      %dma_wait3A = arith.constant 0 : i32
      %dma_wait3A_198 = arith.constant 0 : i32
      %dma_wait3A_199 = tpu.memref_slice %arg3[%add3A, %dma_wait3A, %dma_wait3A_198] : memref<32x79x128xi32, #tpu.memory_space<hbm>> -> memref<1x79x128xi32, #tpu.memory_space<hbm>>
      %dma_wait3A_200 = tpu.memref_squeeze %dma_wait3A_199 : memref<1x79x128xi32, #tpu.memory_space<hbm>> -> memref<79x128xi32, #tpu.memory_space<hbm>>
      %dma_wait3A_201 = arith.constant 0 : i32
      %dma_wait3A_202 = arith.constant 0 : i32
      %dma_wait3A_203 = tpu.memref_slice %arg3[%add3A, %dma_wait3A_201, %dma_wait3A_202] : memref<32x79x128xi32, #tpu.memory_space<hbm>> -> memref<1x79x128xi32, #tpu.memory_space<hbm>>
      %dma_wait3A_204 = tpu.memref_squeeze %dma_wait3A_203 : memref<1x79x128xi32, #tpu.memory_space<hbm>> -> memref<79x128xi32, #tpu.memory_space<hbm>>
      tpu.wait_dma2 semaphore(%run_scoped3A_190 : memref<!tpu.dma_semaphore, #tpu.memory_space<semaphore_mem>>) src(%dma_wait3A_204 : memref<79x128xi32, #tpu.memory_space<hbm>>) dst(%arg8 : memref<79x128xi32, #tpu.memory_space<vmem>>)
      tpu.yield
    }) : () -> ()
    %iota3A = tpu.iota {dimensions = array<i32: 0>} : vector<16xi32>
    %and3A = arith.constant 7 : i32
    %and3A_1 = vector.broadcast %and3A : i32 to vector<16xi32>
    %and3A_2 = arith.andi %iota3A, %and3A_1 : vector<16xi32>
    %add3A_3 = arith.constant 5000 : i32
    %add3A_4 = vector.broadcast %add3A_3 : i32 to vector<16xi32>
    %add3A_5 = arith.addi %add3A_4, %and3A_2 : vector<16xi32>
    %broadcast_in_dim3A = arith.constant 0 : i32
    %broadcast_in_dim3A_6 = vector.broadcast %broadcast_in_dim3A : i32 to vector<16xi32>
    %scan3A = arith.constant 0 : i32
    %scan3A_7 = arith.constant 225 : i32
    %scan3A_8 = arith.addi %scan3A, %scan3A_7 : i32
    %scan3A_9 = arith.constant 1 : i32
    scf.for %scan3A_190 = %scan3A to %scan3A_8 step %scan3A_9  : i32 {
      %mul3A_191 = arith.constant 16 : i32
      %mul3A_192 = arith.muli %scan3A_190, %mul3A_191 : i32
      %add3A_193 = arith.constant 0 : i32
      %add3A_194 = arith.addi %add3A_193, %mul3A_192 : i32
      %swap3A_195 = arith.index_cast %add3A_194 : i32 to index
      %swap3A_196 = tpu.vector_load %arg9[%swap3A_195] {strides = array<i32>} : memref<3600xi32, #tpu.memory_space<vmem>>, vector<16xi32>,
      tpu.vector_store %arg9[%swap3A_195], %broadcast_in_dim3A_6 {strides = array<i32>} : memref<3600xi32, #tpu.memory_space<vmem>>, vector<16xi32>,
      %swap3A_197 = arith.index_cast %add3A_194 : i32 to index
      %swap3A_198 = tpu.vector_load %arg13[%swap3A_197] {strides = array<i32>} : memref<3600xi32, #tpu.memory_space<vmem>>, vector<16xi32>,
      tpu.vector_store %arg13[%swap3A_197], %add3A_5 {strides = array<i32>} : memref<3600xi32, #tpu.memory_space<vmem>>, vector<16xi32>,
      %swap3A_199 = arith.index_cast %add3A_194 : i32 to index
      %swap3A_200 = tpu.vector_load %arg10[%swap3A_199] {strides = array<i32>} : memref<3600xi32, #tpu.memory_space<vmem>>, vector<16xi32>,
      tpu.vector_store %arg10[%swap3A_199], %broadcast_in_dim3A_6 {strides = array<i32>} : memref<3600xi32, #tpu.memory_space<vmem>>, vector<16xi32>,
      %swap3A_201 = arith.index_cast %add3A_194 : i32 to index
      %swap3A_202 = tpu.vector_load %arg14[%swap3A_201] {strides = array<i32>} : memref<3600xi32, #tpu.memory_space<vmem>>, vector<16xi32>,
      tpu.vector_store %arg14[%swap3A_201], %add3A_5 {strides = array<i32>} : memref<3600xi32, #tpu.memory_space<vmem>>, vector<16xi32>,
      %swap3A_203 = arith.index_cast %add3A_194 : i32 to index
      %swap3A_204 = tpu.vector_load %arg11[%swap3A_203] {strides = array<i32>} : memref<3600xi32, #tpu.memory_space<vmem>>, vector<16xi32>,
      tpu.vector_store %arg11[%swap3A_203], %broadcast_in_dim3A_6 {strides = array<i32>} : memref<3600xi32, #tpu.memory_space<vmem>>, vector<16xi32>,
      %swap3A_205 = arith.index_cast %add3A_194 : i32 to index
      %swap3A_206 = tpu.vector_load %arg15[%swap3A_205] {strides = array<i32>} : memref<3600xi32, #tpu.memory_space<vmem>>, vector<16xi32>,
      tpu.vector_store %arg15[%swap3A_205], %add3A_5 {strides = array<i32>} : memref<3600xi32, #tpu.memory_space<vmem>>, vector<16xi32>,
      %swap3A_207 = arith.index_cast %add3A_194 : i32 to index
      %swap3A_208 = tpu.vector_load %arg12[%swap3A_207] {strides = array<i32>} : memref<3600xi32, #tpu.memory_space<vmem>>, vector<16xi32>,
      tpu.vector_store %arg12[%swap3A_207], %broadcast_in_dim3A_6 {strides = array<i32>} : memref<3600xi32, #tpu.memory_space<vmem>>, vector<16xi32>,
      %swap3A_209 = arith.index_cast %add3A_194 : i32 to index
      %swap3A_210 = tpu.vector_load %arg16[%swap3A_209] {strides = array<i32>} : memref<3600xi32, #tpu.memory_space<vmem>>, vector<16xi32>,
      tpu.vector_store %arg16[%swap3A_209], %add3A_5 {strides = array<i32>} : memref<3600xi32, #tpu.memory_space<vmem>>, vector<16xi32>,
    }
    %scan3A_10 = arith.constant 225 : i32
    %broadcast_in_dim3A_11 = arith.constant 5000 : i32
    %broadcast_in_dim3A_12 = vector.broadcast %broadcast_in_dim3A_11 : i32 to vector<16xi32>
    %broadcast_in_dim3A_13 = arith.constant 3584 : i32
    %broadcast_in_dim3A_14 = vector.broadcast %broadcast_in_dim3A_13 : i32 to vector<16xi32>
    %broadcast_in_dim3A_15 = arith.constant 0 : i32
    %broadcast_in_dim3A_16 = vector.broadcast %broadcast_in_dim3A_15 : i32 to vector<16xi32>
    %scan3A_17 = arith.constant 0 : i32
    %scan3A_18 = arith.constant 632 : i32
    %scan3A_19 = arith.addi %scan3A_17, %scan3A_18 : i32
    %scan3A_20 = arith.constant 1 : i32
    %scan3A_21:4 = scf.for %scan3A_190 = %scan3A_17 to %scan3A_19 step %scan3A_20 iter_args(%scan3A_191 = %broadcast_in_dim3A_16, %scan3A_192 = %broadcast_in_dim3A_16, %scan3A_193 = %broadcast_in_dim3A_16, %scan3A_194 = %broadcast_in_dim3A_16) -> (vector<16xi32>, vector<16xi32>, vector<16xi32>, vector<16xi32>)  : i32 {
      %jit3A_195 = arith.constant 8 : i32
      %div3A_196 = arith.divsi %scan3A_190, %jit3A_195 : i32
      %sign3A_197 = arith.constant 0 : i32
      %sign3A_198 = arith.cmpi sgt, %scan3A_190, %sign3A_197 : i32
      %sign3A_199 = arith.extui %sign3A_198 : i1 to i32
      %sign3A_200 = arith.constant 0 : i32
      %sign3A_201 = arith.cmpi slt, %scan3A_190, %sign3A_200 : i32
      %sign3A_202 = arith.extui %sign3A_201 : i1 to i32
      %sign3A_203 = arith.subi %sign3A_199, %sign3A_202 : i32
      %sign3A_204 = arith.constant 0 : i32
      %sign3A_205 = arith.cmpi sgt, %jit3A_195, %sign3A_204 : i32
      %sign3A_206 = arith.extui %sign3A_205 : i1 to i32
      %sign3A_207 = arith.constant 0 : i32
      %sign3A_208 = arith.cmpi slt, %jit3A_195, %sign3A_207 : i32
      %sign3A_209 = arith.extui %sign3A_208 : i1 to i32
      %sign3A_210 = arith.subi %sign3A_206, %sign3A_209 : i32
      %ne3A_211 = arith.cmpi ne, %sign3A_203, %sign3A_210 : i32
      %rem3A_212 = arith.remsi %scan3A_190, %jit3A_195 : i32
      %ne3A_213 = arith.constant 0 : i32
      %ne3A_214 = arith.cmpi ne, %rem3A_212, %ne3A_213 : i32
      %and3A_215 = arith.andi %ne3A_211, %ne3A_214 : i1
      %sub3A_216 = arith.constant 1 : i32
      %sub3A_217 = arith.subi %div3A_196, %sub3A_216 : i32
      %select_n3A_218 = arith.select %and3A_215, %sub3A_217, %div3A_196 : i32
      %jit3A_219 = arith.constant 8 : i32
      %eq3A_220 = arith.constant 0 : i32
      %eq3A_221 = arith.cmpi eq, %jit3A_219, %eq3A_220 : i32
      %jit3A_222 = arith.constant 1 : i32
      %select_n3A_223 = arith.select %eq3A_221, %jit3A_222, %jit3A_219 : i32
      %rem3A_224 = arith.remsi %scan3A_190, %select_n3A_223 : i32
      %ne3A_225 = arith.constant 0 : i32
      %ne3A_226 = arith.cmpi ne, %rem3A_224, %ne3A_225 : i32
      %lt3A = arith.constant 0 : i32
      %lt3A_227 = arith.cmpi slt, %rem3A_224, %lt3A : i32
      %lt3A_228 = arith.constant 0 : i32
      %lt3A_229 = arith.cmpi slt, %select_n3A_223, %lt3A_228 : i32
      %ne3A_230 = arith.xori %lt3A_227, %lt3A_229 : i1
      %and3A_231 = arith.andi %ne3A_230, %ne3A_226 : i1
      %add3A_232 = arith.addi %rem3A_224, %select_n3A_223 : i32
      %select_n3A_233 = arith.select %and3A_231, %add3A_232, %rem3A_224 : i32
      %mul3A_234 = arith.constant 16 : i32
      %mul3A_235 = arith.muli %select_n3A_233, %mul3A_234 : i32
      %get3A = arith.index_cast %select_n3A_218 : i32 to index
      %get3A_236 = arith.index_cast %mul3A_235 : i32 to index
      %get3A_237 = tpu.vector_load %arg7[%get3A, %get3A_236] {strides = array<i32>} : memref<79x128xi32, #tpu.memory_space<vmem>>, vector<16xi32>,
      %get3A_238 = arith.index_cast %select_n3A_218 : i32 to index
      %get3A_239 = arith.index_cast %mul3A_235 : i32 to index
      %get3A_240 = tpu.vector_load %arg8[%get3A_238, %get3A_239] {strides = array<i32>} : memref<79x128xi32, #tpu.memory_space<vmem>>, vector<16xi32>,
      %lt3A_241 = arith.cmpi slt, %get3A_237, %broadcast_in_dim3A_12 : vector<16xi32>
      %lt3A_242 = arith.cmpi slt, %get3A_240, %broadcast_in_dim3A_12 : vector<16xi32>
      %sub3A_243 = arith.subi %get3A_237, %broadcast_in_dim3A_12 : vector<16xi32>
      %select_n3A_244 = arith.select %lt3A_241, %get3A_237, %sub3A_243 : vector<16xi1>, vector<16xi32>
      %sub3A_245 = arith.subi %get3A_240, %broadcast_in_dim3A_12 : vector<16xi32>
      %select_n3A_246 = arith.select %lt3A_242, %get3A_240, %sub3A_245 : vector<16xi1>, vector<16xi32>
      %and3A_247 = arith.andi %lt3A_241, %lt3A_242 : vector<16xi1>
      %not3A = arith.constant dense<true> : vector<16xi1>
      %not3A_248 = arith.xori %lt3A_242, %not3A : vector<16xi1>
      %and3A_249 = arith.andi %lt3A_241, %not3A_248 : vector<16xi1>
      %not3A_250 = arith.constant dense<true> : vector<16xi1>
      %not3A_251 = arith.xori %lt3A_241, %not3A_250 : vector<16xi1>
      %and3A_252 = arith.andi %not3A_251, %lt3A_242 : vector<16xi1>
      %not3A_253 = arith.constant dense<true> : vector<16xi1>
      %not3A_254 = arith.xori %lt3A_241, %not3A_253 : vector<16xi1>
      %not3A_255 = arith.constant dense<true> : vector<16xi1>
      %not3A_256 = arith.xori %lt3A_242, %not3A_255 : vector<16xi1>
      %and3A_257 = arith.andi %not3A_254, %not3A_256 : vector<16xi1>
      %convert_element_type3A = arith.extui %and3A_247 : vector<16xi1> to vector<16xi32>
      %broadcast_in_dim3A_258 = arith.constant true
      %broadcast_in_dim3A_259 = vector.broadcast %broadcast_in_dim3A_258 : i1 to vector<16xi1>
      %masked_cumsum3A = tpu.scan <sum>, %convert_element_type3A masked %broadcast_in_dim3A_259 : vector<16xi32>, vector<16xi1> -> vector<16xi32>
      %add3A_260 = arith.addi %scan3A_191, %masked_cumsum3A : vector<16xi32>
      %sub3A_261 = arith.subi %add3A_260, %convert_element_type3A : vector<16xi32>
      %select_n3A_262 = arith.select %and3A_247, %sub3A_261, %broadcast_in_dim3A_14 : vector<16xi1>, vector<16xi32>
      tpu.vector_store_idx %arg9[%select_n3A_262], %select_n3A_244 : memref<3600xi32, #tpu.memory_space<vmem>>[vector<16xi32>], vector<16xi32>,
      tpu.vector_store_idx %arg13[%select_n3A_262], %select_n3A_246 : memref<3600xi32, #tpu.memory_space<vmem>>[vector<16xi32>], vector<16xi32>,
      %all_reduce_population_count3A = tpu.all_reduce %and3A_247 {dim = 0 : i64, kind = #tpu.reduction_kind<sum>} : vector<16xi1> -> vector<16xi32>
      %add3A_263 = arith.addi %scan3A_191, %all_reduce_population_count3A : vector<16xi32>
      %convert_element_type3A_264 = arith.extui %and3A_249 : vector<16xi1> to vector<16xi32>
      %broadcast_in_dim3A_265 = arith.constant true
      %broadcast_in_dim3A_266 = vector.broadcast %broadcast_in_dim3A_265 : i1 to vector<16xi1>
      %masked_cumsum3A_267 = tpu.scan <sum>, %convert_element_type3A_264 masked %broadcast_in_dim3A_266 : vector<16xi32>, vector<16xi1> -> vector<16xi32>
      %add3A_268 = arith.addi %scan3A_192, %masked_cumsum3A_267 : vector<16xi32>
      %sub3A_269 = arith.subi %add3A_268, %convert_element_type3A_264 : vector<16xi32>
      %select_n3A_270 = arith.select %and3A_249, %sub3A_269, %broadcast_in_dim3A_14 : vector<16xi1>, vector<16xi32>
      tpu.vector_store_idx %arg10[%select_n3A_270], %select_n3A_244 : memref<3600xi32, #tpu.memory_space<vmem>>[vector<16xi32>], vector<16xi32>,
      tpu.vector_store_idx %arg14[%select_n3A_270], %select_n3A_246 : memref<3600xi32, #tpu.memory_space<vmem>>[vector<16xi32>], vector<16xi32>,
      %all_reduce_population_count3A_271 = tpu.all_reduce %and3A_249 {dim = 0 : i64, kind = #tpu.reduction_kind<sum>} : vector<16xi1> -> vector<16xi32>
      %add3A_272 = arith.addi %scan3A_192, %all_reduce_population_count3A_271 : vector<16xi32>
      %convert_element_type3A_273 = arith.extui %and3A_252 : vector<16xi1> to vector<16xi32>
      %broadcast_in_dim3A_274 = arith.constant true
      %broadcast_in_dim3A_275 = vector.broadcast %broadcast_in_dim3A_274 : i1 to vector<16xi1>
      %masked_cumsum3A_276 = tpu.scan <sum>, %convert_element_type3A_273 masked %broadcast_in_dim3A_275 : vector<16xi32>, vector<16xi1> -> vector<16xi32>
      %add3A_277 = arith.addi %scan3A_193, %masked_cumsum3A_276 : vector<16xi32>
      %sub3A_278 = arith.subi %add3A_277, %convert_element_type3A_273 : vector<16xi32>
      %select_n3A_279 = arith.select %and3A_252, %sub3A_278, %broadcast_in_dim3A_14 : vector<16xi1>, vector<16xi32>
      tpu.vector_store_idx %arg11[%select_n3A_279], %select_n3A_244 : memref<3600xi32, #tpu.memory_space<vmem>>[vector<16xi32>], vector<16xi32>,
      tpu.vector_store_idx %arg15[%select_n3A_279], %select_n3A_246 : memref<3600xi32, #tpu.memory_space<vmem>>[vector<16xi32>], vector<16xi32>,
      %all_reduce_population_count3A_280 = tpu.all_reduce %and3A_252 {dim = 0 : i64, kind = #tpu.reduction_kind<sum>} : vector<16xi1> -> vector<16xi32>
      %add3A_281 = arith.addi %scan3A_193, %all_reduce_population_count3A_280 : vector<16xi32>
      %convert_element_type3A_282 = arith.extui %and3A_257 : vector<16xi1> to vector<16xi32>
      %broadcast_in_dim3A_283 = arith.constant true
      %broadcast_in_dim3A_284 = vector.broadcast %broadcast_in_dim3A_283 : i1 to vector<16xi1>
      %masked_cumsum3A_285 = tpu.scan <sum>, %convert_element_type3A_282 masked %broadcast_in_dim3A_284 : vector<16xi32>, vector<16xi1> -> vector<16xi32>
      %add3A_286 = arith.addi %scan3A_194, %masked_cumsum3A_285 : vector<16xi32>
      %sub3A_287 = arith.subi %add3A_286, %convert_element_type3A_282 : vector<16xi32>
      %select_n3A_288 = arith.select %and3A_257, %sub3A_287, %broadcast_in_dim3A_14 : vector<16xi1>, vector<16xi32>
      tpu.vector_store_idx %arg12[%select_n3A_288], %select_n3A_244 : memref<3600xi32, #tpu.memory_space<vmem>>[vector<16xi32>], vector<16xi32>,
      tpu.vector_store_idx %arg16[%select_n3A_288], %select_n3A_246 : memref<3600xi32, #tpu.memory_space<vmem>>[vector<16xi32>], vector<16xi32>,
      %all_reduce_population_count3A_289 = tpu.all_reduce %and3A_257 {dim = 0 : i64, kind = #tpu.reduction_kind<sum>} : vector<16xi1> -> vector<16xi32>
      %add3A_290 = arith.addi %scan3A_194, %all_reduce_population_count3A_289 : vector<16xi32>
      scf.yield %add3A_263, %add3A_272, %add3A_281, %add3A_290 : vector<16xi32>, vector<16xi32>, vector<16xi32>, vector<16xi32>
    }
    %scan3A_22 = arith.constant 632 : i32
    %iota3A_23 = tpu.iota {dimensions = array<i32: 0>} : vector<16xi32>
    %broadcast_in_dim3A_24 = arith.constant 0 : i32
    %broadcast_in_dim3A_25 = vector.broadcast %broadcast_in_dim3A_24 : i32 to vector<16xi32>
    %add3A_26 = arith.constant 255 : i32
    %add3A_27 = vector.broadcast %add3A_26 : i32 to vector<16xi32>
    %add3A_28 = arith.addi %scan3A_21#0, %add3A_27 : vector<16xi32>
    %jit3A = arith.constant 256 : i32
    %div3A = vector.broadcast %jit3A : i32 to vector<16xi32>
    %div3A_29 = arith.divsi %add3A_28, %div3A : vector<16xi32>
    %sign3A = arith.constant 0 : i32
    %sign3A_30 = vector.broadcast %sign3A : i32 to vector<16xi32>
    %sign3A_31 = arith.cmpi sgt, %add3A_28, %sign3A_30 : vector<16xi32>
    %sign3A_32 = arith.extui %sign3A_31 : vector<16xi1> to vector<16xi32>
    %sign3A_33 = arith.constant 0 : i32
    %sign3A_34 = vector.broadcast %sign3A_33 : i32 to vector<16xi32>
    %sign3A_35 = arith.cmpi slt, %add3A_28, %sign3A_34 : vector<16xi32>
    %sign3A_36 = arith.extui %sign3A_35 : vector<16xi1> to vector<16xi32>
    %sign3A_37 = arith.subi %sign3A_32, %sign3A_36 : vector<16xi32>
    %sign3A_38 = arith.constant 0 : i32
    %sign3A_39 = arith.cmpi sgt, %jit3A, %sign3A_38 : i32
    %sign3A_40 = arith.extui %sign3A_39 : i1 to i32
    %sign3A_41 = arith.constant 0 : i32
    %sign3A_42 = arith.cmpi slt, %jit3A, %sign3A_41 : i32
    %sign3A_43 = arith.extui %sign3A_42 : i1 to i32
    %sign3A_44 = arith.subi %sign3A_40, %sign3A_43 : i32
    %ne3A = vector.broadcast %sign3A_44 : i32 to vector<16xi32>
    %ne3A_45 = arith.cmpi ne, %sign3A_37, %ne3A : vector<16xi32>
    %rem3A = vector.broadcast %jit3A : i32 to vector<16xi32>
    %rem3A_46 = arith.remsi %add3A_28, %rem3A : vector<16xi32>
    %ne3A_47 = arith.constant 0 : i32
    %ne3A_48 = vector.broadcast %ne3A_47 : i32 to vector<16xi32>
    %ne3A_49 = arith.cmpi ne, %rem3A_46, %ne3A_48 : vector<16xi32>
    %and3A_50 = arith.andi %ne3A_45, %ne3A_49 : vector<16xi1>
    %sub3A = arith.constant 1 : i32
    %sub3A_51 = vector.broadcast %sub3A : i32 to vector<16xi32>
    %sub3A_52 = arith.subi %div3A_29, %sub3A_51 : vector<16xi32>
    %select_n3A = arith.select %and3A_50, %sub3A_52, %div3A_29 : vector<16xi1>, vector<16xi32>
    %mul3A_53 = arith.constant 2 : i32
    %mul3A_54 = vector.broadcast %mul3A_53 : i32 to vector<16xi32>
    %mul3A_55 = arith.muli %select_n3A, %mul3A_54 : vector<16xi32>
    %eq3A = arith.constant 0 : i32
    %eq3A_56 = vector.broadcast %eq3A : i32 to vector<16xi32>
    %eq3A_57 = arith.cmpi eq, %iota3A_23, %eq3A_56 : vector<16xi32>
    %select_n3A_58 = arith.select %eq3A_57, %mul3A_55, %broadcast_in_dim3A_25 : vector<16xi1>, vector<16xi32>
    %add3A_59 = arith.constant 255 : i32
    %add3A_60 = vector.broadcast %add3A_59 : i32 to vector<16xi32>
    %add3A_61 = arith.addi %scan3A_21#1, %add3A_60 : vector<16xi32>
    %jit3A_62 = arith.constant 256 : i32
    %div3A_63 = vector.broadcast %jit3A_62 : i32 to vector<16xi32>
    %div3A_64 = arith.divsi %add3A_61, %div3A_63 : vector<16xi32>
    %sign3A_65 = arith.constant 0 : i32
    %sign3A_66 = vector.broadcast %sign3A_65 : i32 to vector<16xi32>
    %sign3A_67 = arith.cmpi sgt, %add3A_61, %sign3A_66 : vector<16xi32>
    %sign3A_68 = arith.extui %sign3A_67 : vector<16xi1> to vector<16xi32>
    %sign3A_69 = arith.constant 0 : i32
    %sign3A_70 = vector.broadcast %sign3A_69 : i32 to vector<16xi32>
    %sign3A_71 = arith.cmpi slt, %add3A_61, %sign3A_70 : vector<16xi32>
    %sign3A_72 = arith.extui %sign3A_71 : vector<16xi1> to vector<16xi32>
    %sign3A_73 = arith.subi %sign3A_68, %sign3A_72 : vector<16xi32>
    %sign3A_74 = arith.constant 0 : i32
    %sign3A_75 = arith.cmpi sgt, %jit3A_62, %sign3A_74 : i32
    %sign3A_76 = arith.extui %sign3A_75 : i1 to i32
    %sign3A_77 = arith.constant 0 : i32
    %sign3A_78 = arith.cmpi slt, %jit3A_62, %sign3A_77 : i32
    %sign3A_79 = arith.extui %sign3A_78 : i1 to i32
    %sign3A_80 = arith.subi %sign3A_76, %sign3A_79 : i32
    %ne3A_81 = vector.broadcast %sign3A_80 : i32 to vector<16xi32>
    %ne3A_82 = arith.cmpi ne, %sign3A_73, %ne3A_81 : vector<16xi32>
    %rem3A_83 = vector.broadcast %jit3A_62 : i32 to vector<16xi32>
    %rem3A_84 = arith.remsi %add3A_61, %rem3A_83 : vector<16xi32>
    %ne3A_85 = arith.constant 0 : i32
    %ne3A_86 = vector.broadcast %ne3A_85 : i32 to vector<16xi32>
    %ne3A_87 = arith.cmpi ne, %rem3A_84, %ne3A_86 : vector<16xi32>
    %and3A_88 = arith.andi %ne3A_82, %ne3A_87 : vector<16xi1>
    %sub3A_89 = arith.constant 1 : i32
    %sub3A_90 = vector.broadcast %sub3A_89 : i32 to vector<16xi32>
    %sub3A_91 = arith.subi %div3A_64, %sub3A_90 : vector<16xi32>
    %select_n3A_92 = arith.select %and3A_88, %sub3A_91, %div3A_64 : vector<16xi1>, vector<16xi32>
    %mul3A_93 = arith.constant 2 : i32
    %mul3A_94 = vector.broadcast %mul3A_93 : i32 to vector<16xi32>
    %mul3A_95 = arith.muli %select_n3A_92, %mul3A_94 : vector<16xi32>
    %eq3A_96 = arith.constant 1 : i32
    %eq3A_97 = vector.broadcast %eq3A_96 : i32 to vector<16xi32>
    %eq3A_98 = arith.cmpi eq, %iota3A_23, %eq3A_97 : vector<16xi32>
    %select_n3A_99 = arith.select %eq3A_98, %mul3A_95, %select_n3A_58 : vector<16xi1>, vector<16xi32>
    %add3A_100 = arith.constant 255 : i32
    %add3A_101 = vector.broadcast %add3A_100 : i32 to vector<16xi32>
    %add3A_102 = arith.addi %scan3A_21#2, %add3A_101 : vector<16xi32>
    %jit3A_103 = arith.constant 256 : i32
    %div3A_104 = vector.broadcast %jit3A_103 : i32 to vector<16xi32>
    %div3A_105 = arith.divsi %add3A_102, %div3A_104 : vector<16xi32>
    %sign3A_106 = arith.constant 0 : i32
    %sign3A_107 = vector.broadcast %sign3A_106 : i32 to vector<16xi32>
    %sign3A_108 = arith.cmpi sgt, %add3A_102, %sign3A_107 : vector<16xi32>
    %sign3A_109 = arith.extui %sign3A_108 : vector<16xi1> to vector<16xi32>
    %sign3A_110 = arith.constant 0 : i32
    %sign3A_111 = vector.broadcast %sign3A_110 : i32 to vector<16xi32>
    %sign3A_112 = arith.cmpi slt, %add3A_102, %sign3A_111 : vector<16xi32>
    %sign3A_113 = arith.extui %sign3A_112 : vector<16xi1> to vector<16xi32>
    %sign3A_114 = arith.subi %sign3A_109, %sign3A_113 : vector<16xi32>
    %sign3A_115 = arith.constant 0 : i32
    %sign3A_116 = arith.cmpi sgt, %jit3A_103, %sign3A_115 : i32
    %sign3A_117 = arith.extui %sign3A_116 : i1 to i32
    %sign3A_118 = arith.constant 0 : i32
    %sign3A_119 = arith.cmpi slt, %jit3A_103, %sign3A_118 : i32
    %sign3A_120 = arith.extui %sign3A_119 : i1 to i32
    %sign3A_121 = arith.subi %sign3A_117, %sign3A_120 : i32
    %ne3A_122 = vector.broadcast %sign3A_121 : i32 to vector<16xi32>
    %ne3A_123 = arith.cmpi ne, %sign3A_114, %ne3A_122 : vector<16xi32>
    %rem3A_124 = vector.broadcast %jit3A_103 : i32 to vector<16xi32>
    %rem3A_125 = arith.remsi %add3A_102, %rem3A_124 : vector<16xi32>
    %ne3A_126 = arith.constant 0 : i32
    %ne3A_127 = vector.broadcast %ne3A_126 : i32 to vector<16xi32>
    %ne3A_128 = arith.cmpi ne, %rem3A_125, %ne3A_127 : vector<16xi32>
    %and3A_129 = arith.andi %ne3A_123, %ne3A_128 : vector<16xi1>
    %sub3A_130 = arith.constant 1 : i32
    %sub3A_131 = vector.broadcast %sub3A_130 : i32 to vector<16xi32>
    %sub3A_132 = arith.subi %div3A_105, %sub3A_131 : vector<16xi32>
    %select_n3A_133 = arith.select %and3A_129, %sub3A_132, %div3A_105 : vector<16xi1>, vector<16xi32>
    %mul3A_134 = arith.constant 2 : i32
    %mul3A_135 = vector.broadcast %mul3A_134 : i32 to vector<16xi32>
    %mul3A_136 = arith.muli %select_n3A_133, %mul3A_135 : vector<16xi32>
    %eq3A_137 = arith.constant 2 : i32
    %eq3A_138 = vector.broadcast %eq3A_137 : i32 to vector<16xi32>
    %eq3A_139 = arith.cmpi eq, %iota3A_23, %eq3A_138 : vector<16xi32>
    %select_n3A_140 = arith.select %eq3A_139, %mul3A_136, %select_n3A_99 : vector<16xi1>, vector<16xi32>
    %add3A_141 = arith.constant 255 : i32
    %add3A_142 = vector.broadcast %add3A_141 : i32 to vector<16xi32>
    %add3A_143 = arith.addi %scan3A_21#3, %add3A_142 : vector<16xi32>
    %jit3A_144 = arith.constant 256 : i32
    %div3A_145 = vector.broadcast %jit3A_144 : i32 to vector<16xi32>
    %div3A_146 = arith.divsi %add3A_143, %div3A_145 : vector<16xi32>
    %sign3A_147 = arith.constant 0 : i32
    %sign3A_148 = vector.broadcast %sign3A_147 : i32 to vector<16xi32>
    %sign3A_149 = arith.cmpi sgt, %add3A_143, %sign3A_148 : vector<16xi32>
    %sign3A_150 = arith.extui %sign3A_149 : vector<16xi1> to vector<16xi32>
    %sign3A_151 = arith.constant 0 : i32
    %sign3A_152 = vector.broadcast %sign3A_151 : i32 to vector<16xi32>
    %sign3A_153 = arith.cmpi slt, %add3A_143, %sign3A_152 : vector<16xi32>
    %sign3A_154 = arith.extui %sign3A_153 : vector<16xi1> to vector<16xi32>
    %sign3A_155 = arith.subi %sign3A_150, %sign3A_154 : vector<16xi32>
    %sign3A_156 = arith.constant 0 : i32
    %sign3A_157 = arith.cmpi sgt, %jit3A_144, %sign3A_156 : i32
    %sign3A_158 = arith.extui %sign3A_157 : i1 to i32
    %sign3A_159 = arith.constant 0 : i32
    %sign3A_160 = arith.cmpi slt, %jit3A_144, %sign3A_159 : i32
    %sign3A_161 = arith.extui %sign3A_160 : i1 to i32
    %sign3A_162 = arith.subi %sign3A_158, %sign3A_161 : i32
    %ne3A_163 = vector.broadcast %sign3A_162 : i32 to vector<16xi32>
    %ne3A_164 = arith.cmpi ne, %sign3A_155, %ne3A_163 : vector<16xi32>
    %rem3A_165 = vector.broadcast %jit3A_144 : i32 to vector<16xi32>
    %rem3A_166 = arith.remsi %add3A_143, %rem3A_165 : vector<16xi32>
    %ne3A_167 = arith.constant 0 : i32
    %ne3A_168 = vector.broadcast %ne3A_167 : i32 to vector<16xi32>
    %ne3A_169 = arith.cmpi ne, %rem3A_166, %ne3A_168 : vector<16xi32>
    %and3A_170 = arith.andi %ne3A_164, %ne3A_169 : vector<16xi1>
    %sub3A_171 = arith.constant 1 : i32
    %sub3A_172 = vector.broadcast %sub3A_171 : i32 to vector<16xi32>
    %sub3A_173 = arith.subi %div3A_146, %sub3A_172 : vector<16xi32>
    %select_n3A_174 = arith.select %and3A_170, %sub3A_173, %div3A_146 : vector<16xi1>, vector<16xi32>
    %mul3A_175 = arith.constant 2 : i32
    %mul3A_176 = vector.broadcast %mul3A_175 : i32 to vector<16xi32>
    %mul3A_177 = arith.muli %select_n3A_174, %mul3A_176 : vector<16xi32>
    %eq3A_178 = arith.constant 3 : i32
    %eq3A_179 = vector.broadcast %eq3A_178 : i32 to vector<16xi32>
    %eq3A_180 = arith.cmpi eq, %iota3A_23, %eq3A_179 : vector<16xi32>
    %select_n3A_181 = arith.select %eq3A_180, %mul3A_177, %select_n3A_140 : vector<16xi1>, vector<16xi32>
    %swap3A = arith.constant 0 : index
    %swap3A_182 = tpu.vector_load %arg17[%swap3A] {strides = array<i32>} : memref<16xi32, #tpu.memory_space<vmem>>, vector<16xi32>,
    tpu.vector_store %arg17[%swap3A], %select_n3A_181 {strides = array<i32>} : memref<16xi32, #tpu.memory_space<vmem>>, vector<16xi32>,
    %run_scoped3A = arith.constant 0 : i32
    "tpu.region"() ({
      %run_scoped3A_190 = tpu.sem_alloc : memref<!tpu.dma_semaphore, #tpu.memory_space<semaphore_mem>>
      %dma_start3A = arith.constant 0 : i32
      %dma_start3A_191 = tpu.memref_slice %arg9[%dma_start3A] : memref<3600xi32, #tpu.memory_space<vmem>> -> memref<3584xi32, #tpu.memory_space<vmem>>
      %dma_start3A_192 = arith.constant 0 : i32
      %dma_start3A_193 = arith.constant 0 : i32
      %dma_start3A_194 = tpu.memref_slice %arg4[%add3A, %dma_start3A_192, %dma_start3A_193] : memref<32x4x3584xi32, #tpu.memory_space<hbm>> -> memref<1x4x3584xi32, #tpu.memory_space<hbm>>
      %dma_start3A_195 = tpu.memref_squeeze %dma_start3A_194 : memref<1x4x3584xi32, #tpu.memory_space<hbm>> -> memref<4x3584xi32, #tpu.memory_space<hbm>>
      %dma_start3A_196 = arith.constant 0 : i32
      %dma_start3A_197 = tpu.memref_slice %dma_start3A_195[%run_scoped3A, %dma_start3A_196] : memref<4x3584xi32, #tpu.memory_space<hbm>> -> memref<1x3584xi32, #tpu.memory_space<hbm>>
      %dma_start3A_198 = tpu.memref_squeeze %dma_start3A_197 : memref<1x3584xi32, #tpu.memory_space<hbm>> -> memref<3584xi32, #tpu.memory_space<hbm>>
      %dma_start3A_199 = arith.constant 0 : i32
      %dma_start3A_200 = arith.constant 0 : i32
      %dma_start3A_201 = tpu.memref_slice %arg4[%add3A, %dma_start3A_199, %dma_start3A_200] : memref<32x4x3584xi32, #tpu.memory_space<hbm>> -> memref<1x4x3584xi32, #tpu.memory_space<hbm>>
      %dma_start3A_202 = tpu.memref_squeeze %dma_start3A_201 : memref<1x4x3584xi32, #tpu.memory_space<hbm>> -> memref<4x3584xi32, #tpu.memory_space<hbm>>
      %dma_start3A_203 = arith.constant 0 : i32
      %dma_start3A_204 = tpu.memref_slice %dma_start3A_202[%run_scoped3A, %dma_start3A_203] : memref<4x3584xi32, #tpu.memory_space<hbm>> -> memref<1x3584xi32, #tpu.memory_space<hbm>>
      %dma_start3A_205 = tpu.memref_squeeze %dma_start3A_204 : memref<1x3584xi32, #tpu.memory_space<hbm>> -> memref<3584xi32, #tpu.memory_space<hbm>>
      %dma_start3A_206 = arith.constant 0 : i32
      %dma_start3A_207 = tpu.memref_slice %arg9[%dma_start3A_206] : memref<3600xi32, #tpu.memory_space<vmem>> -> memref<3584xi32, #tpu.memory_space<vmem>>
      tpu.enqueue_dma source(%dma_start3A_207 : memref<3584xi32, #tpu.memory_space<vmem>>) target(%dma_start3A_205 : memref<3584xi32, #tpu.memory_space<hbm>>) target_semaphore(%run_scoped3A_190 : memref<!tpu.dma_semaphore, #tpu.memory_space<semaphore_mem>>)
      %dma_wait3A = arith.constant 0 : i32
      %dma_wait3A_208 = tpu.memref_slice %arg9[%dma_wait3A] : memref<3600xi32, #tpu.memory_space<vmem>> -> memref<3584xi32, #tpu.memory_space<vmem>>
      %dma_wait3A_209 = arith.constant 0 : i32
      %dma_wait3A_210 = arith.constant 0 : i32
      %dma_wait3A_211 = tpu.memref_slice %arg4[%add3A, %dma_wait3A_209, %dma_wait3A_210] : memref<32x4x3584xi32, #tpu.memory_space<hbm>> -> memref<1x4x3584xi32, #tpu.memory_space<hbm>>
      %dma_wait3A_212 = tpu.memref_squeeze %dma_wait3A_211 : memref<1x4x3584xi32, #tpu.memory_space<hbm>> -> memref<4x3584xi32, #tpu.memory_space<hbm>>
      %dma_wait3A_213 = arith.constant 0 : i32
      %dma_wait3A_214 = tpu.memref_slice %dma_wait3A_212[%run_scoped3A, %dma_wait3A_213] : memref<4x3584xi32, #tpu.memory_space<hbm>> -> memref<1x3584xi32, #tpu.memory_space<hbm>>
      %dma_wait3A_215 = tpu.memref_squeeze %dma_wait3A_214 : memref<1x3584xi32, #tpu.memory_space<hbm>> -> memref<3584xi32, #tpu.memory_space<hbm>>
      %dma_wait3A_216 = arith.constant 0 : i32
      %dma_wait3A_217 = arith.constant 0 : i32
      %dma_wait3A_218 = tpu.memref_slice %arg4[%add3A, %dma_wait3A_216, %dma_wait3A_217] : memref<32x4x3584xi32, #tpu.memory_space<hbm>> -> memref<1x4x3584xi32, #tpu.memory_space<hbm>>
      %dma_wait3A_219 = tpu.memref_squeeze %dma_wait3A_218 : memref<1x4x3584xi32, #tpu.memory_space<hbm>> -> memref<4x3584xi32, #tpu.memory_space<hbm>>
      %dma_wait3A_220 = arith.constant 0 : i32
      %dma_wait3A_221 = tpu.memref_slice %dma_wait3A_219[%run_scoped3A, %dma_wait3A_220] : memref<4x3584xi32, #tpu.memory_space<hbm>> -> memref<1x3584xi32, #tpu.memory_space<hbm>>
      %dma_wait3A_222 = tpu.memref_squeeze %dma_wait3A_221 : memref<1x3584xi32, #tpu.memory_space<hbm>> -> memref<3584xi32, #tpu.memory_space<hbm>>
      %dma_wait3A_223 = arith.constant 0 : i32
      %dma_wait3A_224 = tpu.memref_slice %arg9[%dma_wait3A_223] : memref<3600xi32, #tpu.memory_space<vmem>> -> memref<3584xi32, #tpu.memory_space<vmem>>
      tpu.wait_dma2 semaphore(%run_scoped3A_190 : memref<!tpu.dma_semaphore, #tpu.memory_space<semaphore_mem>>) src(%dma_wait3A_224 : memref<3584xi32, #tpu.memory_space<vmem>>) dst(%dma_wait3A_222 : memref<3584xi32, #tpu.memory_space<hbm>>)
      tpu.yield
    }) : () -> ()
    %run_scoped3A_183 = arith.constant 0 : i32
    "tpu.region"() ({
      %run_scoped3A_190 = tpu.sem_alloc : memref<!tpu.dma_semaphore, #tpu.memory_space<semaphore_mem>>
      %dma_start3A = arith.constant 0 : i32
      %dma_start3A_191 = tpu.memref_slice %arg13[%dma_start3A] : memref<3600xi32, #tpu.memory_space<vmem>> -> memref<3584xi32, #tpu.memory_space<vmem>>
      %dma_start3A_192 = arith.constant 0 : i32
      %dma_start3A_193 = arith.constant 0 : i32
      %dma_start3A_194 = tpu.memref_slice %arg5[%add3A, %dma_start3A_192, %dma_start3A_193] : memref<32x4x3584xi32, #tpu.memory_space<hbm>> -> memref<1x4x3584xi32, #tpu.memory_space<hbm>>
      %dma_start3A_195 = tpu.memref_squeeze %dma_start3A_194 : memref<1x4x3584xi32, #tpu.memory_space<hbm>> -> memref<4x3584xi32, #tpu.memory_space<hbm>>
      %dma_start3A_196 = arith.constant 0 : i32
      %dma_start3A_197 = tpu.memref_slice %dma_start3A_195[%run_scoped3A_183, %dma_start3A_196] : memref<4x3584xi32, #tpu.memory_space<hbm>> -> memref<1x3584xi32, #tpu.memory_space<hbm>>
      %dma_start3A_198 = tpu.memref_squeeze %dma_start3A_197 : memref<1x3584xi32, #tpu.memory_space<hbm>> -> memref<3584xi32, #tpu.memory_space<hbm>>
      %dma_start3A_199 = arith.constant 0 : i32
      %dma_start3A_200 = arith.constant 0 : i32
      %dma_start3A_201 = tpu.memref_slice %arg5[%add3A, %dma_start3A_199, %dma_start3A_200] : memref<32x4x3584xi32, #tpu.memory_space<hbm>> -> memref<1x4x3584xi32, #tpu.memory_space<hbm>>
      %dma_start3A_202 = tpu.memref_squeeze %dma_start3A_201 : memref<1x4x3584xi32, #tpu.memory_space<hbm>> -> memref<4x3584xi32, #tpu.memory_space<hbm>>
      %dma_start3A_203 = arith.constant 0 : i32
      %dma_start3A_204 = tpu.memref_slice %dma_start3A_202[%run_scoped3A_183, %dma_start3A_203] : memref<4x3584xi32, #tpu.memory_space<hbm>> -> memref<1x3584xi32, #tpu.memory_space<hbm>>
      %dma_start3A_205 = tpu.memref_squeeze %dma_start3A_204 : memref<1x3584xi32, #tpu.memory_space<hbm>> -> memref<3584xi32, #tpu.memory_space<hbm>>
      %dma_start3A_206 = arith.constant 0 : i32
      %dma_start3A_207 = tpu.memref_slice %arg13[%dma_start3A_206] : memref<3600xi32, #tpu.memory_space<vmem>> -> memref<3584xi32, #tpu.memory_space<vmem>>
      tpu.enqueue_dma source(%dma_start3A_207 : memref<3584xi32, #tpu.memory_space<vmem>>) target(%dma_start3A_205 : memref<3584xi32, #tpu.memory_space<hbm>>) target_semaphore(%run_scoped3A_190 : memref<!tpu.dma_semaphore, #tpu.memory_space<semaphore_mem>>)
      %dma_wait3A = arith.constant 0 : i32
      %dma_wait3A_208 = tpu.memref_slice %arg13[%dma_wait3A] : memref<3600xi32, #tpu.memory_space<vmem>> -> memref<3584xi32, #tpu.memory_space<vmem>>
      %dma_wait3A_209 = arith.constant 0 : i32
      %dma_wait3A_210 = arith.constant 0 : i32
      %dma_wait3A_211 = tpu.memref_slice %arg5[%add3A, %dma_wait3A_209, %dma_wait3A_210] : memref<32x4x3584xi32, #tpu.memory_space<hbm>> -> memref<1x4x3584xi32, #tpu.memory_space<hbm>>
      %dma_wait3A_212 = tpu.memref_squeeze %dma_wait3A_211 : memref<1x4x3584xi32, #tpu.memory_space<hbm>> -> memref<4x3584xi32, #tpu.memory_space<hbm>>
      %dma_wait3A_213 = arith.constant 0 : i32
      %dma_wait3A_214 = tpu.memref_slice %dma_wait3A_212[%run_scoped3A_183, %dma_wait3A_213] : memref<4x3584xi32, #tpu.memory_space<hbm>> -> memref<1x3584xi32, #tpu.memory_space<hbm>>
      %dma_wait3A_215 = tpu.memref_squeeze %dma_wait3A_214 : memref<1x3584xi32, #tpu.memory_space<hbm>> -> memref<3584xi32, #tpu.memory_space<hbm>>
      %dma_wait3A_216 = arith.constant 0 : i32
      %dma_wait3A_217 = arith.constant 0 : i32
      %dma_wait3A_218 = tpu.memref_slice %arg5[%add3A, %dma_wait3A_216, %dma_wait3A_217] : memref<32x4x3584xi32, #tpu.memory_space<hbm>> -> memref<1x4x3584xi32, #tpu.memory_space<hbm>>
      %dma_wait3A_219 = tpu.memref_squeeze %dma_wait3A_218 : memref<1x4x3584xi32, #tpu.memory_space<hbm>> -> memref<4x3584xi32, #tpu.memory_space<hbm>>
      %dma_wait3A_220 = arith.constant 0 : i32
      %dma_wait3A_221 = tpu.memref_slice %dma_wait3A_219[%run_scoped3A_183, %dma_wait3A_220] : memref<4x3584xi32, #tpu.memory_space<hbm>> -> memref<1x3584xi32, #tpu.memory_space<hbm>>
      %dma_wait3A_222 = tpu.memref_squeeze %dma_wait3A_221 : memref<1x3584xi32, #tpu.memory_space<hbm>> -> memref<3584xi32, #tpu.memory_space<hbm>>
      %dma_wait3A_223 = arith.constant 0 : i32
      %dma_wait3A_224 = tpu.memref_slice %arg13[%dma_wait3A_223] : memref<3600xi32, #tpu.memory_space<vmem>> -> memref<3584xi32, #tpu.memory_space<vmem>>
      tpu.wait_dma2 semaphore(%run_scoped3A_190 : memref<!tpu.dma_semaphore, #tpu.memory_space<semaphore_mem>>) src(%dma_wait3A_224 : memref<3584xi32, #tpu.memory_space<vmem>>) dst(%dma_wait3A_222 : memref<3584xi32, #tpu.memory_space<hbm>>)
      tpu.yield
    }) : () -> ()
    %run_scoped3A_184 = arith.constant 1 : i32
    "tpu.region"() ({
      %run_scoped3A_190 = tpu.sem_alloc : memref<!tpu.dma_semaphore, #tpu.memory_space<semaphore_mem>>
      %dma_start3A = arith.constant 0 : i32
      %dma_start3A_191 = tpu.memref_slice %arg10[%dma_start3A] : memref<3600xi32, #tpu.memory_space<vmem>> -> memref<3584xi32, #tpu.memory_space<vmem>>
      %dma_start3A_192 = arith.constant 0 : i32
      %dma_start3A_193 = arith.constant 0 : i32
      %dma_start3A_194 = tpu.memref_slice %arg4[%add3A, %dma_start3A_192, %dma_start3A_193] : memref<32x4x3584xi32, #tpu.memory_space<hbm>> -> memref<1x4x3584xi32, #tpu.memory_space<hbm>>
      %dma_start3A_195 = tpu.memref_squeeze %dma_start3A_194 : memref<1x4x3584xi32, #tpu.memory_space<hbm>> -> memref<4x3584xi32, #tpu.memory_space<hbm>>
      %dma_start3A_196 = arith.constant 0 : i32
      %dma_start3A_197 = tpu.memref_slice %dma_start3A_195[%run_scoped3A_184, %dma_start3A_196] : memref<4x3584xi32, #tpu.memory_space<hbm>> -> memref<1x3584xi32, #tpu.memory_space<hbm>>
      %dma_start3A_198 = tpu.memref_squeeze %dma_start3A_197 : memref<1x3584xi32, #tpu.memory_space<hbm>> -> memref<3584xi32, #tpu.memory_space<hbm>>
      %dma_start3A_199 = arith.constant 0 : i32
      %dma_start3A_200 = arith.constant 0 : i32
      %dma_start3A_201 = tpu.memref_slice %arg4[%add3A, %dma_start3A_199, %dma_start3A_200] : memref<32x4x3584xi32, #tpu.memory_space<hbm>> -> memref<1x4x3584xi32, #tpu.memory_space<hbm>>
      %dma_start3A_202 = tpu.memref_squeeze %dma_start3A_201 : memref<1x4x3584xi32, #tpu.memory_space<hbm>> -> memref<4x3584xi32, #tpu.memory_space<hbm>>
      %dma_start3A_203 = arith.constant 0 : i32
      %dma_start3A_204 = tpu.memref_slice %dma_start3A_202[%run_scoped3A_184, %dma_start3A_203] : memref<4x3584xi32, #tpu.memory_space<hbm>> -> memref<1x3584xi32, #tpu.memory_space<hbm>>
      %dma_start3A_205 = tpu.memref_squeeze %dma_start3A_204 : memref<1x3584xi32, #tpu.memory_space<hbm>> -> memref<3584xi32, #tpu.memory_space<hbm>>
      %dma_start3A_206 = arith.constant 0 : i32
      %dma_start3A_207 = tpu.memref_slice %arg10[%dma_start3A_206] : memref<3600xi32, #tpu.memory_space<vmem>> -> memref<3584xi32, #tpu.memory_space<vmem>>
      tpu.enqueue_dma source(%dma_start3A_207 : memref<3584xi32, #tpu.memory_space<vmem>>) target(%dma_start3A_205 : memref<3584xi32, #tpu.memory_space<hbm>>) target_semaphore(%run_scoped3A_190 : memref<!tpu.dma_semaphore, #tpu.memory_space<semaphore_mem>>)
      %dma_wait3A = arith.constant 0 : i32
      %dma_wait3A_208 = tpu.memref_slice %arg10[%dma_wait3A] : memref<3600xi32, #tpu.memory_space<vmem>> -> memref<3584xi32, #tpu.memory_space<vmem>>
      %dma_wait3A_209 = arith.constant 0 : i32
      %dma_wait3A_210 = arith.constant 0 : i32
      %dma_wait3A_211 = tpu.memref_slice %arg4[%add3A, %dma_wait3A_209, %dma_wait3A_210] : memref<32x4x3584xi32, #tpu.memory_space<hbm>> -> memref<1x4x3584xi32, #tpu.memory_space<hbm>>
      %dma_wait3A_212 = tpu.memref_squeeze %dma_wait3A_211 : memref<1x4x3584xi32, #tpu.memory_space<hbm>> -> memref<4x3584xi32, #tpu.memory_space<hbm>>
      %dma_wait3A_213 = arith.constant 0 : i32
      %dma_wait3A_214 = tpu.memref_slice %dma_wait3A_212[%run_scoped3A_184, %dma_wait3A_213] : memref<4x3584xi32, #tpu.memory_space<hbm>> -> memref<1x3584xi32, #tpu.memory_space<hbm>>
      %dma_wait3A_215 = tpu.memref_squeeze %dma_wait3A_214 : memref<1x3584xi32, #tpu.memory_space<hbm>> -> memref<3584xi32, #tpu.memory_space<hbm>>
      %dma_wait3A_216 = arith.constant 0 : i32
      %dma_wait3A_217 = arith.constant 0 : i32
      %dma_wait3A_218 = tpu.memref_slice %arg4[%add3A, %dma_wait3A_216, %dma_wait3A_217] : memref<32x4x3584xi32, #tpu.memory_space<hbm>> -> memref<1x4x3584xi32, #tpu.memory_space<hbm>>
      %dma_wait3A_219 = tpu.memref_squeeze %dma_wait3A_218 : memref<1x4x3584xi32, #tpu.memory_space<hbm>> -> memref<4x3584xi32, #tpu.memory_space<hbm>>
      %dma_wait3A_220 = arith.constant 0 : i32
      %dma_wait3A_221 = tpu.memref_slice %dma_wait3A_219[%run_scoped3A_184, %dma_wait3A_220] : memref<4x3584xi32, #tpu.memory_space<hbm>> -> memref<1x3584xi32, #tpu.memory_space<hbm>>
      %dma_wait3A_222 = tpu.memref_squeeze %dma_wait3A_221 : memref<1x3584xi32, #tpu.memory_space<hbm>> -> memref<3584xi32, #tpu.memory_space<hbm>>
      %dma_wait3A_223 = arith.constant 0 : i32
      %dma_wait3A_224 = tpu.memref_slice %arg10[%dma_wait3A_223] : memref<3600xi32, #tpu.memory_space<vmem>> -> memref<3584xi32, #tpu.memory_space<vmem>>
      tpu.wait_dma2 semaphore(%run_scoped3A_190 : memref<!tpu.dma_semaphore, #tpu.memory_space<semaphore_mem>>) src(%dma_wait3A_224 : memref<3584xi32, #tpu.memory_space<vmem>>) dst(%dma_wait3A_222 : memref<3584xi32, #tpu.memory_space<hbm>>)
      tpu.yield
    }) : () -> ()
    %run_scoped3A_185 = arith.constant 1 : i32
    "tpu.region"() ({
      %run_scoped3A_190 = tpu.sem_alloc : memref<!tpu.dma_semaphore, #tpu.memory_space<semaphore_mem>>
      %dma_start3A = arith.constant 0 : i32
      %dma_start3A_191 = tpu.memref_slice %arg14[%dma_start3A] : memref<3600xi32, #tpu.memory_space<vmem>> -> memref<3584xi32, #tpu.memory_space<vmem>>
      %dma_start3A_192 = arith.constant 0 : i32
      %dma_start3A_193 = arith.constant 0 : i32
      %dma_start3A_194 = tpu.memref_slice %arg5[%add3A, %dma_start3A_192, %dma_start3A_193] : memref<32x4x3584xi32, #tpu.memory_space<hbm>> -> memref<1x4x3584xi32, #tpu.memory_space<hbm>>
      %dma_start3A_195 = tpu.memref_squeeze %dma_start3A_194 : memref<1x4x3584xi32, #tpu.memory_space<hbm>> -> memref<4x3584xi32, #tpu.memory_space<hbm>>
      %dma_start3A_196 = arith.constant 0 : i32
      %dma_start3A_197 = tpu.memref_slice %dma_start3A_195[%run_scoped3A_185, %dma_start3A_196] : memref<4x3584xi32, #tpu.memory_space<hbm>> -> memref<1x3584xi32, #tpu.memory_space<hbm>>
      %dma_start3A_198 = tpu.memref_squeeze %dma_start3A_197 : memref<1x3584xi32, #tpu.memory_space<hbm>> -> memref<3584xi32, #tpu.memory_space<hbm>>
      %dma_start3A_199 = arith.constant 0 : i32
      %dma_start3A_200 = arith.constant 0 : i32
      %dma_start3A_201 = tpu.memref_slice %arg5[%add3A, %dma_start3A_199, %dma_start3A_200] : memref<32x4x3584xi32, #tpu.memory_space<hbm>> -> memref<1x4x3584xi32, #tpu.memory_space<hbm>>
      %dma_start3A_202 = tpu.memref_squeeze %dma_start3A_201 : memref<1x4x3584xi32, #tpu.memory_space<hbm>> -> memref<4x3584xi32, #tpu.memory_space<hbm>>
      %dma_start3A_203 = arith.constant 0 : i32
      %dma_start3A_204 = tpu.memref_slice %dma_start3A_202[%run_scoped3A_185, %dma_start3A_203] : memref<4x3584xi32, #tpu.memory_space<hbm>> -> memref<1x3584xi32, #tpu.memory_space<hbm>>
      %dma_start3A_205 = tpu.memref_squeeze %dma_start3A_204 : memref<1x3584xi32, #tpu.memory_space<hbm>> -> memref<3584xi32, #tpu.memory_space<hbm>>
      %dma_start3A_206 = arith.constant 0 : i32
      %dma_start3A_207 = tpu.memref_slice %arg14[%dma_start3A_206] : memref<3600xi32, #tpu.memory_space<vmem>> -> memref<3584xi32, #tpu.memory_space<vmem>>
      tpu.enqueue_dma source(%dma_start3A_207 : memref<3584xi32, #tpu.memory_space<vmem>>) target(%dma_start3A_205 : memref<3584xi32, #tpu.memory_space<hbm>>) target_semaphore(%run_scoped3A_190 : memref<!tpu.dma_semaphore, #tpu.memory_space<semaphore_mem>>)
      %dma_wait3A = arith.constant 0 : i32
      %dma_wait3A_208 = tpu.memref_slice %arg14[%dma_wait3A] : memref<3600xi32, #tpu.memory_space<vmem>> -> memref<3584xi32, #tpu.memory_space<vmem>>
      %dma_wait3A_209 = arith.constant 0 : i32
      %dma_wait3A_210 = arith.constant 0 : i32
      %dma_wait3A_211 = tpu.memref_slice %arg5[%add3A, %dma_wait3A_209, %dma_wait3A_210] : memref<32x4x3584xi32, #tpu.memory_space<hbm>> -> memref<1x4x3584xi32, #tpu.memory_space<hbm>>
      %dma_wait3A_212 = tpu.memref_squeeze %dma_wait3A_211 : memref<1x4x3584xi32, #tpu.memory_space<hbm>> -> memref<4x3584xi32, #tpu.memory_space<hbm>>
      %dma_wait3A_213 = arith.constant 0 : i32
      %dma_wait3A_214 = tpu.memref_slice %dma_wait3A_212[%run_scoped3A_185, %dma_wait3A_213] : memref<4x3584xi32, #tpu.memory_space<hbm>> -> memref<1x3584xi32, #tpu.memory_space<hbm>>
      %dma_wait3A_215 = tpu.memref_squeeze %dma_wait3A_214 : memref<1x3584xi32, #tpu.memory_space<hbm>> -> memref<3584xi32, #tpu.memory_space<hbm>>
      %dma_wait3A_216 = arith.constant 0 : i32
      %dma_wait3A_217 = arith.constant 0 : i32
      %dma_wait3A_218 = tpu.memref_slice %arg5[%add3A, %dma_wait3A_216, %dma_wait3A_217] : memref<32x4x3584xi32, #tpu.memory_space<hbm>> -> memref<1x4x3584xi32, #tpu.memory_space<hbm>>
      %dma_wait3A_219 = tpu.memref_squeeze %dma_wait3A_218 : memref<1x4x3584xi32, #tpu.memory_space<hbm>> -> memref<4x3584xi32, #tpu.memory_space<hbm>>
      %dma_wait3A_220 = arith.constant 0 : i32
      %dma_wait3A_221 = tpu.memref_slice %dma_wait3A_219[%run_scoped3A_185, %dma_wait3A_220] : memref<4x3584xi32, #tpu.memory_space<hbm>> -> memref<1x3584xi32, #tpu.memory_space<hbm>>
      %dma_wait3A_222 = tpu.memref_squeeze %dma_wait3A_221 : memref<1x3584xi32, #tpu.memory_space<hbm>> -> memref<3584xi32, #tpu.memory_space<hbm>>
      %dma_wait3A_223 = arith.constant 0 : i32
      %dma_wait3A_224 = tpu.memref_slice %arg14[%dma_wait3A_223] : memref<3600xi32, #tpu.memory_space<vmem>> -> memref<3584xi32, #tpu.memory_space<vmem>>
      tpu.wait_dma2 semaphore(%run_scoped3A_190 : memref<!tpu.dma_semaphore, #tpu.memory_space<semaphore_mem>>) src(%dma_wait3A_224 : memref<3584xi32, #tpu.memory_space<vmem>>) dst(%dma_wait3A_222 : memref<3584xi32, #tpu.memory_space<hbm>>)
      tpu.yield
    }) : () -> ()
    %run_scoped3A_186 = arith.constant 2 : i32
    "tpu.region"() ({
      %run_scoped3A_190 = tpu.sem_alloc : memref<!tpu.dma_semaphore, #tpu.memory_space<semaphore_mem>>
      %dma_start3A = arith.constant 0 : i32
      %dma_start3A_191 = tpu.memref_slice %arg11[%dma_start3A] : memref<3600xi32, #tpu.memory_space<vmem>> -> memref<3584xi32, #tpu.memory_space<vmem>>
      %dma_start3A_192 = arith.constant 0 : i32
      %dma_start3A_193 = arith.constant 0 : i32
      %dma_start3A_194 = tpu.memref_slice %arg4[%add3A, %dma_start3A_192, %dma_start3A_193] : memref<32x4x3584xi32, #tpu.memory_space<hbm>> -> memref<1x4x3584xi32, #tpu.memory_space<hbm>>
      %dma_start3A_195 = tpu.memref_squeeze %dma_start3A_194 : memref<1x4x3584xi32, #tpu.memory_space<hbm>> -> memref<4x3584xi32, #tpu.memory_space<hbm>>
      %dma_start3A_196 = arith.constant 0 : i32
      %dma_start3A_197 = tpu.memref_slice %dma_start3A_195[%run_scoped3A_186, %dma_start3A_196] : memref<4x3584xi32, #tpu.memory_space<hbm>> -> memref<1x3584xi32, #tpu.memory_space<hbm>>
      %dma_start3A_198 = tpu.memref_squeeze %dma_start3A_197 : memref<1x3584xi32, #tpu.memory_space<hbm>> -> memref<3584xi32, #tpu.memory_space<hbm>>
      %dma_start3A_199 = arith.constant 0 : i32
      %dma_start3A_200 = arith.constant 0 : i32
      %dma_start3A_201 = tpu.memref_slice %arg4[%add3A, %dma_start3A_199, %dma_start3A_200] : memref<32x4x3584xi32, #tpu.memory_space<hbm>> -> memref<1x4x3584xi32, #tpu.memory_space<hbm>>
      %dma_start3A_202 = tpu.memref_squeeze %dma_start3A_201 : memref<1x4x3584xi32, #tpu.memory_space<hbm>> -> memref<4x3584xi32, #tpu.memory_space<hbm>>
      %dma_start3A_203 = arith.constant 0 : i32
      %dma_start3A_204 = tpu.memref_slice %dma_start3A_202[%run_scoped3A_186, %dma_start3A_203] : memref<4x3584xi32, #tpu.memory_space<hbm>> -> memref<1x3584xi32, #tpu.memory_space<hbm>>
      %dma_start3A_205 = tpu.memref_squeeze %dma_start3A_204 : memref<1x3584xi32, #tpu.memory_space<hbm>> -> memref<3584xi32, #tpu.memory_space<hbm>>
      %dma_start3A_206 = arith.constant 0 : i32
      %dma_start3A_207 = tpu.memref_slice %arg11[%dma_start3A_206] : memref<3600xi32, #tpu.memory_space<vmem>> -> memref<3584xi32, #tpu.memory_space<vmem>>
      tpu.enqueue_dma source(%dma_start3A_207 : memref<3584xi32, #tpu.memory_space<vmem>>) target(%dma_start3A_205 : memref<3584xi32, #tpu.memory_space<hbm>>) target_semaphore(%run_scoped3A_190 : memref<!tpu.dma_semaphore, #tpu.memory_space<semaphore_mem>>)
      %dma_wait3A = arith.constant 0 : i32
      %dma_wait3A_208 = tpu.memref_slice %arg11[%dma_wait3A] : memref<3600xi32, #tpu.memory_space<vmem>> -> memref<3584xi32, #tpu.memory_space<vmem>>
      %dma_wait3A_209 = arith.constant 0 : i32
      %dma_wait3A_210 = arith.constant 0 : i32
      %dma_wait3A_211 = tpu.memref_slice %arg4[%add3A, %dma_wait3A_209, %dma_wait3A_210] : memref<32x4x3584xi32, #tpu.memory_space<hbm>> -> memref<1x4x3584xi32, #tpu.memory_space<hbm>>
      %dma_wait3A_212 = tpu.memref_squeeze %dma_wait3A_211 : memref<1x4x3584xi32, #tpu.memory_space<hbm>> -> memref<4x3584xi32, #tpu.memory_space<hbm>>
      %dma_wait3A_213 = arith.constant 0 : i32
      %dma_wait3A_214 = tpu.memref_slice %dma_wait3A_212[%run_scoped3A_186, %dma_wait3A_213] : memref<4x3584xi32, #tpu.memory_space<hbm>> -> memref<1x3584xi32, #tpu.memory_space<hbm>>
      %dma_wait3A_215 = tpu.memref_squeeze %dma_wait3A_214 : memref<1x3584xi32, #tpu.memory_space<hbm>> -> memref<3584xi32, #tpu.memory_space<hbm>>
      %dma_wait3A_216 = arith.constant 0 : i32
      %dma_wait3A_217 = arith.constant 0 : i32
      %dma_wait3A_218 = tpu.memref_slice %arg4[%add3A, %dma_wait3A_216, %dma_wait3A_217] : memref<32x4x3584xi32, #tpu.memory_space<hbm>> -> memref<1x4x3584xi32, #tpu.memory_space<hbm>>
      %dma_wait3A_219 = tpu.memref_squeeze %dma_wait3A_218 : memref<1x4x3584xi32, #tpu.memory_space<hbm>> -> memref<4x3584xi32, #tpu.memory_space<hbm>>
      %dma_wait3A_220 = arith.constant 0 : i32
      %dma_wait3A_221 = tpu.memref_slice %dma_wait3A_219[%run_scoped3A_186, %dma_wait3A_220] : memref<4x3584xi32, #tpu.memory_space<hbm>> -> memref<1x3584xi32, #tpu.memory_space<hbm>>
      %dma_wait3A_222 = tpu.memref_squeeze %dma_wait3A_221 : memref<1x3584xi32, #tpu.memory_space<hbm>> -> memref<3584xi32, #tpu.memory_space<hbm>>
      %dma_wait3A_223 = arith.constant 0 : i32
      %dma_wait3A_224 = tpu.memref_slice %arg11[%dma_wait3A_223] : memref<3600xi32, #tpu.memory_space<vmem>> -> memref<3584xi32, #tpu.memory_space<vmem>>
      tpu.wait_dma2 semaphore(%run_scoped3A_190 : memref<!tpu.dma_semaphore, #tpu.memory_space<semaphore_mem>>) src(%dma_wait3A_224 : memref<3584xi32, #tpu.memory_space<vmem>>) dst(%dma_wait3A_222 : memref<3584xi32, #tpu.memory_space<hbm>>)
      tpu.yield
    }) : () -> ()
    %run_scoped3A_187 = arith.constant 2 : i32
    "tpu.region"() ({
      %run_scoped3A_190 = tpu.sem_alloc : memref<!tpu.dma_semaphore, #tpu.memory_space<semaphore_mem>>
      %dma_start3A = arith.constant 0 : i32
      %dma_start3A_191 = tpu.memref_slice %arg15[%dma_start3A] : memref<3600xi32, #tpu.memory_space<vmem>> -> memref<3584xi32, #tpu.memory_space<vmem>>
      %dma_start3A_192 = arith.constant 0 : i32
      %dma_start3A_193 = arith.constant 0 : i32
      %dma_start3A_194 = tpu.memref_slice %arg5[%add3A, %dma_start3A_192, %dma_start3A_193] : memref<32x4x3584xi32, #tpu.memory_space<hbm>> -> memref<1x4x3584xi32, #tpu.memory_space<hbm>>
      %dma_start3A_195 = tpu.memref_squeeze %dma_start3A_194 : memref<1x4x3584xi32, #tpu.memory_space<hbm>> -> memref<4x3584xi32, #tpu.memory_space<hbm>>
      %dma_start3A_196 = arith.constant 0 : i32
      %dma_start3A_197 = tpu.memref_slice %dma_start3A_195[%run_scoped3A_187, %dma_start3A_196] : memref<4x3584xi32, #tpu.memory_space<hbm>> -> memref<1x3584xi32, #tpu.memory_space<hbm>>
      %dma_start3A_198 = tpu.memref_squeeze %dma_start3A_197 : memref<1x3584xi32, #tpu.memory_space<hbm>> -> memref<3584xi32, #tpu.memory_space<hbm>>
      %dma_start3A_199 = arith.constant 0 : i32
      %dma_start3A_200 = arith.constant 0 : i32
      %dma_start3A_201 = tpu.memref_slice %arg5[%add3A, %dma_start3A_199, %dma_start3A_200] : memref<32x4x3584xi32, #tpu.memory_space<hbm>> -> memref<1x4x3584xi32, #tpu.memory_space<hbm>>
      %dma_start3A_202 = tpu.memref_squeeze %dma_start3A_201 : memref<1x4x3584xi32, #tpu.memory_space<hbm>> -> memref<4x3584xi32, #tpu.memory_space<hbm>>
      %dma_start3A_203 = arith.constant 0 : i32
      %dma_start3A_204 = tpu.memref_slice %dma_start3A_202[%run_scoped3A_187, %dma_start3A_203] : memref<4x3584xi32, #tpu.memory_space<hbm>> -> memref<1x3584xi32, #tpu.memory_space<hbm>>
      %dma_start3A_205 = tpu.memref_squeeze %dma_start3A_204 : memref<1x3584xi32, #tpu.memory_space<hbm>> -> memref<3584xi32, #tpu.memory_space<hbm>>
      %dma_start3A_206 = arith.constant 0 : i32
      %dma_start3A_207 = tpu.memref_slice %arg15[%dma_start3A_206] : memref<3600xi32, #tpu.memory_space<vmem>> -> memref<3584xi32, #tpu.memory_space<vmem>>
      tpu.enqueue_dma source(%dma_start3A_207 : memref<3584xi32, #tpu.memory_space<vmem>>) target(%dma_start3A_205 : memref<3584xi32, #tpu.memory_space<hbm>>) target_semaphore(%run_scoped3A_190 : memref<!tpu.dma_semaphore, #tpu.memory_space<semaphore_mem>>)
      %dma_wait3A = arith.constant 0 : i32
      %dma_wait3A_208 = tpu.memref_slice %arg15[%dma_wait3A] : memref<3600xi32, #tpu.memory_space<vmem>> -> memref<3584xi32, #tpu.memory_space<vmem>>
      %dma_wait3A_209 = arith.constant 0 : i32
      %dma_wait3A_210 = arith.constant 0 : i32
      %dma_wait3A_211 = tpu.memref_slice %arg5[%add3A, %dma_wait3A_209, %dma_wait3A_210] : memref<32x4x3584xi32, #tpu.memory_space<hbm>> -> memref<1x4x3584xi32, #tpu.memory_space<hbm>>
      %dma_wait3A_212 = tpu.memref_squeeze %dma_wait3A_211 : memref<1x4x3584xi32, #tpu.memory_space<hbm>> -> memref<4x3584xi32, #tpu.memory_space<hbm>>
      %dma_wait3A_213 = arith.constant 0 : i32
      %dma_wait3A_214 = tpu.memref_slice %dma_wait3A_212[%run_scoped3A_187, %dma_wait3A_213] : memref<4x3584xi32, #tpu.memory_space<hbm>> -> memref<1x3584xi32, #tpu.memory_space<hbm>>
      %dma_wait3A_215 = tpu.memref_squeeze %dma_wait3A_214 : memref<1x3584xi32, #tpu.memory_space<hbm>> -> memref<3584xi32, #tpu.memory_space<hbm>>
      %dma_wait3A_216 = arith.constant 0 : i32
      %dma_wait3A_217 = arith.constant 0 : i32
      %dma_wait3A_218 = tpu.memref_slice %arg5[%add3A, %dma_wait3A_216, %dma_wait3A_217] : memref<32x4x3584xi32, #tpu.memory_space<hbm>> -> memref<1x4x3584xi32, #tpu.memory_space<hbm>>
      %dma_wait3A_219 = tpu.memref_squeeze %dma_wait3A_218 : memref<1x4x3584xi32, #tpu.memory_space<hbm>> -> memref<4x3584xi32, #tpu.memory_space<hbm>>
      %dma_wait3A_220 = arith.constant 0 : i32
      %dma_wait3A_221 = tpu.memref_slice %dma_wait3A_219[%run_scoped3A_187, %dma_wait3A_220] : memref<4x3584xi32, #tpu.memory_space<hbm>> -> memref<1x3584xi32, #tpu.memory_space<hbm>>
      %dma_wait3A_222 = tpu.memref_squeeze %dma_wait3A_221 : memref<1x3584xi32, #tpu.memory_space<hbm>> -> memref<3584xi32, #tpu.memory_space<hbm>>
      %dma_wait3A_223 = arith.constant 0 : i32
      %dma_wait3A_224 = tpu.memref_slice %arg15[%dma_wait3A_223] : memref<3600xi32, #tpu.memory_space<vmem>> -> memref<3584xi32, #tpu.memory_space<vmem>>
      tpu.wait_dma2 semaphore(%run_scoped3A_190 : memref<!tpu.dma_semaphore, #tpu.memory_space<semaphore_mem>>) src(%dma_wait3A_224 : memref<3584xi32, #tpu.memory_space<vmem>>) dst(%dma_wait3A_222 : memref<3584xi32, #tpu.memory_space<hbm>>)
      tpu.yield
    }) : () -> ()
    %run_scoped3A_188 = arith.constant 3 : i32
    "tpu.region"() ({
      %run_scoped3A_190 = tpu.sem_alloc : memref<!tpu.dma_semaphore, #tpu.memory_space<semaphore_mem>>
      %dma_start3A = arith.constant 0 : i32
      %dma_start3A_191 = tpu.memref_slice %arg12[%dma_start3A] : memref<3600xi32, #tpu.memory_space<vmem>> -> memref<3584xi32, #tpu.memory_space<vmem>>
      %dma_start3A_192 = arith.constant 0 : i32
      %dma_start3A_193 = arith.constant 0 : i32
      %dma_start3A_194 = tpu.memref_slice %arg4[%add3A, %dma_start3A_192, %dma_start3A_193] : memref<32x4x3584xi32, #tpu.memory_space<hbm>> -> memref<1x4x3584xi32, #tpu.memory_space<hbm>>
      %dma_start3A_195 = tpu.memref_squeeze %dma_start3A_194 : memref<1x4x3584xi32, #tpu.memory_space<hbm>> -> memref<4x3584xi32, #tpu.memory_space<hbm>>
      %dma_start3A_196 = arith.constant 0 : i32
      %dma_start3A_197 = tpu.memref_slice %dma_start3A_195[%run_scoped3A_188, %dma_start3A_196] : memref<4x3584xi32, #tpu.memory_space<hbm>> -> memref<1x3584xi32, #tpu.memory_space<hbm>>
      %dma_start3A_198 = tpu.memref_squeeze %dma_start3A_197 : memref<1x3584xi32, #tpu.memory_space<hbm>> -> memref<3584xi32, #tpu.memory_space<hbm>>
      %dma_start3A_199 = arith.constant 0 : i32
      %dma_start3A_200 = arith.constant 0 : i32
      %dma_start3A_201 = tpu.memref_slice %arg4[%add3A, %dma_start3A_199, %dma_start3A_200] : memref<32x4x3584xi32, #tpu.memory_space<hbm>> -> memref<1x4x3584xi32, #tpu.memory_space<hbm>>
      %dma_start3A_202 = tpu.memref_squeeze %dma_start3A_201 : memref<1x4x3584xi32, #tpu.memory_space<hbm>> -> memref<4x3584xi32, #tpu.memory_space<hbm>>
      %dma_start3A_203 = arith.constant 0 : i32
      %dma_start3A_204 = tpu.memref_slice %dma_start3A_202[%run_scoped3A_188, %dma_start3A_203] : memref<4x3584xi32, #tpu.memory_space<hbm>> -> memref<1x3584xi32, #tpu.memory_space<hbm>>
      %dma_start3A_205 = tpu.memref_squeeze %dma_start3A_204 : memref<1x3584xi32, #tpu.memory_space<hbm>> -> memref<3584xi32, #tpu.memory_space<hbm>>
      %dma_start3A_206 = arith.constant 0 : i32
      %dma_start3A_207 = tpu.memref_slice %arg12[%dma_start3A_206] : memref<3600xi32, #tpu.memory_space<vmem>> -> memref<3584xi32, #tpu.memory_space<vmem>>
      tpu.enqueue_dma source(%dma_start3A_207 : memref<3584xi32, #tpu.memory_space<vmem>>) target(%dma_start3A_205 : memref<3584xi32, #tpu.memory_space<hbm>>) target_semaphore(%run_scoped3A_190 : memref<!tpu.dma_semaphore, #tpu.memory_space<semaphore_mem>>)
      %dma_wait3A = arith.constant 0 : i32
      %dma_wait3A_208 = tpu.memref_slice %arg12[%dma_wait3A] : memref<3600xi32, #tpu.memory_space<vmem>> -> memref<3584xi32, #tpu.memory_space<vmem>>
      %dma_wait3A_209 = arith.constant 0 : i32
      %dma_wait3A_210 = arith.constant 0 : i32
      %dma_wait3A_211 = tpu.memref_slice %arg4[%add3A, %dma_wait3A_209, %dma_wait3A_210] : memref<32x4x3584xi32, #tpu.memory_space<hbm>> -> memref<1x4x3584xi32, #tpu.memory_space<hbm>>
      %dma_wait3A_212 = tpu.memref_squeeze %dma_wait3A_211 : memref<1x4x3584xi32, #tpu.memory_space<hbm>> -> memref<4x3584xi32, #tpu.memory_space<hbm>>
      %dma_wait3A_213 = arith.constant 0 : i32
      %dma_wait3A_214 = tpu.memref_slice %dma_wait3A_212[%run_scoped3A_188, %dma_wait3A_213] : memref<4x3584xi32, #tpu.memory_space<hbm>> -> memref<1x3584xi32, #tpu.memory_space<hbm>>
      %dma_wait3A_215 = tpu.memref_squeeze %dma_wait3A_214 : memref<1x3584xi32, #tpu.memory_space<hbm>> -> memref<3584xi32, #tpu.memory_space<hbm>>
      %dma_wait3A_216 = arith.constant 0 : i32
      %dma_wait3A_217 = arith.constant 0 : i32
      %dma_wait3A_218 = tpu.memref_slice %arg4[%add3A, %dma_wait3A_216, %dma_wait3A_217] : memref<32x4x3584xi32, #tpu.memory_space<hbm>> -> memref<1x4x3584xi32, #tpu.memory_space<hbm>>
      %dma_wait3A_219 = tpu.memref_squeeze %dma_wait3A_218 : memref<1x4x3584xi32, #tpu.memory_space<hbm>> -> memref<4x3584xi32, #tpu.memory_space<hbm>>
      %dma_wait3A_220 = arith.constant 0 : i32
      %dma_wait3A_221 = tpu.memref_slice %dma_wait3A_219[%run_scoped3A_188, %dma_wait3A_220] : memref<4x3584xi32, #tpu.memory_space<hbm>> -> memref<1x3584xi32, #tpu.memory_space<hbm>>
      %dma_wait3A_222 = tpu.memref_squeeze %dma_wait3A_221 : memref<1x3584xi32, #tpu.memory_space<hbm>> -> memref<3584xi32, #tpu.memory_space<hbm>>
      %dma_wait3A_223 = arith.constant 0 : i32
      %dma_wait3A_224 = tpu.memref_slice %arg12[%dma_wait3A_223] : memref<3600xi32, #tpu.memory_space<vmem>> -> memref<3584xi32, #tpu.memory_space<vmem>>
      tpu.wait_dma2 semaphore(%run_scoped3A_190 : memref<!tpu.dma_semaphore, #tpu.memory_space<semaphore_mem>>) src(%dma_wait3A_224 : memref<3584xi32, #tpu.memory_space<vmem>>) dst(%dma_wait3A_222 : memref<3584xi32, #tpu.memory_space<hbm>>)
      tpu.yield
    }) : () -> ()
    %run_scoped3A_189 = arith.constant 3 : i32
    "tpu.region"() ({
      %run_scoped3A_190 = tpu.sem_alloc : memref<!tpu.dma_semaphore, #tpu.memory_space<semaphore_mem>>
      %dma_start3A = arith.constant 0 : i32
      %dma_start3A_191 = tpu.memref_slice %arg16[%dma_start3A] : memref<3600xi32, #tpu.memory_space<vmem>> -> memref<3584xi32, #tpu.memory_space<vmem>>
      %dma_start3A_192 = arith.constant 0 : i32
      %dma_start3A_193 = arith.constant 0 : i32
      %dma_start3A_194 = tpu.memref_slice %arg5[%add3A, %dma_start3A_192, %dma_start3A_193] : memref<32x4x3584xi32, #tpu.memory_space<hbm>> -> memref<1x4x3584xi32, #tpu.memory_space<hbm>>
      %dma_start3A_195 = tpu.memref_squeeze %dma_start3A_194 : memref<1x4x3584xi32, #tpu.memory_space<hbm>> -> memref<4x3584xi32, #tpu.memory_space<hbm>>
      %dma_start3A_196 = arith.constant 0 : i32
      %dma_start3A_197 = tpu.memref_slice %dma_start3A_195[%run_scoped3A_189, %dma_start3A_196] : memref<4x3584xi32, #tpu.memory_space<hbm>> -> memref<1x3584xi32, #tpu.memory_space<hbm>>
      %dma_start3A_198 = tpu.memref_squeeze %dma_start3A_197 : memref<1x3584xi32, #tpu.memory_space<hbm>> -> memref<3584xi32, #tpu.memory_space<hbm>>
      %dma_start3A_199 = arith.constant 0 : i32
      %dma_start3A_200 = arith.constant 0 : i32
      %dma_start3A_201 = tpu.memref_slice %arg5[%add3A, %dma_start3A_199, %dma_start3A_200] : memref<32x4x3584xi32, #tpu.memory_space<hbm>> -> memref<1x4x3584xi32, #tpu.memory_space<hbm>>
      %dma_start3A_202 = tpu.memref_squeeze %dma_start3A_201 : memref<1x4x3584xi32, #tpu.memory_space<hbm>> -> memref<4x3584xi32, #tpu.memory_space<hbm>>
      %dma_start3A_203 = arith.constant 0 : i32
      %dma_start3A_204 = tpu.memref_slice %dma_start3A_202[%run_scoped3A_189, %dma_start3A_203] : memref<4x3584xi32, #tpu.memory_space<hbm>> -> memref<1x3584xi32, #tpu.memory_space<hbm>>
      %dma_start3A_205 = tpu.memref_squeeze %dma_start3A_204 : memref<1x3584xi32, #tpu.memory_space<hbm>> -> memref<3584xi32, #tpu.memory_space<hbm>>
      %dma_start3A_206 = arith.constant 0 : i32
      %dma_start3A_207 = tpu.memref_slice %arg16[%dma_start3A_206] : memref<3600xi32, #tpu.memory_space<vmem>> -> memref<3584xi32, #tpu.memory_space<vmem>>
      tpu.enqueue_dma source(%dma_start3A_207 : memref<3584xi32, #tpu.memory_space<vmem>>) target(%dma_start3A_205 : memref<3584xi32, #tpu.memory_space<hbm>>) target_semaphore(%run_scoped3A_190 : memref<!tpu.dma_semaphore, #tpu.memory_space<semaphore_mem>>)
      %dma_wait3A = arith.constant 0 : i32
      %dma_wait3A_208 = tpu.memref_slice %arg16[%dma_wait3A] : memref<3600xi32, #tpu.memory_space<vmem>> -> memref<3584xi32, #tpu.memory_space<vmem>>
      %dma_wait3A_209 = arith.constant 0 : i32
      %dma_wait3A_210 = arith.constant 0 : i32
      %dma_wait3A_211 = tpu.memref_slice %arg5[%add3A, %dma_wait3A_209, %dma_wait3A_210] : memref<32x4x3584xi32, #tpu.memory_space<hbm>> -> memref<1x4x3584xi32, #tpu.memory_space<hbm>>
      %dma_wait3A_212 = tpu.memref_squeeze %dma_wait3A_211 : memref<1x4x3584xi32, #tpu.memory_space<hbm>> -> memref<4x3584xi32, #tpu.memory_space<hbm>>
      %dma_wait3A_213 = arith.constant 0 : i32
      %dma_wait3A_214 = tpu.memref_slice %dma_wait3A_212[%run_scoped3A_189, %dma_wait3A_213] : memref<4x3584xi32, #tpu.memory_space<hbm>> -> memref<1x3584xi32, #tpu.memory_space<hbm>>
      %dma_wait3A_215 = tpu.memref_squeeze %dma_wait3A_214 : memref<1x3584xi32, #tpu.memory_space<hbm>> -> memref<3584xi32, #tpu.memory_space<hbm>>
      %dma_wait3A_216 = arith.constant 0 : i32
      %dma_wait3A_217 = arith.constant 0 : i32
      %dma_wait3A_218 = tpu.memref_slice %arg5[%add3A, %dma_wait3A_216, %dma_wait3A_217] : memref<32x4x3584xi32, #tpu.memory_space<hbm>> -> memref<1x4x3584xi32, #tpu.memory_space<hbm>>
      %dma_wait3A_219 = tpu.memref_squeeze %dma_wait3A_218 : memref<1x4x3584xi32, #tpu.memory_space<hbm>> -> memref<4x3584xi32, #tpu.memory_space<hbm>>
      %dma_wait3A_220 = arith.constant 0 : i32
      %dma_wait3A_221 = tpu.memref_slice %dma_wait3A_219[%run_scoped3A_189, %dma_wait3A_220] : memref<4x3584xi32, #tpu.memory_space<hbm>> -> memref<1x3584xi32, #tpu.memory_space<hbm>>
      %dma_wait3A_222 = tpu.memref_squeeze %dma_wait3A_221 : memref<1x3584xi32, #tpu.memory_space<hbm>> -> memref<3584xi32, #tpu.memory_space<hbm>>
      %dma_wait3A_223 = arith.constant 0 : i32
      %dma_wait3A_224 = tpu.memref_slice %arg16[%dma_wait3A_223] : memref<3600xi32, #tpu.memory_space<vmem>> -> memref<3584xi32, #tpu.memory_space<vmem>>
      tpu.wait_dma2 semaphore(%run_scoped3A_190 : memref<!tpu.dma_semaphore, #tpu.memory_space<semaphore_mem>>) src(%dma_wait3A_224 : memref<3584xi32, #tpu.memory_space<vmem>>) dst(%dma_wait3A_222 : memref<3584xi32, #tpu.memory_space<hbm>>)
      tpu.yield
    }) : () -> ()
    "tpu.region"() ({
      %run_scoped3A_190 = tpu.sem_alloc : memref<!tpu.dma_semaphore, #tpu.memory_space<semaphore_mem>>
      %dma_start3A = arith.constant 0 : i32
      %dma_start3A_191 = tpu.memref_slice %arg6[%add3A, %dma_start3A] : memref<32x16xi32, #tpu.memory_space<hbm>> -> memref<1x16xi32, #tpu.memory_space<hbm>>
      %dma_start3A_192 = tpu.memref_squeeze %dma_start3A_191 : memref<1x16xi32, #tpu.memory_space<hbm>> -> memref<16xi32, #tpu.memory_space<hbm>>
      %dma_start3A_193 = arith.constant 0 : i32
      %dma_start3A_194 = tpu.memref_slice %arg6[%add3A, %dma_start3A_193] : memref<32x16xi32, #tpu.memory_space<hbm>> -> memref<1x16xi32, #tpu.memory_space<hbm>>
      %dma_start3A_195 = tpu.memref_squeeze %dma_start3A_194 : memref<1x16xi32, #tpu.memory_space<hbm>> -> memref<16xi32, #tpu.memory_space<hbm>>
      tpu.enqueue_dma source(%arg17 : memref<16xi32, #tpu.memory_space<vmem>>) target(%dma_start3A_195 : memref<16xi32, #tpu.memory_space<hbm>>) target_semaphore(%run_scoped3A_190 : memref<!tpu.dma_semaphore, #tpu.memory_space<semaphore_mem>>)
      %dma_wait3A = arith.constant 0 : i32
      %dma_wait3A_196 = tpu.memref_slice %arg6[%add3A, %dma_wait3A] : memref<32x16xi32, #tpu.memory_space<hbm>> -> memref<1x16xi32, #tpu.memory_space<hbm>>
      %dma_wait3A_197 = tpu.memref_squeeze %dma_wait3A_196 : memref<1x16xi32, #tpu.memory_space<hbm>> -> memref<16xi32, #tpu.memory_space<hbm>>
      %dma_wait3A_198 = arith.constant 0 : i32
      %dma_wait3A_199 = tpu.memref_slice %arg6[%add3A, %dma_wait3A_198] : memref<32x16xi32, #tpu.memory_space<hbm>> -> memref<1x16xi32, #tpu.memory_space<hbm>>
      %dma_wait3A_200 = tpu.memref_squeeze %dma_wait3A_199 : memref<1x16xi32, #tpu.memory_space<hbm>> -> memref<16xi32, #tpu.memory_space<hbm>>
      tpu.wait_dma2 semaphore(%run_scoped3A_190 : memref<!tpu.dma_semaphore, #tpu.memory_space<semaphore_mem>>) src(%arg17 : memref<16xi32, #tpu.memory_space<vmem>>) dst(%dma_wait3A_200 : memref<16xi32, #tpu.memory_space<hbm>>)
      tpu.yield
    }) : () -> ()
    return
  }
}

#map = affine_map<(d0, d1) -> (0, 0)>
#map1 = affine_map<(d0, d1) -> (0, 0, 0, 0)>
#map2 = affine_map<(d0, d1) -> (0, 0, 0)>
module attributes {stable_mosaic.version = 14 : i64} {
  func.func @ak(%arg0: i32, %arg1: i32, %arg2: memref<10240x128xf32, #tpu.memory_space<hbm>>, %arg3: memref<32x4x28x128xi32, #tpu.memory_space<hbm>>, %arg4: memref<32x4x28x128xi32, #tpu.memory_space<hbm>>, %arg5: memref<32x16xi32, #tpu.memory_space<hbm>>, %arg6: memref<320x128xf32, #tpu.memory_space<hbm>>, %arg7: memref<2x5120x128xf32, #tpu.memory_space<hbm>>, %arg8: memref<56x128xi32, #tpu.memory_space<vmem>>, %arg9: memref<56x128xi32, #tpu.memory_space<vmem>>, %arg10: memref<2x128x128xf32, #tpu.memory_space<vmem>>, %arg11: memref<5120x128xf32, #tpu.memory_space<vmem_shared>>, %arg12: memref<5120x128xf32, #tpu.memory_space<vmem_shared>>, %arg13: memref<2x16xi32, #tpu.memory_space<vmem>>, %arg14: memref<!tpu.dma_semaphore, #tpu.memory_space<semaphore_mem>>, %arg15: memref<!tpu.dma_semaphore, #tpu.memory_space<semaphore_mem>>, %arg16: memref<!tpu.dma_semaphore, #tpu.memory_space<semaphore_mem>>) attributes {dimension_semantics = [#tpu.dimension_semantics<core_parallel>, #tpu.dimension_semantics<subcore_parallel>], iteration_bounds = array<i64: 2, 16>, scalar_prefetch = 0 : i64, scratch_operands = 9 : i64, tpu.core_type = #tpu.core_type<sc_vector_subcore>, window_params = [{transform_indices = #map}, {transform_indices = #map1}, {transform_indices = #map1}, {transform_indices = #map}, {transform_indices = #map}, {transform_indices = #map2}]} {
    %run_scoped3A = arith.constant 0 : i32
    "tpu.region"() ({
      %run_scoped3A_716 = tpu.sem_alloc : memref<!tpu.dma_semaphore, #tpu.memory_space<semaphore_mem>>
      %dma_start3A_717 = arith.constant 0 : i32
      %dma_start3A_718 = tpu.memref_slice %arg13[%run_scoped3A, %dma_start3A_717] : memref<2x16xi32, #tpu.memory_space<vmem>> -> memref<1x16xi32, #tpu.memory_space<vmem>>
      %dma_start3A_719 = tpu.memref_squeeze %dma_start3A_718 : memref<1x16xi32, #tpu.memory_space<vmem>> -> memref<16xi32, #tpu.memory_space<vmem>>
      %dma_start3A_720 = arith.constant 0 : i32
      %dma_start3A_721 = tpu.memref_slice %arg5[%arg1, %dma_start3A_720] : memref<32x16xi32, #tpu.memory_space<hbm>> -> memref<1x16xi32, #tpu.memory_space<hbm>>
      %dma_start3A_722 = tpu.memref_squeeze %dma_start3A_721 : memref<1x16xi32, #tpu.memory_space<hbm>> -> memref<16xi32, #tpu.memory_space<hbm>>
      %dma_start3A_723 = arith.constant 0 : i32
      %dma_start3A_724 = tpu.memref_slice %arg13[%run_scoped3A, %dma_start3A_723] : memref<2x16xi32, #tpu.memory_space<vmem>> -> memref<1x16xi32, #tpu.memory_space<vmem>>
      %dma_start3A_725 = tpu.memref_squeeze %dma_start3A_724 : memref<1x16xi32, #tpu.memory_space<vmem>> -> memref<16xi32, #tpu.memory_space<vmem>>
      %dma_start3A_726 = arith.constant 0 : i32
      %dma_start3A_727 = tpu.memref_slice %arg5[%arg1, %dma_start3A_726] : memref<32x16xi32, #tpu.memory_space<hbm>> -> memref<1x16xi32, #tpu.memory_space<hbm>>
      %dma_start3A_728 = tpu.memref_squeeze %dma_start3A_727 : memref<1x16xi32, #tpu.memory_space<hbm>> -> memref<16xi32, #tpu.memory_space<hbm>>
      tpu.enqueue_dma source(%dma_start3A_728 : memref<16xi32, #tpu.memory_space<hbm>>) target(%dma_start3A_725 : memref<16xi32, #tpu.memory_space<vmem>>) target_semaphore(%run_scoped3A_716 : memref<!tpu.dma_semaphore, #tpu.memory_space<semaphore_mem>>)
      %dma_wait3A_729 = arith.constant 0 : i32
      %dma_wait3A_730 = tpu.memref_slice %arg13[%run_scoped3A, %dma_wait3A_729] : memref<2x16xi32, #tpu.memory_space<vmem>> -> memref<1x16xi32, #tpu.memory_space<vmem>>
      %dma_wait3A_731 = tpu.memref_squeeze %dma_wait3A_730 : memref<1x16xi32, #tpu.memory_space<vmem>> -> memref<16xi32, #tpu.memory_space<vmem>>
      %dma_wait3A_732 = arith.constant 0 : i32
      %dma_wait3A_733 = tpu.memref_slice %arg5[%arg1, %dma_wait3A_732] : memref<32x16xi32, #tpu.memory_space<hbm>> -> memref<1x16xi32, #tpu.memory_space<hbm>>
      %dma_wait3A_734 = tpu.memref_squeeze %dma_wait3A_733 : memref<1x16xi32, #tpu.memory_space<hbm>> -> memref<16xi32, #tpu.memory_space<hbm>>
      %dma_wait3A_735 = arith.constant 0 : i32
      %dma_wait3A_736 = tpu.memref_slice %arg13[%run_scoped3A, %dma_wait3A_735] : memref<2x16xi32, #tpu.memory_space<vmem>> -> memref<1x16xi32, #tpu.memory_space<vmem>>
      %dma_wait3A_737 = tpu.memref_squeeze %dma_wait3A_736 : memref<1x16xi32, #tpu.memory_space<vmem>> -> memref<16xi32, #tpu.memory_space<vmem>>
      %dma_wait3A_738 = arith.constant 0 : i32
      %dma_wait3A_739 = tpu.memref_slice %arg5[%arg1, %dma_wait3A_738] : memref<32x16xi32, #tpu.memory_space<hbm>> -> memref<1x16xi32, #tpu.memory_space<hbm>>
      %dma_wait3A_740 = tpu.memref_squeeze %dma_wait3A_739 : memref<1x16xi32, #tpu.memory_space<hbm>> -> memref<16xi32, #tpu.memory_space<hbm>>
      tpu.wait_dma2 semaphore(%run_scoped3A_716 : memref<!tpu.dma_semaphore, #tpu.memory_space<semaphore_mem>>) src(%dma_wait3A_740 : memref<16xi32, #tpu.memory_space<hbm>>) dst(%dma_wait3A_737 : memref<16xi32, #tpu.memory_space<vmem>>)
      tpu.yield
    }) : () -> ()
    %add3A = arith.constant 16 : i32
    %add3A_0 = arith.addi %arg1, %add3A : i32
    %run_scoped3A_1 = arith.constant 1 : i32
    "tpu.region"() ({
      %run_scoped3A_716 = tpu.sem_alloc : memref<!tpu.dma_semaphore, #tpu.memory_space<semaphore_mem>>
      %dma_start3A_717 = arith.constant 0 : i32
      %dma_start3A_718 = tpu.memref_slice %arg13[%run_scoped3A_1, %dma_start3A_717] : memref<2x16xi32, #tpu.memory_space<vmem>> -> memref<1x16xi32, #tpu.memory_space<vmem>>
      %dma_start3A_719 = tpu.memref_squeeze %dma_start3A_718 : memref<1x16xi32, #tpu.memory_space<vmem>> -> memref<16xi32, #tpu.memory_space<vmem>>
      %dma_start3A_720 = arith.constant 0 : i32
      %dma_start3A_721 = tpu.memref_slice %arg5[%add3A_0, %dma_start3A_720] : memref<32x16xi32, #tpu.memory_space<hbm>> -> memref<1x16xi32, #tpu.memory_space<hbm>>
      %dma_start3A_722 = tpu.memref_squeeze %dma_start3A_721 : memref<1x16xi32, #tpu.memory_space<hbm>> -> memref<16xi32, #tpu.memory_space<hbm>>
      %dma_start3A_723 = arith.constant 0 : i32
      %dma_start3A_724 = tpu.memref_slice %arg13[%run_scoped3A_1, %dma_start3A_723] : memref<2x16xi32, #tpu.memory_space<vmem>> -> memref<1x16xi32, #tpu.memory_space<vmem>>
      %dma_start3A_725 = tpu.memref_squeeze %dma_start3A_724 : memref<1x16xi32, #tpu.memory_space<vmem>> -> memref<16xi32, #tpu.memory_space<vmem>>
      %dma_start3A_726 = arith.constant 0 : i32
      %dma_start3A_727 = tpu.memref_slice %arg5[%add3A_0, %dma_start3A_726] : memref<32x16xi32, #tpu.memory_space<hbm>> -> memref<1x16xi32, #tpu.memory_space<hbm>>
      %dma_start3A_728 = tpu.memref_squeeze %dma_start3A_727 : memref<1x16xi32, #tpu.memory_space<hbm>> -> memref<16xi32, #tpu.memory_space<hbm>>
      tpu.enqueue_dma source(%dma_start3A_728 : memref<16xi32, #tpu.memory_space<hbm>>) target(%dma_start3A_725 : memref<16xi32, #tpu.memory_space<vmem>>) target_semaphore(%run_scoped3A_716 : memref<!tpu.dma_semaphore, #tpu.memory_space<semaphore_mem>>)
      %dma_wait3A_729 = arith.constant 0 : i32
      %dma_wait3A_730 = tpu.memref_slice %arg13[%run_scoped3A_1, %dma_wait3A_729] : memref<2x16xi32, #tpu.memory_space<vmem>> -> memref<1x16xi32, #tpu.memory_space<vmem>>
      %dma_wait3A_731 = tpu.memref_squeeze %dma_wait3A_730 : memref<1x16xi32, #tpu.memory_space<vmem>> -> memref<16xi32, #tpu.memory_space<vmem>>
      %dma_wait3A_732 = arith.constant 0 : i32
      %dma_wait3A_733 = tpu.memref_slice %arg5[%add3A_0, %dma_wait3A_732] : memref<32x16xi32, #tpu.memory_space<hbm>> -> memref<1x16xi32, #tpu.memory_space<hbm>>
      %dma_wait3A_734 = tpu.memref_squeeze %dma_wait3A_733 : memref<1x16xi32, #tpu.memory_space<hbm>> -> memref<16xi32, #tpu.memory_space<hbm>>
      %dma_wait3A_735 = arith.constant 0 : i32
      %dma_wait3A_736 = tpu.memref_slice %arg13[%run_scoped3A_1, %dma_wait3A_735] : memref<2x16xi32, #tpu.memory_space<vmem>> -> memref<1x16xi32, #tpu.memory_space<vmem>>
      %dma_wait3A_737 = tpu.memref_squeeze %dma_wait3A_736 : memref<1x16xi32, #tpu.memory_space<vmem>> -> memref<16xi32, #tpu.memory_space<vmem>>
      %dma_wait3A_738 = arith.constant 0 : i32
      %dma_wait3A_739 = tpu.memref_slice %arg5[%add3A_0, %dma_wait3A_738] : memref<32x16xi32, #tpu.memory_space<hbm>> -> memref<1x16xi32, #tpu.memory_space<hbm>>
      %dma_wait3A_740 = tpu.memref_squeeze %dma_wait3A_739 : memref<1x16xi32, #tpu.memory_space<hbm>> -> memref<16xi32, #tpu.memory_space<hbm>>
      tpu.wait_dma2 semaphore(%run_scoped3A_716 : memref<!tpu.dma_semaphore, #tpu.memory_space<semaphore_mem>>) src(%dma_wait3A_740 : memref<16xi32, #tpu.memory_space<hbm>>) dst(%dma_wait3A_737 : memref<16xi32, #tpu.memory_space<vmem>>)
      tpu.yield
    }) : () -> ()
    %iota3A = tpu.iota {dimensions = array<i32: 0>} : vector<16xi32>
    %mul3A = arith.constant 320 : i32
    %mul3A_2 = arith.muli %arg1, %mul3A : i32
    "tpu.region"() ({
      %run_scoped3A_716 = tpu.sem_alloc : memref<!tpu.dma_semaphore, #tpu.memory_space<semaphore_mem>>
      %dma_start3A_717 = arith.constant 0 : i32
      %dma_start3A_718 = tpu.memref_slice %arg12[%mul3A_2, %dma_start3A_717] : memref<5120x128xf32, #tpu.memory_space<vmem_shared>> -> memref<320x128xf32, #tpu.memory_space<vmem_shared>>
      tpu.enqueue_dma source(%arg6 : memref<320x128xf32, #tpu.memory_space<hbm>>) target(%dma_start3A_718 : memref<320x128xf32, #tpu.memory_space<vmem_shared>>) target_semaphore(%run_scoped3A_716 : memref<!tpu.dma_semaphore, #tpu.memory_space<semaphore_mem>>)
      %dma_wait3A_719 = arith.constant 0 : i32
      %dma_wait3A_720 = tpu.memref_slice %arg12[%mul3A_2, %dma_wait3A_719] : memref<5120x128xf32, #tpu.memory_space<vmem_shared>> -> memref<320x128xf32, #tpu.memory_space<vmem_shared>>
      tpu.wait_dma2 semaphore(%run_scoped3A_716 : memref<!tpu.dma_semaphore, #tpu.memory_space<semaphore_mem>>) src(%arg6 : memref<320x128xf32, #tpu.memory_space<hbm>>) dst(%dma_wait3A_720 : memref<320x128xf32, #tpu.memory_space<vmem_shared>>)
      tpu.yield
    }) : () -> ()
    %add3A_3 = arith.constant 0 : i32
    %add3A_4 = arith.addi %add3A_3, %arg0 : i32
    %add3A_5 = arith.constant 0 : i32
    %add3A_6 = arith.addi %arg1, %add3A_5 : i32
    %dma_start3A = arith.constant 0 : i32
    %dma_start3A_7 = arith.constant 0 : i32
    %dma_start3A_8 = tpu.memref_slice %arg8[%dma_start3A, %dma_start3A_7] : memref<56x128xi32, #tpu.memory_space<vmem>> -> memref<28x128xi32, #tpu.memory_space<vmem>>
    %dma_start3A_9 = arith.constant 0 : i32
    %dma_start3A_10 = arith.constant 0 : i32
    %dma_start3A_11 = arith.constant 0 : i32
    %dma_start3A_12 = tpu.memref_slice %arg3[%add3A_6, %dma_start3A_9, %dma_start3A_10, %dma_start3A_11] : memref<32x4x28x128xi32, #tpu.memory_space<hbm>> -> memref<1x4x28x128xi32, #tpu.memory_space<hbm>>
    %dma_start3A_13 = tpu.memref_squeeze %dma_start3A_12 : memref<1x4x28x128xi32, #tpu.memory_space<hbm>> -> memref<4x28x128xi32, #tpu.memory_space<hbm>>
    %dma_start3A_14 = arith.constant 0 : i32
    %dma_start3A_15 = arith.constant 0 : i32
    %dma_start3A_16 = tpu.memref_slice %dma_start3A_13[%add3A_4, %dma_start3A_14, %dma_start3A_15] : memref<4x28x128xi32, #tpu.memory_space<hbm>> -> memref<1x28x128xi32, #tpu.memory_space<hbm>>
    %dma_start3A_17 = tpu.memref_squeeze %dma_start3A_16 : memref<1x28x128xi32, #tpu.memory_space<hbm>> -> memref<28x128xi32, #tpu.memory_space<hbm>>
    %dma_start3A_18 = arith.constant 0 : i32
    %dma_start3A_19 = arith.constant 0 : i32
    %dma_start3A_20 = tpu.memref_slice %arg8[%dma_start3A_18, %dma_start3A_19] : memref<56x128xi32, #tpu.memory_space<vmem>> -> memref<28x128xi32, #tpu.memory_space<vmem>>
    %dma_start3A_21 = arith.constant 0 : i32
    %dma_start3A_22 = arith.constant 0 : i32
    %dma_start3A_23 = arith.constant 0 : i32
    %dma_start3A_24 = tpu.memref_slice %arg3[%add3A_6, %dma_start3A_21, %dma_start3A_22, %dma_start3A_23] : memref<32x4x28x128xi32, #tpu.memory_space<hbm>> -> memref<1x4x28x128xi32, #tpu.memory_space<hbm>>
    %dma_start3A_25 = tpu.memref_squeeze %dma_start3A_24 : memref<1x4x28x128xi32, #tpu.memory_space<hbm>> -> memref<4x28x128xi32, #tpu.memory_space<hbm>>
    %dma_start3A_26 = arith.constant 0 : i32
    %dma_start3A_27 = arith.constant 0 : i32
    %dma_start3A_28 = tpu.memref_slice %dma_start3A_25[%add3A_4, %dma_start3A_26, %dma_start3A_27] : memref<4x28x128xi32, #tpu.memory_space<hbm>> -> memref<1x28x128xi32, #tpu.memory_space<hbm>>
    %dma_start3A_29 = tpu.memref_squeeze %dma_start3A_28 : memref<1x28x128xi32, #tpu.memory_space<hbm>> -> memref<28x128xi32, #tpu.memory_space<hbm>>
    tpu.enqueue_dma source(%dma_start3A_29 : memref<28x128xi32, #tpu.memory_space<hbm>>) target(%dma_start3A_20 : memref<28x128xi32, #tpu.memory_space<vmem>>) target_semaphore(%arg16 : memref<!tpu.dma_semaphore, #tpu.memory_space<semaphore_mem>>)
    %dma_start3A_30 = arith.constant 0 : i32
    %dma_start3A_31 = arith.constant 0 : i32
    %dma_start3A_32 = tpu.memref_slice %arg9[%dma_start3A_30, %dma_start3A_31] : memref<56x128xi32, #tpu.memory_space<vmem>> -> memref<28x128xi32, #tpu.memory_space<vmem>>
    %dma_start3A_33 = arith.constant 0 : i32
    %dma_start3A_34 = arith.constant 0 : i32
    %dma_start3A_35 = arith.constant 0 : i32
    %dma_start3A_36 = tpu.memref_slice %arg4[%add3A_6, %dma_start3A_33, %dma_start3A_34, %dma_start3A_35] : memref<32x4x28x128xi32, #tpu.memory_space<hbm>> -> memref<1x4x28x128xi32, #tpu.memory_space<hbm>>
    %dma_start3A_37 = tpu.memref_squeeze %dma_start3A_36 : memref<1x4x28x128xi32, #tpu.memory_space<hbm>> -> memref<4x28x128xi32, #tpu.memory_space<hbm>>
    %dma_start3A_38 = arith.constant 0 : i32
    %dma_start3A_39 = arith.constant 0 : i32
    %dma_start3A_40 = tpu.memref_slice %dma_start3A_37[%add3A_4, %dma_start3A_38, %dma_start3A_39] : memref<4x28x128xi32, #tpu.memory_space<hbm>> -> memref<1x28x128xi32, #tpu.memory_space<hbm>>
    %dma_start3A_41 = tpu.memref_squeeze %dma_start3A_40 : memref<1x28x128xi32, #tpu.memory_space<hbm>> -> memref<28x128xi32, #tpu.memory_space<hbm>>
    %dma_start3A_42 = arith.constant 0 : i32
    %dma_start3A_43 = arith.constant 0 : i32
    %dma_start3A_44 = tpu.memref_slice %arg9[%dma_start3A_42, %dma_start3A_43] : memref<56x128xi32, #tpu.memory_space<vmem>> -> memref<28x128xi32, #tpu.memory_space<vmem>>
    %dma_start3A_45 = arith.constant 0 : i32
    %dma_start3A_46 = arith.constant 0 : i32
    %dma_start3A_47 = arith.constant 0 : i32
    %dma_start3A_48 = tpu.memref_slice %arg4[%add3A_6, %dma_start3A_45, %dma_start3A_46, %dma_start3A_47] : memref<32x4x28x128xi32, #tpu.memory_space<hbm>> -> memref<1x4x28x128xi32, #tpu.memory_space<hbm>>
    %dma_start3A_49 = tpu.memref_squeeze %dma_start3A_48 : memref<1x4x28x128xi32, #tpu.memory_space<hbm>> -> memref<4x28x128xi32, #tpu.memory_space<hbm>>
    %dma_start3A_50 = arith.constant 0 : i32
    %dma_start3A_51 = arith.constant 0 : i32
    %dma_start3A_52 = tpu.memref_slice %dma_start3A_49[%add3A_4, %dma_start3A_50, %dma_start3A_51] : memref<4x28x128xi32, #tpu.memory_space<hbm>> -> memref<1x28x128xi32, #tpu.memory_space<hbm>>
    %dma_start3A_53 = tpu.memref_squeeze %dma_start3A_52 : memref<1x28x128xi32, #tpu.memory_space<hbm>> -> memref<28x128xi32, #tpu.memory_space<hbm>>
    tpu.enqueue_dma source(%dma_start3A_53 : memref<28x128xi32, #tpu.memory_space<hbm>>) target(%dma_start3A_44 : memref<28x128xi32, #tpu.memory_space<vmem>>) target_semaphore(%arg16 : memref<!tpu.dma_semaphore, #tpu.memory_space<semaphore_mem>>)
    %add3A_54 = arith.constant 0 : i32
    %add3A_55 = arith.addi %add3A_54, %arg0 : i32
    %add3A_56 = arith.constant 0 : i32
    %add3A_57 = arith.addi %arg1, %add3A_56 : i32
    %dma_wait3A = arith.constant 0 : i32
    %dma_wait3A_58 = arith.constant 0 : i32
    %dma_wait3A_59 = tpu.memref_slice %arg8[%dma_wait3A, %dma_wait3A_58] : memref<56x128xi32, #tpu.memory_space<vmem>> -> memref<28x128xi32, #tpu.memory_space<vmem>>
    %dma_wait3A_60 = arith.constant 0 : i32
    %dma_wait3A_61 = arith.constant 0 : i32
    %dma_wait3A_62 = arith.constant 0 : i32
    %dma_wait3A_63 = tpu.memref_slice %arg3[%add3A_57, %dma_wait3A_60, %dma_wait3A_61, %dma_wait3A_62] : memref<32x4x28x128xi32, #tpu.memory_space<hbm>> -> memref<1x4x28x128xi32, #tpu.memory_space<hbm>>
    %dma_wait3A_64 = tpu.memref_squeeze %dma_wait3A_63 : memref<1x4x28x128xi32, #tpu.memory_space<hbm>> -> memref<4x28x128xi32, #tpu.memory_space<hbm>>
    %dma_wait3A_65 = arith.constant 0 : i32
    %dma_wait3A_66 = arith.constant 0 : i32
    %dma_wait3A_67 = tpu.memref_slice %dma_wait3A_64[%add3A_55, %dma_wait3A_65, %dma_wait3A_66] : memref<4x28x128xi32, #tpu.memory_space<hbm>> -> memref<1x28x128xi32, #tpu.memory_space<hbm>>
    %dma_wait3A_68 = tpu.memref_squeeze %dma_wait3A_67 : memref<1x28x128xi32, #tpu.memory_space<hbm>> -> memref<28x128xi32, #tpu.memory_space<hbm>>
    %dma_wait3A_69 = arith.constant 0 : i32
    %dma_wait3A_70 = arith.constant 0 : i32
    %dma_wait3A_71 = tpu.memref_slice %arg8[%dma_wait3A_69, %dma_wait3A_70] : memref<56x128xi32, #tpu.memory_space<vmem>> -> memref<28x128xi32, #tpu.memory_space<vmem>>
    %dma_wait3A_72 = arith.constant 0 : i32
    %dma_wait3A_73 = arith.constant 0 : i32
    %dma_wait3A_74 = arith.constant 0 : i32
    %dma_wait3A_75 = tpu.memref_slice %arg3[%add3A_57, %dma_wait3A_72, %dma_wait3A_73, %dma_wait3A_74] : memref<32x4x28x128xi32, #tpu.memory_space<hbm>> -> memref<1x4x28x128xi32, #tpu.memory_space<hbm>>
    %dma_wait3A_76 = tpu.memref_squeeze %dma_wait3A_75 : memref<1x4x28x128xi32, #tpu.memory_space<hbm>> -> memref<4x28x128xi32, #tpu.memory_space<hbm>>
    %dma_wait3A_77 = arith.constant 0 : i32
    %dma_wait3A_78 = arith.constant 0 : i32
    %dma_wait3A_79 = tpu.memref_slice %dma_wait3A_76[%add3A_55, %dma_wait3A_77, %dma_wait3A_78] : memref<4x28x128xi32, #tpu.memory_space<hbm>> -> memref<1x28x128xi32, #tpu.memory_space<hbm>>
    %dma_wait3A_80 = tpu.memref_squeeze %dma_wait3A_79 : memref<1x28x128xi32, #tpu.memory_space<hbm>> -> memref<28x128xi32, #tpu.memory_space<hbm>>
    tpu.wait_dma2 semaphore(%arg16 : memref<!tpu.dma_semaphore, #tpu.memory_space<semaphore_mem>>) src(%dma_wait3A_80 : memref<28x128xi32, #tpu.memory_space<hbm>>) dst(%dma_wait3A_71 : memref<28x128xi32, #tpu.memory_space<vmem>>)
    %dma_wait3A_81 = arith.constant 0 : i32
    %dma_wait3A_82 = arith.constant 0 : i32
    %dma_wait3A_83 = tpu.memref_slice %arg9[%dma_wait3A_81, %dma_wait3A_82] : memref<56x128xi32, #tpu.memory_space<vmem>> -> memref<28x128xi32, #tpu.memory_space<vmem>>
    %dma_wait3A_84 = arith.constant 0 : i32
    %dma_wait3A_85 = arith.constant 0 : i32
    %dma_wait3A_86 = arith.constant 0 : i32
    %dma_wait3A_87 = tpu.memref_slice %arg4[%add3A_57, %dma_wait3A_84, %dma_wait3A_85, %dma_wait3A_86] : memref<32x4x28x128xi32, #tpu.memory_space<hbm>> -> memref<1x4x28x128xi32, #tpu.memory_space<hbm>>
    %dma_wait3A_88 = tpu.memref_squeeze %dma_wait3A_87 : memref<1x4x28x128xi32, #tpu.memory_space<hbm>> -> memref<4x28x128xi32, #tpu.memory_space<hbm>>
    %dma_wait3A_89 = arith.constant 0 : i32
    %dma_wait3A_90 = arith.constant 0 : i32
    %dma_wait3A_91 = tpu.memref_slice %dma_wait3A_88[%add3A_55, %dma_wait3A_89, %dma_wait3A_90] : memref<4x28x128xi32, #tpu.memory_space<hbm>> -> memref<1x28x128xi32, #tpu.memory_space<hbm>>
    %dma_wait3A_92 = tpu.memref_squeeze %dma_wait3A_91 : memref<1x28x128xi32, #tpu.memory_space<hbm>> -> memref<28x128xi32, #tpu.memory_space<hbm>>
    %dma_wait3A_93 = arith.constant 0 : i32
    %dma_wait3A_94 = arith.constant 0 : i32
    %dma_wait3A_95 = tpu.memref_slice %arg9[%dma_wait3A_93, %dma_wait3A_94] : memref<56x128xi32, #tpu.memory_space<vmem>> -> memref<28x128xi32, #tpu.memory_space<vmem>>
    %dma_wait3A_96 = arith.constant 0 : i32
    %dma_wait3A_97 = arith.constant 0 : i32
    %dma_wait3A_98 = arith.constant 0 : i32
    %dma_wait3A_99 = tpu.memref_slice %arg4[%add3A_57, %dma_wait3A_96, %dma_wait3A_97, %dma_wait3A_98] : memref<32x4x28x128xi32, #tpu.memory_space<hbm>> -> memref<1x4x28x128xi32, #tpu.memory_space<hbm>>
    %dma_wait3A_100 = tpu.memref_squeeze %dma_wait3A_99 : memref<1x4x28x128xi32, #tpu.memory_space<hbm>> -> memref<4x28x128xi32, #tpu.memory_space<hbm>>
    %dma_wait3A_101 = arith.constant 0 : i32
    %dma_wait3A_102 = arith.constant 0 : i32
    %dma_wait3A_103 = tpu.memref_slice %dma_wait3A_100[%add3A_55, %dma_wait3A_101, %dma_wait3A_102] : memref<4x28x128xi32, #tpu.memory_space<hbm>> -> memref<1x28x128xi32, #tpu.memory_space<hbm>>
    %dma_wait3A_104 = tpu.memref_squeeze %dma_wait3A_103 : memref<1x28x128xi32, #tpu.memory_space<hbm>> -> memref<28x128xi32, #tpu.memory_space<hbm>>
    tpu.wait_dma2 semaphore(%arg16 : memref<!tpu.dma_semaphore, #tpu.memory_space<semaphore_mem>>) src(%dma_wait3A_104 : memref<28x128xi32, #tpu.memory_space<hbm>>) dst(%dma_wait3A_95 : memref<28x128xi32, #tpu.memory_space<vmem>>)
    %barrier3A = arith.constant 0 : index
    tpu.barrier barrier_id(%barrier3A)
    %mul3A_105 = arith.constant 320 : i32
    %mul3A_106 = arith.muli %arg1, %mul3A_105 : i32
    %add3A_107 = arith.constant 0 : i32
    %add3A_108 = arith.addi %add3A_107, %mul3A_106 : i32
    %mul3A_109 = arith.constant 320 : i32
    %mul3A_110 = arith.muli %arg1, %mul3A_109 : i32
    "tpu.region"() ({
      %run_scoped3A_716 = tpu.sem_alloc : memref<!tpu.dma_semaphore, #tpu.memory_space<semaphore_mem>>
      %dma_start3A_717 = arith.constant 0 : i32
      %dma_start3A_718 = tpu.memref_slice %arg11[%mul3A_110, %dma_start3A_717] : memref<5120x128xf32, #tpu.memory_space<vmem_shared>> -> memref<320x128xf32, #tpu.memory_space<vmem_shared>>
      %dma_start3A_719 = arith.constant 0 : i32
      %dma_start3A_720 = tpu.memref_slice %arg2[%add3A_108, %dma_start3A_719] : memref<10240x128xf32, #tpu.memory_space<hbm>> -> memref<320x128xf32, #tpu.memory_space<hbm>>
      tpu.enqueue_dma source(%dma_start3A_720 : memref<320x128xf32, #tpu.memory_space<hbm>>) target(%dma_start3A_718 : memref<320x128xf32, #tpu.memory_space<vmem_shared>>) target_semaphore(%run_scoped3A_716 : memref<!tpu.dma_semaphore, #tpu.memory_space<semaphore_mem>>)
      %dma_wait3A_721 = arith.constant 0 : i32
      %dma_wait3A_722 = tpu.memref_slice %arg11[%mul3A_110, %dma_wait3A_721] : memref<5120x128xf32, #tpu.memory_space<vmem_shared>> -> memref<320x128xf32, #tpu.memory_space<vmem_shared>>
      %dma_wait3A_723 = arith.constant 0 : i32
      %dma_wait3A_724 = tpu.memref_slice %arg2[%add3A_108, %dma_wait3A_723] : memref<10240x128xf32, #tpu.memory_space<hbm>> -> memref<320x128xf32, #tpu.memory_space<hbm>>
      tpu.wait_dma2 semaphore(%run_scoped3A_716 : memref<!tpu.dma_semaphore, #tpu.memory_space<semaphore_mem>>) src(%dma_wait3A_724 : memref<320x128xf32, #tpu.memory_space<hbm>>) dst(%dma_wait3A_722 : memref<320x128xf32, #tpu.memory_space<vmem_shared>>)
      tpu.yield
    }) : () -> ()
    %barrier3A_111 = arith.constant 0 : index
    tpu.barrier barrier_id(%barrier3A_111)
    %add3A_112 = arith.constant 0 : i32
    %add3A_113 = arith.addi %add3A_112, %arg0 : i32
    %add3A_114 = arith.constant 16 : i32
    %add3A_115 = arith.addi %arg1, %add3A_114 : i32
    %dma_start3A_116 = arith.constant 28 : i32
    %dma_start3A_117 = arith.constant 0 : i32
    %dma_start3A_118 = tpu.memref_slice %arg8[%dma_start3A_116, %dma_start3A_117] : memref<56x128xi32, #tpu.memory_space<vmem>> -> memref<28x128xi32, #tpu.memory_space<vmem>>
    %dma_start3A_119 = arith.constant 0 : i32
    %dma_start3A_120 = arith.constant 0 : i32
    %dma_start3A_121 = arith.constant 0 : i32
    %dma_start3A_122 = tpu.memref_slice %arg3[%add3A_115, %dma_start3A_119, %dma_start3A_120, %dma_start3A_121] : memref<32x4x28x128xi32, #tpu.memory_space<hbm>> -> memref<1x4x28x128xi32, #tpu.memory_space<hbm>>
    %dma_start3A_123 = tpu.memref_squeeze %dma_start3A_122 : memref<1x4x28x128xi32, #tpu.memory_space<hbm>> -> memref<4x28x128xi32, #tpu.memory_space<hbm>>
    %dma_start3A_124 = arith.constant 0 : i32
    %dma_start3A_125 = arith.constant 0 : i32
    %dma_start3A_126 = tpu.memref_slice %dma_start3A_123[%add3A_113, %dma_start3A_124, %dma_start3A_125] : memref<4x28x128xi32, #tpu.memory_space<hbm>> -> memref<1x28x128xi32, #tpu.memory_space<hbm>>
    %dma_start3A_127 = tpu.memref_squeeze %dma_start3A_126 : memref<1x28x128xi32, #tpu.memory_space<hbm>> -> memref<28x128xi32, #tpu.memory_space<hbm>>
    %dma_start3A_128 = arith.constant 28 : i32
    %dma_start3A_129 = arith.constant 0 : i32
    %dma_start3A_130 = tpu.memref_slice %arg8[%dma_start3A_128, %dma_start3A_129] : memref<56x128xi32, #tpu.memory_space<vmem>> -> memref<28x128xi32, #tpu.memory_space<vmem>>
    %dma_start3A_131 = arith.constant 0 : i32
    %dma_start3A_132 = arith.constant 0 : i32
    %dma_start3A_133 = arith.constant 0 : i32
    %dma_start3A_134 = tpu.memref_slice %arg3[%add3A_115, %dma_start3A_131, %dma_start3A_132, %dma_start3A_133] : memref<32x4x28x128xi32, #tpu.memory_space<hbm>> -> memref<1x4x28x128xi32, #tpu.memory_space<hbm>>
    %dma_start3A_135 = tpu.memref_squeeze %dma_start3A_134 : memref<1x4x28x128xi32, #tpu.memory_space<hbm>> -> memref<4x28x128xi32, #tpu.memory_space<hbm>>
    %dma_start3A_136 = arith.constant 0 : i32
    %dma_start3A_137 = arith.constant 0 : i32
    %dma_start3A_138 = tpu.memref_slice %dma_start3A_135[%add3A_113, %dma_start3A_136, %dma_start3A_137] : memref<4x28x128xi32, #tpu.memory_space<hbm>> -> memref<1x28x128xi32, #tpu.memory_space<hbm>>
    %dma_start3A_139 = tpu.memref_squeeze %dma_start3A_138 : memref<1x28x128xi32, #tpu.memory_space<hbm>> -> memref<28x128xi32, #tpu.memory_space<hbm>>
    tpu.enqueue_dma source(%dma_start3A_139 : memref<28x128xi32, #tpu.memory_space<hbm>>) target(%dma_start3A_130 : memref<28x128xi32, #tpu.memory_space<vmem>>) target_semaphore(%arg16 : memref<!tpu.dma_semaphore, #tpu.memory_space<semaphore_mem>>)
    %dma_start3A_140 = arith.constant 28 : i32
    %dma_start3A_141 = arith.constant 0 : i32
    %dma_start3A_142 = tpu.memref_slice %arg9[%dma_start3A_140, %dma_start3A_141] : memref<56x128xi32, #tpu.memory_space<vmem>> -> memref<28x128xi32, #tpu.memory_space<vmem>>
    %dma_start3A_143 = arith.constant 0 : i32
    %dma_start3A_144 = arith.constant 0 : i32
    %dma_start3A_145 = arith.constant 0 : i32
    %dma_start3A_146 = tpu.memref_slice %arg4[%add3A_115, %dma_start3A_143, %dma_start3A_144, %dma_start3A_145] : memref<32x4x28x128xi32, #tpu.memory_space<hbm>> -> memref<1x4x28x128xi32, #tpu.memory_space<hbm>>
    %dma_start3A_147 = tpu.memref_squeeze %dma_start3A_146 : memref<1x4x28x128xi32, #tpu.memory_space<hbm>> -> memref<4x28x128xi32, #tpu.memory_space<hbm>>
    %dma_start3A_148 = arith.constant 0 : i32
    %dma_start3A_149 = arith.constant 0 : i32
    %dma_start3A_150 = tpu.memref_slice %dma_start3A_147[%add3A_113, %dma_start3A_148, %dma_start3A_149] : memref<4x28x128xi32, #tpu.memory_space<hbm>> -> memref<1x28x128xi32, #tpu.memory_space<hbm>>
    %dma_start3A_151 = tpu.memref_squeeze %dma_start3A_150 : memref<1x28x128xi32, #tpu.memory_space<hbm>> -> memref<28x128xi32, #tpu.memory_space<hbm>>
    %dma_start3A_152 = arith.constant 28 : i32
    %dma_start3A_153 = arith.constant 0 : i32
    %dma_start3A_154 = tpu.memref_slice %arg9[%dma_start3A_152, %dma_start3A_153] : memref<56x128xi32, #tpu.memory_space<vmem>> -> memref<28x128xi32, #tpu.memory_space<vmem>>
    %dma_start3A_155 = arith.constant 0 : i32
    %dma_start3A_156 = arith.constant 0 : i32
    %dma_start3A_157 = arith.constant 0 : i32
    %dma_start3A_158 = tpu.memref_slice %arg4[%add3A_115, %dma_start3A_155, %dma_start3A_156, %dma_start3A_157] : memref<32x4x28x128xi32, #tpu.memory_space<hbm>> -> memref<1x4x28x128xi32, #tpu.memory_space<hbm>>
    %dma_start3A_159 = tpu.memref_squeeze %dma_start3A_158 : memref<1x4x28x128xi32, #tpu.memory_space<hbm>> -> memref<4x28x128xi32, #tpu.memory_space<hbm>>
    %dma_start3A_160 = arith.constant 0 : i32
    %dma_start3A_161 = arith.constant 0 : i32
    %dma_start3A_162 = tpu.memref_slice %dma_start3A_159[%add3A_113, %dma_start3A_160, %dma_start3A_161] : memref<4x28x128xi32, #tpu.memory_space<hbm>> -> memref<1x28x128xi32, #tpu.memory_space<hbm>>
    %dma_start3A_163 = tpu.memref_squeeze %dma_start3A_162 : memref<1x28x128xi32, #tpu.memory_space<hbm>> -> memref<28x128xi32, #tpu.memory_space<hbm>>
    tpu.enqueue_dma source(%dma_start3A_163 : memref<28x128xi32, #tpu.memory_space<hbm>>) target(%dma_start3A_154 : memref<28x128xi32, #tpu.memory_space<vmem>>) target_semaphore(%arg16 : memref<!tpu.dma_semaphore, #tpu.memory_space<semaphore_mem>>)
    %add3A_164 = arith.constant 0 : i32
    %add3A_165 = arith.addi %add3A_164, %arg0 : i32
    %eq3A = vector.broadcast %add3A_165 : i32 to vector<16xi32>
    %eq3A_166 = arith.cmpi eq, %iota3A, %eq3A : vector<16xi32>
    %get3A = arith.constant 0 : i32
    %get3A_167 = arith.index_cast %get3A : i32 to index
    %get3A_168 = arith.constant 0 : index
    %get3A_169 = tpu.vector_load %arg13[%get3A_167, %get3A_168] {strides = array<i32>} : memref<2x16xi32, #tpu.memory_space<vmem>>, vector<16xi32>,
    %jit3A = arith.constant 0 : i32
    %broadcast_in_dim3A = vector.broadcast %jit3A : i32 to vector<16xi32>
    %select_n3A = arith.select %eq3A_166, %get3A_169, %broadcast_in_dim3A : vector<16xi1>, vector<16xi32>
    %reduce_sum3A = arith.constant true
    %reduce_sum3A_170 = vector.broadcast %reduce_sum3A : i1 to vector<16xi1>
    %reduce_sum3A_171 = tpu.scan <sum>, %select_n3A masked %reduce_sum3A_170 : vector<16xi32>, vector<16xi1> -> vector<16xi32>
    %reduce_sum3A_172 = vector.extract %reduce_sum3A_171[15] : i32 from vector<16xi32>
    %dma_start3A_173 = arith.constant 0 : i32
    %dma_start3A_174 = arith.constant 0 : i32
    %dma_start3A_175 = arith.constant 0 : i32
    %dma_start3A_176 = arith.constant 0 : i32
    %dma_start3A_177 = tpu.memref_slice %arg10[%dma_start3A_174, %dma_start3A_175, %dma_start3A_176] : memref<2x128x128xf32, #tpu.memory_space<vmem>> -> memref<1x128x128xf32, #tpu.memory_space<vmem>>
    %dma_start3A_178 = tpu.memref_squeeze %dma_start3A_177 : memref<1x128x128xf32, #tpu.memory_space<vmem>> -> memref<128x128xf32, #tpu.memory_space<vmem>>
    %dma_start3A_179 = arith.constant 0 : i32
    %dma_start3A_180 = tpu.memref_slice %arg8[%dma_start3A_173, %dma_start3A_179] : memref<56x128xi32, #tpu.memory_space<vmem>> -> memref<1x128xi32, #tpu.memory_space<vmem>>
    %dma_start3A_181 = tpu.memref_squeeze %dma_start3A_180 : memref<1x128xi32, #tpu.memory_space<vmem>> -> memref<128xi32, #tpu.memory_space<vmem>>
    %dma_start3A_182 = arith.constant 0 : i32
    %dma_start3A_183 = arith.constant 0 : i32
    %dma_start3A_184 = tpu.memref_slice %arg11[%dma_start3A_182, %dma_start3A_183] : memref<5120x128xf32, #tpu.memory_space<vmem_shared>> -> memref<5120x128xf32, #tpu.memory_space<vmem_shared>>
    tpu.enqueue_indirect_dma source(%dma_start3A_184 : memref<5120x128xf32, #tpu.memory_space<vmem_shared>>) target(%dma_start3A_178 : memref<128x128xf32, #tpu.memory_space<vmem>>) offsets(%dma_start3A_181 : memref<128xi32, #tpu.memory_space<vmem>>) semaphore(%arg14 : memref<!tpu.dma_semaphore, #tpu.memory_space<semaphore_mem>>)
    %jit3A_185 = arith.constant 2 : i32
    %div3A = arith.divsi %reduce_sum3A_172, %jit3A_185 : i32
    %sign3A = arith.constant 0 : i32
    %sign3A_186 = arith.cmpi sgt, %reduce_sum3A_172, %sign3A : i32
    %sign3A_187 = arith.extui %sign3A_186 : i1 to i32
    %sign3A_188 = arith.constant 0 : i32
    %sign3A_189 = arith.cmpi slt, %reduce_sum3A_172, %sign3A_188 : i32
    %sign3A_190 = arith.extui %sign3A_189 : i1 to i32
    %sign3A_191 = arith.subi %sign3A_187, %sign3A_190 : i32
    %sign3A_192 = arith.constant 0 : i32
    %sign3A_193 = arith.cmpi sgt, %jit3A_185, %sign3A_192 : i32
    %sign3A_194 = arith.extui %sign3A_193 : i1 to i32
    %sign3A_195 = arith.constant 0 : i32
    %sign3A_196 = arith.cmpi slt, %jit3A_185, %sign3A_195 : i32
    %sign3A_197 = arith.extui %sign3A_196 : i1 to i32
    %sign3A_198 = arith.subi %sign3A_194, %sign3A_197 : i32
    %ne3A = arith.cmpi ne, %sign3A_191, %sign3A_198 : i32
    %rem3A = arith.remsi %reduce_sum3A_172, %jit3A_185 : i32
    %ne3A_199 = arith.constant 0 : i32
    %ne3A_200 = arith.cmpi ne, %rem3A, %ne3A_199 : i32
    %and3A = arith.andi %ne3A, %ne3A_200 : i1
    %sub3A = arith.constant 1 : i32
    %sub3A_201 = arith.subi %div3A, %sub3A : i32
    %select_n3A_202 = arith.select %and3A, %sub3A_201, %div3A : i32
    %while3A = arith.constant 0 : i32
    %while3A_203 = arith.constant 0 : i32
    %while3A_204 = arith.subi %select_n3A_202, %while3A_203 : i32
    %while3A_205 = arith.addi %while3A_203, %while3A_204 : i32
    %while3A_206 = arith.constant 1 : i32
    %while3A_207 = arith.divsi %while3A_204, %while3A_206 : i32
    %while3A_208 = arith.muli %while3A_207, %while3A_206 : i32
    %while3A_209 = arith.addi %while3A_203, %while3A_208 : i32
    %while3A_210 = arith.constant 1 : i32
    scf.for %while3A_716 = %while3A_203 to %while3A_209 step %while3A_210  : i32 {
      %mul3A_717 = arith.constant 2 : i32
      %mul3A_718 = arith.muli %mul3A_717, %while3A_716 : i32
      %add3A_719 = arith.constant 1 : i32
      %add3A_720 = arith.addi %mul3A_718, %add3A_719 : i32
      %add3A_721 = arith.constant 0 : i32
      %add3A_722 = arith.addi %add3A_721, %add3A_720 : i32
      %dma_start3A_723 = arith.constant 1 : i32
      %dma_start3A_724 = arith.constant 0 : i32
      %dma_start3A_725 = arith.constant 0 : i32
      %dma_start3A_726 = tpu.memref_slice %arg10[%dma_start3A_723, %dma_start3A_724, %dma_start3A_725] : memref<2x128x128xf32, #tpu.memory_space<vmem>> -> memref<1x128x128xf32, #tpu.memory_space<vmem>>
      %dma_start3A_727 = tpu.memref_squeeze %dma_start3A_726 : memref<1x128x128xf32, #tpu.memory_space<vmem>> -> memref<128x128xf32, #tpu.memory_space<vmem>>
      %dma_start3A_728 = arith.constant 0 : i32
      %dma_start3A_729 = tpu.memref_slice %arg8[%add3A_722, %dma_start3A_728] : memref<56x128xi32, #tpu.memory_space<vmem>> -> memref<1x128xi32, #tpu.memory_space<vmem>>
      %dma_start3A_730 = tpu.memref_squeeze %dma_start3A_729 : memref<1x128xi32, #tpu.memory_space<vmem>> -> memref<128xi32, #tpu.memory_space<vmem>>
      %dma_start3A_731 = arith.constant 0 : i32
      %dma_start3A_732 = arith.constant 0 : i32
      %dma_start3A_733 = tpu.memref_slice %arg11[%dma_start3A_731, %dma_start3A_732] : memref<5120x128xf32, #tpu.memory_space<vmem_shared>> -> memref<5120x128xf32, #tpu.memory_space<vmem_shared>>
      tpu.enqueue_indirect_dma source(%dma_start3A_733 : memref<5120x128xf32, #tpu.memory_space<vmem_shared>>) target(%dma_start3A_727 : memref<128x128xf32, #tpu.memory_space<vmem>>) offsets(%dma_start3A_730 : memref<128xi32, #tpu.memory_space<vmem>>) semaphore(%arg15 : memref<!tpu.dma_semaphore, #tpu.memory_space<semaphore_mem>>)
      %add3A_734 = arith.constant 0 : i32
      %add3A_735 = arith.addi %add3A_734, %mul3A_718 : i32
      %dma_wait3A_736 = arith.constant 0 : i32
      %dma_wait3A_737 = arith.constant 0 : i32
      %dma_wait3A_738 = arith.constant 0 : i32
      %dma_wait3A_739 = tpu.memref_slice %arg10[%dma_wait3A_736, %dma_wait3A_737, %dma_wait3A_738] : memref<2x128x128xf32, #tpu.memory_space<vmem>> -> memref<1x128x128xf32, #tpu.memory_space<vmem>>
      %dma_wait3A_740 = tpu.memref_squeeze %dma_wait3A_739 : memref<1x128x128xf32, #tpu.memory_space<vmem>> -> memref<128x128xf32, #tpu.memory_space<vmem>>
      %dma_wait3A_741 = arith.constant 0 : i32
      %dma_wait3A_742 = tpu.memref_slice %arg8[%add3A_735, %dma_wait3A_741] : memref<56x128xi32, #tpu.memory_space<vmem>> -> memref<1x128xi32, #tpu.memory_space<vmem>>
      %dma_wait3A_743 = tpu.memref_squeeze %dma_wait3A_742 : memref<1x128xi32, #tpu.memory_space<vmem>> -> memref<128xi32, #tpu.memory_space<vmem>>
      %dma_wait3A_744 = arith.constant 0 : i32
      %dma_wait3A_745 = arith.constant 0 : i32
      %dma_wait3A_746 = tpu.memref_slice %arg11[%dma_wait3A_744, %dma_wait3A_745] : memref<5120x128xf32, #tpu.memory_space<vmem_shared>> -> memref<5120x128xf32, #tpu.memory_space<vmem_shared>>
      tpu.wait_indirect_dma semaphore(%arg14 : memref<!tpu.dma_semaphore, #tpu.memory_space<semaphore_mem>>) src(%dma_wait3A_746 : memref<5120x128xf32, #tpu.memory_space<vmem_shared>>) dst(%dma_wait3A_740 : memref<128x128xf32, #tpu.memory_space<vmem>>)
      %add3A_747 = arith.constant 0 : i32
      %add3A_748 = arith.addi %add3A_747, %mul3A_718 : i32
      %run_scoped3A_749 = arith.constant 0 : i32
      "tpu.region"() ({
        %run_scoped3A_785 = tpu.sem_alloc : memref<!tpu.dma_semaphore, #tpu.memory_space<semaphore_mem>>
        %dma_start3A_786 = arith.constant 0 : i32
        %dma_start3A_787 = arith.constant 0 : i32
        %dma_start3A_788 = tpu.memref_slice %arg10[%run_scoped3A_749, %dma_start3A_786, %dma_start3A_787] : memref<2x128x128xf32, #tpu.memory_space<vmem>> -> memref<1x128x128xf32, #tpu.memory_space<vmem>>
        %dma_start3A_789 = tpu.memref_squeeze %dma_start3A_788 : memref<1x128x128xf32, #tpu.memory_space<vmem>> -> memref<128x128xf32, #tpu.memory_space<vmem>>
        %dma_start3A_790 = arith.constant 0 : i32
        %dma_start3A_791 = tpu.memref_slice %arg9[%add3A_748, %dma_start3A_790] : memref<56x128xi32, #tpu.memory_space<vmem>> -> memref<1x128xi32, #tpu.memory_space<vmem>>
        %dma_start3A_792 = tpu.memref_squeeze %dma_start3A_791 : memref<1x128xi32, #tpu.memory_space<vmem>> -> memref<128xi32, #tpu.memory_space<vmem>>
        %dma_start3A_793 = arith.constant 0 : i32
        %dma_start3A_794 = arith.constant 0 : i32
        %dma_start3A_795 = tpu.memref_slice %arg12[%dma_start3A_793, %dma_start3A_794] : memref<5120x128xf32, #tpu.memory_space<vmem_shared>> -> memref<5120x128xf32, #tpu.memory_space<vmem_shared>>
        tpu.enqueue_indirect_dma source(%dma_start3A_789 : memref<128x128xf32, #tpu.memory_space<vmem>>) target(%dma_start3A_795 : memref<5120x128xf32, #tpu.memory_space<vmem_shared>>) offsets(%dma_start3A_792 : memref<128xi32, #tpu.memory_space<vmem>>) semaphore(%run_scoped3A_785 : memref<!tpu.dma_semaphore, #tpu.memory_space<semaphore_mem>>) {add = true}
        %dma_wait3A_796 = arith.constant 0 : i32
        %dma_wait3A_797 = arith.constant 0 : i32
        %dma_wait3A_798 = tpu.memref_slice %arg10[%run_scoped3A_749, %dma_wait3A_796, %dma_wait3A_797] : memref<2x128x128xf32, #tpu.memory_space<vmem>> -> memref<1x128x128xf32, #tpu.memory_space<vmem>>
        %dma_wait3A_799 = tpu.memref_squeeze %dma_wait3A_798 : memref<1x128x128xf32, #tpu.memory_space<vmem>> -> memref<128x128xf32, #tpu.memory_space<vmem>>
        %dma_wait3A_800 = arith.constant 0 : i32
        %dma_wait3A_801 = tpu.memref_slice %arg9[%add3A_748, %dma_wait3A_800] : memref<56x128xi32, #tpu.memory_space<vmem>> -> memref<1x128xi32, #tpu.memory_space<vmem>>
        %dma_wait3A_802 = tpu.memref_squeeze %dma_wait3A_801 : memref<1x128xi32, #tpu.memory_space<vmem>> -> memref<128xi32, #tpu.memory_space<vmem>>
        %dma_wait3A_803 = arith.constant 0 : i32
        %dma_wait3A_804 = arith.constant 0 : i32
        %dma_wait3A_805 = tpu.memref_slice %arg12[%dma_wait3A_803, %dma_wait3A_804] : memref<5120x128xf32, #tpu.memory_space<vmem_shared>> -> memref<5120x128xf32, #tpu.memory_space<vmem_shared>>
        tpu.wait_indirect_dma semaphore(%run_scoped3A_785 : memref<!tpu.dma_semaphore, #tpu.memory_space<semaphore_mem>>) src(%dma_wait3A_799 : memref<128x128xf32, #tpu.memory_space<vmem>>) dst(%dma_wait3A_805 : memref<5120x128xf32, #tpu.memory_space<vmem_shared>>)
        tpu.yield
      }) : () -> ()
      %add3A_750 = arith.constant 2 : i32
      %add3A_751 = arith.addi %mul3A_718, %add3A_750 : i32
      %add3A_752 = arith.constant 0 : i32
      %add3A_753 = arith.addi %add3A_752, %add3A_751 : i32
      %dma_start3A_754 = arith.constant 0 : i32
      %dma_start3A_755 = arith.constant 0 : i32
      %dma_start3A_756 = arith.constant 0 : i32
      %dma_start3A_757 = tpu.memref_slice %arg10[%dma_start3A_754, %dma_start3A_755, %dma_start3A_756] : memref<2x128x128xf32, #tpu.memory_space<vmem>> -> memref<1x128x128xf32, #tpu.memory_space<vmem>>
      %dma_start3A_758 = tpu.memref_squeeze %dma_start3A_757 : memref<1x128x128xf32, #tpu.memory_space<vmem>> -> memref<128x128xf32, #tpu.memory_space<vmem>>
      %dma_start3A_759 = arith.constant 0 : i32
      %dma_start3A_760 = tpu.memref_slice %arg8[%add3A_753, %dma_start3A_759] : memref<56x128xi32, #tpu.memory_space<vmem>> -> memref<1x128xi32, #tpu.memory_space<vmem>>
      %dma_start3A_761 = tpu.memref_squeeze %dma_start3A_760 : memref<1x128xi32, #tpu.memory_space<vmem>> -> memref<128xi32, #tpu.memory_space<vmem>>
      %dma_start3A_762 = arith.constant 0 : i32
      %dma_start3A_763 = arith.constant 0 : i32
      %dma_start3A_764 = tpu.memref_slice %arg11[%dma_start3A_762, %dma_start3A_763] : memref<5120x128xf32, #tpu.memory_space<vmem_shared>> -> memref<5120x128xf32, #tpu.memory_space<vmem_shared>>
      tpu.enqueue_indirect_dma source(%dma_start3A_764 : memref<5120x128xf32, #tpu.memory_space<vmem_shared>>) target(%dma_start3A_758 : memref<128x128xf32, #tpu.memory_space<vmem>>) offsets(%dma_start3A_761 : memref<128xi32, #tpu.memory_space<vmem>>) semaphore(%arg14 : memref<!tpu.dma_semaphore, #tpu.memory_space<semaphore_mem>>)
      %add3A_765 = arith.constant 1 : i32
      %add3A_766 = arith.addi %mul3A_718, %add3A_765 : i32
      %add3A_767 = arith.constant 0 : i32
      %add3A_768 = arith.addi %add3A_767, %add3A_766 : i32
      %dma_wait3A_769 = arith.constant 1 : i32
      %dma_wait3A_770 = arith.constant 0 : i32
      %dma_wait3A_771 = arith.constant 0 : i32
      %dma_wait3A_772 = tpu.memref_slice %arg10[%dma_wait3A_769, %dma_wait3A_770, %dma_wait3A_771] : memref<2x128x128xf32, #tpu.memory_space<vmem>> -> memref<1x128x128xf32, #tpu.memory_space<vmem>>
      %dma_wait3A_773 = tpu.memref_squeeze %dma_wait3A_772 : memref<1x128x128xf32, #tpu.memory_space<vmem>> -> memref<128x128xf32, #tpu.memory_space<vmem>>
      %dma_wait3A_774 = arith.constant 0 : i32
      %dma_wait3A_775 = tpu.memref_slice %arg8[%add3A_768, %dma_wait3A_774] : memref<56x128xi32, #tpu.memory_space<vmem>> -> memref<1x128xi32, #tpu.memory_space<vmem>>
      %dma_wait3A_776 = tpu.memref_squeeze %dma_wait3A_775 : memref<1x128xi32, #tpu.memory_space<vmem>> -> memref<128xi32, #tpu.memory_space<vmem>>
      %dma_wait3A_777 = arith.constant 0 : i32
      %dma_wait3A_778 = arith.constant 0 : i32
      %dma_wait3A_779 = tpu.memref_slice %arg11[%dma_wait3A_777, %dma_wait3A_778] : memref<5120x128xf32, #tpu.memory_space<vmem_shared>> -> memref<5120x128xf32, #tpu.memory_space<vmem_shared>>
      tpu.wait_indirect_dma semaphore(%arg15 : memref<!tpu.dma_semaphore, #tpu.memory_space<semaphore_mem>>) src(%dma_wait3A_779 : memref<5120x128xf32, #tpu.memory_space<vmem_shared>>) dst(%dma_wait3A_773 : memref<128x128xf32, #tpu.memory_space<vmem>>)
      %add3A_780 = arith.constant 0 : i32
      %add3A_781 = arith.addi %add3A_780, %mul3A_718 : i32
      %add3A_782 = arith.constant 1 : i32
      %add3A_783 = arith.addi %add3A_781, %add3A_782 : i32
      %run_scoped3A_784 = arith.constant 1 : i32
      "tpu.region"() ({
        %run_scoped3A_785 = tpu.sem_alloc : memref<!tpu.dma_semaphore, #tpu.memory_space<semaphore_mem>>
        %dma_start3A_786 = arith.constant 0 : i32
        %dma_start3A_787 = arith.constant 0 : i32
        %dma_start3A_788 = tpu.memref_slice %arg10[%run_scoped3A_784, %dma_start3A_786, %dma_start3A_787] : memref<2x128x128xf32, #tpu.memory_space<vmem>> -> memref<1x128x128xf32, #tpu.memory_space<vmem>>
        %dma_start3A_789 = tpu.memref_squeeze %dma_start3A_788 : memref<1x128x128xf32, #tpu.memory_space<vmem>> -> memref<128x128xf32, #tpu.memory_space<vmem>>
        %dma_start3A_790 = arith.constant 0 : i32
        %dma_start3A_791 = tpu.memref_slice %arg9[%add3A_783, %dma_start3A_790] : memref<56x128xi32, #tpu.memory_space<vmem>> -> memref<1x128xi32, #tpu.memory_space<vmem>>
        %dma_start3A_792 = tpu.memref_squeeze %dma_start3A_791 : memref<1x128xi32, #tpu.memory_space<vmem>> -> memref<128xi32, #tpu.memory_space<vmem>>
        %dma_start3A_793 = arith.constant 0 : i32
        %dma_start3A_794 = arith.constant 0 : i32
        %dma_start3A_795 = tpu.memref_slice %arg12[%dma_start3A_793, %dma_start3A_794] : memref<5120x128xf32, #tpu.memory_space<vmem_shared>> -> memref<5120x128xf32, #tpu.memory_space<vmem_shared>>
        tpu.enqueue_indirect_dma source(%dma_start3A_789 : memref<128x128xf32, #tpu.memory_space<vmem>>) target(%dma_start3A_795 : memref<5120x128xf32, #tpu.memory_space<vmem_shared>>) offsets(%dma_start3A_792 : memref<128xi32, #tpu.memory_space<vmem>>) semaphore(%run_scoped3A_785 : memref<!tpu.dma_semaphore, #tpu.memory_space<semaphore_mem>>) {add = true}
        %dma_wait3A_796 = arith.constant 0 : i32
        %dma_wait3A_797 = arith.constant 0 : i32
        %dma_wait3A_798 = tpu.memref_slice %arg10[%run_scoped3A_784, %dma_wait3A_796, %dma_wait3A_797] : memref<2x128x128xf32, #tpu.memory_space<vmem>> -> memref<1x128x128xf32, #tpu.memory_space<vmem>>
        %dma_wait3A_799 = tpu.memref_squeeze %dma_wait3A_798 : memref<1x128x128xf32, #tpu.memory_space<vmem>> -> memref<128x128xf32, #tpu.memory_space<vmem>>
        %dma_wait3A_800 = arith.constant 0 : i32
        %dma_wait3A_801 = tpu.memref_slice %arg9[%add3A_783, %dma_wait3A_800] : memref<56x128xi32, #tpu.memory_space<vmem>> -> memref<1x128xi32, #tpu.memory_space<vmem>>
        %dma_wait3A_802 = tpu.memref_squeeze %dma_wait3A_801 : memref<1x128xi32, #tpu.memory_space<vmem>> -> memref<128xi32, #tpu.memory_space<vmem>>
        %dma_wait3A_803 = arith.constant 0 : i32
        %dma_wait3A_804 = arith.constant 0 : i32
        %dma_wait3A_805 = tpu.memref_slice %arg12[%dma_wait3A_803, %dma_wait3A_804] : memref<5120x128xf32, #tpu.memory_space<vmem_shared>> -> memref<5120x128xf32, #tpu.memory_space<vmem_shared>>
        tpu.wait_indirect_dma semaphore(%run_scoped3A_785 : memref<!tpu.dma_semaphore, #tpu.memory_space<semaphore_mem>>) src(%dma_wait3A_799 : memref<128x128xf32, #tpu.memory_space<vmem>>) dst(%dma_wait3A_805 : memref<5120x128xf32, #tpu.memory_space<vmem_shared>>)
        tpu.yield
      }) : () -> ()
    }
    %while3A_211 = arith.constant 1 : i32
    scf.for %while3A_716 = %while3A_209 to %while3A_205 step %while3A_211  : i32 {
      %mul3A_717 = arith.constant 2 : i32
      %mul3A_718 = arith.muli %mul3A_717, %while3A_716 : i32
      %add3A_719 = arith.constant 1 : i32
      %add3A_720 = arith.addi %mul3A_718, %add3A_719 : i32
      %add3A_721 = arith.constant 0 : i32
      %add3A_722 = arith.addi %add3A_721, %add3A_720 : i32
      %dma_start3A_723 = arith.constant 1 : i32
      %dma_start3A_724 = arith.constant 0 : i32
      %dma_start3A_725 = arith.constant 0 : i32
      %dma_start3A_726 = tpu.memref_slice %arg10[%dma_start3A_723, %dma_start3A_724, %dma_start3A_725] : memref<2x128x128xf32, #tpu.memory_space<vmem>> -> memref<1x128x128xf32, #tpu.memory_space<vmem>>
      %dma_start3A_727 = tpu.memref_squeeze %dma_start3A_726 : memref<1x128x128xf32, #tpu.memory_space<vmem>> -> memref<128x128xf32, #tpu.memory_space<vmem>>
      %dma_start3A_728 = arith.constant 0 : i32
      %dma_start3A_729 = tpu.memref_slice %arg8[%add3A_722, %dma_start3A_728] : memref<56x128xi32, #tpu.memory_space<vmem>> -> memref<1x128xi32, #tpu.memory_space<vmem>>
      %dma_start3A_730 = tpu.memref_squeeze %dma_start3A_729 : memref<1x128xi32, #tpu.memory_space<vmem>> -> memref<128xi32, #tpu.memory_space<vmem>>
      %dma_start3A_731 = arith.constant 0 : i32
      %dma_start3A_732 = arith.constant 0 : i32
      %dma_start3A_733 = tpu.memref_slice %arg11[%dma_start3A_731, %dma_start3A_732] : memref<5120x128xf32, #tpu.memory_space<vmem_shared>> -> memref<5120x128xf32, #tpu.memory_space<vmem_shared>>
      tpu.enqueue_indirect_dma source(%dma_start3A_733 : memref<5120x128xf32, #tpu.memory_space<vmem_shared>>) target(%dma_start3A_727 : memref<128x128xf32, #tpu.memory_space<vmem>>) offsets(%dma_start3A_730 : memref<128xi32, #tpu.memory_space<vmem>>) semaphore(%arg15 : memref<!tpu.dma_semaphore, #tpu.memory_space<semaphore_mem>>)
      %add3A_734 = arith.constant 0 : i32
      %add3A_735 = arith.addi %add3A_734, %mul3A_718 : i32
      %dma_wait3A_736 = arith.constant 0 : i32
      %dma_wait3A_737 = arith.constant 0 : i32
      %dma_wait3A_738 = arith.constant 0 : i32
      %dma_wait3A_739 = tpu.memref_slice %arg10[%dma_wait3A_736, %dma_wait3A_737, %dma_wait3A_738] : memref<2x128x128xf32, #tpu.memory_space<vmem>> -> memref<1x128x128xf32, #tpu.memory_space<vmem>>
      %dma_wait3A_740 = tpu.memref_squeeze %dma_wait3A_739 : memref<1x128x128xf32, #tpu.memory_space<vmem>> -> memref<128x128xf32, #tpu.memory_space<vmem>>
      %dma_wait3A_741 = arith.constant 0 : i32
      %dma_wait3A_742 = tpu.memref_slice %arg8[%add3A_735, %dma_wait3A_741] : memref<56x128xi32, #tpu.memory_space<vmem>> -> memref<1x128xi32, #tpu.memory_space<vmem>>
      %dma_wait3A_743 = tpu.memref_squeeze %dma_wait3A_742 : memref<1x128xi32, #tpu.memory_space<vmem>> -> memref<128xi32, #tpu.memory_space<vmem>>
      %dma_wait3A_744 = arith.constant 0 : i32
      %dma_wait3A_745 = arith.constant 0 : i32
      %dma_wait3A_746 = tpu.memref_slice %arg11[%dma_wait3A_744, %dma_wait3A_745] : memref<5120x128xf32, #tpu.memory_space<vmem_shared>> -> memref<5120x128xf32, #tpu.memory_space<vmem_shared>>
      tpu.wait_indirect_dma semaphore(%arg14 : memref<!tpu.dma_semaphore, #tpu.memory_space<semaphore_mem>>) src(%dma_wait3A_746 : memref<5120x128xf32, #tpu.memory_space<vmem_shared>>) dst(%dma_wait3A_740 : memref<128x128xf32, #tpu.memory_space<vmem>>)
      %add3A_747 = arith.constant 0 : i32
      %add3A_748 = arith.addi %add3A_747, %mul3A_718 : i32
      %run_scoped3A_749 = arith.constant 0 : i32
      "tpu.region"() ({
        %run_scoped3A_785 = tpu.sem_alloc : memref<!tpu.dma_semaphore, #tpu.memory_space<semaphore_mem>>
        %dma_start3A_786 = arith.constant 0 : i32
        %dma_start3A_787 = arith.constant 0 : i32
        %dma_start3A_788 = tpu.memref_slice %arg10[%run_scoped3A_749, %dma_start3A_786, %dma_start3A_787] : memref<2x128x128xf32, #tpu.memory_space<vmem>> -> memref<1x128x128xf32, #tpu.memory_space<vmem>>
        %dma_start3A_789 = tpu.memref_squeeze %dma_start3A_788 : memref<1x128x128xf32, #tpu.memory_space<vmem>> -> memref<128x128xf32, #tpu.memory_space<vmem>>
        %dma_start3A_790 = arith.constant 0 : i32
        %dma_start3A_791 = tpu.memref_slice %arg9[%add3A_748, %dma_start3A_790] : memref<56x128xi32, #tpu.memory_space<vmem>> -> memref<1x128xi32, #tpu.memory_space<vmem>>
        %dma_start3A_792 = tpu.memref_squeeze %dma_start3A_791 : memref<1x128xi32, #tpu.memory_space<vmem>> -> memref<128xi32, #tpu.memory_space<vmem>>
        %dma_start3A_793 = arith.constant 0 : i32
        %dma_start3A_794 = arith.constant 0 : i32
        %dma_start3A_795 = tpu.memref_slice %arg12[%dma_start3A_793, %dma_start3A_794] : memref<5120x128xf32, #tpu.memory_space<vmem_shared>> -> memref<5120x128xf32, #tpu.memory_space<vmem_shared>>
        tpu.enqueue_indirect_dma source(%dma_start3A_789 : memref<128x128xf32, #tpu.memory_space<vmem>>) target(%dma_start3A_795 : memref<5120x128xf32, #tpu.memory_space<vmem_shared>>) offsets(%dma_start3A_792 : memref<128xi32, #tpu.memory_space<vmem>>) semaphore(%run_scoped3A_785 : memref<!tpu.dma_semaphore, #tpu.memory_space<semaphore_mem>>) {add = true}
        %dma_wait3A_796 = arith.constant 0 : i32
        %dma_wait3A_797 = arith.constant 0 : i32
        %dma_wait3A_798 = tpu.memref_slice %arg10[%run_scoped3A_749, %dma_wait3A_796, %dma_wait3A_797] : memref<2x128x128xf32, #tpu.memory_space<vmem>> -> memref<1x128x128xf32, #tpu.memory_space<vmem>>
        %dma_wait3A_799 = tpu.memref_squeeze %dma_wait3A_798 : memref<1x128x128xf32, #tpu.memory_space<vmem>> -> memref<128x128xf32, #tpu.memory_space<vmem>>
        %dma_wait3A_800 = arith.constant 0 : i32
        %dma_wait3A_801 = tpu.memref_slice %arg9[%add3A_748, %dma_wait3A_800] : memref<56x128xi32, #tpu.memory_space<vmem>> -> memref<1x128xi32, #tpu.memory_space<vmem>>
        %dma_wait3A_802 = tpu.memref_squeeze %dma_wait3A_801 : memref<1x128xi32, #tpu.memory_space<vmem>> -> memref<128xi32, #tpu.memory_space<vmem>>
        %dma_wait3A_803 = arith.constant 0 : i32
        %dma_wait3A_804 = arith.constant 0 : i32
        %dma_wait3A_805 = tpu.memref_slice %arg12[%dma_wait3A_803, %dma_wait3A_804] : memref<5120x128xf32, #tpu.memory_space<vmem_shared>> -> memref<5120x128xf32, #tpu.memory_space<vmem_shared>>
        tpu.wait_indirect_dma semaphore(%run_scoped3A_785 : memref<!tpu.dma_semaphore, #tpu.memory_space<semaphore_mem>>) src(%dma_wait3A_799 : memref<128x128xf32, #tpu.memory_space<vmem>>) dst(%dma_wait3A_805 : memref<5120x128xf32, #tpu.memory_space<vmem_shared>>)
        tpu.yield
      }) : () -> ()
      %add3A_750 = arith.constant 2 : i32
      %add3A_751 = arith.addi %mul3A_718, %add3A_750 : i32
      %add3A_752 = arith.constant 0 : i32
      %add3A_753 = arith.addi %add3A_752, %add3A_751 : i32
      %dma_start3A_754 = arith.constant 0 : i32
      %dma_start3A_755 = arith.constant 0 : i32
      %dma_start3A_756 = arith.constant 0 : i32
      %dma_start3A_757 = tpu.memref_slice %arg10[%dma_start3A_754, %dma_start3A_755, %dma_start3A_756] : memref<2x128x128xf32, #tpu.memory_space<vmem>> -> memref<1x128x128xf32, #tpu.memory_space<vmem>>
      %dma_start3A_758 = tpu.memref_squeeze %dma_start3A_757 : memref<1x128x128xf32, #tpu.memory_space<vmem>> -> memref<128x128xf32, #tpu.memory_space<vmem>>
      %dma_start3A_759 = arith.constant 0 : i32
      %dma_start3A_760 = tpu.memref_slice %arg8[%add3A_753, %dma_start3A_759] : memref<56x128xi32, #tpu.memory_space<vmem>> -> memref<1x128xi32, #tpu.memory_space<vmem>>
      %dma_start3A_761 = tpu.memref_squeeze %dma_start3A_760 : memref<1x128xi32, #tpu.memory_space<vmem>> -> memref<128xi32, #tpu.memory_space<vmem>>
      %dma_start3A_762 = arith.constant 0 : i32
      %dma_start3A_763 = arith.constant 0 : i32
      %dma_start3A_764 = tpu.memref_slice %arg11[%dma_start3A_762, %dma_start3A_763] : memref<5120x128xf32, #tpu.memory_space<vmem_shared>> -> memref<5120x128xf32, #tpu.memory_space<vmem_shared>>
      tpu.enqueue_indirect_dma source(%dma_start3A_764 : memref<5120x128xf32, #tpu.memory_space<vmem_shared>>) target(%dma_start3A_758 : memref<128x128xf32, #tpu.memory_space<vmem>>) offsets(%dma_start3A_761 : memref<128xi32, #tpu.memory_space<vmem>>) semaphore(%arg14 : memref<!tpu.dma_semaphore, #tpu.memory_space<semaphore_mem>>)
      %add3A_765 = arith.constant 1 : i32
      %add3A_766 = arith.addi %mul3A_718, %add3A_765 : i32
      %add3A_767 = arith.constant 0 : i32
      %add3A_768 = arith.addi %add3A_767, %add3A_766 : i32
      %dma_wait3A_769 = arith.constant 1 : i32
      %dma_wait3A_770 = arith.constant 0 : i32
      %dma_wait3A_771 = arith.constant 0 : i32
      %dma_wait3A_772 = tpu.memref_slice %arg10[%dma_wait3A_769, %dma_wait3A_770, %dma_wait3A_771] : memref<2x128x128xf32, #tpu.memory_space<vmem>> -> memref<1x128x128xf32, #tpu.memory_space<vmem>>
      %dma_wait3A_773 = tpu.memref_squeeze %dma_wait3A_772 : memref<1x128x128xf32, #tpu.memory_space<vmem>> -> memref<128x128xf32, #tpu.memory_space<vmem>>
      %dma_wait3A_774 = arith.constant 0 : i32
      %dma_wait3A_775 = tpu.memref_slice %arg8[%add3A_768, %dma_wait3A_774] : memref<56x128xi32, #tpu.memory_space<vmem>> -> memref<1x128xi32, #tpu.memory_space<vmem>>
      %dma_wait3A_776 = tpu.memref_squeeze %dma_wait3A_775 : memref<1x128xi32, #tpu.memory_space<vmem>> -> memref<128xi32, #tpu.memory_space<vmem>>
      %dma_wait3A_777 = arith.constant 0 : i32
      %dma_wait3A_778 = arith.constant 0 : i32
      %dma_wait3A_779 = tpu.memref_slice %arg11[%dma_wait3A_777, %dma_wait3A_778] : memref<5120x128xf32, #tpu.memory_space<vmem_shared>> -> memref<5120x128xf32, #tpu.memory_space<vmem_shared>>
      tpu.wait_indirect_dma semaphore(%arg15 : memref<!tpu.dma_semaphore, #tpu.memory_space<semaphore_mem>>) src(%dma_wait3A_779 : memref<5120x128xf32, #tpu.memory_space<vmem_shared>>) dst(%dma_wait3A_773 : memref<128x128xf32, #tpu.memory_space<vmem>>)
      %add3A_780 = arith.constant 0 : i32
      %add3A_781 = arith.addi %add3A_780, %mul3A_718 : i32
      %add3A_782 = arith.constant 1 : i32
      %add3A_783 = arith.addi %add3A_781, %add3A_782 : i32
      %run_scoped3A_784 = arith.constant 1 : i32
      "tpu.region"() ({
        %run_scoped3A_785 = tpu.sem_alloc : memref<!tpu.dma_semaphore, #tpu.memory_space<semaphore_mem>>
        %dma_start3A_786 = arith.constant 0 : i32
        %dma_start3A_787 = arith.constant 0 : i32
        %dma_start3A_788 = tpu.memref_slice %arg10[%run_scoped3A_784, %dma_start3A_786, %dma_start3A_787] : memref<2x128x128xf32, #tpu.memory_space<vmem>> -> memref<1x128x128xf32, #tpu.memory_space<vmem>>
        %dma_start3A_789 = tpu.memref_squeeze %dma_start3A_788 : memref<1x128x128xf32, #tpu.memory_space<vmem>> -> memref<128x128xf32, #tpu.memory_space<vmem>>
        %dma_start3A_790 = arith.constant 0 : i32
        %dma_start3A_791 = tpu.memref_slice %arg9[%add3A_783, %dma_start3A_790] : memref<56x128xi32, #tpu.memory_space<vmem>> -> memref<1x128xi32, #tpu.memory_space<vmem>>
        %dma_start3A_792 = tpu.memref_squeeze %dma_start3A_791 : memref<1x128xi32, #tpu.memory_space<vmem>> -> memref<128xi32, #tpu.memory_space<vmem>>
        %dma_start3A_793 = arith.constant 0 : i32
        %dma_start3A_794 = arith.constant 0 : i32
        %dma_start3A_795 = tpu.memref_slice %arg12[%dma_start3A_793, %dma_start3A_794] : memref<5120x128xf32, #tpu.memory_space<vmem_shared>> -> memref<5120x128xf32, #tpu.memory_space<vmem_shared>>
        tpu.enqueue_indirect_dma source(%dma_start3A_789 : memref<128x128xf32, #tpu.memory_space<vmem>>) target(%dma_start3A_795 : memref<5120x128xf32, #tpu.memory_space<vmem_shared>>) offsets(%dma_start3A_792 : memref<128xi32, #tpu.memory_space<vmem>>) semaphore(%run_scoped3A_785 : memref<!tpu.dma_semaphore, #tpu.memory_space<semaphore_mem>>) {add = true}
        %dma_wait3A_796 = arith.constant 0 : i32
        %dma_wait3A_797 = arith.constant 0 : i32
        %dma_wait3A_798 = tpu.memref_slice %arg10[%run_scoped3A_784, %dma_wait3A_796, %dma_wait3A_797] : memref<2x128x128xf32, #tpu.memory_space<vmem>> -> memref<1x128x128xf32, #tpu.memory_space<vmem>>
        %dma_wait3A_799 = tpu.memref_squeeze %dma_wait3A_798 : memref<1x128x128xf32, #tpu.memory_space<vmem>> -> memref<128x128xf32, #tpu.memory_space<vmem>>
        %dma_wait3A_800 = arith.constant 0 : i32
        %dma_wait3A_801 = tpu.memref_slice %arg9[%add3A_783, %dma_wait3A_800] : memref<56x128xi32, #tpu.memory_space<vmem>> -> memref<1x128xi32, #tpu.memory_space<vmem>>
        %dma_wait3A_802 = tpu.memref_squeeze %dma_wait3A_801 : memref<1x128xi32, #tpu.memory_space<vmem>> -> memref<128xi32, #tpu.memory_space<vmem>>
        %dma_wait3A_803 = arith.constant 0 : i32
        %dma_wait3A_804 = arith.constant 0 : i32
        %dma_wait3A_805 = tpu.memref_slice %arg12[%dma_wait3A_803, %dma_wait3A_804] : memref<5120x128xf32, #tpu.memory_space<vmem_shared>> -> memref<5120x128xf32, #tpu.memory_space<vmem_shared>>
        tpu.wait_indirect_dma semaphore(%run_scoped3A_785 : memref<!tpu.dma_semaphore, #tpu.memory_space<semaphore_mem>>) src(%dma_wait3A_799 : memref<128x128xf32, #tpu.memory_space<vmem>>) dst(%dma_wait3A_805 : memref<5120x128xf32, #tpu.memory_space<vmem_shared>>)
        tpu.yield
      }) : () -> ()
    }
    %dma_wait3A_212 = arith.constant 0 : i32
    %dma_wait3A_213 = arith.constant 0 : i32
    %dma_wait3A_214 = arith.constant 0 : i32
    %dma_wait3A_215 = arith.constant 0 : i32
    %dma_wait3A_216 = tpu.memref_slice %arg10[%dma_wait3A_213, %dma_wait3A_214, %dma_wait3A_215] : memref<2x128x128xf32, #tpu.memory_space<vmem>> -> memref<1x128x128xf32, #tpu.memory_space<vmem>>
    %dma_wait3A_217 = tpu.memref_squeeze %dma_wait3A_216 : memref<1x128x128xf32, #tpu.memory_space<vmem>> -> memref<128x128xf32, #tpu.memory_space<vmem>>
    %dma_wait3A_218 = arith.constant 0 : i32
    %dma_wait3A_219 = tpu.memref_slice %arg8[%dma_wait3A_212, %dma_wait3A_218] : memref<56x128xi32, #tpu.memory_space<vmem>> -> memref<1x128xi32, #tpu.memory_space<vmem>>
    %dma_wait3A_220 = tpu.memref_squeeze %dma_wait3A_219 : memref<1x128xi32, #tpu.memory_space<vmem>> -> memref<128xi32, #tpu.memory_space<vmem>>
    %dma_wait3A_221 = arith.constant 0 : i32
    %dma_wait3A_222 = arith.constant 0 : i32
    %dma_wait3A_223 = tpu.memref_slice %arg11[%dma_wait3A_221, %dma_wait3A_222] : memref<5120x128xf32, #tpu.memory_space<vmem_shared>> -> memref<5120x128xf32, #tpu.memory_space<vmem_shared>>
    tpu.wait_indirect_dma semaphore(%arg14 : memref<!tpu.dma_semaphore, #tpu.memory_space<semaphore_mem>>) src(%dma_wait3A_223 : memref<5120x128xf32, #tpu.memory_space<vmem_shared>>) dst(%dma_wait3A_217 : memref<128x128xf32, #tpu.memory_space<vmem>>)
    %add3A_224 = arith.constant 0 : i32
    %add3A_225 = arith.addi %add3A_224, %arg0 : i32
    %add3A_226 = arith.constant 16 : i32
    %add3A_227 = arith.addi %arg1, %add3A_226 : i32
    %dma_wait3A_228 = arith.constant 28 : i32
    %dma_wait3A_229 = arith.constant 0 : i32
    %dma_wait3A_230 = tpu.memref_slice %arg8[%dma_wait3A_228, %dma_wait3A_229] : memref<56x128xi32, #tpu.memory_space<vmem>> -> memref<28x128xi32, #tpu.memory_space<vmem>>
    %dma_wait3A_231 = arith.constant 0 : i32
    %dma_wait3A_232 = arith.constant 0 : i32
    %dma_wait3A_233 = arith.constant 0 : i32
    %dma_wait3A_234 = tpu.memref_slice %arg3[%add3A_227, %dma_wait3A_231, %dma_wait3A_232, %dma_wait3A_233] : memref<32x4x28x128xi32, #tpu.memory_space<hbm>> -> memref<1x4x28x128xi32, #tpu.memory_space<hbm>>
    %dma_wait3A_235 = tpu.memref_squeeze %dma_wait3A_234 : memref<1x4x28x128xi32, #tpu.memory_space<hbm>> -> memref<4x28x128xi32, #tpu.memory_space<hbm>>
    %dma_wait3A_236 = arith.constant 0 : i32
    %dma_wait3A_237 = arith.constant 0 : i32
    %dma_wait3A_238 = tpu.memref_slice %dma_wait3A_235[%add3A_225, %dma_wait3A_236, %dma_wait3A_237] : memref<4x28x128xi32, #tpu.memory_space<hbm>> -> memref<1x28x128xi32, #tpu.memory_space<hbm>>
    %dma_wait3A_239 = tpu.memref_squeeze %dma_wait3A_238 : memref<1x28x128xi32, #tpu.memory_space<hbm>> -> memref<28x128xi32, #tpu.memory_space<hbm>>
    %dma_wait3A_240 = arith.constant 28 : i32
    %dma_wait3A_241 = arith.constant 0 : i32
    %dma_wait3A_242 = tpu.memref_slice %arg8[%dma_wait3A_240, %dma_wait3A_241] : memref<56x128xi32, #tpu.memory_space<vmem>> -> memref<28x128xi32, #tpu.memory_space<vmem>>
    %dma_wait3A_243 = arith.constant 0 : i32
    %dma_wait3A_244 = arith.constant 0 : i32
    %dma_wait3A_245 = arith.constant 0 : i32
    %dma_wait3A_246 = tpu.memref_slice %arg3[%add3A_227, %dma_wait3A_243, %dma_wait3A_244, %dma_wait3A_245] : memref<32x4x28x128xi32, #tpu.memory_space<hbm>> -> memref<1x4x28x128xi32, #tpu.memory_space<hbm>>
    %dma_wait3A_247 = tpu.memref_squeeze %dma_wait3A_246 : memref<1x4x28x128xi32, #tpu.memory_space<hbm>> -> memref<4x28x128xi32, #tpu.memory_space<hbm>>
    %dma_wait3A_248 = arith.constant 0 : i32
    %dma_wait3A_249 = arith.constant 0 : i32
    %dma_wait3A_250 = tpu.memref_slice %dma_wait3A_247[%add3A_225, %dma_wait3A_248, %dma_wait3A_249] : memref<4x28x128xi32, #tpu.memory_space<hbm>> -> memref<1x28x128xi32, #tpu.memory_space<hbm>>
    %dma_wait3A_251 = tpu.memref_squeeze %dma_wait3A_250 : memref<1x28x128xi32, #tpu.memory_space<hbm>> -> memref<28x128xi32, #tpu.memory_space<hbm>>
    tpu.wait_dma2 semaphore(%arg16 : memref<!tpu.dma_semaphore, #tpu.memory_space<semaphore_mem>>) src(%dma_wait3A_251 : memref<28x128xi32, #tpu.memory_space<hbm>>) dst(%dma_wait3A_242 : memref<28x128xi32, #tpu.memory_space<vmem>>)
    %dma_wait3A_252 = arith.constant 28 : i32
    %dma_wait3A_253 = arith.constant 0 : i32
    %dma_wait3A_254 = tpu.memref_slice %arg9[%dma_wait3A_252, %dma_wait3A_253] : memref<56x128xi32, #tpu.memory_space<vmem>> -> memref<28x128xi32, #tpu.memory_space<vmem>>
    %dma_wait3A_255 = arith.constant 0 : i32
    %dma_wait3A_256 = arith.constant 0 : i32
    %dma_wait3A_257 = arith.constant 0 : i32
    %dma_wait3A_258 = tpu.memref_slice %arg4[%add3A_227, %dma_wait3A_255, %dma_wait3A_256, %dma_wait3A_257] : memref<32x4x28x128xi32, #tpu.memory_space<hbm>> -> memref<1x4x28x128xi32, #tpu.memory_space<hbm>>
    %dma_wait3A_259 = tpu.memref_squeeze %dma_wait3A_258 : memref<1x4x28x128xi32, #tpu.memory_space<hbm>> -> memref<4x28x128xi32, #tpu.memory_space<hbm>>
    %dma_wait3A_260 = arith.constant 0 : i32
    %dma_wait3A_261 = arith.constant 0 : i32
    %dma_wait3A_262 = tpu.memref_slice %dma_wait3A_259[%add3A_225, %dma_wait3A_260, %dma_wait3A_261] : memref<4x28x128xi32, #tpu.memory_space<hbm>> -> memref<1x28x128xi32, #tpu.memory_space<hbm>>
    %dma_wait3A_263 = tpu.memref_squeeze %dma_wait3A_262 : memref<1x28x128xi32, #tpu.memory_space<hbm>> -> memref<28x128xi32, #tpu.memory_space<hbm>>
    %dma_wait3A_264 = arith.constant 28 : i32
    %dma_wait3A_265 = arith.constant 0 : i32
    %dma_wait3A_266 = tpu.memref_slice %arg9[%dma_wait3A_264, %dma_wait3A_265] : memref<56x128xi32, #tpu.memory_space<vmem>> -> memref<28x128xi32, #tpu.memory_space<vmem>>
    %dma_wait3A_267 = arith.constant 0 : i32
    %dma_wait3A_268 = arith.constant 0 : i32
    %dma_wait3A_269 = arith.constant 0 : i32
    %dma_wait3A_270 = tpu.memref_slice %arg4[%add3A_227, %dma_wait3A_267, %dma_wait3A_268, %dma_wait3A_269] : memref<32x4x28x128xi32, #tpu.memory_space<hbm>> -> memref<1x4x28x128xi32, #tpu.memory_space<hbm>>
    %dma_wait3A_271 = tpu.memref_squeeze %dma_wait3A_270 : memref<1x4x28x128xi32, #tpu.memory_space<hbm>> -> memref<4x28x128xi32, #tpu.memory_space<hbm>>
    %dma_wait3A_272 = arith.constant 0 : i32
    %dma_wait3A_273 = arith.constant 0 : i32
    %dma_wait3A_274 = tpu.memref_slice %dma_wait3A_271[%add3A_225, %dma_wait3A_272, %dma_wait3A_273] : memref<4x28x128xi32, #tpu.memory_space<hbm>> -> memref<1x28x128xi32, #tpu.memory_space<hbm>>
    %dma_wait3A_275 = tpu.memref_squeeze %dma_wait3A_274 : memref<1x28x128xi32, #tpu.memory_space<hbm>> -> memref<28x128xi32, #tpu.memory_space<hbm>>
    tpu.wait_dma2 semaphore(%arg16 : memref<!tpu.dma_semaphore, #tpu.memory_space<semaphore_mem>>) src(%dma_wait3A_275 : memref<28x128xi32, #tpu.memory_space<hbm>>) dst(%dma_wait3A_266 : memref<28x128xi32, #tpu.memory_space<vmem>>)
    %add3A_276 = arith.constant 2 : i32
    %add3A_277 = arith.addi %add3A_276, %arg0 : i32
    %add3A_278 = arith.constant 0 : i32
    %add3A_279 = arith.addi %arg1, %add3A_278 : i32
    %dma_start3A_280 = arith.constant 0 : i32
    %dma_start3A_281 = arith.constant 0 : i32
    %dma_start3A_282 = tpu.memref_slice %arg8[%dma_start3A_280, %dma_start3A_281] : memref<56x128xi32, #tpu.memory_space<vmem>> -> memref<28x128xi32, #tpu.memory_space<vmem>>
    %dma_start3A_283 = arith.constant 0 : i32
    %dma_start3A_284 = arith.constant 0 : i32
    %dma_start3A_285 = arith.constant 0 : i32
    %dma_start3A_286 = tpu.memref_slice %arg3[%add3A_279, %dma_start3A_283, %dma_start3A_284, %dma_start3A_285] : memref<32x4x28x128xi32, #tpu.memory_space<hbm>> -> memref<1x4x28x128xi32, #tpu.memory_space<hbm>>
    %dma_start3A_287 = tpu.memref_squeeze %dma_start3A_286 : memref<1x4x28x128xi32, #tpu.memory_space<hbm>> -> memref<4x28x128xi32, #tpu.memory_space<hbm>>
    %dma_start3A_288 = arith.constant 0 : i32
    %dma_start3A_289 = arith.constant 0 : i32
    %dma_start3A_290 = tpu.memref_slice %dma_start3A_287[%add3A_277, %dma_start3A_288, %dma_start3A_289] : memref<4x28x128xi32, #tpu.memory_space<hbm>> -> memref<1x28x128xi32, #tpu.memory_space<hbm>>
    %dma_start3A_291 = tpu.memref_squeeze %dma_start3A_290 : memref<1x28x128xi32, #tpu.memory_space<hbm>> -> memref<28x128xi32, #tpu.memory_space<hbm>>
    %dma_start3A_292 = arith.constant 0 : i32
    %dma_start3A_293 = arith.constant 0 : i32
    %dma_start3A_294 = tpu.memref_slice %arg8[%dma_start3A_292, %dma_start3A_293] : memref<56x128xi32, #tpu.memory_space<vmem>> -> memref<28x128xi32, #tpu.memory_space<vmem>>
    %dma_start3A_295 = arith.constant 0 : i32
    %dma_start3A_296 = arith.constant 0 : i32
    %dma_start3A_297 = arith.constant 0 : i32
    %dma_start3A_298 = tpu.memref_slice %arg3[%add3A_279, %dma_start3A_295, %dma_start3A_296, %dma_start3A_297] : memref<32x4x28x128xi32, #tpu.memory_space<hbm>> -> memref<1x4x28x128xi32, #tpu.memory_space<hbm>>
    %dma_start3A_299 = tpu.memref_squeeze %dma_start3A_298 : memref<1x4x28x128xi32, #tpu.memory_space<hbm>> -> memref<4x28x128xi32, #tpu.memory_space<hbm>>
    %dma_start3A_300 = arith.constant 0 : i32
    %dma_start3A_301 = arith.constant 0 : i32
    %dma_start3A_302 = tpu.memref_slice %dma_start3A_299[%add3A_277, %dma_start3A_300, %dma_start3A_301] : memref<4x28x128xi32, #tpu.memory_space<hbm>> -> memref<1x28x128xi32, #tpu.memory_space<hbm>>
    %dma_start3A_303 = tpu.memref_squeeze %dma_start3A_302 : memref<1x28x128xi32, #tpu.memory_space<hbm>> -> memref<28x128xi32, #tpu.memory_space<hbm>>
    tpu.enqueue_dma source(%dma_start3A_303 : memref<28x128xi32, #tpu.memory_space<hbm>>) target(%dma_start3A_294 : memref<28x128xi32, #tpu.memory_space<vmem>>) target_semaphore(%arg16 : memref<!tpu.dma_semaphore, #tpu.memory_space<semaphore_mem>>)
    %dma_start3A_304 = arith.constant 0 : i32
    %dma_start3A_305 = arith.constant 0 : i32
    %dma_start3A_306 = tpu.memref_slice %arg9[%dma_start3A_304, %dma_start3A_305] : memref<56x128xi32, #tpu.memory_space<vmem>> -> memref<28x128xi32, #tpu.memory_space<vmem>>
    %dma_start3A_307 = arith.constant 0 : i32
    %dma_start3A_308 = arith.constant 0 : i32
    %dma_start3A_309 = arith.constant 0 : i32
    %dma_start3A_310 = tpu.memref_slice %arg4[%add3A_279, %dma_start3A_307, %dma_start3A_308, %dma_start3A_309] : memref<32x4x28x128xi32, #tpu.memory_space<hbm>> -> memref<1x4x28x128xi32, #tpu.memory_space<hbm>>
    %dma_start3A_311 = tpu.memref_squeeze %dma_start3A_310 : memref<1x4x28x128xi32, #tpu.memory_space<hbm>> -> memref<4x28x128xi32, #tpu.memory_space<hbm>>
    %dma_start3A_312 = arith.constant 0 : i32
    %dma_start3A_313 = arith.constant 0 : i32
    %dma_start3A_314 = tpu.memref_slice %dma_start3A_311[%add3A_277, %dma_start3A_312, %dma_start3A_313] : memref<4x28x128xi32, #tpu.memory_space<hbm>> -> memref<1x28x128xi32, #tpu.memory_space<hbm>>
    %dma_start3A_315 = tpu.memref_squeeze %dma_start3A_314 : memref<1x28x128xi32, #tpu.memory_space<hbm>> -> memref<28x128xi32, #tpu.memory_space<hbm>>
    %dma_start3A_316 = arith.constant 0 : i32
    %dma_start3A_317 = arith.constant 0 : i32
    %dma_start3A_318 = tpu.memref_slice %arg9[%dma_start3A_316, %dma_start3A_317] : memref<56x128xi32, #tpu.memory_space<vmem>> -> memref<28x128xi32, #tpu.memory_space<vmem>>
    %dma_start3A_319 = arith.constant 0 : i32
    %dma_start3A_320 = arith.constant 0 : i32
    %dma_start3A_321 = arith.constant 0 : i32
    %dma_start3A_322 = tpu.memref_slice %arg4[%add3A_279, %dma_start3A_319, %dma_start3A_320, %dma_start3A_321] : memref<32x4x28x128xi32, #tpu.memory_space<hbm>> -> memref<1x4x28x128xi32, #tpu.memory_space<hbm>>
    %dma_start3A_323 = tpu.memref_squeeze %dma_start3A_322 : memref<1x4x28x128xi32, #tpu.memory_space<hbm>> -> memref<4x28x128xi32, #tpu.memory_space<hbm>>
    %dma_start3A_324 = arith.constant 0 : i32
    %dma_start3A_325 = arith.constant 0 : i32
    %dma_start3A_326 = tpu.memref_slice %dma_start3A_323[%add3A_277, %dma_start3A_324, %dma_start3A_325] : memref<4x28x128xi32, #tpu.memory_space<hbm>> -> memref<1x28x128xi32, #tpu.memory_space<hbm>>
    %dma_start3A_327 = tpu.memref_squeeze %dma_start3A_326 : memref<1x28x128xi32, #tpu.memory_space<hbm>> -> memref<28x128xi32, #tpu.memory_space<hbm>>
    tpu.enqueue_dma source(%dma_start3A_327 : memref<28x128xi32, #tpu.memory_space<hbm>>) target(%dma_start3A_318 : memref<28x128xi32, #tpu.memory_space<vmem>>) target_semaphore(%arg16 : memref<!tpu.dma_semaphore, #tpu.memory_space<semaphore_mem>>)
    %add3A_328 = arith.constant 0 : i32
    %add3A_329 = arith.addi %add3A_328, %arg0 : i32
    %eq3A_330 = vector.broadcast %add3A_329 : i32 to vector<16xi32>
    %eq3A_331 = arith.cmpi eq, %iota3A, %eq3A_330 : vector<16xi32>
    %get3A_332 = arith.constant 1 : i32
    %get3A_333 = arith.index_cast %get3A_332 : i32 to index
    %get3A_334 = arith.constant 0 : index
    %get3A_335 = tpu.vector_load %arg13[%get3A_333, %get3A_334] {strides = array<i32>} : memref<2x16xi32, #tpu.memory_space<vmem>>, vector<16xi32>,
    %jit3A_336 = arith.constant 0 : i32
    %broadcast_in_dim3A_337 = vector.broadcast %jit3A_336 : i32 to vector<16xi32>
    %select_n3A_338 = arith.select %eq3A_331, %get3A_335, %broadcast_in_dim3A_337 : vector<16xi1>, vector<16xi32>
    %reduce_sum3A_339 = arith.constant true
    %reduce_sum3A_340 = vector.broadcast %reduce_sum3A_339 : i1 to vector<16xi1>
    %reduce_sum3A_341 = tpu.scan <sum>, %select_n3A_338 masked %reduce_sum3A_340 : vector<16xi32>, vector<16xi1> -> vector<16xi32>
    %reduce_sum3A_342 = vector.extract %reduce_sum3A_341[15] : i32 from vector<16xi32>
    %dma_start3A_343 = arith.constant 28 : i32
    %dma_start3A_344 = arith.constant 0 : i32
    %dma_start3A_345 = arith.constant 0 : i32
    %dma_start3A_346 = arith.constant 0 : i32
    %dma_start3A_347 = tpu.memref_slice %arg10[%dma_start3A_344, %dma_start3A_345, %dma_start3A_346] : memref<2x128x128xf32, #tpu.memory_space<vmem>> -> memref<1x128x128xf32, #tpu.memory_space<vmem>>
    %dma_start3A_348 = tpu.memref_squeeze %dma_start3A_347 : memref<1x128x128xf32, #tpu.memory_space<vmem>> -> memref<128x128xf32, #tpu.memory_space<vmem>>
    %dma_start3A_349 = arith.constant 0 : i32
    %dma_start3A_350 = tpu.memref_slice %arg8[%dma_start3A_343, %dma_start3A_349] : memref<56x128xi32, #tpu.memory_space<vmem>> -> memref<1x128xi32, #tpu.memory_space<vmem>>
    %dma_start3A_351 = tpu.memref_squeeze %dma_start3A_350 : memref<1x128xi32, #tpu.memory_space<vmem>> -> memref<128xi32, #tpu.memory_space<vmem>>
    %dma_start3A_352 = arith.constant 0 : i32
    %dma_start3A_353 = arith.constant 0 : i32
    %dma_start3A_354 = tpu.memref_slice %arg11[%dma_start3A_352, %dma_start3A_353] : memref<5120x128xf32, #tpu.memory_space<vmem_shared>> -> memref<5120x128xf32, #tpu.memory_space<vmem_shared>>
    tpu.enqueue_indirect_dma source(%dma_start3A_354 : memref<5120x128xf32, #tpu.memory_space<vmem_shared>>) target(%dma_start3A_348 : memref<128x128xf32, #tpu.memory_space<vmem>>) offsets(%dma_start3A_351 : memref<128xi32, #tpu.memory_space<vmem>>) semaphore(%arg14 : memref<!tpu.dma_semaphore, #tpu.memory_space<semaphore_mem>>)
    %jit3A_355 = arith.constant 2 : i32
    %div3A_356 = arith.divsi %reduce_sum3A_342, %jit3A_355 : i32
    %sign3A_357 = arith.constant 0 : i32
    %sign3A_358 = arith.cmpi sgt, %reduce_sum3A_342, %sign3A_357 : i32
    %sign3A_359 = arith.extui %sign3A_358 : i1 to i32
    %sign3A_360 = arith.constant 0 : i32
    %sign3A_361 = arith.cmpi slt, %reduce_sum3A_342, %sign3A_360 : i32
    %sign3A_362 = arith.extui %sign3A_361 : i1 to i32
    %sign3A_363 = arith.subi %sign3A_359, %sign3A_362 : i32
    %sign3A_364 = arith.constant 0 : i32
    %sign3A_365 = arith.cmpi sgt, %jit3A_355, %sign3A_364 : i32
    %sign3A_366 = arith.extui %sign3A_365 : i1 to i32
    %sign3A_367 = arith.constant 0 : i32
    %sign3A_368 = arith.cmpi slt, %jit3A_355, %sign3A_367 : i32
    %sign3A_369 = arith.extui %sign3A_368 : i1 to i32
    %sign3A_370 = arith.subi %sign3A_366, %sign3A_369 : i32
    %ne3A_371 = arith.cmpi ne, %sign3A_363, %sign3A_370 : i32
    %rem3A_372 = arith.remsi %reduce_sum3A_342, %jit3A_355 : i32
    %ne3A_373 = arith.constant 0 : i32
    %ne3A_374 = arith.cmpi ne, %rem3A_372, %ne3A_373 : i32
    %and3A_375 = arith.andi %ne3A_371, %ne3A_374 : i1
    %sub3A_376 = arith.constant 1 : i32
    %sub3A_377 = arith.subi %div3A_356, %sub3A_376 : i32
    %select_n3A_378 = arith.select %and3A_375, %sub3A_377, %div3A_356 : i32
    %while3A_379 = arith.constant 0 : i32
    %while3A_380 = arith.constant 0 : i32
    %while3A_381 = arith.subi %select_n3A_378, %while3A_380 : i32
    %while3A_382 = arith.addi %while3A_380, %while3A_381 : i32
    %while3A_383 = arith.constant 1 : i32
    %while3A_384 = arith.divsi %while3A_381, %while3A_383 : i32
    %while3A_385 = arith.muli %while3A_384, %while3A_383 : i32
    %while3A_386 = arith.addi %while3A_380, %while3A_385 : i32
    %while3A_387 = arith.constant 1 : i32
    scf.for %while3A_716 = %while3A_380 to %while3A_386 step %while3A_387  : i32 {
      %mul3A_717 = arith.constant 2 : i32
      %mul3A_718 = arith.muli %mul3A_717, %while3A_716 : i32
      %add3A_719 = arith.constant 1 : i32
      %add3A_720 = arith.addi %mul3A_718, %add3A_719 : i32
      %add3A_721 = arith.constant 28 : i32
      %add3A_722 = arith.addi %add3A_721, %add3A_720 : i32
      %dma_start3A_723 = arith.constant 1 : i32
      %dma_start3A_724 = arith.constant 0 : i32
      %dma_start3A_725 = arith.constant 0 : i32
      %dma_start3A_726 = tpu.memref_slice %arg10[%dma_start3A_723, %dma_start3A_724, %dma_start3A_725] : memref<2x128x128xf32, #tpu.memory_space<vmem>> -> memref<1x128x128xf32, #tpu.memory_space<vmem>>
      %dma_start3A_727 = tpu.memref_squeeze %dma_start3A_726 : memref<1x128x128xf32, #tpu.memory_space<vmem>> -> memref<128x128xf32, #tpu.memory_space<vmem>>
      %dma_start3A_728 = arith.constant 0 : i32
      %dma_start3A_729 = tpu.memref_slice %arg8[%add3A_722, %dma_start3A_728] : memref<56x128xi32, #tpu.memory_space<vmem>> -> memref<1x128xi32, #tpu.memory_space<vmem>>
      %dma_start3A_730 = tpu.memref_squeeze %dma_start3A_729 : memref<1x128xi32, #tpu.memory_space<vmem>> -> memref<128xi32, #tpu.memory_space<vmem>>
      %dma_start3A_731 = arith.constant 0 : i32
      %dma_start3A_732 = arith.constant 0 : i32
      %dma_start3A_733 = tpu.memref_slice %arg11[%dma_start3A_731, %dma_start3A_732] : memref<5120x128xf32, #tpu.memory_space<vmem_shared>> -> memref<5120x128xf32, #tpu.memory_space<vmem_shared>>
      tpu.enqueue_indirect_dma source(%dma_start3A_733 : memref<5120x128xf32, #tpu.memory_space<vmem_shared>>) target(%dma_start3A_727 : memref<128x128xf32, #tpu.memory_space<vmem>>) offsets(%dma_start3A_730 : memref<128xi32, #tpu.memory_space<vmem>>) semaphore(%arg15 : memref<!tpu.dma_semaphore, #tpu.memory_space<semaphore_mem>>)
      %add3A_734 = arith.constant 28 : i32
      %add3A_735 = arith.addi %add3A_734, %mul3A_718 : i32
      %dma_wait3A_736 = arith.constant 0 : i32
      %dma_wait3A_737 = arith.constant 0 : i32
      %dma_wait3A_738 = arith.constant 0 : i32
      %dma_wait3A_739 = tpu.memref_slice %arg10[%dma_wait3A_736, %dma_wait3A_737, %dma_wait3A_738] : memref<2x128x128xf32, #tpu.memory_space<vmem>> -> memref<1x128x128xf32, #tpu.memory_space<vmem>>
      %dma_wait3A_740 = tpu.memref_squeeze %dma_wait3A_739 : memref<1x128x128xf32, #tpu.memory_space<vmem>> -> memref<128x128xf32, #tpu.memory_space<vmem>>
      %dma_wait3A_741 = arith.constant 0 : i32
      %dma_wait3A_742 = tpu.memref_slice %arg8[%add3A_735, %dma_wait3A_741] : memref<56x128xi32, #tpu.memory_space<vmem>> -> memref<1x128xi32, #tpu.memory_space<vmem>>
      %dma_wait3A_743 = tpu.memref_squeeze %dma_wait3A_742 : memref<1x128xi32, #tpu.memory_space<vmem>> -> memref<128xi32, #tpu.memory_space<vmem>>
      %dma_wait3A_744 = arith.constant 0 : i32
      %dma_wait3A_745 = arith.constant 0 : i32
      %dma_wait3A_746 = tpu.memref_slice %arg11[%dma_wait3A_744, %dma_wait3A_745] : memref<5120x128xf32, #tpu.memory_space<vmem_shared>> -> memref<5120x128xf32, #tpu.memory_space<vmem_shared>>
      tpu.wait_indirect_dma semaphore(%arg14 : memref<!tpu.dma_semaphore, #tpu.memory_space<semaphore_mem>>) src(%dma_wait3A_746 : memref<5120x128xf32, #tpu.memory_space<vmem_shared>>) dst(%dma_wait3A_740 : memref<128x128xf32, #tpu.memory_space<vmem>>)
      %add3A_747 = arith.constant 28 : i32
      %add3A_748 = arith.addi %add3A_747, %mul3A_718 : i32
      %run_scoped3A_749 = arith.constant 0 : i32
      "tpu.region"() ({
        %run_scoped3A_785 = tpu.sem_alloc : memref<!tpu.dma_semaphore, #tpu.memory_space<semaphore_mem>>
        %dma_start3A_786 = arith.constant 0 : i32
        %dma_start3A_787 = arith.constant 0 : i32
        %dma_start3A_788 = tpu.memref_slice %arg10[%run_scoped3A_749, %dma_start3A_786, %dma_start3A_787] : memref<2x128x128xf32, #tpu.memory_space<vmem>> -> memref<1x128x128xf32, #tpu.memory_space<vmem>>
        %dma_start3A_789 = tpu.memref_squeeze %dma_start3A_788 : memref<1x128x128xf32, #tpu.memory_space<vmem>> -> memref<128x128xf32, #tpu.memory_space<vmem>>
        %dma_start3A_790 = arith.constant 0 : i32
        %dma_start3A_791 = tpu.memref_slice %arg9[%add3A_748, %dma_start3A_790] : memref<56x128xi32, #tpu.memory_space<vmem>> -> memref<1x128xi32, #tpu.memory_space<vmem>>
        %dma_start3A_792 = tpu.memref_squeeze %dma_start3A_791 : memref<1x128xi32, #tpu.memory_space<vmem>> -> memref<128xi32, #tpu.memory_space<vmem>>
        %dma_start3A_793 = arith.constant 0 : i32
        %dma_start3A_794 = arith.constant 0 : i32
        %dma_start3A_795 = tpu.memref_slice %arg12[%dma_start3A_793, %dma_start3A_794] : memref<5120x128xf32, #tpu.memory_space<vmem_shared>> -> memref<5120x128xf32, #tpu.memory_space<vmem_shared>>
        tpu.enqueue_indirect_dma source(%dma_start3A_789 : memref<128x128xf32, #tpu.memory_space<vmem>>) target(%dma_start3A_795 : memref<5120x128xf32, #tpu.memory_space<vmem_shared>>) offsets(%dma_start3A_792 : memref<128xi32, #tpu.memory_space<vmem>>) semaphore(%run_scoped3A_785 : memref<!tpu.dma_semaphore, #tpu.memory_space<semaphore_mem>>) {add = true}
        %dma_wait3A_796 = arith.constant 0 : i32
        %dma_wait3A_797 = arith.constant 0 : i32
        %dma_wait3A_798 = tpu.memref_slice %arg10[%run_scoped3A_749, %dma_wait3A_796, %dma_wait3A_797] : memref<2x128x128xf32, #tpu.memory_space<vmem>> -> memref<1x128x128xf32, #tpu.memory_space<vmem>>
        %dma_wait3A_799 = tpu.memref_squeeze %dma_wait3A_798 : memref<1x128x128xf32, #tpu.memory_space<vmem>> -> memref<128x128xf32, #tpu.memory_space<vmem>>
        %dma_wait3A_800 = arith.constant 0 : i32
        %dma_wait3A_801 = tpu.memref_slice %arg9[%add3A_748, %dma_wait3A_800] : memref<56x128xi32, #tpu.memory_space<vmem>> -> memref<1x128xi32, #tpu.memory_space<vmem>>
        %dma_wait3A_802 = tpu.memref_squeeze %dma_wait3A_801 : memref<1x128xi32, #tpu.memory_space<vmem>> -> memref<128xi32, #tpu.memory_space<vmem>>
        %dma_wait3A_803 = arith.constant 0 : i32
        %dma_wait3A_804 = arith.constant 0 : i32
        %dma_wait3A_805 = tpu.memref_slice %arg12[%dma_wait3A_803, %dma_wait3A_804] : memref<5120x128xf32, #tpu.memory_space<vmem_shared>> -> memref<5120x128xf32, #tpu.memory_space<vmem_shared>>
        tpu.wait_indirect_dma semaphore(%run_scoped3A_785 : memref<!tpu.dma_semaphore, #tpu.memory_space<semaphore_mem>>) src(%dma_wait3A_799 : memref<128x128xf32, #tpu.memory_space<vmem>>) dst(%dma_wait3A_805 : memref<5120x128xf32, #tpu.memory_space<vmem_shared>>)
        tpu.yield
      }) : () -> ()
      %add3A_750 = arith.constant 2 : i32
      %add3A_751 = arith.addi %mul3A_718, %add3A_750 : i32
      %add3A_752 = arith.constant 28 : i32
      %add3A_753 = arith.addi %add3A_752, %add3A_751 : i32
      %dma_start3A_754 = arith.constant 0 : i32
      %dma_start3A_755 = arith.constant 0 : i32
      %dma_start3A_756 = arith.constant 0 : i32
      %dma_start3A_757 = tpu.memref_slice %arg10[%dma_start3A_754, %dma_start3A_755, %dma_start3A_756] : memref<2x128x128xf32, #tpu.memory_space<vmem>> -> memref<1x128x128xf32, #tpu.memory_space<vmem>>
      %dma_start3A_758 = tpu.memref_squeeze %dma_start3A_757 : memref<1x128x128xf32, #tpu.memory_space<vmem>> -> memref<128x128xf32, #tpu.memory_space<vmem>>
      %dma_start3A_759 = arith.constant 0 : i32
      %dma_start3A_760 = tpu.memref_slice %arg8[%add3A_753, %dma_start3A_759] : memref<56x128xi32, #tpu.memory_space<vmem>> -> memref<1x128xi32, #tpu.memory_space<vmem>>
      %dma_start3A_761 = tpu.memref_squeeze %dma_start3A_760 : memref<1x128xi32, #tpu.memory_space<vmem>> -> memref<128xi32, #tpu.memory_space<vmem>>
      %dma_start3A_762 = arith.constant 0 : i32
      %dma_start3A_763 = arith.constant 0 : i32
      %dma_start3A_764 = tpu.memref_slice %arg11[%dma_start3A_762, %dma_start3A_763] : memref<5120x128xf32, #tpu.memory_space<vmem_shared>> -> memref<5120x128xf32, #tpu.memory_space<vmem_shared>>
      tpu.enqueue_indirect_dma source(%dma_start3A_764 : memref<5120x128xf32, #tpu.memory_space<vmem_shared>>) target(%dma_start3A_758 : memref<128x128xf32, #tpu.memory_space<vmem>>) offsets(%dma_start3A_761 : memref<128xi32, #tpu.memory_space<vmem>>) semaphore(%arg14 : memref<!tpu.dma_semaphore, #tpu.memory_space<semaphore_mem>>)
      %add3A_765 = arith.constant 1 : i32
      %add3A_766 = arith.addi %mul3A_718, %add3A_765 : i32
      %add3A_767 = arith.constant 28 : i32
      %add3A_768 = arith.addi %add3A_767, %add3A_766 : i32
      %dma_wait3A_769 = arith.constant 1 : i32
      %dma_wait3A_770 = arith.constant 0 : i32
      %dma_wait3A_771 = arith.constant 0 : i32
      %dma_wait3A_772 = tpu.memref_slice %arg10[%dma_wait3A_769, %dma_wait3A_770, %dma_wait3A_771] : memref<2x128x128xf32, #tpu.memory_space<vmem>> -> memref<1x128x128xf32, #tpu.memory_space<vmem>>
      %dma_wait3A_773 = tpu.memref_squeeze %dma_wait3A_772 : memref<1x128x128xf32, #tpu.memory_space<vmem>> -> memref<128x128xf32, #tpu.memory_space<vmem>>
      %dma_wait3A_774 = arith.constant 0 : i32
      %dma_wait3A_775 = tpu.memref_slice %arg8[%add3A_768, %dma_wait3A_774] : memref<56x128xi32, #tpu.memory_space<vmem>> -> memref<1x128xi32, #tpu.memory_space<vmem>>
      %dma_wait3A_776 = tpu.memref_squeeze %dma_wait3A_775 : memref<1x128xi32, #tpu.memory_space<vmem>> -> memref<128xi32, #tpu.memory_space<vmem>>
      %dma_wait3A_777 = arith.constant 0 : i32
      %dma_wait3A_778 = arith.constant 0 : i32
      %dma_wait3A_779 = tpu.memref_slice %arg11[%dma_wait3A_777, %dma_wait3A_778] : memref<5120x128xf32, #tpu.memory_space<vmem_shared>> -> memref<5120x128xf32, #tpu.memory_space<vmem_shared>>
      tpu.wait_indirect_dma semaphore(%arg15 : memref<!tpu.dma_semaphore, #tpu.memory_space<semaphore_mem>>) src(%dma_wait3A_779 : memref<5120x128xf32, #tpu.memory_space<vmem_shared>>) dst(%dma_wait3A_773 : memref<128x128xf32, #tpu.memory_space<vmem>>)
      %add3A_780 = arith.constant 28 : i32
      %add3A_781 = arith.addi %add3A_780, %mul3A_718 : i32
      %add3A_782 = arith.constant 1 : i32
      %add3A_783 = arith.addi %add3A_781, %add3A_782 : i32
      %run_scoped3A_784 = arith.constant 1 : i32
      "tpu.region"() ({
        %run_scoped3A_785 = tpu.sem_alloc : memref<!tpu.dma_semaphore, #tpu.memory_space<semaphore_mem>>
        %dma_start3A_786 = arith.constant 0 : i32
        %dma_start3A_787 = arith.constant 0 : i32
        %dma_start3A_788 = tpu.memref_slice %arg10[%run_scoped3A_784, %dma_start3A_786, %dma_start3A_787] : memref<2x128x128xf32, #tpu.memory_space<vmem>> -> memref<1x128x128xf32, #tpu.memory_space<vmem>>
        %dma_start3A_789 = tpu.memref_squeeze %dma_start3A_788 : memref<1x128x128xf32, #tpu.memory_space<vmem>> -> memref<128x128xf32, #tpu.memory_space<vmem>>
        %dma_start3A_790 = arith.constant 0 : i32
        %dma_start3A_791 = tpu.memref_slice %arg9[%add3A_783, %dma_start3A_790] : memref<56x128xi32, #tpu.memory_space<vmem>> -> memref<1x128xi32, #tpu.memory_space<vmem>>
        %dma_start3A_792 = tpu.memref_squeeze %dma_start3A_791 : memref<1x128xi32, #tpu.memory_space<vmem>> -> memref<128xi32, #tpu.memory_space<vmem>>
        %dma_start3A_793 = arith.constant 0 : i32
        %dma_start3A_794 = arith.constant 0 : i32
        %dma_start3A_795 = tpu.memref_slice %arg12[%dma_start3A_793, %dma_start3A_794] : memref<5120x128xf32, #tpu.memory_space<vmem_shared>> -> memref<5120x128xf32, #tpu.memory_space<vmem_shared>>
        tpu.enqueue_indirect_dma source(%dma_start3A_789 : memref<128x128xf32, #tpu.memory_space<vmem>>) target(%dma_start3A_795 : memref<5120x128xf32, #tpu.memory_space<vmem_shared>>) offsets(%dma_start3A_792 : memref<128xi32, #tpu.memory_space<vmem>>) semaphore(%run_scoped3A_785 : memref<!tpu.dma_semaphore, #tpu.memory_space<semaphore_mem>>) {add = true}
        %dma_wait3A_796 = arith.constant 0 : i32
        %dma_wait3A_797 = arith.constant 0 : i32
        %dma_wait3A_798 = tpu.memref_slice %arg10[%run_scoped3A_784, %dma_wait3A_796, %dma_wait3A_797] : memref<2x128x128xf32, #tpu.memory_space<vmem>> -> memref<1x128x128xf32, #tpu.memory_space<vmem>>
        %dma_wait3A_799 = tpu.memref_squeeze %dma_wait3A_798 : memref<1x128x128xf32, #tpu.memory_space<vmem>> -> memref<128x128xf32, #tpu.memory_space<vmem>>
        %dma_wait3A_800 = arith.constant 0 : i32
        %dma_wait3A_801 = tpu.memref_slice %arg9[%add3A_783, %dma_wait3A_800] : memref<56x128xi32, #tpu.memory_space<vmem>> -> memref<1x128xi32, #tpu.memory_space<vmem>>
        %dma_wait3A_802 = tpu.memref_squeeze %dma_wait3A_801 : memref<1x128xi32, #tpu.memory_space<vmem>> -> memref<128xi32, #tpu.memory_space<vmem>>
        %dma_wait3A_803 = arith.constant 0 : i32
        %dma_wait3A_804 = arith.constant 0 : i32
        %dma_wait3A_805 = tpu.memref_slice %arg12[%dma_wait3A_803, %dma_wait3A_804] : memref<5120x128xf32, #tpu.memory_space<vmem_shared>> -> memref<5120x128xf32, #tpu.memory_space<vmem_shared>>
        tpu.wait_indirect_dma semaphore(%run_scoped3A_785 : memref<!tpu.dma_semaphore, #tpu.memory_space<semaphore_mem>>) src(%dma_wait3A_799 : memref<128x128xf32, #tpu.memory_space<vmem>>) dst(%dma_wait3A_805 : memref<5120x128xf32, #tpu.memory_space<vmem_shared>>)
        tpu.yield
      }) : () -> ()
    }
    %while3A_388 = arith.constant 1 : i32
    scf.for %while3A_716 = %while3A_386 to %while3A_382 step %while3A_388  : i32 {
      %mul3A_717 = arith.constant 2 : i32
      %mul3A_718 = arith.muli %mul3A_717, %while3A_716 : i32
      %add3A_719 = arith.constant 1 : i32
      %add3A_720 = arith.addi %mul3A_718, %add3A_719 : i32
      %add3A_721 = arith.constant 28 : i32
      %add3A_722 = arith.addi %add3A_721, %add3A_720 : i32
      %dma_start3A_723 = arith.constant 1 : i32
      %dma_start3A_724 = arith.constant 0 : i32
      %dma_start3A_725 = arith.constant 0 : i32
      %dma_start3A_726 = tpu.memref_slice %arg10[%dma_start3A_723, %dma_start3A_724, %dma_start3A_725] : memref<2x128x128xf32, #tpu.memory_space<vmem>> -> memref<1x128x128xf32, #tpu.memory_space<vmem>>
      %dma_start3A_727 = tpu.memref_squeeze %dma_start3A_726 : memref<1x128x128xf32, #tpu.memory_space<vmem>> -> memref<128x128xf32, #tpu.memory_space<vmem>>
      %dma_start3A_728 = arith.constant 0 : i32
      %dma_start3A_729 = tpu.memref_slice %arg8[%add3A_722, %dma_start3A_728] : memref<56x128xi32, #tpu.memory_space<vmem>> -> memref<1x128xi32, #tpu.memory_space<vmem>>
      %dma_start3A_730 = tpu.memref_squeeze %dma_start3A_729 : memref<1x128xi32, #tpu.memory_space<vmem>> -> memref<128xi32, #tpu.memory_space<vmem>>
      %dma_start3A_731 = arith.constant 0 : i32
      %dma_start3A_732 = arith.constant 0 : i32
      %dma_start3A_733 = tpu.memref_slice %arg11[%dma_start3A_731, %dma_start3A_732] : memref<5120x128xf32, #tpu.memory_space<vmem_shared>> -> memref<5120x128xf32, #tpu.memory_space<vmem_shared>>
      tpu.enqueue_indirect_dma source(%dma_start3A_733 : memref<5120x128xf32, #tpu.memory_space<vmem_shared>>) target(%dma_start3A_727 : memref<128x128xf32, #tpu.memory_space<vmem>>) offsets(%dma_start3A_730 : memref<128xi32, #tpu.memory_space<vmem>>) semaphore(%arg15 : memref<!tpu.dma_semaphore, #tpu.memory_space<semaphore_mem>>)
      %add3A_734 = arith.constant 28 : i32
      %add3A_735 = arith.addi %add3A_734, %mul3A_718 : i32
      %dma_wait3A_736 = arith.constant 0 : i32
      %dma_wait3A_737 = arith.constant 0 : i32
      %dma_wait3A_738 = arith.constant 0 : i32
      %dma_wait3A_739 = tpu.memref_slice %arg10[%dma_wait3A_736, %dma_wait3A_737, %dma_wait3A_738] : memref<2x128x128xf32, #tpu.memory_space<vmem>> -> memref<1x128x128xf32, #tpu.memory_space<vmem>>
      %dma_wait3A_740 = tpu.memref_squeeze %dma_wait3A_739 : memref<1x128x128xf32, #tpu.memory_space<vmem>> -> memref<128x128xf32, #tpu.memory_space<vmem>>
      %dma_wait3A_741 = arith.constant 0 : i32
      %dma_wait3A_742 = tpu.memref_slice %arg8[%add3A_735, %dma_wait3A_741] : memref<56x128xi32, #tpu.memory_space<vmem>> -> memref<1x128xi32, #tpu.memory_space<vmem>>
      %dma_wait3A_743 = tpu.memref_squeeze %dma_wait3A_742 : memref<1x128xi32, #tpu.memory_space<vmem>> -> memref<128xi32, #tpu.memory_space<vmem>>
      %dma_wait3A_744 = arith.constant 0 : i32
      %dma_wait3A_745 = arith.constant 0 : i32
      %dma_wait3A_746 = tpu.memref_slice %arg11[%dma_wait3A_744, %dma_wait3A_745] : memref<5120x128xf32, #tpu.memory_space<vmem_shared>> -> memref<5120x128xf32, #tpu.memory_space<vmem_shared>>
      tpu.wait_indirect_dma semaphore(%arg14 : memref<!tpu.dma_semaphore, #tpu.memory_space<semaphore_mem>>) src(%dma_wait3A_746 : memref<5120x128xf32, #tpu.memory_space<vmem_shared>>) dst(%dma_wait3A_740 : memref<128x128xf32, #tpu.memory_space<vmem>>)
      %add3A_747 = arith.constant 28 : i32
      %add3A_748 = arith.addi %add3A_747, %mul3A_718 : i32
      %run_scoped3A_749 = arith.constant 0 : i32
      "tpu.region"() ({
        %run_scoped3A_785 = tpu.sem_alloc : memref<!tpu.dma_semaphore, #tpu.memory_space<semaphore_mem>>
        %dma_start3A_786 = arith.constant 0 : i32
        %dma_start3A_787 = arith.constant 0 : i32
        %dma_start3A_788 = tpu.memref_slice %arg10[%run_scoped3A_749, %dma_start3A_786, %dma_start3A_787] : memref<2x128x128xf32, #tpu.memory_space<vmem>> -> memref<1x128x128xf32, #tpu.memory_space<vmem>>
        %dma_start3A_789 = tpu.memref_squeeze %dma_start3A_788 : memref<1x128x128xf32, #tpu.memory_space<vmem>> -> memref<128x128xf32, #tpu.memory_space<vmem>>
        %dma_start3A_790 = arith.constant 0 : i32
        %dma_start3A_791 = tpu.memref_slice %arg9[%add3A_748, %dma_start3A_790] : memref<56x128xi32, #tpu.memory_space<vmem>> -> memref<1x128xi32, #tpu.memory_space<vmem>>
        %dma_start3A_792 = tpu.memref_squeeze %dma_start3A_791 : memref<1x128xi32, #tpu.memory_space<vmem>> -> memref<128xi32, #tpu.memory_space<vmem>>
        %dma_start3A_793 = arith.constant 0 : i32
        %dma_start3A_794 = arith.constant 0 : i32
        %dma_start3A_795 = tpu.memref_slice %arg12[%dma_start3A_793, %dma_start3A_794] : memref<5120x128xf32, #tpu.memory_space<vmem_shared>> -> memref<5120x128xf32, #tpu.memory_space<vmem_shared>>
        tpu.enqueue_indirect_dma source(%dma_start3A_789 : memref<128x128xf32, #tpu.memory_space<vmem>>) target(%dma_start3A_795 : memref<5120x128xf32, #tpu.memory_space<vmem_shared>>) offsets(%dma_start3A_792 : memref<128xi32, #tpu.memory_space<vmem>>) semaphore(%run_scoped3A_785 : memref<!tpu.dma_semaphore, #tpu.memory_space<semaphore_mem>>) {add = true}
        %dma_wait3A_796 = arith.constant 0 : i32
        %dma_wait3A_797 = arith.constant 0 : i32
        %dma_wait3A_798 = tpu.memref_slice %arg10[%run_scoped3A_749, %dma_wait3A_796, %dma_wait3A_797] : memref<2x128x128xf32, #tpu.memory_space<vmem>> -> memref<1x128x128xf32, #tpu.memory_space<vmem>>
        %dma_wait3A_799 = tpu.memref_squeeze %dma_wait3A_798 : memref<1x128x128xf32, #tpu.memory_space<vmem>> -> memref<128x128xf32, #tpu.memory_space<vmem>>
        %dma_wait3A_800 = arith.constant 0 : i32
        %dma_wait3A_801 = tpu.memref_slice %arg9[%add3A_748, %dma_wait3A_800] : memref<56x128xi32, #tpu.memory_space<vmem>> -> memref<1x128xi32, #tpu.memory_space<vmem>>
        %dma_wait3A_802 = tpu.memref_squeeze %dma_wait3A_801 : memref<1x128xi32, #tpu.memory_space<vmem>> -> memref<128xi32, #tpu.memory_space<vmem>>
        %dma_wait3A_803 = arith.constant 0 : i32
        %dma_wait3A_804 = arith.constant 0 : i32
        %dma_wait3A_805 = tpu.memref_slice %arg12[%dma_wait3A_803, %dma_wait3A_804] : memref<5120x128xf32, #tpu.memory_space<vmem_shared>> -> memref<5120x128xf32, #tpu.memory_space<vmem_shared>>
        tpu.wait_indirect_dma semaphore(%run_scoped3A_785 : memref<!tpu.dma_semaphore, #tpu.memory_space<semaphore_mem>>) src(%dma_wait3A_799 : memref<128x128xf32, #tpu.memory_space<vmem>>) dst(%dma_wait3A_805 : memref<5120x128xf32, #tpu.memory_space<vmem_shared>>)
        tpu.yield
      }) : () -> ()
      %add3A_750 = arith.constant 2 : i32
      %add3A_751 = arith.addi %mul3A_718, %add3A_750 : i32
      %add3A_752 = arith.constant 28 : i32
      %add3A_753 = arith.addi %add3A_752, %add3A_751 : i32
      %dma_start3A_754 = arith.constant 0 : i32
      %dma_start3A_755 = arith.constant 0 : i32
      %dma_start3A_756 = arith.constant 0 : i32
      %dma_start3A_757 = tpu.memref_slice %arg10[%dma_start3A_754, %dma_start3A_755, %dma_start3A_756] : memref<2x128x128xf32, #tpu.memory_space<vmem>> -> memref<1x128x128xf32, #tpu.memory_space<vmem>>
      %dma_start3A_758 = tpu.memref_squeeze %dma_start3A_757 : memref<1x128x128xf32, #tpu.memory_space<vmem>> -> memref<128x128xf32, #tpu.memory_space<vmem>>
      %dma_start3A_759 = arith.constant 0 : i32
      %dma_start3A_760 = tpu.memref_slice %arg8[%add3A_753, %dma_start3A_759] : memref<56x128xi32, #tpu.memory_space<vmem>> -> memref<1x128xi32, #tpu.memory_space<vmem>>
      %dma_start3A_761 = tpu.memref_squeeze %dma_start3A_760 : memref<1x128xi32, #tpu.memory_space<vmem>> -> memref<128xi32, #tpu.memory_space<vmem>>
      %dma_start3A_762 = arith.constant 0 : i32
      %dma_start3A_763 = arith.constant 0 : i32
      %dma_start3A_764 = tpu.memref_slice %arg11[%dma_start3A_762, %dma_start3A_763] : memref<5120x128xf32, #tpu.memory_space<vmem_shared>> -> memref<5120x128xf32, #tpu.memory_space<vmem_shared>>
      tpu.enqueue_indirect_dma source(%dma_start3A_764 : memref<5120x128xf32, #tpu.memory_space<vmem_shared>>) target(%dma_start3A_758 : memref<128x128xf32, #tpu.memory_space<vmem>>) offsets(%dma_start3A_761 : memref<128xi32, #tpu.memory_space<vmem>>) semaphore(%arg14 : memref<!tpu.dma_semaphore, #tpu.memory_space<semaphore_mem>>)
      %add3A_765 = arith.constant 1 : i32
      %add3A_766 = arith.addi %mul3A_718, %add3A_765 : i32
      %add3A_767 = arith.constant 28 : i32
      %add3A_768 = arith.addi %add3A_767, %add3A_766 : i32
      %dma_wait3A_769 = arith.constant 1 : i32
      %dma_wait3A_770 = arith.constant 0 : i32
      %dma_wait3A_771 = arith.constant 0 : i32
      %dma_wait3A_772 = tpu.memref_slice %arg10[%dma_wait3A_769, %dma_wait3A_770, %dma_wait3A_771] : memref<2x128x128xf32, #tpu.memory_space<vmem>> -> memref<1x128x128xf32, #tpu.memory_space<vmem>>
      %dma_wait3A_773 = tpu.memref_squeeze %dma_wait3A_772 : memref<1x128x128xf32, #tpu.memory_space<vmem>> -> memref<128x128xf32, #tpu.memory_space<vmem>>
      %dma_wait3A_774 = arith.constant 0 : i32
      %dma_wait3A_775 = tpu.memref_slice %arg8[%add3A_768, %dma_wait3A_774] : memref<56x128xi32, #tpu.memory_space<vmem>> -> memref<1x128xi32, #tpu.memory_space<vmem>>
      %dma_wait3A_776 = tpu.memref_squeeze %dma_wait3A_775 : memref<1x128xi32, #tpu.memory_space<vmem>> -> memref<128xi32, #tpu.memory_space<vmem>>
      %dma_wait3A_777 = arith.constant 0 : i32
      %dma_wait3A_778 = arith.constant 0 : i32
      %dma_wait3A_779 = tpu.memref_slice %arg11[%dma_wait3A_777, %dma_wait3A_778] : memref<5120x128xf32, #tpu.memory_space<vmem_shared>> -> memref<5120x128xf32, #tpu.memory_space<vmem_shared>>
      tpu.wait_indirect_dma semaphore(%arg15 : memref<!tpu.dma_semaphore, #tpu.memory_space<semaphore_mem>>) src(%dma_wait3A_779 : memref<5120x128xf32, #tpu.memory_space<vmem_shared>>) dst(%dma_wait3A_773 : memref<128x128xf32, #tpu.memory_space<vmem>>)
      %add3A_780 = arith.constant 28 : i32
      %add3A_781 = arith.addi %add3A_780, %mul3A_718 : i32
      %add3A_782 = arith.constant 1 : i32
      %add3A_783 = arith.addi %add3A_781, %add3A_782 : i32
      %run_scoped3A_784 = arith.constant 1 : i32
      "tpu.region"() ({
        %run_scoped3A_785 = tpu.sem_alloc : memref<!tpu.dma_semaphore, #tpu.memory_space<semaphore_mem>>
        %dma_start3A_786 = arith.constant 0 : i32
        %dma_start3A_787 = arith.constant 0 : i32
        %dma_start3A_788 = tpu.memref_slice %arg10[%run_scoped3A_784, %dma_start3A_786, %dma_start3A_787] : memref<2x128x128xf32, #tpu.memory_space<vmem>> -> memref<1x128x128xf32, #tpu.memory_space<vmem>>
        %dma_start3A_789 = tpu.memref_squeeze %dma_start3A_788 : memref<1x128x128xf32, #tpu.memory_space<vmem>> -> memref<128x128xf32, #tpu.memory_space<vmem>>
        %dma_start3A_790 = arith.constant 0 : i32
        %dma_start3A_791 = tpu.memref_slice %arg9[%add3A_783, %dma_start3A_790] : memref<56x128xi32, #tpu.memory_space<vmem>> -> memref<1x128xi32, #tpu.memory_space<vmem>>
        %dma_start3A_792 = tpu.memref_squeeze %dma_start3A_791 : memref<1x128xi32, #tpu.memory_space<vmem>> -> memref<128xi32, #tpu.memory_space<vmem>>
        %dma_start3A_793 = arith.constant 0 : i32
        %dma_start3A_794 = arith.constant 0 : i32
        %dma_start3A_795 = tpu.memref_slice %arg12[%dma_start3A_793, %dma_start3A_794] : memref<5120x128xf32, #tpu.memory_space<vmem_shared>> -> memref<5120x128xf32, #tpu.memory_space<vmem_shared>>
        tpu.enqueue_indirect_dma source(%dma_start3A_789 : memref<128x128xf32, #tpu.memory_space<vmem>>) target(%dma_start3A_795 : memref<5120x128xf32, #tpu.memory_space<vmem_shared>>) offsets(%dma_start3A_792 : memref<128xi32, #tpu.memory_space<vmem>>) semaphore(%run_scoped3A_785 : memref<!tpu.dma_semaphore, #tpu.memory_space<semaphore_mem>>) {add = true}
        %dma_wait3A_796 = arith.constant 0 : i32
        %dma_wait3A_797 = arith.constant 0 : i32
        %dma_wait3A_798 = tpu.memref_slice %arg10[%run_scoped3A_784, %dma_wait3A_796, %dma_wait3A_797] : memref<2x128x128xf32, #tpu.memory_space<vmem>> -> memref<1x128x128xf32, #tpu.memory_space<vmem>>
        %dma_wait3A_799 = tpu.memref_squeeze %dma_wait3A_798 : memref<1x128x128xf32, #tpu.memory_space<vmem>> -> memref<128x128xf32, #tpu.memory_space<vmem>>
        %dma_wait3A_800 = arith.constant 0 : i32
        %dma_wait3A_801 = tpu.memref_slice %arg9[%add3A_783, %dma_wait3A_800] : memref<56x128xi32, #tpu.memory_space<vmem>> -> memref<1x128xi32, #tpu.memory_space<vmem>>
        %dma_wait3A_802 = tpu.memref_squeeze %dma_wait3A_801 : memref<1x128xi32, #tpu.memory_space<vmem>> -> memref<128xi32, #tpu.memory_space<vmem>>
        %dma_wait3A_803 = arith.constant 0 : i32
        %dma_wait3A_804 = arith.constant 0 : i32
        %dma_wait3A_805 = tpu.memref_slice %arg12[%dma_wait3A_803, %dma_wait3A_804] : memref<5120x128xf32, #tpu.memory_space<vmem_shared>> -> memref<5120x128xf32, #tpu.memory_space<vmem_shared>>
        tpu.wait_indirect_dma semaphore(%run_scoped3A_785 : memref<!tpu.dma_semaphore, #tpu.memory_space<semaphore_mem>>) src(%dma_wait3A_799 : memref<128x128xf32, #tpu.memory_space<vmem>>) dst(%dma_wait3A_805 : memref<5120x128xf32, #tpu.memory_space<vmem_shared>>)
        tpu.yield
      }) : () -> ()
    }
    %dma_wait3A_389 = arith.constant 28 : i32
    %dma_wait3A_390 = arith.constant 0 : i32
    %dma_wait3A_391 = arith.constant 0 : i32
    %dma_wait3A_392 = arith.constant 0 : i32
    %dma_wait3A_393 = tpu.memref_slice %arg10[%dma_wait3A_390, %dma_wait3A_391, %dma_wait3A_392] : memref<2x128x128xf32, #tpu.memory_space<vmem>> -> memref<1x128x128xf32, #tpu.memory_space<vmem>>
    %dma_wait3A_394 = tpu.memref_squeeze %dma_wait3A_393 : memref<1x128x128xf32, #tpu.memory_space<vmem>> -> memref<128x128xf32, #tpu.memory_space<vmem>>
    %dma_wait3A_395 = arith.constant 0 : i32
    %dma_wait3A_396 = tpu.memref_slice %arg8[%dma_wait3A_389, %dma_wait3A_395] : memref<56x128xi32, #tpu.memory_space<vmem>> -> memref<1x128xi32, #tpu.memory_space<vmem>>
    %dma_wait3A_397 = tpu.memref_squeeze %dma_wait3A_396 : memref<1x128xi32, #tpu.memory_space<vmem>> -> memref<128xi32, #tpu.memory_space<vmem>>
    %dma_wait3A_398 = arith.constant 0 : i32
    %dma_wait3A_399 = arith.constant 0 : i32
    %dma_wait3A_400 = tpu.memref_slice %arg11[%dma_wait3A_398, %dma_wait3A_399] : memref<5120x128xf32, #tpu.memory_space<vmem_shared>> -> memref<5120x128xf32, #tpu.memory_space<vmem_shared>>
    tpu.wait_indirect_dma semaphore(%arg14 : memref<!tpu.dma_semaphore, #tpu.memory_space<semaphore_mem>>) src(%dma_wait3A_400 : memref<5120x128xf32, #tpu.memory_space<vmem_shared>>) dst(%dma_wait3A_394 : memref<128x128xf32, #tpu.memory_space<vmem>>)
    %add3A_401 = arith.constant 2 : i32
    %add3A_402 = arith.addi %add3A_401, %arg0 : i32
    %add3A_403 = arith.constant 0 : i32
    %add3A_404 = arith.addi %arg1, %add3A_403 : i32
    %dma_wait3A_405 = arith.constant 0 : i32
    %dma_wait3A_406 = arith.constant 0 : i32
    %dma_wait3A_407 = tpu.memref_slice %arg8[%dma_wait3A_405, %dma_wait3A_406] : memref<56x128xi32, #tpu.memory_space<vmem>> -> memref<28x128xi32, #tpu.memory_space<vmem>>
    %dma_wait3A_408 = arith.constant 0 : i32
    %dma_wait3A_409 = arith.constant 0 : i32
    %dma_wait3A_410 = arith.constant 0 : i32
    %dma_wait3A_411 = tpu.memref_slice %arg3[%add3A_404, %dma_wait3A_408, %dma_wait3A_409, %dma_wait3A_410] : memref<32x4x28x128xi32, #tpu.memory_space<hbm>> -> memref<1x4x28x128xi32, #tpu.memory_space<hbm>>
    %dma_wait3A_412 = tpu.memref_squeeze %dma_wait3A_411 : memref<1x4x28x128xi32, #tpu.memory_space<hbm>> -> memref<4x28x128xi32, #tpu.memory_space<hbm>>
    %dma_wait3A_413 = arith.constant 0 : i32
    %dma_wait3A_414 = arith.constant 0 : i32
    %dma_wait3A_415 = tpu.memref_slice %dma_wait3A_412[%add3A_402, %dma_wait3A_413, %dma_wait3A_414] : memref<4x28x128xi32, #tpu.memory_space<hbm>> -> memref<1x28x128xi32, #tpu.memory_space<hbm>>
    %dma_wait3A_416 = tpu.memref_squeeze %dma_wait3A_415 : memref<1x28x128xi32, #tpu.memory_space<hbm>> -> memref<28x128xi32, #tpu.memory_space<hbm>>
    %dma_wait3A_417 = arith.constant 0 : i32
    %dma_wait3A_418 = arith.constant 0 : i32
    %dma_wait3A_419 = tpu.memref_slice %arg8[%dma_wait3A_417, %dma_wait3A_418] : memref<56x128xi32, #tpu.memory_space<vmem>> -> memref<28x128xi32, #tpu.memory_space<vmem>>
    %dma_wait3A_420 = arith.constant 0 : i32
    %dma_wait3A_421 = arith.constant 0 : i32
    %dma_wait3A_422 = arith.constant 0 : i32
    %dma_wait3A_423 = tpu.memref_slice %arg3[%add3A_404, %dma_wait3A_420, %dma_wait3A_421, %dma_wait3A_422] : memref<32x4x28x128xi32, #tpu.memory_space<hbm>> -> memref<1x4x28x128xi32, #tpu.memory_space<hbm>>
    %dma_wait3A_424 = tpu.memref_squeeze %dma_wait3A_423 : memref<1x4x28x128xi32, #tpu.memory_space<hbm>> -> memref<4x28x128xi32, #tpu.memory_space<hbm>>
    %dma_wait3A_425 = arith.constant 0 : i32
    %dma_wait3A_426 = arith.constant 0 : i32
    %dma_wait3A_427 = tpu.memref_slice %dma_wait3A_424[%add3A_402, %dma_wait3A_425, %dma_wait3A_426] : memref<4x28x128xi32, #tpu.memory_space<hbm>> -> memref<1x28x128xi32, #tpu.memory_space<hbm>>
    %dma_wait3A_428 = tpu.memref_squeeze %dma_wait3A_427 : memref<1x28x128xi32, #tpu.memory_space<hbm>> -> memref<28x128xi32, #tpu.memory_space<hbm>>
    tpu.wait_dma2 semaphore(%arg16 : memref<!tpu.dma_semaphore, #tpu.memory_space<semaphore_mem>>) src(%dma_wait3A_428 : memref<28x128xi32, #tpu.memory_space<hbm>>) dst(%dma_wait3A_419 : memref<28x128xi32, #tpu.memory_space<vmem>>)
    %dma_wait3A_429 = arith.constant 0 : i32
    %dma_wait3A_430 = arith.constant 0 : i32
    %dma_wait3A_431 = tpu.memref_slice %arg9[%dma_wait3A_429, %dma_wait3A_430] : memref<56x128xi32, #tpu.memory_space<vmem>> -> memref<28x128xi32, #tpu.memory_space<vmem>>
    %dma_wait3A_432 = arith.constant 0 : i32
    %dma_wait3A_433 = arith.constant 0 : i32
    %dma_wait3A_434 = arith.constant 0 : i32
    %dma_wait3A_435 = tpu.memref_slice %arg4[%add3A_404, %dma_wait3A_432, %dma_wait3A_433, %dma_wait3A_434] : memref<32x4x28x128xi32, #tpu.memory_space<hbm>> -> memref<1x4x28x128xi32, #tpu.memory_space<hbm>>
    %dma_wait3A_436 = tpu.memref_squeeze %dma_wait3A_435 : memref<1x4x28x128xi32, #tpu.memory_space<hbm>> -> memref<4x28x128xi32, #tpu.memory_space<hbm>>
    %dma_wait3A_437 = arith.constant 0 : i32
    %dma_wait3A_438 = arith.constant 0 : i32
    %dma_wait3A_439 = tpu.memref_slice %dma_wait3A_436[%add3A_402, %dma_wait3A_437, %dma_wait3A_438] : memref<4x28x128xi32, #tpu.memory_space<hbm>> -> memref<1x28x128xi32, #tpu.memory_space<hbm>>
    %dma_wait3A_440 = tpu.memref_squeeze %dma_wait3A_439 : memref<1x28x128xi32, #tpu.memory_space<hbm>> -> memref<28x128xi32, #tpu.memory_space<hbm>>
    %dma_wait3A_441 = arith.constant 0 : i32
    %dma_wait3A_442 = arith.constant 0 : i32
    %dma_wait3A_443 = tpu.memref_slice %arg9[%dma_wait3A_441, %dma_wait3A_442] : memref<56x128xi32, #tpu.memory_space<vmem>> -> memref<28x128xi32, #tpu.memory_space<vmem>>
    %dma_wait3A_444 = arith.constant 0 : i32
    %dma_wait3A_445 = arith.constant 0 : i32
    %dma_wait3A_446 = arith.constant 0 : i32
    %dma_wait3A_447 = tpu.memref_slice %arg4[%add3A_404, %dma_wait3A_444, %dma_wait3A_445, %dma_wait3A_446] : memref<32x4x28x128xi32, #tpu.memory_space<hbm>> -> memref<1x4x28x128xi32, #tpu.memory_space<hbm>>
    %dma_wait3A_448 = tpu.memref_squeeze %dma_wait3A_447 : memref<1x4x28x128xi32, #tpu.memory_space<hbm>> -> memref<4x28x128xi32, #tpu.memory_space<hbm>>
    %dma_wait3A_449 = arith.constant 0 : i32
    %dma_wait3A_450 = arith.constant 0 : i32
    %dma_wait3A_451 = tpu.memref_slice %dma_wait3A_448[%add3A_402, %dma_wait3A_449, %dma_wait3A_450] : memref<4x28x128xi32, #tpu.memory_space<hbm>> -> memref<1x28x128xi32, #tpu.memory_space<hbm>>
    %dma_wait3A_452 = tpu.memref_squeeze %dma_wait3A_451 : memref<1x28x128xi32, #tpu.memory_space<hbm>> -> memref<28x128xi32, #tpu.memory_space<hbm>>
    tpu.wait_dma2 semaphore(%arg16 : memref<!tpu.dma_semaphore, #tpu.memory_space<semaphore_mem>>) src(%dma_wait3A_452 : memref<28x128xi32, #tpu.memory_space<hbm>>) dst(%dma_wait3A_443 : memref<28x128xi32, #tpu.memory_space<vmem>>)
    %barrier3A_453 = arith.constant 0 : index
    tpu.barrier barrier_id(%barrier3A_453)
    %mul3A_454 = arith.constant 320 : i32
    %mul3A_455 = arith.muli %arg1, %mul3A_454 : i32
    %add3A_456 = arith.constant 5000 : i32
    %add3A_457 = arith.addi %add3A_456, %mul3A_455 : i32
    %mul3A_458 = arith.constant 320 : i32
    %mul3A_459 = arith.muli %arg1, %mul3A_458 : i32
    "tpu.region"() ({
      %run_scoped3A_716 = tpu.sem_alloc : memref<!tpu.dma_semaphore, #tpu.memory_space<semaphore_mem>>
      %dma_start3A_717 = arith.constant 0 : i32
      %dma_start3A_718 = tpu.memref_slice %arg11[%mul3A_459, %dma_start3A_717] : memref<5120x128xf32, #tpu.memory_space<vmem_shared>> -> memref<320x128xf32, #tpu.memory_space<vmem_shared>>
      %dma_start3A_719 = arith.constant 0 : i32
      %dma_start3A_720 = tpu.memref_slice %arg2[%add3A_457, %dma_start3A_719] : memref<10240x128xf32, #tpu.memory_space<hbm>> -> memref<320x128xf32, #tpu.memory_space<hbm>>
      tpu.enqueue_dma source(%dma_start3A_720 : memref<320x128xf32, #tpu.memory_space<hbm>>) target(%dma_start3A_718 : memref<320x128xf32, #tpu.memory_space<vmem_shared>>) target_semaphore(%run_scoped3A_716 : memref<!tpu.dma_semaphore, #tpu.memory_space<semaphore_mem>>)
      %dma_wait3A_721 = arith.constant 0 : i32
      %dma_wait3A_722 = tpu.memref_slice %arg11[%mul3A_459, %dma_wait3A_721] : memref<5120x128xf32, #tpu.memory_space<vmem_shared>> -> memref<320x128xf32, #tpu.memory_space<vmem_shared>>
      %dma_wait3A_723 = arith.constant 0 : i32
      %dma_wait3A_724 = tpu.memref_slice %arg2[%add3A_457, %dma_wait3A_723] : memref<10240x128xf32, #tpu.memory_space<hbm>> -> memref<320x128xf32, #tpu.memory_space<hbm>>
      tpu.wait_dma2 semaphore(%run_scoped3A_716 : memref<!tpu.dma_semaphore, #tpu.memory_space<semaphore_mem>>) src(%dma_wait3A_724 : memref<320x128xf32, #tpu.memory_space<hbm>>) dst(%dma_wait3A_722 : memref<320x128xf32, #tpu.memory_space<vmem_shared>>)
      tpu.yield
    }) : () -> ()
    %barrier3A_460 = arith.constant 0 : index
    tpu.barrier barrier_id(%barrier3A_460)
    %add3A_461 = arith.constant 2 : i32
    %add3A_462 = arith.addi %add3A_461, %arg0 : i32
    %add3A_463 = arith.constant 16 : i32
    %add3A_464 = arith.addi %arg1, %add3A_463 : i32
    %dma_start3A_465 = arith.constant 28 : i32
    %dma_start3A_466 = arith.constant 0 : i32
    %dma_start3A_467 = tpu.memref_slice %arg8[%dma_start3A_465, %dma_start3A_466] : memref<56x128xi32, #tpu.memory_space<vmem>> -> memref<28x128xi32, #tpu.memory_space<vmem>>
    %dma_start3A_468 = arith.constant 0 : i32
    %dma_start3A_469 = arith.constant 0 : i32
    %dma_start3A_470 = arith.constant 0 : i32
    %dma_start3A_471 = tpu.memref_slice %arg3[%add3A_464, %dma_start3A_468, %dma_start3A_469, %dma_start3A_470] : memref<32x4x28x128xi32, #tpu.memory_space<hbm>> -> memref<1x4x28x128xi32, #tpu.memory_space<hbm>>
    %dma_start3A_472 = tpu.memref_squeeze %dma_start3A_471 : memref<1x4x28x128xi32, #tpu.memory_space<hbm>> -> memref<4x28x128xi32, #tpu.memory_space<hbm>>
    %dma_start3A_473 = arith.constant 0 : i32
    %dma_start3A_474 = arith.constant 0 : i32
    %dma_start3A_475 = tpu.memref_slice %dma_start3A_472[%add3A_462, %dma_start3A_473, %dma_start3A_474] : memref<4x28x128xi32, #tpu.memory_space<hbm>> -> memref<1x28x128xi32, #tpu.memory_space<hbm>>
    %dma_start3A_476 = tpu.memref_squeeze %dma_start3A_475 : memref<1x28x128xi32, #tpu.memory_space<hbm>> -> memref<28x128xi32, #tpu.memory_space<hbm>>
    %dma_start3A_477 = arith.constant 28 : i32
    %dma_start3A_478 = arith.constant 0 : i32
    %dma_start3A_479 = tpu.memref_slice %arg8[%dma_start3A_477, %dma_start3A_478] : memref<56x128xi32, #tpu.memory_space<vmem>> -> memref<28x128xi32, #tpu.memory_space<vmem>>
    %dma_start3A_480 = arith.constant 0 : i32
    %dma_start3A_481 = arith.constant 0 : i32
    %dma_start3A_482 = arith.constant 0 : i32
    %dma_start3A_483 = tpu.memref_slice %arg3[%add3A_464, %dma_start3A_480, %dma_start3A_481, %dma_start3A_482] : memref<32x4x28x128xi32, #tpu.memory_space<hbm>> -> memref<1x4x28x128xi32, #tpu.memory_space<hbm>>
    %dma_start3A_484 = tpu.memref_squeeze %dma_start3A_483 : memref<1x4x28x128xi32, #tpu.memory_space<hbm>> -> memref<4x28x128xi32, #tpu.memory_space<hbm>>
    %dma_start3A_485 = arith.constant 0 : i32
    %dma_start3A_486 = arith.constant 0 : i32
    %dma_start3A_487 = tpu.memref_slice %dma_start3A_484[%add3A_462, %dma_start3A_485, %dma_start3A_486] : memref<4x28x128xi32, #tpu.memory_space<hbm>> -> memref<1x28x128xi32, #tpu.memory_space<hbm>>
    %dma_start3A_488 = tpu.memref_squeeze %dma_start3A_487 : memref<1x28x128xi32, #tpu.memory_space<hbm>> -> memref<28x128xi32, #tpu.memory_space<hbm>>
    tpu.enqueue_dma source(%dma_start3A_488 : memref<28x128xi32, #tpu.memory_space<hbm>>) target(%dma_start3A_479 : memref<28x128xi32, #tpu.memory_space<vmem>>) target_semaphore(%arg16 : memref<!tpu.dma_semaphore, #tpu.memory_space<semaphore_mem>>)
    %dma_start3A_489 = arith.constant 28 : i32
    %dma_start3A_490 = arith.constant 0 : i32
    %dma_start3A_491 = tpu.memref_slice %arg9[%dma_start3A_489, %dma_start3A_490] : memref<56x128xi32, #tpu.memory_space<vmem>> -> memref<28x128xi32, #tpu.memory_space<vmem>>
    %dma_start3A_492 = arith.constant 0 : i32
    %dma_start3A_493 = arith.constant 0 : i32
    %dma_start3A_494 = arith.constant 0 : i32
    %dma_start3A_495 = tpu.memref_slice %arg4[%add3A_464, %dma_start3A_492, %dma_start3A_493, %dma_start3A_494] : memref<32x4x28x128xi32, #tpu.memory_space<hbm>> -> memref<1x4x28x128xi32, #tpu.memory_space<hbm>>
    %dma_start3A_496 = tpu.memref_squeeze %dma_start3A_495 : memref<1x4x28x128xi32, #tpu.memory_space<hbm>> -> memref<4x28x128xi32, #tpu.memory_space<hbm>>
    %dma_start3A_497 = arith.constant 0 : i32
    %dma_start3A_498 = arith.constant 0 : i32
    %dma_start3A_499 = tpu.memref_slice %dma_start3A_496[%add3A_462, %dma_start3A_497, %dma_start3A_498] : memref<4x28x128xi32, #tpu.memory_space<hbm>> -> memref<1x28x128xi32, #tpu.memory_space<hbm>>
    %dma_start3A_500 = tpu.memref_squeeze %dma_start3A_499 : memref<1x28x128xi32, #tpu.memory_space<hbm>> -> memref<28x128xi32, #tpu.memory_space<hbm>>
    %dma_start3A_501 = arith.constant 28 : i32
    %dma_start3A_502 = arith.constant 0 : i32
    %dma_start3A_503 = tpu.memref_slice %arg9[%dma_start3A_501, %dma_start3A_502] : memref<56x128xi32, #tpu.memory_space<vmem>> -> memref<28x128xi32, #tpu.memory_space<vmem>>
    %dma_start3A_504 = arith.constant 0 : i32
    %dma_start3A_505 = arith.constant 0 : i32
    %dma_start3A_506 = arith.constant 0 : i32
    %dma_start3A_507 = tpu.memref_slice %arg4[%add3A_464, %dma_start3A_504, %dma_start3A_505, %dma_start3A_506] : memref<32x4x28x128xi32, #tpu.memory_space<hbm>> -> memref<1x4x28x128xi32, #tpu.memory_space<hbm>>
    %dma_start3A_508 = tpu.memref_squeeze %dma_start3A_507 : memref<1x4x28x128xi32, #tpu.memory_space<hbm>> -> memref<4x28x128xi32, #tpu.memory_space<hbm>>
    %dma_start3A_509 = arith.constant 0 : i32
    %dma_start3A_510 = arith.constant 0 : i32
    %dma_start3A_511 = tpu.memref_slice %dma_start3A_508[%add3A_462, %dma_start3A_509, %dma_start3A_510] : memref<4x28x128xi32, #tpu.memory_space<hbm>> -> memref<1x28x128xi32, #tpu.memory_space<hbm>>
    %dma_start3A_512 = tpu.memref_squeeze %dma_start3A_511 : memref<1x28x128xi32, #tpu.memory_space<hbm>> -> memref<28x128xi32, #tpu.memory_space<hbm>>
    tpu.enqueue_dma source(%dma_start3A_512 : memref<28x128xi32, #tpu.memory_space<hbm>>) target(%dma_start3A_503 : memref<28x128xi32, #tpu.memory_space<vmem>>) target_semaphore(%arg16 : memref<!tpu.dma_semaphore, #tpu.memory_space<semaphore_mem>>)
    %add3A_513 = arith.constant 2 : i32
    %add3A_514 = arith.addi %add3A_513, %arg0 : i32
    %eq3A_515 = vector.broadcast %add3A_514 : i32 to vector<16xi32>
    %eq3A_516 = arith.cmpi eq, %iota3A, %eq3A_515 : vector<16xi32>
    %get3A_517 = arith.constant 0 : i32
    %get3A_518 = arith.index_cast %get3A_517 : i32 to index
    %get3A_519 = arith.constant 0 : index
    %get3A_520 = tpu.vector_load %arg13[%get3A_518, %get3A_519] {strides = array<i32>} : memref<2x16xi32, #tpu.memory_space<vmem>>, vector<16xi32>,
    %jit3A_521 = arith.constant 0 : i32
    %broadcast_in_dim3A_522 = vector.broadcast %jit3A_521 : i32 to vector<16xi32>
    %select_n3A_523 = arith.select %eq3A_516, %get3A_520, %broadcast_in_dim3A_522 : vector<16xi1>, vector<16xi32>
    %reduce_sum3A_524 = arith.constant true
    %reduce_sum3A_525 = vector.broadcast %reduce_sum3A_524 : i1 to vector<16xi1>
    %reduce_sum3A_526 = tpu.scan <sum>, %select_n3A_523 masked %reduce_sum3A_525 : vector<16xi32>, vector<16xi1> -> vector<16xi32>
    %reduce_sum3A_527 = vector.extract %reduce_sum3A_526[15] : i32 from vector<16xi32>
    %dma_start3A_528 = arith.constant 0 : i32
    %dma_start3A_529 = arith.constant 0 : i32
    %dma_start3A_530 = arith.constant 0 : i32
    %dma_start3A_531 = arith.constant 0 : i32
    %dma_start3A_532 = tpu.memref_slice %arg10[%dma_start3A_529, %dma_start3A_530, %dma_start3A_531] : memref<2x128x128xf32, #tpu.memory_space<vmem>> -> memref<1x128x128xf32, #tpu.memory_space<vmem>>
    %dma_start3A_533 = tpu.memref_squeeze %dma_start3A_532 : memref<1x128x128xf32, #tpu.memory_space<vmem>> -> memref<128x128xf32, #tpu.memory_space<vmem>>
    %dma_start3A_534 = arith.constant 0 : i32
    %dma_start3A_535 = tpu.memref_slice %arg8[%dma_start3A_528, %dma_start3A_534] : memref<56x128xi32, #tpu.memory_space<vmem>> -> memref<1x128xi32, #tpu.memory_space<vmem>>
    %dma_start3A_536 = tpu.memref_squeeze %dma_start3A_535 : memref<1x128xi32, #tpu.memory_space<vmem>> -> memref<128xi32, #tpu.memory_space<vmem>>
    %dma_start3A_537 = arith.constant 0 : i32
    %dma_start3A_538 = arith.constant 0 : i32
    %dma_start3A_539 = tpu.memref_slice %arg11[%dma_start3A_537, %dma_start3A_538] : memref<5120x128xf32, #tpu.memory_space<vmem_shared>> -> memref<5120x128xf32, #tpu.memory_space<vmem_shared>>
    tpu.enqueue_indirect_dma source(%dma_start3A_539 : memref<5120x128xf32, #tpu.memory_space<vmem_shared>>) target(%dma_start3A_533 : memref<128x128xf32, #tpu.memory_space<vmem>>) offsets(%dma_start3A_536 : memref<128xi32, #tpu.memory_space<vmem>>) semaphore(%arg14 : memref<!tpu.dma_semaphore, #tpu.memory_space<semaphore_mem>>)
    %jit3A_540 = arith.constant 2 : i32
    %div3A_541 = arith.divsi %reduce_sum3A_527, %jit3A_540 : i32
    %sign3A_542 = arith.constant 0 : i32
    %sign3A_543 = arith.cmpi sgt, %reduce_sum3A_527, %sign3A_542 : i32
    %sign3A_544 = arith.extui %sign3A_543 : i1 to i32
    %sign3A_545 = arith.constant 0 : i32
    %sign3A_546 = arith.cmpi slt, %reduce_sum3A_527, %sign3A_545 : i32
    %sign3A_547 = arith.extui %sign3A_546 : i1 to i32
    %sign3A_548 = arith.subi %sign3A_544, %sign3A_547 : i32
    %sign3A_549 = arith.constant 0 : i32
    %sign3A_550 = arith.cmpi sgt, %jit3A_540, %sign3A_549 : i32
    %sign3A_551 = arith.extui %sign3A_550 : i1 to i32
    %sign3A_552 = arith.constant 0 : i32
    %sign3A_553 = arith.cmpi slt, %jit3A_540, %sign3A_552 : i32
    %sign3A_554 = arith.extui %sign3A_553 : i1 to i32
    %sign3A_555 = arith.subi %sign3A_551, %sign3A_554 : i32
    %ne3A_556 = arith.cmpi ne, %sign3A_548, %sign3A_555 : i32
    %rem3A_557 = arith.remsi %reduce_sum3A_527, %jit3A_540 : i32
    %ne3A_558 = arith.constant 0 : i32
    %ne3A_559 = arith.cmpi ne, %rem3A_557, %ne3A_558 : i32
    %and3A_560 = arith.andi %ne3A_556, %ne3A_559 : i1
    %sub3A_561 = arith.constant 1 : i32
    %sub3A_562 = arith.subi %div3A_541, %sub3A_561 : i32
    %select_n3A_563 = arith.select %and3A_560, %sub3A_562, %div3A_541 : i32
    %while3A_564 = arith.constant 0 : i32
    %while3A_565 = arith.constant 0 : i32
    %while3A_566 = arith.subi %select_n3A_563, %while3A_565 : i32
    %while3A_567 = arith.addi %while3A_565, %while3A_566 : i32
    %while3A_568 = arith.constant 1 : i32
    %while3A_569 = arith.divsi %while3A_566, %while3A_568 : i32
    %while3A_570 = arith.muli %while3A_569, %while3A_568 : i32
    %while3A_571 = arith.addi %while3A_565, %while3A_570 : i32
    %while3A_572 = arith.constant 1 : i32
    scf.for %while3A_716 = %while3A_565 to %while3A_571 step %while3A_572  : i32 {
      %mul3A_717 = arith.constant 2 : i32
      %mul3A_718 = arith.muli %mul3A_717, %while3A_716 : i32
      %add3A_719 = arith.constant 1 : i32
      %add3A_720 = arith.addi %mul3A_718, %add3A_719 : i32
      %add3A_721 = arith.constant 0 : i32
      %add3A_722 = arith.addi %add3A_721, %add3A_720 : i32
      %dma_start3A_723 = arith.constant 1 : i32
      %dma_start3A_724 = arith.constant 0 : i32
      %dma_start3A_725 = arith.constant 0 : i32
      %dma_start3A_726 = tpu.memref_slice %arg10[%dma_start3A_723, %dma_start3A_724, %dma_start3A_725] : memref<2x128x128xf32, #tpu.memory_space<vmem>> -> memref<1x128x128xf32, #tpu.memory_space<vmem>>
      %dma_start3A_727 = tpu.memref_squeeze %dma_start3A_726 : memref<1x128x128xf32, #tpu.memory_space<vmem>> -> memref<128x128xf32, #tpu.memory_space<vmem>>
      %dma_start3A_728 = arith.constant 0 : i32
      %dma_start3A_729 = tpu.memref_slice %arg8[%add3A_722, %dma_start3A_728] : memref<56x128xi32, #tpu.memory_space<vmem>> -> memref<1x128xi32, #tpu.memory_space<vmem>>
      %dma_start3A_730 = tpu.memref_squeeze %dma_start3A_729 : memref<1x128xi32, #tpu.memory_space<vmem>> -> memref<128xi32, #tpu.memory_space<vmem>>
      %dma_start3A_731 = arith.constant 0 : i32
      %dma_start3A_732 = arith.constant 0 : i32
      %dma_start3A_733 = tpu.memref_slice %arg11[%dma_start3A_731, %dma_start3A_732] : memref<5120x128xf32, #tpu.memory_space<vmem_shared>> -> memref<5120x128xf32, #tpu.memory_space<vmem_shared>>
      tpu.enqueue_indirect_dma source(%dma_start3A_733 : memref<5120x128xf32, #tpu.memory_space<vmem_shared>>) target(%dma_start3A_727 : memref<128x128xf32, #tpu.memory_space<vmem>>) offsets(%dma_start3A_730 : memref<128xi32, #tpu.memory_space<vmem>>) semaphore(%arg15 : memref<!tpu.dma_semaphore, #tpu.memory_space<semaphore_mem>>)
      %add3A_734 = arith.constant 0 : i32
      %add3A_735 = arith.addi %add3A_734, %mul3A_718 : i32
      %dma_wait3A_736 = arith.constant 0 : i32
      %dma_wait3A_737 = arith.constant 0 : i32
      %dma_wait3A_738 = arith.constant 0 : i32
      %dma_wait3A_739 = tpu.memref_slice %arg10[%dma_wait3A_736, %dma_wait3A_737, %dma_wait3A_738] : memref<2x128x128xf32, #tpu.memory_space<vmem>> -> memref<1x128x128xf32, #tpu.memory_space<vmem>>
      %dma_wait3A_740 = tpu.memref_squeeze %dma_wait3A_739 : memref<1x128x128xf32, #tpu.memory_space<vmem>> -> memref<128x128xf32, #tpu.memory_space<vmem>>
      %dma_wait3A_741 = arith.constant 0 : i32
      %dma_wait3A_742 = tpu.memref_slice %arg8[%add3A_735, %dma_wait3A_741] : memref<56x128xi32, #tpu.memory_space<vmem>> -> memref<1x128xi32, #tpu.memory_space<vmem>>
      %dma_wait3A_743 = tpu.memref_squeeze %dma_wait3A_742 : memref<1x128xi32, #tpu.memory_space<vmem>> -> memref<128xi32, #tpu.memory_space<vmem>>
      %dma_wait3A_744 = arith.constant 0 : i32
      %dma_wait3A_745 = arith.constant 0 : i32
      %dma_wait3A_746 = tpu.memref_slice %arg11[%dma_wait3A_744, %dma_wait3A_745] : memref<5120x128xf32, #tpu.memory_space<vmem_shared>> -> memref<5120x128xf32, #tpu.memory_space<vmem_shared>>
      tpu.wait_indirect_dma semaphore(%arg14 : memref<!tpu.dma_semaphore, #tpu.memory_space<semaphore_mem>>) src(%dma_wait3A_746 : memref<5120x128xf32, #tpu.memory_space<vmem_shared>>) dst(%dma_wait3A_740 : memref<128x128xf32, #tpu.memory_space<vmem>>)
      %add3A_747 = arith.constant 0 : i32
      %add3A_748 = arith.addi %add3A_747, %mul3A_718 : i32
      %run_scoped3A_749 = arith.constant 0 : i32
      "tpu.region"() ({
        %run_scoped3A_785 = tpu.sem_alloc : memref<!tpu.dma_semaphore, #tpu.memory_space<semaphore_mem>>
        %dma_start3A_786 = arith.constant 0 : i32
        %dma_start3A_787 = arith.constant 0 : i32
        %dma_start3A_788 = tpu.memref_slice %arg10[%run_scoped3A_749, %dma_start3A_786, %dma_start3A_787] : memref<2x128x128xf32, #tpu.memory_space<vmem>> -> memref<1x128x128xf32, #tpu.memory_space<vmem>>
        %dma_start3A_789 = tpu.memref_squeeze %dma_start3A_788 : memref<1x128x128xf32, #tpu.memory_space<vmem>> -> memref<128x128xf32, #tpu.memory_space<vmem>>
        %dma_start3A_790 = arith.constant 0 : i32
        %dma_start3A_791 = tpu.memref_slice %arg9[%add3A_748, %dma_start3A_790] : memref<56x128xi32, #tpu.memory_space<vmem>> -> memref<1x128xi32, #tpu.memory_space<vmem>>
        %dma_start3A_792 = tpu.memref_squeeze %dma_start3A_791 : memref<1x128xi32, #tpu.memory_space<vmem>> -> memref<128xi32, #tpu.memory_space<vmem>>
        %dma_start3A_793 = arith.constant 0 : i32
        %dma_start3A_794 = arith.constant 0 : i32
        %dma_start3A_795 = tpu.memref_slice %arg12[%dma_start3A_793, %dma_start3A_794] : memref<5120x128xf32, #tpu.memory_space<vmem_shared>> -> memref<5120x128xf32, #tpu.memory_space<vmem_shared>>
        tpu.enqueue_indirect_dma source(%dma_start3A_789 : memref<128x128xf32, #tpu.memory_space<vmem>>) target(%dma_start3A_795 : memref<5120x128xf32, #tpu.memory_space<vmem_shared>>) offsets(%dma_start3A_792 : memref<128xi32, #tpu.memory_space<vmem>>) semaphore(%run_scoped3A_785 : memref<!tpu.dma_semaphore, #tpu.memory_space<semaphore_mem>>) {add = true}
        %dma_wait3A_796 = arith.constant 0 : i32
        %dma_wait3A_797 = arith.constant 0 : i32
        %dma_wait3A_798 = tpu.memref_slice %arg10[%run_scoped3A_749, %dma_wait3A_796, %dma_wait3A_797] : memref<2x128x128xf32, #tpu.memory_space<vmem>> -> memref<1x128x128xf32, #tpu.memory_space<vmem>>
        %dma_wait3A_799 = tpu.memref_squeeze %dma_wait3A_798 : memref<1x128x128xf32, #tpu.memory_space<vmem>> -> memref<128x128xf32, #tpu.memory_space<vmem>>
        %dma_wait3A_800 = arith.constant 0 : i32
        %dma_wait3A_801 = tpu.memref_slice %arg9[%add3A_748, %dma_wait3A_800] : memref<56x128xi32, #tpu.memory_space<vmem>> -> memref<1x128xi32, #tpu.memory_space<vmem>>
        %dma_wait3A_802 = tpu.memref_squeeze %dma_wait3A_801 : memref<1x128xi32, #tpu.memory_space<vmem>> -> memref<128xi32, #tpu.memory_space<vmem>>
        %dma_wait3A_803 = arith.constant 0 : i32
        %dma_wait3A_804 = arith.constant 0 : i32
        %dma_wait3A_805 = tpu.memref_slice %arg12[%dma_wait3A_803, %dma_wait3A_804] : memref<5120x128xf32, #tpu.memory_space<vmem_shared>> -> memref<5120x128xf32, #tpu.memory_space<vmem_shared>>
        tpu.wait_indirect_dma semaphore(%run_scoped3A_785 : memref<!tpu.dma_semaphore, #tpu.memory_space<semaphore_mem>>) src(%dma_wait3A_799 : memref<128x128xf32, #tpu.memory_space<vmem>>) dst(%dma_wait3A_805 : memref<5120x128xf32, #tpu.memory_space<vmem_shared>>)
        tpu.yield
      }) : () -> ()
      %add3A_750 = arith.constant 2 : i32
      %add3A_751 = arith.addi %mul3A_718, %add3A_750 : i32
      %add3A_752 = arith.constant 0 : i32
      %add3A_753 = arith.addi %add3A_752, %add3A_751 : i32
      %dma_start3A_754 = arith.constant 0 : i32
      %dma_start3A_755 = arith.constant 0 : i32
      %dma_start3A_756 = arith.constant 0 : i32
      %dma_start3A_757 = tpu.memref_slice %arg10[%dma_start3A_754, %dma_start3A_755, %dma_start3A_756] : memref<2x128x128xf32, #tpu.memory_space<vmem>> -> memref<1x128x128xf32, #tpu.memory_space<vmem>>
      %dma_start3A_758 = tpu.memref_squeeze %dma_start3A_757 : memref<1x128x128xf32, #tpu.memory_space<vmem>> -> memref<128x128xf32, #tpu.memory_space<vmem>>
      %dma_start3A_759 = arith.constant 0 : i32
      %dma_start3A_760 = tpu.memref_slice %arg8[%add3A_753, %dma_start3A_759] : memref<56x128xi32, #tpu.memory_space<vmem>> -> memref<1x128xi32, #tpu.memory_space<vmem>>
      %dma_start3A_761 = tpu.memref_squeeze %dma_start3A_760 : memref<1x128xi32, #tpu.memory_space<vmem>> -> memref<128xi32, #tpu.memory_space<vmem>>
      %dma_start3A_762 = arith.constant 0 : i32
      %dma_start3A_763 = arith.constant 0 : i32
      %dma_start3A_764 = tpu.memref_slice %arg11[%dma_start3A_762, %dma_start3A_763] : memref<5120x128xf32, #tpu.memory_space<vmem_shared>> -> memref<5120x128xf32, #tpu.memory_space<vmem_shared>>
      tpu.enqueue_indirect_dma source(%dma_start3A_764 : memref<5120x128xf32, #tpu.memory_space<vmem_shared>>) target(%dma_start3A_758 : memref<128x128xf32, #tpu.memory_space<vmem>>) offsets(%dma_start3A_761 : memref<128xi32, #tpu.memory_space<vmem>>) semaphore(%arg14 : memref<!tpu.dma_semaphore, #tpu.memory_space<semaphore_mem>>)
      %add3A_765 = arith.constant 1 : i32
      %add3A_766 = arith.addi %mul3A_718, %add3A_765 : i32
      %add3A_767 = arith.constant 0 : i32
      %add3A_768 = arith.addi %add3A_767, %add3A_766 : i32
      %dma_wait3A_769 = arith.constant 1 : i32
      %dma_wait3A_770 = arith.constant 0 : i32
      %dma_wait3A_771 = arith.constant 0 : i32
      %dma_wait3A_772 = tpu.memref_slice %arg10[%dma_wait3A_769, %dma_wait3A_770, %dma_wait3A_771] : memref<2x128x128xf32, #tpu.memory_space<vmem>> -> memref<1x128x128xf32, #tpu.memory_space<vmem>>
      %dma_wait3A_773 = tpu.memref_squeeze %dma_wait3A_772 : memref<1x128x128xf32, #tpu.memory_space<vmem>> -> memref<128x128xf32, #tpu.memory_space<vmem>>
      %dma_wait3A_774 = arith.constant 0 : i32
      %dma_wait3A_775 = tpu.memref_slice %arg8[%add3A_768, %dma_wait3A_774] : memref<56x128xi32, #tpu.memory_space<vmem>> -> memref<1x128xi32, #tpu.memory_space<vmem>>
      %dma_wait3A_776 = tpu.memref_squeeze %dma_wait3A_775 : memref<1x128xi32, #tpu.memory_space<vmem>> -> memref<128xi32, #tpu.memory_space<vmem>>
      %dma_wait3A_777 = arith.constant 0 : i32
      %dma_wait3A_778 = arith.constant 0 : i32
      %dma_wait3A_779 = tpu.memref_slice %arg11[%dma_wait3A_777, %dma_wait3A_778] : memref<5120x128xf32, #tpu.memory_space<vmem_shared>> -> memref<5120x128xf32, #tpu.memory_space<vmem_shared>>
      tpu.wait_indirect_dma semaphore(%arg15 : memref<!tpu.dma_semaphore, #tpu.memory_space<semaphore_mem>>) src(%dma_wait3A_779 : memref<5120x128xf32, #tpu.memory_space<vmem_shared>>) dst(%dma_wait3A_773 : memref<128x128xf32, #tpu.memory_space<vmem>>)
      %add3A_780 = arith.constant 0 : i32
      %add3A_781 = arith.addi %add3A_780, %mul3A_718 : i32
      %add3A_782 = arith.constant 1 : i32
      %add3A_783 = arith.addi %add3A_781, %add3A_782 : i32
      %run_scoped3A_784 = arith.constant 1 : i32
      "tpu.region"() ({
        %run_scoped3A_785 = tpu.sem_alloc : memref<!tpu.dma_semaphore, #tpu.memory_space<semaphore_mem>>
        %dma_start3A_786 = arith.constant 0 : i32
        %dma_start3A_787 = arith.constant 0 : i32
        %dma_start3A_788 = tpu.memref_slice %arg10[%run_scoped3A_784, %dma_start3A_786, %dma_start3A_787] : memref<2x128x128xf32, #tpu.memory_space<vmem>> -> memref<1x128x128xf32, #tpu.memory_space<vmem>>
        %dma_start3A_789 = tpu.memref_squeeze %dma_start3A_788 : memref<1x128x128xf32, #tpu.memory_space<vmem>> -> memref<128x128xf32, #tpu.memory_space<vmem>>
        %dma_start3A_790 = arith.constant 0 : i32
        %dma_start3A_791 = tpu.memref_slice %arg9[%add3A_783, %dma_start3A_790] : memref<56x128xi32, #tpu.memory_space<vmem>> -> memref<1x128xi32, #tpu.memory_space<vmem>>
        %dma_start3A_792 = tpu.memref_squeeze %dma_start3A_791 : memref<1x128xi32, #tpu.memory_space<vmem>> -> memref<128xi32, #tpu.memory_space<vmem>>
        %dma_start3A_793 = arith.constant 0 : i32
        %dma_start3A_794 = arith.constant 0 : i32
        %dma_start3A_795 = tpu.memref_slice %arg12[%dma_start3A_793, %dma_start3A_794] : memref<5120x128xf32, #tpu.memory_space<vmem_shared>> -> memref<5120x128xf32, #tpu.memory_space<vmem_shared>>
        tpu.enqueue_indirect_dma source(%dma_start3A_789 : memref<128x128xf32, #tpu.memory_space<vmem>>) target(%dma_start3A_795 : memref<5120x128xf32, #tpu.memory_space<vmem_shared>>) offsets(%dma_start3A_792 : memref<128xi32, #tpu.memory_space<vmem>>) semaphore(%run_scoped3A_785 : memref<!tpu.dma_semaphore, #tpu.memory_space<semaphore_mem>>) {add = true}
        %dma_wait3A_796 = arith.constant 0 : i32
        %dma_wait3A_797 = arith.constant 0 : i32
        %dma_wait3A_798 = tpu.memref_slice %arg10[%run_scoped3A_784, %dma_wait3A_796, %dma_wait3A_797] : memref<2x128x128xf32, #tpu.memory_space<vmem>> -> memref<1x128x128xf32, #tpu.memory_space<vmem>>
        %dma_wait3A_799 = tpu.memref_squeeze %dma_wait3A_798 : memref<1x128x128xf32, #tpu.memory_space<vmem>> -> memref<128x128xf32, #tpu.memory_space<vmem>>
        %dma_wait3A_800 = arith.constant 0 : i32
        %dma_wait3A_801 = tpu.memref_slice %arg9[%add3A_783, %dma_wait3A_800] : memref<56x128xi32, #tpu.memory_space<vmem>> -> memref<1x128xi32, #tpu.memory_space<vmem>>
        %dma_wait3A_802 = tpu.memref_squeeze %dma_wait3A_801 : memref<1x128xi32, #tpu.memory_space<vmem>> -> memref<128xi32, #tpu.memory_space<vmem>>
        %dma_wait3A_803 = arith.constant 0 : i32
        %dma_wait3A_804 = arith.constant 0 : i32
        %dma_wait3A_805 = tpu.memref_slice %arg12[%dma_wait3A_803, %dma_wait3A_804] : memref<5120x128xf32, #tpu.memory_space<vmem_shared>> -> memref<5120x128xf32, #tpu.memory_space<vmem_shared>>
        tpu.wait_indirect_dma semaphore(%run_scoped3A_785 : memref<!tpu.dma_semaphore, #tpu.memory_space<semaphore_mem>>) src(%dma_wait3A_799 : memref<128x128xf32, #tpu.memory_space<vmem>>) dst(%dma_wait3A_805 : memref<5120x128xf32, #tpu.memory_space<vmem_shared>>)
        tpu.yield
      }) : () -> ()
    }
    %while3A_573 = arith.constant 1 : i32
    scf.for %while3A_716 = %while3A_571 to %while3A_567 step %while3A_573  : i32 {
      %mul3A_717 = arith.constant 2 : i32
      %mul3A_718 = arith.muli %mul3A_717, %while3A_716 : i32
      %add3A_719 = arith.constant 1 : i32
      %add3A_720 = arith.addi %mul3A_718, %add3A_719 : i32
      %add3A_721 = arith.constant 0 : i32
      %add3A_722 = arith.addi %add3A_721, %add3A_720 : i32
      %dma_start3A_723 = arith.constant 1 : i32
      %dma_start3A_724 = arith.constant 0 : i32
      %dma_start3A_725 = arith.constant 0 : i32
      %dma_start3A_726 = tpu.memref_slice %arg10[%dma_start3A_723, %dma_start3A_724, %dma_start3A_725] : memref<2x128x128xf32, #tpu.memory_space<vmem>> -> memref<1x128x128xf32, #tpu.memory_space<vmem>>
      %dma_start3A_727 = tpu.memref_squeeze %dma_start3A_726 : memref<1x128x128xf32, #tpu.memory_space<vmem>> -> memref<128x128xf32, #tpu.memory_space<vmem>>
      %dma_start3A_728 = arith.constant 0 : i32
      %dma_start3A_729 = tpu.memref_slice %arg8[%add3A_722, %dma_start3A_728] : memref<56x128xi32, #tpu.memory_space<vmem>> -> memref<1x128xi32, #tpu.memory_space<vmem>>
      %dma_start3A_730 = tpu.memref_squeeze %dma_start3A_729 : memref<1x128xi32, #tpu.memory_space<vmem>> -> memref<128xi32, #tpu.memory_space<vmem>>
      %dma_start3A_731 = arith.constant 0 : i32
      %dma_start3A_732 = arith.constant 0 : i32
      %dma_start3A_733 = tpu.memref_slice %arg11[%dma_start3A_731, %dma_start3A_732] : memref<5120x128xf32, #tpu.memory_space<vmem_shared>> -> memref<5120x128xf32, #tpu.memory_space<vmem_shared>>
      tpu.enqueue_indirect_dma source(%dma_start3A_733 : memref<5120x128xf32, #tpu.memory_space<vmem_shared>>) target(%dma_start3A_727 : memref<128x128xf32, #tpu.memory_space<vmem>>) offsets(%dma_start3A_730 : memref<128xi32, #tpu.memory_space<vmem>>) semaphore(%arg15 : memref<!tpu.dma_semaphore, #tpu.memory_space<semaphore_mem>>)
      %add3A_734 = arith.constant 0 : i32
      %add3A_735 = arith.addi %add3A_734, %mul3A_718 : i32
      %dma_wait3A_736 = arith.constant 0 : i32
      %dma_wait3A_737 = arith.constant 0 : i32
      %dma_wait3A_738 = arith.constant 0 : i32
      %dma_wait3A_739 = tpu.memref_slice %arg10[%dma_wait3A_736, %dma_wait3A_737, %dma_wait3A_738] : memref<2x128x128xf32, #tpu.memory_space<vmem>> -> memref<1x128x128xf32, #tpu.memory_space<vmem>>
      %dma_wait3A_740 = tpu.memref_squeeze %dma_wait3A_739 : memref<1x128x128xf32, #tpu.memory_space<vmem>> -> memref<128x128xf32, #tpu.memory_space<vmem>>
      %dma_wait3A_741 = arith.constant 0 : i32
      %dma_wait3A_742 = tpu.memref_slice %arg8[%add3A_735, %dma_wait3A_741] : memref<56x128xi32, #tpu.memory_space<vmem>> -> memref<1x128xi32, #tpu.memory_space<vmem>>
      %dma_wait3A_743 = tpu.memref_squeeze %dma_wait3A_742 : memref<1x128xi32, #tpu.memory_space<vmem>> -> memref<128xi32, #tpu.memory_space<vmem>>
      %dma_wait3A_744 = arith.constant 0 : i32
      %dma_wait3A_745 = arith.constant 0 : i32
      %dma_wait3A_746 = tpu.memref_slice %arg11[%dma_wait3A_744, %dma_wait3A_745] : memref<5120x128xf32, #tpu.memory_space<vmem_shared>> -> memref<5120x128xf32, #tpu.memory_space<vmem_shared>>
      tpu.wait_indirect_dma semaphore(%arg14 : memref<!tpu.dma_semaphore, #tpu.memory_space<semaphore_mem>>) src(%dma_wait3A_746 : memref<5120x128xf32, #tpu.memory_space<vmem_shared>>) dst(%dma_wait3A_740 : memref<128x128xf32, #tpu.memory_space<vmem>>)
      %add3A_747 = arith.constant 0 : i32
      %add3A_748 = arith.addi %add3A_747, %mul3A_718 : i32
      %run_scoped3A_749 = arith.constant 0 : i32
      "tpu.region"() ({
        %run_scoped3A_785 = tpu.sem_alloc : memref<!tpu.dma_semaphore, #tpu.memory_space<semaphore_mem>>
        %dma_start3A_786 = arith.constant 0 : i32
        %dma_start3A_787 = arith.constant 0 : i32
        %dma_start3A_788 = tpu.memref_slice %arg10[%run_scoped3A_749, %dma_start3A_786, %dma_start3A_787] : memref<2x128x128xf32, #tpu.memory_space<vmem>> -> memref<1x128x128xf32, #tpu.memory_space<vmem>>
        %dma_start3A_789 = tpu.memref_squeeze %dma_start3A_788 : memref<1x128x128xf32, #tpu.memory_space<vmem>> -> memref<128x128xf32, #tpu.memory_space<vmem>>
        %dma_start3A_790 = arith.constant 0 : i32
        %dma_start3A_791 = tpu.memref_slice %arg9[%add3A_748, %dma_start3A_790] : memref<56x128xi32, #tpu.memory_space<vmem>> -> memref<1x128xi32, #tpu.memory_space<vmem>>
        %dma_start3A_792 = tpu.memref_squeeze %dma_start3A_791 : memref<1x128xi32, #tpu.memory_space<vmem>> -> memref<128xi32, #tpu.memory_space<vmem>>
        %dma_start3A_793 = arith.constant 0 : i32
        %dma_start3A_794 = arith.constant 0 : i32
        %dma_start3A_795 = tpu.memref_slice %arg12[%dma_start3A_793, %dma_start3A_794] : memref<5120x128xf32, #tpu.memory_space<vmem_shared>> -> memref<5120x128xf32, #tpu.memory_space<vmem_shared>>
        tpu.enqueue_indirect_dma source(%dma_start3A_789 : memref<128x128xf32, #tpu.memory_space<vmem>>) target(%dma_start3A_795 : memref<5120x128xf32, #tpu.memory_space<vmem_shared>>) offsets(%dma_start3A_792 : memref<128xi32, #tpu.memory_space<vmem>>) semaphore(%run_scoped3A_785 : memref<!tpu.dma_semaphore, #tpu.memory_space<semaphore_mem>>) {add = true}
        %dma_wait3A_796 = arith.constant 0 : i32
        %dma_wait3A_797 = arith.constant 0 : i32
        %dma_wait3A_798 = tpu.memref_slice %arg10[%run_scoped3A_749, %dma_wait3A_796, %dma_wait3A_797] : memref<2x128x128xf32, #tpu.memory_space<vmem>> -> memref<1x128x128xf32, #tpu.memory_space<vmem>>
        %dma_wait3A_799 = tpu.memref_squeeze %dma_wait3A_798 : memref<1x128x128xf32, #tpu.memory_space<vmem>> -> memref<128x128xf32, #tpu.memory_space<vmem>>
        %dma_wait3A_800 = arith.constant 0 : i32
        %dma_wait3A_801 = tpu.memref_slice %arg9[%add3A_748, %dma_wait3A_800] : memref<56x128xi32, #tpu.memory_space<vmem>> -> memref<1x128xi32, #tpu.memory_space<vmem>>
        %dma_wait3A_802 = tpu.memref_squeeze %dma_wait3A_801 : memref<1x128xi32, #tpu.memory_space<vmem>> -> memref<128xi32, #tpu.memory_space<vmem>>
        %dma_wait3A_803 = arith.constant 0 : i32
        %dma_wait3A_804 = arith.constant 0 : i32
        %dma_wait3A_805 = tpu.memref_slice %arg12[%dma_wait3A_803, %dma_wait3A_804] : memref<5120x128xf32, #tpu.memory_space<vmem_shared>> -> memref<5120x128xf32, #tpu.memory_space<vmem_shared>>
        tpu.wait_indirect_dma semaphore(%run_scoped3A_785 : memref<!tpu.dma_semaphore, #tpu.memory_space<semaphore_mem>>) src(%dma_wait3A_799 : memref<128x128xf32, #tpu.memory_space<vmem>>) dst(%dma_wait3A_805 : memref<5120x128xf32, #tpu.memory_space<vmem_shared>>)
        tpu.yield
      }) : () -> ()
      %add3A_750 = arith.constant 2 : i32
      %add3A_751 = arith.addi %mul3A_718, %add3A_750 : i32
      %add3A_752 = arith.constant 0 : i32
      %add3A_753 = arith.addi %add3A_752, %add3A_751 : i32
      %dma_start3A_754 = arith.constant 0 : i32
      %dma_start3A_755 = arith.constant 0 : i32
      %dma_start3A_756 = arith.constant 0 : i32
      %dma_start3A_757 = tpu.memref_slice %arg10[%dma_start3A_754, %dma_start3A_755, %dma_start3A_756] : memref<2x128x128xf32, #tpu.memory_space<vmem>> -> memref<1x128x128xf32, #tpu.memory_space<vmem>>
      %dma_start3A_758 = tpu.memref_squeeze %dma_start3A_757 : memref<1x128x128xf32, #tpu.memory_space<vmem>> -> memref<128x128xf32, #tpu.memory_space<vmem>>
      %dma_start3A_759 = arith.constant 0 : i32
      %dma_start3A_760 = tpu.memref_slice %arg8[%add3A_753, %dma_start3A_759] : memref<56x128xi32, #tpu.memory_space<vmem>> -> memref<1x128xi32, #tpu.memory_space<vmem>>
      %dma_start3A_761 = tpu.memref_squeeze %dma_start3A_760 : memref<1x128xi32, #tpu.memory_space<vmem>> -> memref<128xi32, #tpu.memory_space<vmem>>
      %dma_start3A_762 = arith.constant 0 : i32
      %dma_start3A_763 = arith.constant 0 : i32
      %dma_start3A_764 = tpu.memref_slice %arg11[%dma_start3A_762, %dma_start3A_763] : memref<5120x128xf32, #tpu.memory_space<vmem_shared>> -> memref<5120x128xf32, #tpu.memory_space<vmem_shared>>
      tpu.enqueue_indirect_dma source(%dma_start3A_764 : memref<5120x128xf32, #tpu.memory_space<vmem_shared>>) target(%dma_start3A_758 : memref<128x128xf32, #tpu.memory_space<vmem>>) offsets(%dma_start3A_761 : memref<128xi32, #tpu.memory_space<vmem>>) semaphore(%arg14 : memref<!tpu.dma_semaphore, #tpu.memory_space<semaphore_mem>>)
      %add3A_765 = arith.constant 1 : i32
      %add3A_766 = arith.addi %mul3A_718, %add3A_765 : i32
      %add3A_767 = arith.constant 0 : i32
      %add3A_768 = arith.addi %add3A_767, %add3A_766 : i32
      %dma_wait3A_769 = arith.constant 1 : i32
      %dma_wait3A_770 = arith.constant 0 : i32
      %dma_wait3A_771 = arith.constant 0 : i32
      %dma_wait3A_772 = tpu.memref_slice %arg10[%dma_wait3A_769, %dma_wait3A_770, %dma_wait3A_771] : memref<2x128x128xf32, #tpu.memory_space<vmem>> -> memref<1x128x128xf32, #tpu.memory_space<vmem>>
      %dma_wait3A_773 = tpu.memref_squeeze %dma_wait3A_772 : memref<1x128x128xf32, #tpu.memory_space<vmem>> -> memref<128x128xf32, #tpu.memory_space<vmem>>
      %dma_wait3A_774 = arith.constant 0 : i32
      %dma_wait3A_775 = tpu.memref_slice %arg8[%add3A_768, %dma_wait3A_774] : memref<56x128xi32, #tpu.memory_space<vmem>> -> memref<1x128xi32, #tpu.memory_space<vmem>>
      %dma_wait3A_776 = tpu.memref_squeeze %dma_wait3A_775 : memref<1x128xi32, #tpu.memory_space<vmem>> -> memref<128xi32, #tpu.memory_space<vmem>>
      %dma_wait3A_777 = arith.constant 0 : i32
      %dma_wait3A_778 = arith.constant 0 : i32
      %dma_wait3A_779 = tpu.memref_slice %arg11[%dma_wait3A_777, %dma_wait3A_778] : memref<5120x128xf32, #tpu.memory_space<vmem_shared>> -> memref<5120x128xf32, #tpu.memory_space<vmem_shared>>
      tpu.wait_indirect_dma semaphore(%arg15 : memref<!tpu.dma_semaphore, #tpu.memory_space<semaphore_mem>>) src(%dma_wait3A_779 : memref<5120x128xf32, #tpu.memory_space<vmem_shared>>) dst(%dma_wait3A_773 : memref<128x128xf32, #tpu.memory_space<vmem>>)
      %add3A_780 = arith.constant 0 : i32
      %add3A_781 = arith.addi %add3A_780, %mul3A_718 : i32
      %add3A_782 = arith.constant 1 : i32
      %add3A_783 = arith.addi %add3A_781, %add3A_782 : i32
      %run_scoped3A_784 = arith.constant 1 : i32
      "tpu.region"() ({
        %run_scoped3A_785 = tpu.sem_alloc : memref<!tpu.dma_semaphore, #tpu.memory_space<semaphore_mem>>
        %dma_start3A_786 = arith.constant 0 : i32
        %dma_start3A_787 = arith.constant 0 : i32
        %dma_start3A_788 = tpu.memref_slice %arg10[%run_scoped3A_784, %dma_start3A_786, %dma_start3A_787] : memref<2x128x128xf32, #tpu.memory_space<vmem>> -> memref<1x128x128xf32, #tpu.memory_space<vmem>>
        %dma_start3A_789 = tpu.memref_squeeze %dma_start3A_788 : memref<1x128x128xf32, #tpu.memory_space<vmem>> -> memref<128x128xf32, #tpu.memory_space<vmem>>
        %dma_start3A_790 = arith.constant 0 : i32
        %dma_start3A_791 = tpu.memref_slice %arg9[%add3A_783, %dma_start3A_790] : memref<56x128xi32, #tpu.memory_space<vmem>> -> memref<1x128xi32, #tpu.memory_space<vmem>>
        %dma_start3A_792 = tpu.memref_squeeze %dma_start3A_791 : memref<1x128xi32, #tpu.memory_space<vmem>> -> memref<128xi32, #tpu.memory_space<vmem>>
        %dma_start3A_793 = arith.constant 0 : i32
        %dma_start3A_794 = arith.constant 0 : i32
        %dma_start3A_795 = tpu.memref_slice %arg12[%dma_start3A_793, %dma_start3A_794] : memref<5120x128xf32, #tpu.memory_space<vmem_shared>> -> memref<5120x128xf32, #tpu.memory_space<vmem_shared>>
        tpu.enqueue_indirect_dma source(%dma_start3A_789 : memref<128x128xf32, #tpu.memory_space<vmem>>) target(%dma_start3A_795 : memref<5120x128xf32, #tpu.memory_space<vmem_shared>>) offsets(%dma_start3A_792 : memref<128xi32, #tpu.memory_space<vmem>>) semaphore(%run_scoped3A_785 : memref<!tpu.dma_semaphore, #tpu.memory_space<semaphore_mem>>) {add = true}
        %dma_wait3A_796 = arith.constant 0 : i32
        %dma_wait3A_797 = arith.constant 0 : i32
        %dma_wait3A_798 = tpu.memref_slice %arg10[%run_scoped3A_784, %dma_wait3A_796, %dma_wait3A_797] : memref<2x128x128xf32, #tpu.memory_space<vmem>> -> memref<1x128x128xf32, #tpu.memory_space<vmem>>
        %dma_wait3A_799 = tpu.memref_squeeze %dma_wait3A_798 : memref<1x128x128xf32, #tpu.memory_space<vmem>> -> memref<128x128xf32, #tpu.memory_space<vmem>>
        %dma_wait3A_800 = arith.constant 0 : i32
        %dma_wait3A_801 = tpu.memref_slice %arg9[%add3A_783, %dma_wait3A_800] : memref<56x128xi32, #tpu.memory_space<vmem>> -> memref<1x128xi32, #tpu.memory_space<vmem>>
        %dma_wait3A_802 = tpu.memref_squeeze %dma_wait3A_801 : memref<1x128xi32, #tpu.memory_space<vmem>> -> memref<128xi32, #tpu.memory_space<vmem>>
        %dma_wait3A_803 = arith.constant 0 : i32
        %dma_wait3A_804 = arith.constant 0 : i32
        %dma_wait3A_805 = tpu.memref_slice %arg12[%dma_wait3A_803, %dma_wait3A_804] : memref<5120x128xf32, #tpu.memory_space<vmem_shared>> -> memref<5120x128xf32, #tpu.memory_space<vmem_shared>>
        tpu.wait_indirect_dma semaphore(%run_scoped3A_785 : memref<!tpu.dma_semaphore, #tpu.memory_space<semaphore_mem>>) src(%dma_wait3A_799 : memref<128x128xf32, #tpu.memory_space<vmem>>) dst(%dma_wait3A_805 : memref<5120x128xf32, #tpu.memory_space<vmem_shared>>)
        tpu.yield
      }) : () -> ()
    }
    %dma_wait3A_574 = arith.constant 0 : i32
    %dma_wait3A_575 = arith.constant 0 : i32
    %dma_wait3A_576 = arith.constant 0 : i32
    %dma_wait3A_577 = arith.constant 0 : i32
    %dma_wait3A_578 = tpu.memref_slice %arg10[%dma_wait3A_575, %dma_wait3A_576, %dma_wait3A_577] : memref<2x128x128xf32, #tpu.memory_space<vmem>> -> memref<1x128x128xf32, #tpu.memory_space<vmem>>
    %dma_wait3A_579 = tpu.memref_squeeze %dma_wait3A_578 : memref<1x128x128xf32, #tpu.memory_space<vmem>> -> memref<128x128xf32, #tpu.memory_space<vmem>>
    %dma_wait3A_580 = arith.constant 0 : i32
    %dma_wait3A_581 = tpu.memref_slice %arg8[%dma_wait3A_574, %dma_wait3A_580] : memref<56x128xi32, #tpu.memory_space<vmem>> -> memref<1x128xi32, #tpu.memory_space<vmem>>
    %dma_wait3A_582 = tpu.memref_squeeze %dma_wait3A_581 : memref<1x128xi32, #tpu.memory_space<vmem>> -> memref<128xi32, #tpu.memory_space<vmem>>
    %dma_wait3A_583 = arith.constant 0 : i32
    %dma_wait3A_584 = arith.constant 0 : i32
    %dma_wait3A_585 = tpu.memref_slice %arg11[%dma_wait3A_583, %dma_wait3A_584] : memref<5120x128xf32, #tpu.memory_space<vmem_shared>> -> memref<5120x128xf32, #tpu.memory_space<vmem_shared>>
    tpu.wait_indirect_dma semaphore(%arg14 : memref<!tpu.dma_semaphore, #tpu.memory_space<semaphore_mem>>) src(%dma_wait3A_585 : memref<5120x128xf32, #tpu.memory_space<vmem_shared>>) dst(%dma_wait3A_579 : memref<128x128xf32, #tpu.memory_space<vmem>>)
    %add3A_586 = arith.constant 2 : i32
    %add3A_587 = arith.addi %add3A_586, %arg0 : i32
    %add3A_588 = arith.constant 16 : i32
    %add3A_589 = arith.addi %arg1, %add3A_588 : i32
    %dma_wait3A_590 = arith.constant 28 : i32
    %dma_wait3A_591 = arith.constant 0 : i32
    %dma_wait3A_592 = tpu.memref_slice %arg8[%dma_wait3A_590, %dma_wait3A_591] : memref<56x128xi32, #tpu.memory_space<vmem>> -> memref<28x128xi32, #tpu.memory_space<vmem>>
    %dma_wait3A_593 = arith.constant 0 : i32
    %dma_wait3A_594 = arith.constant 0 : i32
    %dma_wait3A_595 = arith.constant 0 : i32
    %dma_wait3A_596 = tpu.memref_slice %arg3[%add3A_589, %dma_wait3A_593, %dma_wait3A_594, %dma_wait3A_595] : memref<32x4x28x128xi32, #tpu.memory_space<hbm>> -> memref<1x4x28x128xi32, #tpu.memory_space<hbm>>
    %dma_wait3A_597 = tpu.memref_squeeze %dma_wait3A_596 : memref<1x4x28x128xi32, #tpu.memory_space<hbm>> -> memref<4x28x128xi32, #tpu.memory_space<hbm>>
    %dma_wait3A_598 = arith.constant 0 : i32
    %dma_wait3A_599 = arith.constant 0 : i32
    %dma_wait3A_600 = tpu.memref_slice %dma_wait3A_597[%add3A_587, %dma_wait3A_598, %dma_wait3A_599] : memref<4x28x128xi32, #tpu.memory_space<hbm>> -> memref<1x28x128xi32, #tpu.memory_space<hbm>>
    %dma_wait3A_601 = tpu.memref_squeeze %dma_wait3A_600 : memref<1x28x128xi32, #tpu.memory_space<hbm>> -> memref<28x128xi32, #tpu.memory_space<hbm>>
    %dma_wait3A_602 = arith.constant 28 : i32
    %dma_wait3A_603 = arith.constant 0 : i32
    %dma_wait3A_604 = tpu.memref_slice %arg8[%dma_wait3A_602, %dma_wait3A_603] : memref<56x128xi32, #tpu.memory_space<vmem>> -> memref<28x128xi32, #tpu.memory_space<vmem>>
    %dma_wait3A_605 = arith.constant 0 : i32
    %dma_wait3A_606 = arith.constant 0 : i32
    %dma_wait3A_607 = arith.constant 0 : i32
    %dma_wait3A_608 = tpu.memref_slice %arg3[%add3A_589, %dma_wait3A_605, %dma_wait3A_606, %dma_wait3A_607] : memref<32x4x28x128xi32, #tpu.memory_space<hbm>> -> memref<1x4x28x128xi32, #tpu.memory_space<hbm>>
    %dma_wait3A_609 = tpu.memref_squeeze %dma_wait3A_608 : memref<1x4x28x128xi32, #tpu.memory_space<hbm>> -> memref<4x28x128xi32, #tpu.memory_space<hbm>>
    %dma_wait3A_610 = arith.constant 0 : i32
    %dma_wait3A_611 = arith.constant 0 : i32
    %dma_wait3A_612 = tpu.memref_slice %dma_wait3A_609[%add3A_587, %dma_wait3A_610, %dma_wait3A_611] : memref<4x28x128xi32, #tpu.memory_space<hbm>> -> memref<1x28x128xi32, #tpu.memory_space<hbm>>
    %dma_wait3A_613 = tpu.memref_squeeze %dma_wait3A_612 : memref<1x28x128xi32, #tpu.memory_space<hbm>> -> memref<28x128xi32, #tpu.memory_space<hbm>>
    tpu.wait_dma2 semaphore(%arg16 : memref<!tpu.dma_semaphore, #tpu.memory_space<semaphore_mem>>) src(%dma_wait3A_613 : memref<28x128xi32, #tpu.memory_space<hbm>>) dst(%dma_wait3A_604 : memref<28x128xi32, #tpu.memory_space<vmem>>)
    %dma_wait3A_614 = arith.constant 28 : i32
    %dma_wait3A_615 = arith.constant 0 : i32
    %dma_wait3A_616 = tpu.memref_slice %arg9[%dma_wait3A_614, %dma_wait3A_615] : memref<56x128xi32, #tpu.memory_space<vmem>> -> memref<28x128xi32, #tpu.memory_space<vmem>>
    %dma_wait3A_617 = arith.constant 0 : i32
    %dma_wait3A_618 = arith.constant 0 : i32
    %dma_wait3A_619 = arith.constant 0 : i32
    %dma_wait3A_620 = tpu.memref_slice %arg4[%add3A_589, %dma_wait3A_617, %dma_wait3A_618, %dma_wait3A_619] : memref<32x4x28x128xi32, #tpu.memory_space<hbm>> -> memref<1x4x28x128xi32, #tpu.memory_space<hbm>>
    %dma_wait3A_621 = tpu.memref_squeeze %dma_wait3A_620 : memref<1x4x28x128xi32, #tpu.memory_space<hbm>> -> memref<4x28x128xi32, #tpu.memory_space<hbm>>
    %dma_wait3A_622 = arith.constant 0 : i32
    %dma_wait3A_623 = arith.constant 0 : i32
    %dma_wait3A_624 = tpu.memref_slice %dma_wait3A_621[%add3A_587, %dma_wait3A_622, %dma_wait3A_623] : memref<4x28x128xi32, #tpu.memory_space<hbm>> -> memref<1x28x128xi32, #tpu.memory_space<hbm>>
    %dma_wait3A_625 = tpu.memref_squeeze %dma_wait3A_624 : memref<1x28x128xi32, #tpu.memory_space<hbm>> -> memref<28x128xi32, #tpu.memory_space<hbm>>
    %dma_wait3A_626 = arith.constant 28 : i32
    %dma_wait3A_627 = arith.constant 0 : i32
    %dma_wait3A_628 = tpu.memref_slice %arg9[%dma_wait3A_626, %dma_wait3A_627] : memref<56x128xi32, #tpu.memory_space<vmem>> -> memref<28x128xi32, #tpu.memory_space<vmem>>
    %dma_wait3A_629 = arith.constant 0 : i32
    %dma_wait3A_630 = arith.constant 0 : i32
    %dma_wait3A_631 = arith.constant 0 : i32
    %dma_wait3A_632 = tpu.memref_slice %arg4[%add3A_589, %dma_wait3A_629, %dma_wait3A_630, %dma_wait3A_631] : memref<32x4x28x128xi32, #tpu.memory_space<hbm>> -> memref<1x4x28x128xi32, #tpu.memory_space<hbm>>
    %dma_wait3A_633 = tpu.memref_squeeze %dma_wait3A_632 : memref<1x4x28x128xi32, #tpu.memory_space<hbm>> -> memref<4x28x128xi32, #tpu.memory_space<hbm>>
    %dma_wait3A_634 = arith.constant 0 : i32
    %dma_wait3A_635 = arith.constant 0 : i32
    %dma_wait3A_636 = tpu.memref_slice %dma_wait3A_633[%add3A_587, %dma_wait3A_634, %dma_wait3A_635] : memref<4x28x128xi32, #tpu.memory_space<hbm>> -> memref<1x28x128xi32, #tpu.memory_space<hbm>>
    %dma_wait3A_637 = tpu.memref_squeeze %dma_wait3A_636 : memref<1x28x128xi32, #tpu.memory_space<hbm>> -> memref<28x128xi32, #tpu.memory_space<hbm>>
    tpu.wait_dma2 semaphore(%arg16 : memref<!tpu.dma_semaphore, #tpu.memory_space<semaphore_mem>>) src(%dma_wait3A_637 : memref<28x128xi32, #tpu.memory_space<hbm>>) dst(%dma_wait3A_628 : memref<28x128xi32, #tpu.memory_space<vmem>>)
    %add3A_638 = arith.constant 2 : i32
    %add3A_639 = arith.addi %add3A_638, %arg0 : i32
    %eq3A_640 = vector.broadcast %add3A_639 : i32 to vector<16xi32>
    %eq3A_641 = arith.cmpi eq, %iota3A, %eq3A_640 : vector<16xi32>
    %get3A_642 = arith.constant 1 : i32
    %get3A_643 = arith.index_cast %get3A_642 : i32 to index
    %get3A_644 = arith.constant 0 : index
    %get3A_645 = tpu.vector_load %arg13[%get3A_643, %get3A_644] {strides = array<i32>} : memref<2x16xi32, #tpu.memory_space<vmem>>, vector<16xi32>,
    %jit3A_646 = arith.constant 0 : i32
    %broadcast_in_dim3A_647 = vector.broadcast %jit3A_646 : i32 to vector<16xi32>
    %select_n3A_648 = arith.select %eq3A_641, %get3A_645, %broadcast_in_dim3A_647 : vector<16xi1>, vector<16xi32>
    %reduce_sum3A_649 = arith.constant true
    %reduce_sum3A_650 = vector.broadcast %reduce_sum3A_649 : i1 to vector<16xi1>
    %reduce_sum3A_651 = tpu.scan <sum>, %select_n3A_648 masked %reduce_sum3A_650 : vector<16xi32>, vector<16xi1> -> vector<16xi32>
    %reduce_sum3A_652 = vector.extract %reduce_sum3A_651[15] : i32 from vector<16xi32>
    %dma_start3A_653 = arith.constant 28 : i32
    %dma_start3A_654 = arith.constant 0 : i32
    %dma_start3A_655 = arith.constant 0 : i32
    %dma_start3A_656 = arith.constant 0 : i32
    %dma_start3A_657 = tpu.memref_slice %arg10[%dma_start3A_654, %dma_start3A_655, %dma_start3A_656] : memref<2x128x128xf32, #tpu.memory_space<vmem>> -> memref<1x128x128xf32, #tpu.memory_space<vmem>>
    %dma_start3A_658 = tpu.memref_squeeze %dma_start3A_657 : memref<1x128x128xf32, #tpu.memory_space<vmem>> -> memref<128x128xf32, #tpu.memory_space<vmem>>
    %dma_start3A_659 = arith.constant 0 : i32
    %dma_start3A_660 = tpu.memref_slice %arg8[%dma_start3A_653, %dma_start3A_659] : memref<56x128xi32, #tpu.memory_space<vmem>> -> memref<1x128xi32, #tpu.memory_space<vmem>>
    %dma_start3A_661 = tpu.memref_squeeze %dma_start3A_660 : memref<1x128xi32, #tpu.memory_space<vmem>> -> memref<128xi32, #tpu.memory_space<vmem>>
    %dma_start3A_662 = arith.constant 0 : i32
    %dma_start3A_663 = arith.constant 0 : i32
    %dma_start3A_664 = tpu.memref_slice %arg11[%dma_start3A_662, %dma_start3A_663] : memref<5120x128xf32, #tpu.memory_space<vmem_shared>> -> memref<5120x128xf32, #tpu.memory_space<vmem_shared>>
    tpu.enqueue_indirect_dma source(%dma_start3A_664 : memref<5120x128xf32, #tpu.memory_space<vmem_shared>>) target(%dma_start3A_658 : memref<128x128xf32, #tpu.memory_space<vmem>>) offsets(%dma_start3A_661 : memref<128xi32, #tpu.memory_space<vmem>>) semaphore(%arg14 : memref<!tpu.dma_semaphore, #tpu.memory_space<semaphore_mem>>)
    %jit3A_665 = arith.constant 2 : i32
    %div3A_666 = arith.divsi %reduce_sum3A_652, %jit3A_665 : i32
    %sign3A_667 = arith.constant 0 : i32
    %sign3A_668 = arith.cmpi sgt, %reduce_sum3A_652, %sign3A_667 : i32
    %sign3A_669 = arith.extui %sign3A_668 : i1 to i32
    %sign3A_670 = arith.constant 0 : i32
    %sign3A_671 = arith.cmpi slt, %reduce_sum3A_652, %sign3A_670 : i32
    %sign3A_672 = arith.extui %sign3A_671 : i1 to i32
    %sign3A_673 = arith.subi %sign3A_669, %sign3A_672 : i32
    %sign3A_674 = arith.constant 0 : i32
    %sign3A_675 = arith.cmpi sgt, %jit3A_665, %sign3A_674 : i32
    %sign3A_676 = arith.extui %sign3A_675 : i1 to i32
    %sign3A_677 = arith.constant 0 : i32
    %sign3A_678 = arith.cmpi slt, %jit3A_665, %sign3A_677 : i32
    %sign3A_679 = arith.extui %sign3A_678 : i1 to i32
    %sign3A_680 = arith.subi %sign3A_676, %sign3A_679 : i32
    %ne3A_681 = arith.cmpi ne, %sign3A_673, %sign3A_680 : i32
    %rem3A_682 = arith.remsi %reduce_sum3A_652, %jit3A_665 : i32
    %ne3A_683 = arith.constant 0 : i32
    %ne3A_684 = arith.cmpi ne, %rem3A_682, %ne3A_683 : i32
    %and3A_685 = arith.andi %ne3A_681, %ne3A_684 : i1
    %sub3A_686 = arith.constant 1 : i32
    %sub3A_687 = arith.subi %div3A_666, %sub3A_686 : i32
    %select_n3A_688 = arith.select %and3A_685, %sub3A_687, %div3A_666 : i32
    %while3A_689 = arith.constant 0 : i32
    %while3A_690 = arith.constant 0 : i32
    %while3A_691 = arith.subi %select_n3A_688, %while3A_690 : i32
    %while3A_692 = arith.addi %while3A_690, %while3A_691 : i32
    %while3A_693 = arith.constant 1 : i32
    %while3A_694 = arith.divsi %while3A_691, %while3A_693 : i32
    %while3A_695 = arith.muli %while3A_694, %while3A_693 : i32
    %while3A_696 = arith.addi %while3A_690, %while3A_695 : i32
    %while3A_697 = arith.constant 1 : i32
    scf.for %while3A_716 = %while3A_690 to %while3A_696 step %while3A_697  : i32 {
      %mul3A_717 = arith.constant 2 : i32
      %mul3A_718 = arith.muli %mul3A_717, %while3A_716 : i32
      %add3A_719 = arith.constant 1 : i32
      %add3A_720 = arith.addi %mul3A_718, %add3A_719 : i32
      %add3A_721 = arith.constant 28 : i32
      %add3A_722 = arith.addi %add3A_721, %add3A_720 : i32
      %dma_start3A_723 = arith.constant 1 : i32
      %dma_start3A_724 = arith.constant 0 : i32
      %dma_start3A_725 = arith.constant 0 : i32
      %dma_start3A_726 = tpu.memref_slice %arg10[%dma_start3A_723, %dma_start3A_724, %dma_start3A_725] : memref<2x128x128xf32, #tpu.memory_space<vmem>> -> memref<1x128x128xf32, #tpu.memory_space<vmem>>
      %dma_start3A_727 = tpu.memref_squeeze %dma_start3A_726 : memref<1x128x128xf32, #tpu.memory_space<vmem>> -> memref<128x128xf32, #tpu.memory_space<vmem>>
      %dma_start3A_728 = arith.constant 0 : i32
      %dma_start3A_729 = tpu.memref_slice %arg8[%add3A_722, %dma_start3A_728] : memref<56x128xi32, #tpu.memory_space<vmem>> -> memref<1x128xi32, #tpu.memory_space<vmem>>
      %dma_start3A_730 = tpu.memref_squeeze %dma_start3A_729 : memref<1x128xi32, #tpu.memory_space<vmem>> -> memref<128xi32, #tpu.memory_space<vmem>>
      %dma_start3A_731 = arith.constant 0 : i32
      %dma_start3A_732 = arith.constant 0 : i32
      %dma_start3A_733 = tpu.memref_slice %arg11[%dma_start3A_731, %dma_start3A_732] : memref<5120x128xf32, #tpu.memory_space<vmem_shared>> -> memref<5120x128xf32, #tpu.memory_space<vmem_shared>>
      tpu.enqueue_indirect_dma source(%dma_start3A_733 : memref<5120x128xf32, #tpu.memory_space<vmem_shared>>) target(%dma_start3A_727 : memref<128x128xf32, #tpu.memory_space<vmem>>) offsets(%dma_start3A_730 : memref<128xi32, #tpu.memory_space<vmem>>) semaphore(%arg15 : memref<!tpu.dma_semaphore, #tpu.memory_space<semaphore_mem>>)
      %add3A_734 = arith.constant 28 : i32
      %add3A_735 = arith.addi %add3A_734, %mul3A_718 : i32
      %dma_wait3A_736 = arith.constant 0 : i32
      %dma_wait3A_737 = arith.constant 0 : i32
      %dma_wait3A_738 = arith.constant 0 : i32
      %dma_wait3A_739 = tpu.memref_slice %arg10[%dma_wait3A_736, %dma_wait3A_737, %dma_wait3A_738] : memref<2x128x128xf32, #tpu.memory_space<vmem>> -> memref<1x128x128xf32, #tpu.memory_space<vmem>>
      %dma_wait3A_740 = tpu.memref_squeeze %dma_wait3A_739 : memref<1x128x128xf32, #tpu.memory_space<vmem>> -> memref<128x128xf32, #tpu.memory_space<vmem>>
      %dma_wait3A_741 = arith.constant 0 : i32
      %dma_wait3A_742 = tpu.memref_slice %arg8[%add3A_735, %dma_wait3A_741] : memref<56x128xi32, #tpu.memory_space<vmem>> -> memref<1x128xi32, #tpu.memory_space<vmem>>
      %dma_wait3A_743 = tpu.memref_squeeze %dma_wait3A_742 : memref<1x128xi32, #tpu.memory_space<vmem>> -> memref<128xi32, #tpu.memory_space<vmem>>
      %dma_wait3A_744 = arith.constant 0 : i32
      %dma_wait3A_745 = arith.constant 0 : i32
      %dma_wait3A_746 = tpu.memref_slice %arg11[%dma_wait3A_744, %dma_wait3A_745] : memref<5120x128xf32, #tpu.memory_space<vmem_shared>> -> memref<5120x128xf32, #tpu.memory_space<vmem_shared>>
      tpu.wait_indirect_dma semaphore(%arg14 : memref<!tpu.dma_semaphore, #tpu.memory_space<semaphore_mem>>) src(%dma_wait3A_746 : memref<5120x128xf32, #tpu.memory_space<vmem_shared>>) dst(%dma_wait3A_740 : memref<128x128xf32, #tpu.memory_space<vmem>>)
      %add3A_747 = arith.constant 28 : i32
      %add3A_748 = arith.addi %add3A_747, %mul3A_718 : i32
      %run_scoped3A_749 = arith.constant 0 : i32
      "tpu.region"() ({
        %run_scoped3A_785 = tpu.sem_alloc : memref<!tpu.dma_semaphore, #tpu.memory_space<semaphore_mem>>
        %dma_start3A_786 = arith.constant 0 : i32
        %dma_start3A_787 = arith.constant 0 : i32
        %dma_start3A_788 = tpu.memref_slice %arg10[%run_scoped3A_749, %dma_start3A_786, %dma_start3A_787] : memref<2x128x128xf32, #tpu.memory_space<vmem>> -> memref<1x128x128xf32, #tpu.memory_space<vmem>>
        %dma_start3A_789 = tpu.memref_squeeze %dma_start3A_788 : memref<1x128x128xf32, #tpu.memory_space<vmem>> -> memref<128x128xf32, #tpu.memory_space<vmem>>
        %dma_start3A_790 = arith.constant 0 : i32
        %dma_start3A_791 = tpu.memref_slice %arg9[%add3A_748, %dma_start3A_790] : memref<56x128xi32, #tpu.memory_space<vmem>> -> memref<1x128xi32, #tpu.memory_space<vmem>>
        %dma_start3A_792 = tpu.memref_squeeze %dma_start3A_791 : memref<1x128xi32, #tpu.memory_space<vmem>> -> memref<128xi32, #tpu.memory_space<vmem>>
        %dma_start3A_793 = arith.constant 0 : i32
        %dma_start3A_794 = arith.constant 0 : i32
        %dma_start3A_795 = tpu.memref_slice %arg12[%dma_start3A_793, %dma_start3A_794] : memref<5120x128xf32, #tpu.memory_space<vmem_shared>> -> memref<5120x128xf32, #tpu.memory_space<vmem_shared>>
        tpu.enqueue_indirect_dma source(%dma_start3A_789 : memref<128x128xf32, #tpu.memory_space<vmem>>) target(%dma_start3A_795 : memref<5120x128xf32, #tpu.memory_space<vmem_shared>>) offsets(%dma_start3A_792 : memref<128xi32, #tpu.memory_space<vmem>>) semaphore(%run_scoped3A_785 : memref<!tpu.dma_semaphore, #tpu.memory_space<semaphore_mem>>) {add = true}
        %dma_wait3A_796 = arith.constant 0 : i32
        %dma_wait3A_797 = arith.constant 0 : i32
        %dma_wait3A_798 = tpu.memref_slice %arg10[%run_scoped3A_749, %dma_wait3A_796, %dma_wait3A_797] : memref<2x128x128xf32, #tpu.memory_space<vmem>> -> memref<1x128x128xf32, #tpu.memory_space<vmem>>
        %dma_wait3A_799 = tpu.memref_squeeze %dma_wait3A_798 : memref<1x128x128xf32, #tpu.memory_space<vmem>> -> memref<128x128xf32, #tpu.memory_space<vmem>>
        %dma_wait3A_800 = arith.constant 0 : i32
        %dma_wait3A_801 = tpu.memref_slice %arg9[%add3A_748, %dma_wait3A_800] : memref<56x128xi32, #tpu.memory_space<vmem>> -> memref<1x128xi32, #tpu.memory_space<vmem>>
        %dma_wait3A_802 = tpu.memref_squeeze %dma_wait3A_801 : memref<1x128xi32, #tpu.memory_space<vmem>> -> memref<128xi32, #tpu.memory_space<vmem>>
        %dma_wait3A_803 = arith.constant 0 : i32
        %dma_wait3A_804 = arith.constant 0 : i32
        %dma_wait3A_805 = tpu.memref_slice %arg12[%dma_wait3A_803, %dma_wait3A_804] : memref<5120x128xf32, #tpu.memory_space<vmem_shared>> -> memref<5120x128xf32, #tpu.memory_space<vmem_shared>>
        tpu.wait_indirect_dma semaphore(%run_scoped3A_785 : memref<!tpu.dma_semaphore, #tpu.memory_space<semaphore_mem>>) src(%dma_wait3A_799 : memref<128x128xf32, #tpu.memory_space<vmem>>) dst(%dma_wait3A_805 : memref<5120x128xf32, #tpu.memory_space<vmem_shared>>)
        tpu.yield
      }) : () -> ()
      %add3A_750 = arith.constant 2 : i32
      %add3A_751 = arith.addi %mul3A_718, %add3A_750 : i32
      %add3A_752 = arith.constant 28 : i32
      %add3A_753 = arith.addi %add3A_752, %add3A_751 : i32
      %dma_start3A_754 = arith.constant 0 : i32
      %dma_start3A_755 = arith.constant 0 : i32
      %dma_start3A_756 = arith.constant 0 : i32
      %dma_start3A_757 = tpu.memref_slice %arg10[%dma_start3A_754, %dma_start3A_755, %dma_start3A_756] : memref<2x128x128xf32, #tpu.memory_space<vmem>> -> memref<1x128x128xf32, #tpu.memory_space<vmem>>
      %dma_start3A_758 = tpu.memref_squeeze %dma_start3A_757 : memref<1x128x128xf32, #tpu.memory_space<vmem>> -> memref<128x128xf32, #tpu.memory_space<vmem>>
      %dma_start3A_759 = arith.constant 0 : i32
      %dma_start3A_760 = tpu.memref_slice %arg8[%add3A_753, %dma_start3A_759] : memref<56x128xi32, #tpu.memory_space<vmem>> -> memref<1x128xi32, #tpu.memory_space<vmem>>
      %dma_start3A_761 = tpu.memref_squeeze %dma_start3A_760 : memref<1x128xi32, #tpu.memory_space<vmem>> -> memref<128xi32, #tpu.memory_space<vmem>>
      %dma_start3A_762 = arith.constant 0 : i32
      %dma_start3A_763 = arith.constant 0 : i32
      %dma_start3A_764 = tpu.memref_slice %arg11[%dma_start3A_762, %dma_start3A_763] : memref<5120x128xf32, #tpu.memory_space<vmem_shared>> -> memref<5120x128xf32, #tpu.memory_space<vmem_shared>>
      tpu.enqueue_indirect_dma source(%dma_start3A_764 : memref<5120x128xf32, #tpu.memory_space<vmem_shared>>) target(%dma_start3A_758 : memref<128x128xf32, #tpu.memory_space<vmem>>) offsets(%dma_start3A_761 : memref<128xi32, #tpu.memory_space<vmem>>) semaphore(%arg14 : memref<!tpu.dma_semaphore, #tpu.memory_space<semaphore_mem>>)
      %add3A_765 = arith.constant 1 : i32
      %add3A_766 = arith.addi %mul3A_718, %add3A_765 : i32
      %add3A_767 = arith.constant 28 : i32
      %add3A_768 = arith.addi %add3A_767, %add3A_766 : i32
      %dma_wait3A_769 = arith.constant 1 : i32
      %dma_wait3A_770 = arith.constant 0 : i32
      %dma_wait3A_771 = arith.constant 0 : i32
      %dma_wait3A_772 = tpu.memref_slice %arg10[%dma_wait3A_769, %dma_wait3A_770, %dma_wait3A_771] : memref<2x128x128xf32, #tpu.memory_space<vmem>> -> memref<1x128x128xf32, #tpu.memory_space<vmem>>
      %dma_wait3A_773 = tpu.memref_squeeze %dma_wait3A_772 : memref<1x128x128xf32, #tpu.memory_space<vmem>> -> memref<128x128xf32, #tpu.memory_space<vmem>>
      %dma_wait3A_774 = arith.constant 0 : i32
      %dma_wait3A_775 = tpu.memref_slice %arg8[%add3A_768, %dma_wait3A_774] : memref<56x128xi32, #tpu.memory_space<vmem>> -> memref<1x128xi32, #tpu.memory_space<vmem>>
      %dma_wait3A_776 = tpu.memref_squeeze %dma_wait3A_775 : memref<1x128xi32, #tpu.memory_space<vmem>> -> memref<128xi32, #tpu.memory_space<vmem>>
      %dma_wait3A_777 = arith.constant 0 : i32
      %dma_wait3A_778 = arith.constant 0 : i32
      %dma_wait3A_779 = tpu.memref_slice %arg11[%dma_wait3A_777, %dma_wait3A_778] : memref<5120x128xf32, #tpu.memory_space<vmem_shared>> -> memref<5120x128xf32, #tpu.memory_space<vmem_shared>>
      tpu.wait_indirect_dma semaphore(%arg15 : memref<!tpu.dma_semaphore, #tpu.memory_space<semaphore_mem>>) src(%dma_wait3A_779 : memref<5120x128xf32, #tpu.memory_space<vmem_shared>>) dst(%dma_wait3A_773 : memref<128x128xf32, #tpu.memory_space<vmem>>)
      %add3A_780 = arith.constant 28 : i32
      %add3A_781 = arith.addi %add3A_780, %mul3A_718 : i32
      %add3A_782 = arith.constant 1 : i32
      %add3A_783 = arith.addi %add3A_781, %add3A_782 : i32
      %run_scoped3A_784 = arith.constant 1 : i32
      "tpu.region"() ({
        %run_scoped3A_785 = tpu.sem_alloc : memref<!tpu.dma_semaphore, #tpu.memory_space<semaphore_mem>>
        %dma_start3A_786 = arith.constant 0 : i32
        %dma_start3A_787 = arith.constant 0 : i32
        %dma_start3A_788 = tpu.memref_slice %arg10[%run_scoped3A_784, %dma_start3A_786, %dma_start3A_787] : memref<2x128x128xf32, #tpu.memory_space<vmem>> -> memref<1x128x128xf32, #tpu.memory_space<vmem>>
        %dma_start3A_789 = tpu.memref_squeeze %dma_start3A_788 : memref<1x128x128xf32, #tpu.memory_space<vmem>> -> memref<128x128xf32, #tpu.memory_space<vmem>>
        %dma_start3A_790 = arith.constant 0 : i32
        %dma_start3A_791 = tpu.memref_slice %arg9[%add3A_783, %dma_start3A_790] : memref<56x128xi32, #tpu.memory_space<vmem>> -> memref<1x128xi32, #tpu.memory_space<vmem>>
        %dma_start3A_792 = tpu.memref_squeeze %dma_start3A_791 : memref<1x128xi32, #tpu.memory_space<vmem>> -> memref<128xi32, #tpu.memory_space<vmem>>
        %dma_start3A_793 = arith.constant 0 : i32
        %dma_start3A_794 = arith.constant 0 : i32
        %dma_start3A_795 = tpu.memref_slice %arg12[%dma_start3A_793, %dma_start3A_794] : memref<5120x128xf32, #tpu.memory_space<vmem_shared>> -> memref<5120x128xf32, #tpu.memory_space<vmem_shared>>
        tpu.enqueue_indirect_dma source(%dma_start3A_789 : memref<128x128xf32, #tpu.memory_space<vmem>>) target(%dma_start3A_795 : memref<5120x128xf32, #tpu.memory_space<vmem_shared>>) offsets(%dma_start3A_792 : memref<128xi32, #tpu.memory_space<vmem>>) semaphore(%run_scoped3A_785 : memref<!tpu.dma_semaphore, #tpu.memory_space<semaphore_mem>>) {add = true}
        %dma_wait3A_796 = arith.constant 0 : i32
        %dma_wait3A_797 = arith.constant 0 : i32
        %dma_wait3A_798 = tpu.memref_slice %arg10[%run_scoped3A_784, %dma_wait3A_796, %dma_wait3A_797] : memref<2x128x128xf32, #tpu.memory_space<vmem>> -> memref<1x128x128xf32, #tpu.memory_space<vmem>>
        %dma_wait3A_799 = tpu.memref_squeeze %dma_wait3A_798 : memref<1x128x128xf32, #tpu.memory_space<vmem>> -> memref<128x128xf32, #tpu.memory_space<vmem>>
        %dma_wait3A_800 = arith.constant 0 : i32
        %dma_wait3A_801 = tpu.memref_slice %arg9[%add3A_783, %dma_wait3A_800] : memref<56x128xi32, #tpu.memory_space<vmem>> -> memref<1x128xi32, #tpu.memory_space<vmem>>
        %dma_wait3A_802 = tpu.memref_squeeze %dma_wait3A_801 : memref<1x128xi32, #tpu.memory_space<vmem>> -> memref<128xi32, #tpu.memory_space<vmem>>
        %dma_wait3A_803 = arith.constant 0 : i32
        %dma_wait3A_804 = arith.constant 0 : i32
        %dma_wait3A_805 = tpu.memref_slice %arg12[%dma_wait3A_803, %dma_wait3A_804] : memref<5120x128xf32, #tpu.memory_space<vmem_shared>> -> memref<5120x128xf32, #tpu.memory_space<vmem_shared>>
        tpu.wait_indirect_dma semaphore(%run_scoped3A_785 : memref<!tpu.dma_semaphore, #tpu.memory_space<semaphore_mem>>) src(%dma_wait3A_799 : memref<128x128xf32, #tpu.memory_space<vmem>>) dst(%dma_wait3A_805 : memref<5120x128xf32, #tpu.memory_space<vmem_shared>>)
        tpu.yield
      }) : () -> ()
    }
    %while3A_698 = arith.constant 1 : i32
    scf.for %while3A_716 = %while3A_696 to %while3A_692 step %while3A_698  : i32 {
      %mul3A_717 = arith.constant 2 : i32
      %mul3A_718 = arith.muli %mul3A_717, %while3A_716 : i32
      %add3A_719 = arith.constant 1 : i32
      %add3A_720 = arith.addi %mul3A_718, %add3A_719 : i32
      %add3A_721 = arith.constant 28 : i32
      %add3A_722 = arith.addi %add3A_721, %add3A_720 : i32
      %dma_start3A_723 = arith.constant 1 : i32
      %dma_start3A_724 = arith.constant 0 : i32
      %dma_start3A_725 = arith.constant 0 : i32
      %dma_start3A_726 = tpu.memref_slice %arg10[%dma_start3A_723, %dma_start3A_724, %dma_start3A_725] : memref<2x128x128xf32, #tpu.memory_space<vmem>> -> memref<1x128x128xf32, #tpu.memory_space<vmem>>
      %dma_start3A_727 = tpu.memref_squeeze %dma_start3A_726 : memref<1x128x128xf32, #tpu.memory_space<vmem>> -> memref<128x128xf32, #tpu.memory_space<vmem>>
      %dma_start3A_728 = arith.constant 0 : i32
      %dma_start3A_729 = tpu.memref_slice %arg8[%add3A_722, %dma_start3A_728] : memref<56x128xi32, #tpu.memory_space<vmem>> -> memref<1x128xi32, #tpu.memory_space<vmem>>
      %dma_start3A_730 = tpu.memref_squeeze %dma_start3A_729 : memref<1x128xi32, #tpu.memory_space<vmem>> -> memref<128xi32, #tpu.memory_space<vmem>>
      %dma_start3A_731 = arith.constant 0 : i32
      %dma_start3A_732 = arith.constant 0 : i32
      %dma_start3A_733 = tpu.memref_slice %arg11[%dma_start3A_731, %dma_start3A_732] : memref<5120x128xf32, #tpu.memory_space<vmem_shared>> -> memref<5120x128xf32, #tpu.memory_space<vmem_shared>>
      tpu.enqueue_indirect_dma source(%dma_start3A_733 : memref<5120x128xf32, #tpu.memory_space<vmem_shared>>) target(%dma_start3A_727 : memref<128x128xf32, #tpu.memory_space<vmem>>) offsets(%dma_start3A_730 : memref<128xi32, #tpu.memory_space<vmem>>) semaphore(%arg15 : memref<!tpu.dma_semaphore, #tpu.memory_space<semaphore_mem>>)
      %add3A_734 = arith.constant 28 : i32
      %add3A_735 = arith.addi %add3A_734, %mul3A_718 : i32
      %dma_wait3A_736 = arith.constant 0 : i32
      %dma_wait3A_737 = arith.constant 0 : i32
      %dma_wait3A_738 = arith.constant 0 : i32
      %dma_wait3A_739 = tpu.memref_slice %arg10[%dma_wait3A_736, %dma_wait3A_737, %dma_wait3A_738] : memref<2x128x128xf32, #tpu.memory_space<vmem>> -> memref<1x128x128xf32, #tpu.memory_space<vmem>>
      %dma_wait3A_740 = tpu.memref_squeeze %dma_wait3A_739 : memref<1x128x128xf32, #tpu.memory_space<vmem>> -> memref<128x128xf32, #tpu.memory_space<vmem>>
      %dma_wait3A_741 = arith.constant 0 : i32
      %dma_wait3A_742 = tpu.memref_slice %arg8[%add3A_735, %dma_wait3A_741] : memref<56x128xi32, #tpu.memory_space<vmem>> -> memref<1x128xi32, #tpu.memory_space<vmem>>
      %dma_wait3A_743 = tpu.memref_squeeze %dma_wait3A_742 : memref<1x128xi32, #tpu.memory_space<vmem>> -> memref<128xi32, #tpu.memory_space<vmem>>
      %dma_wait3A_744 = arith.constant 0 : i32
      %dma_wait3A_745 = arith.constant 0 : i32
      %dma_wait3A_746 = tpu.memref_slice %arg11[%dma_wait3A_744, %dma_wait3A_745] : memref<5120x128xf32, #tpu.memory_space<vmem_shared>> -> memref<5120x128xf32, #tpu.memory_space<vmem_shared>>
      tpu.wait_indirect_dma semaphore(%arg14 : memref<!tpu.dma_semaphore, #tpu.memory_space<semaphore_mem>>) src(%dma_wait3A_746 : memref<5120x128xf32, #tpu.memory_space<vmem_shared>>) dst(%dma_wait3A_740 : memref<128x128xf32, #tpu.memory_space<vmem>>)
      %add3A_747 = arith.constant 28 : i32
      %add3A_748 = arith.addi %add3A_747, %mul3A_718 : i32
      %run_scoped3A_749 = arith.constant 0 : i32
      "tpu.region"() ({
        %run_scoped3A_785 = tpu.sem_alloc : memref<!tpu.dma_semaphore, #tpu.memory_space<semaphore_mem>>
        %dma_start3A_786 = arith.constant 0 : i32
        %dma_start3A_787 = arith.constant 0 : i32
        %dma_start3A_788 = tpu.memref_slice %arg10[%run_scoped3A_749, %dma_start3A_786, %dma_start3A_787] : memref<2x128x128xf32, #tpu.memory_space<vmem>> -> memref<1x128x128xf32, #tpu.memory_space<vmem>>
        %dma_start3A_789 = tpu.memref_squeeze %dma_start3A_788 : memref<1x128x128xf32, #tpu.memory_space<vmem>> -> memref<128x128xf32, #tpu.memory_space<vmem>>
        %dma_start3A_790 = arith.constant 0 : i32
        %dma_start3A_791 = tpu.memref_slice %arg9[%add3A_748, %dma_start3A_790] : memref<56x128xi32, #tpu.memory_space<vmem>> -> memref<1x128xi32, #tpu.memory_space<vmem>>
        %dma_start3A_792 = tpu.memref_squeeze %dma_start3A_791 : memref<1x128xi32, #tpu.memory_space<vmem>> -> memref<128xi32, #tpu.memory_space<vmem>>
        %dma_start3A_793 = arith.constant 0 : i32
        %dma_start3A_794 = arith.constant 0 : i32
        %dma_start3A_795 = tpu.memref_slice %arg12[%dma_start3A_793, %dma_start3A_794] : memref<5120x128xf32, #tpu.memory_space<vmem_shared>> -> memref<5120x128xf32, #tpu.memory_space<vmem_shared>>
        tpu.enqueue_indirect_dma source(%dma_start3A_789 : memref<128x128xf32, #tpu.memory_space<vmem>>) target(%dma_start3A_795 : memref<5120x128xf32, #tpu.memory_space<vmem_shared>>) offsets(%dma_start3A_792 : memref<128xi32, #tpu.memory_space<vmem>>) semaphore(%run_scoped3A_785 : memref<!tpu.dma_semaphore, #tpu.memory_space<semaphore_mem>>) {add = true}
        %dma_wait3A_796 = arith.constant 0 : i32
        %dma_wait3A_797 = arith.constant 0 : i32
        %dma_wait3A_798 = tpu.memref_slice %arg10[%run_scoped3A_749, %dma_wait3A_796, %dma_wait3A_797] : memref<2x128x128xf32, #tpu.memory_space<vmem>> -> memref<1x128x128xf32, #tpu.memory_space<vmem>>
        %dma_wait3A_799 = tpu.memref_squeeze %dma_wait3A_798 : memref<1x128x128xf32, #tpu.memory_space<vmem>> -> memref<128x128xf32, #tpu.memory_space<vmem>>
        %dma_wait3A_800 = arith.constant 0 : i32
        %dma_wait3A_801 = tpu.memref_slice %arg9[%add3A_748, %dma_wait3A_800] : memref<56x128xi32, #tpu.memory_space<vmem>> -> memref<1x128xi32, #tpu.memory_space<vmem>>
        %dma_wait3A_802 = tpu.memref_squeeze %dma_wait3A_801 : memref<1x128xi32, #tpu.memory_space<vmem>> -> memref<128xi32, #tpu.memory_space<vmem>>
        %dma_wait3A_803 = arith.constant 0 : i32
        %dma_wait3A_804 = arith.constant 0 : i32
        %dma_wait3A_805 = tpu.memref_slice %arg12[%dma_wait3A_803, %dma_wait3A_804] : memref<5120x128xf32, #tpu.memory_space<vmem_shared>> -> memref<5120x128xf32, #tpu.memory_space<vmem_shared>>
        tpu.wait_indirect_dma semaphore(%run_scoped3A_785 : memref<!tpu.dma_semaphore, #tpu.memory_space<semaphore_mem>>) src(%dma_wait3A_799 : memref<128x128xf32, #tpu.memory_space<vmem>>) dst(%dma_wait3A_805 : memref<5120x128xf32, #tpu.memory_space<vmem_shared>>)
        tpu.yield
      }) : () -> ()
      %add3A_750 = arith.constant 2 : i32
      %add3A_751 = arith.addi %mul3A_718, %add3A_750 : i32
      %add3A_752 = arith.constant 28 : i32
      %add3A_753 = arith.addi %add3A_752, %add3A_751 : i32
      %dma_start3A_754 = arith.constant 0 : i32
      %dma_start3A_755 = arith.constant 0 : i32
      %dma_start3A_756 = arith.constant 0 : i32
      %dma_start3A_757 = tpu.memref_slice %arg10[%dma_start3A_754, %dma_start3A_755, %dma_start3A_756] : memref<2x128x128xf32, #tpu.memory_space<vmem>> -> memref<1x128x128xf32, #tpu.memory_space<vmem>>
      %dma_start3A_758 = tpu.memref_squeeze %dma_start3A_757 : memref<1x128x128xf32, #tpu.memory_space<vmem>> -> memref<128x128xf32, #tpu.memory_space<vmem>>
      %dma_start3A_759 = arith.constant 0 : i32
      %dma_start3A_760 = tpu.memref_slice %arg8[%add3A_753, %dma_start3A_759] : memref<56x128xi32, #tpu.memory_space<vmem>> -> memref<1x128xi32, #tpu.memory_space<vmem>>
      %dma_start3A_761 = tpu.memref_squeeze %dma_start3A_760 : memref<1x128xi32, #tpu.memory_space<vmem>> -> memref<128xi32, #tpu.memory_space<vmem>>
      %dma_start3A_762 = arith.constant 0 : i32
      %dma_start3A_763 = arith.constant 0 : i32
      %dma_start3A_764 = tpu.memref_slice %arg11[%dma_start3A_762, %dma_start3A_763] : memref<5120x128xf32, #tpu.memory_space<vmem_shared>> -> memref<5120x128xf32, #tpu.memory_space<vmem_shared>>
      tpu.enqueue_indirect_dma source(%dma_start3A_764 : memref<5120x128xf32, #tpu.memory_space<vmem_shared>>) target(%dma_start3A_758 : memref<128x128xf32, #tpu.memory_space<vmem>>) offsets(%dma_start3A_761 : memref<128xi32, #tpu.memory_space<vmem>>) semaphore(%arg14 : memref<!tpu.dma_semaphore, #tpu.memory_space<semaphore_mem>>)
      %add3A_765 = arith.constant 1 : i32
      %add3A_766 = arith.addi %mul3A_718, %add3A_765 : i32
      %add3A_767 = arith.constant 28 : i32
      %add3A_768 = arith.addi %add3A_767, %add3A_766 : i32
      %dma_wait3A_769 = arith.constant 1 : i32
      %dma_wait3A_770 = arith.constant 0 : i32
      %dma_wait3A_771 = arith.constant 0 : i32
      %dma_wait3A_772 = tpu.memref_slice %arg10[%dma_wait3A_769, %dma_wait3A_770, %dma_wait3A_771] : memref<2x128x128xf32, #tpu.memory_space<vmem>> -> memref<1x128x128xf32, #tpu.memory_space<vmem>>
      %dma_wait3A_773 = tpu.memref_squeeze %dma_wait3A_772 : memref<1x128x128xf32, #tpu.memory_space<vmem>> -> memref<128x128xf32, #tpu.memory_space<vmem>>
      %dma_wait3A_774 = arith.constant 0 : i32
      %dma_wait3A_775 = tpu.memref_slice %arg8[%add3A_768, %dma_wait3A_774] : memref<56x128xi32, #tpu.memory_space<vmem>> -> memref<1x128xi32, #tpu.memory_space<vmem>>
      %dma_wait3A_776 = tpu.memref_squeeze %dma_wait3A_775 : memref<1x128xi32, #tpu.memory_space<vmem>> -> memref<128xi32, #tpu.memory_space<vmem>>
      %dma_wait3A_777 = arith.constant 0 : i32
      %dma_wait3A_778 = arith.constant 0 : i32
      %dma_wait3A_779 = tpu.memref_slice %arg11[%dma_wait3A_777, %dma_wait3A_778] : memref<5120x128xf32, #tpu.memory_space<vmem_shared>> -> memref<5120x128xf32, #tpu.memory_space<vmem_shared>>
      tpu.wait_indirect_dma semaphore(%arg15 : memref<!tpu.dma_semaphore, #tpu.memory_space<semaphore_mem>>) src(%dma_wait3A_779 : memref<5120x128xf32, #tpu.memory_space<vmem_shared>>) dst(%dma_wait3A_773 : memref<128x128xf32, #tpu.memory_space<vmem>>)
      %add3A_780 = arith.constant 28 : i32
      %add3A_781 = arith.addi %add3A_780, %mul3A_718 : i32
      %add3A_782 = arith.constant 1 : i32
      %add3A_783 = arith.addi %add3A_781, %add3A_782 : i32
      %run_scoped3A_784 = arith.constant 1 : i32
      "tpu.region"() ({
        %run_scoped3A_785 = tpu.sem_alloc : memref<!tpu.dma_semaphore, #tpu.memory_space<semaphore_mem>>
        %dma_start3A_786 = arith.constant 0 : i32
        %dma_start3A_787 = arith.constant 0 : i32
        %dma_start3A_788 = tpu.memref_slice %arg10[%run_scoped3A_784, %dma_start3A_786, %dma_start3A_787] : memref<2x128x128xf32, #tpu.memory_space<vmem>> -> memref<1x128x128xf32, #tpu.memory_space<vmem>>
        %dma_start3A_789 = tpu.memref_squeeze %dma_start3A_788 : memref<1x128x128xf32, #tpu.memory_space<vmem>> -> memref<128x128xf32, #tpu.memory_space<vmem>>
        %dma_start3A_790 = arith.constant 0 : i32
        %dma_start3A_791 = tpu.memref_slice %arg9[%add3A_783, %dma_start3A_790] : memref<56x128xi32, #tpu.memory_space<vmem>> -> memref<1x128xi32, #tpu.memory_space<vmem>>
        %dma_start3A_792 = tpu.memref_squeeze %dma_start3A_791 : memref<1x128xi32, #tpu.memory_space<vmem>> -> memref<128xi32, #tpu.memory_space<vmem>>
        %dma_start3A_793 = arith.constant 0 : i32
        %dma_start3A_794 = arith.constant 0 : i32
        %dma_start3A_795 = tpu.memref_slice %arg12[%dma_start3A_793, %dma_start3A_794] : memref<5120x128xf32, #tpu.memory_space<vmem_shared>> -> memref<5120x128xf32, #tpu.memory_space<vmem_shared>>
        tpu.enqueue_indirect_dma source(%dma_start3A_789 : memref<128x128xf32, #tpu.memory_space<vmem>>) target(%dma_start3A_795 : memref<5120x128xf32, #tpu.memory_space<vmem_shared>>) offsets(%dma_start3A_792 : memref<128xi32, #tpu.memory_space<vmem>>) semaphore(%run_scoped3A_785 : memref<!tpu.dma_semaphore, #tpu.memory_space<semaphore_mem>>) {add = true}
        %dma_wait3A_796 = arith.constant 0 : i32
        %dma_wait3A_797 = arith.constant 0 : i32
        %dma_wait3A_798 = tpu.memref_slice %arg10[%run_scoped3A_784, %dma_wait3A_796, %dma_wait3A_797] : memref<2x128x128xf32, #tpu.memory_space<vmem>> -> memref<1x128x128xf32, #tpu.memory_space<vmem>>
        %dma_wait3A_799 = tpu.memref_squeeze %dma_wait3A_798 : memref<1x128x128xf32, #tpu.memory_space<vmem>> -> memref<128x128xf32, #tpu.memory_space<vmem>>
        %dma_wait3A_800 = arith.constant 0 : i32
        %dma_wait3A_801 = tpu.memref_slice %arg9[%add3A_783, %dma_wait3A_800] : memref<56x128xi32, #tpu.memory_space<vmem>> -> memref<1x128xi32, #tpu.memory_space<vmem>>
        %dma_wait3A_802 = tpu.memref_squeeze %dma_wait3A_801 : memref<1x128xi32, #tpu.memory_space<vmem>> -> memref<128xi32, #tpu.memory_space<vmem>>
        %dma_wait3A_803 = arith.constant 0 : i32
        %dma_wait3A_804 = arith.constant 0 : i32
        %dma_wait3A_805 = tpu.memref_slice %arg12[%dma_wait3A_803, %dma_wait3A_804] : memref<5120x128xf32, #tpu.memory_space<vmem_shared>> -> memref<5120x128xf32, #tpu.memory_space<vmem_shared>>
        tpu.wait_indirect_dma semaphore(%run_scoped3A_785 : memref<!tpu.dma_semaphore, #tpu.memory_space<semaphore_mem>>) src(%dma_wait3A_799 : memref<128x128xf32, #tpu.memory_space<vmem>>) dst(%dma_wait3A_805 : memref<5120x128xf32, #tpu.memory_space<vmem_shared>>)
        tpu.yield
      }) : () -> ()
    }
    %dma_wait3A_699 = arith.constant 28 : i32
    %dma_wait3A_700 = arith.constant 0 : i32
    %dma_wait3A_701 = arith.constant 0 : i32
    %dma_wait3A_702 = arith.constant 0 : i32
    %dma_wait3A_703 = tpu.memref_slice %arg10[%dma_wait3A_700, %dma_wait3A_701, %dma_wait3A_702] : memref<2x128x128xf32, #tpu.memory_space<vmem>> -> memref<1x128x128xf32, #tpu.memory_space<vmem>>
    %dma_wait3A_704 = tpu.memref_squeeze %dma_wait3A_703 : memref<1x128x128xf32, #tpu.memory_space<vmem>> -> memref<128x128xf32, #tpu.memory_space<vmem>>
    %dma_wait3A_705 = arith.constant 0 : i32
    %dma_wait3A_706 = tpu.memref_slice %arg8[%dma_wait3A_699, %dma_wait3A_705] : memref<56x128xi32, #tpu.memory_space<vmem>> -> memref<1x128xi32, #tpu.memory_space<vmem>>
    %dma_wait3A_707 = tpu.memref_squeeze %dma_wait3A_706 : memref<1x128xi32, #tpu.memory_space<vmem>> -> memref<128xi32, #tpu.memory_space<vmem>>
    %dma_wait3A_708 = arith.constant 0 : i32
    %dma_wait3A_709 = arith.constant 0 : i32
    %dma_wait3A_710 = tpu.memref_slice %arg11[%dma_wait3A_708, %dma_wait3A_709] : memref<5120x128xf32, #tpu.memory_space<vmem_shared>> -> memref<5120x128xf32, #tpu.memory_space<vmem_shared>>
    tpu.wait_indirect_dma semaphore(%arg14 : memref<!tpu.dma_semaphore, #tpu.memory_space<semaphore_mem>>) src(%dma_wait3A_710 : memref<5120x128xf32, #tpu.memory_space<vmem_shared>>) dst(%dma_wait3A_704 : memref<128x128xf32, #tpu.memory_space<vmem>>)
    %barrier3A_711 = arith.constant 0 : index
    tpu.barrier barrier_id(%barrier3A_711)
    %mul3A_712 = arith.constant 320 : i32
    %mul3A_713 = arith.muli %arg1, %mul3A_712 : i32
    %mul3A_714 = arith.constant 320 : i32
    %mul3A_715 = arith.muli %arg1, %mul3A_714 : i32
    "tpu.region"() ({
      %run_scoped3A_716 = tpu.sem_alloc : memref<!tpu.dma_semaphore, #tpu.memory_space<semaphore_mem>>
      %dma_start3A_717 = arith.constant 0 : i32
      %dma_start3A_718 = arith.constant 0 : i32
      %dma_start3A_719 = tpu.memref_slice %arg7[%arg0, %dma_start3A_717, %dma_start3A_718] : memref<2x5120x128xf32, #tpu.memory_space<hbm>> -> memref<1x5120x128xf32, #tpu.memory_space<hbm>>
      %dma_start3A_720 = tpu.memref_squeeze %dma_start3A_719 : memref<1x5120x128xf32, #tpu.memory_space<hbm>> -> memref<5120x128xf32, #tpu.memory_space<hbm>>
      %dma_start3A_721 = arith.constant 0 : i32
      %dma_start3A_722 = tpu.memref_slice %dma_start3A_720[%mul3A_715, %dma_start3A_721] : memref<5120x128xf32, #tpu.memory_space<hbm>> -> memref<320x128xf32, #tpu.memory_space<hbm>>
      %dma_start3A_723 = arith.constant 0 : i32
      %dma_start3A_724 = tpu.memref_slice %arg12[%mul3A_713, %dma_start3A_723] : memref<5120x128xf32, #tpu.memory_space<vmem_shared>> -> memref<320x128xf32, #tpu.memory_space<vmem_shared>>
      tpu.enqueue_dma source(%dma_start3A_724 : memref<320x128xf32, #tpu.memory_space<vmem_shared>>) target(%dma_start3A_722 : memref<320x128xf32, #tpu.memory_space<hbm>>) target_semaphore(%run_scoped3A_716 : memref<!tpu.dma_semaphore, #tpu.memory_space<semaphore_mem>>)
      %dma_wait3A_725 = arith.constant 0 : i32
      %dma_wait3A_726 = arith.constant 0 : i32
      %dma_wait3A_727 = tpu.memref_slice %arg7[%arg0, %dma_wait3A_725, %dma_wait3A_726] : memref<2x5120x128xf32, #tpu.memory_space<hbm>> -> memref<1x5120x128xf32, #tpu.memory_space<hbm>>
      %dma_wait3A_728 = tpu.memref_squeeze %dma_wait3A_727 : memref<1x5120x128xf32, #tpu.memory_space<hbm>> -> memref<5120x128xf32, #tpu.memory_space<hbm>>
      %dma_wait3A_729 = arith.constant 0 : i32
      %dma_wait3A_730 = tpu.memref_slice %dma_wait3A_728[%mul3A_715, %dma_wait3A_729] : memref<5120x128xf32, #tpu.memory_space<hbm>> -> memref<320x128xf32, #tpu.memory_space<hbm>>
      %dma_wait3A_731 = arith.constant 0 : i32
      %dma_wait3A_732 = tpu.memref_slice %arg12[%mul3A_713, %dma_wait3A_731] : memref<5120x128xf32, #tpu.memory_space<vmem_shared>> -> memref<320x128xf32, #tpu.memory_space<vmem_shared>>
      tpu.wait_dma2 semaphore(%run_scoped3A_716 : memref<!tpu.dma_semaphore, #tpu.memory_space<semaphore_mem>>) src(%dma_wait3A_732 : memref<320x128xf32, #tpu.memory_space<vmem_shared>>) dst(%dma_wait3A_730 : memref<320x128xf32, #tpu.memory_space<hbm>>)
      tpu.yield
    }) : () -> ()
    return
  }
}

module attributes {stable_mosaic.version = 14 : i64} {
  func.func @body(%arg0: i32, %arg1: memref<1x1000x128xf32, #tpu.memory_space<vmem>>, %arg2: memref<1000x128xf32, #tpu.memory_space<vmem>>, %arg3: memref<1x128xf32, #tpu.memory_space<vmem>>, %arg4: memref<6x128x128xf32, #tpu.memory_space<vmem>>, %arg5: memref<3x128xf32, #tpu.memory_space<vmem>>, %arg6: memref<1000x128xf32, #tpu.memory_space<vmem>>) attributes {dimension_semantics = [#tpu.dimension_semantics<arbitrary>], iteration_bounds = array<i64: 10>, scalar_prefetch = 0 : i64, scratch_operands = 0 : i64, tpu.core_type = #tpu.core_type<tc>, window_params = [{transform_indices = @transform_0, window_bounds = array<i64: 1, 1000, 128>}, {transform_indices = @transform_1, window_bounds = array<i64: 1000, 128>}, {pipeline_mode = #tpu.pipeline_mode<synchronous>, transform_indices = @transform_2, window_bounds = array<i64: 1, 128>}, {pipeline_mode = #tpu.pipeline_mode<synchronous>, transform_indices = @transform_3, window_bounds = array<i64: 6, 128, 128>}, {pipeline_mode = #tpu.pipeline_mode<synchronous>, transform_indices = @transform_4, window_bounds = array<i64: 3, 128>}, {transform_indices = @transform_5, window_bounds = array<i64: 1000, 128>}]} {
    %get3A = arith.constant 0 : index
    %get3A_0 = arith.constant 0 : index
    %get3A_1 = arith.constant 0 : index
    %get3A_2 = vector.load %arg1[%get3A, %get3A_0, %get3A_1] : memref<1x1000x128xf32, #tpu.memory_space<vmem>>, vector<1x1000x128xf32>
    %get3A_3 = vector.shape_cast %get3A_2 : vector<1x1000x128xf32> to vector<1000x128xf32>
    %get3A_4 = arith.constant 0 : index
    %get3A_5 = arith.constant 0 : index
    %get3A_6 = vector.load %arg3[%get3A_4, %get3A_5] : memref<1x128xf32, #tpu.memory_space<vmem>>, vector<1x128xf32>
    %add3A = vector.broadcast %get3A_6 : vector<1x128xf32> to vector<1000x128xf32>
    %add3A_7 = arith.addf %get3A_3, %add3A : vector<1000x128xf32>
    %reduce_max3A = arith.constant dense<0xFF800000> : vector<1000xf32>
    %reduce_max3A_8 = vector.multi_reduction <maximumf>, %add3A_7, %reduce_max3A [1] : vector<1000x128xf32> to vector<1000xf32>
    %broadcast_in_dim3A = vector.shape_cast %reduce_max3A_8 : vector<1000xf32> to vector<1000x1xf32>
    %sub3A = vector.broadcast %broadcast_in_dim3A : vector<1000x1xf32> to vector<1000x128xf32>
    %sub3A_9 = arith.subf %add3A_7, %sub3A : vector<1000x128xf32>
    %exp3A = math.exp %sub3A_9 : vector<1000x128xf32>
    %reduce_sum3A = arith.constant dense<0.000000e+00> : vector<1000xf32>
    %reduce_sum3A_10 = vector.multi_reduction <add>, %exp3A, %reduce_sum3A [1] : vector<1000x128xf32> to vector<1000xf32>
    %broadcast_in_dim3A_11 = vector.shape_cast %reduce_sum3A_10 : vector<1000xf32> to vector<1000x1xf32>
    %div3A = vector.broadcast %broadcast_in_dim3A_11 : vector<1000x1xf32> to vector<1000x128xf32>
    %div3A_12 = arith.divf %exp3A, %div3A : vector<1000x128xf32>
    %get3A_13 = arith.constant 0 : index
    %get3A_14 = arith.constant 0 : index
    %get3A_15 = vector.load %arg2[%get3A_13, %get3A_14] : memref<1000x128xf32, #tpu.memory_space<vmem>>, vector<1000x128xf32>
    %get3A_16 = arith.constant 0 : index
    %get3A_17 = arith.constant 0 : index
    %get3A_18 = arith.constant 0 : index
    %get3A_19 = vector.load %arg4[%get3A_16, %get3A_17, %get3A_18] : memref<6x128x128xf32, #tpu.memory_space<vmem>>, vector<1x128x128xf32>
    %get3A_20 = vector.shape_cast %get3A_19 : vector<1x128x128xf32> to vector<128x128xf32>
    %dot_general3A = arith.constant dense<0.000000e+00> : vector<1000x128xf32>
    %dot_general3A_21 = tpu.matmul %div3A_12, %get3A_20, %dot_general3A {dimension_numbers = #tpu.dot_dimension_numbers<[1], [0], [0], [1], [0, 0, 1, 1], [], []>, transpose_lhs_hint = false} : vector<1000x128xf32>, vector<128x128xf32>, vector<1000x128xf32> -> vector<1000x128xf32>
    %get3A_22 = arith.constant 1 : index
    %get3A_23 = arith.constant 0 : index
    %get3A_24 = arith.constant 0 : index
    %get3A_25 = vector.load %arg4[%get3A_22, %get3A_23, %get3A_24] : memref<6x128x128xf32, #tpu.memory_space<vmem>>, vector<1x128x128xf32>
    %get3A_26 = vector.shape_cast %get3A_25 : vector<1x128x128xf32> to vector<128x128xf32>
    %dot_general3A_27 = arith.constant dense<0.000000e+00> : vector<1000x128xf32>
    %dot_general3A_28 = tpu.matmul %get3A_15, %get3A_26, %dot_general3A_27 {dimension_numbers = #tpu.dot_dimension_numbers<[1], [0], [0], [1], [0, 0, 1, 1], [], []>, transpose_lhs_hint = false} : vector<1000x128xf32>, vector<128x128xf32>, vector<1000x128xf32> -> vector<1000x128xf32>
    %add3A_29 = arith.addf %dot_general3A_21, %dot_general3A_28 : vector<1000x128xf32>
    %get3A_30 = arith.constant 0 : index
    %get3A_31 = arith.constant 0 : index
    %get3A_32 = vector.load %arg5[%get3A_30, %get3A_31] : memref<3x128xf32, #tpu.memory_space<vmem>>, vector<1x128xf32>
    %get3A_33 = vector.shape_cast %get3A_32 : vector<1x128xf32> to vector<128xf32>
    %broadcast_in_dim3A_34 = vector.shape_cast %get3A_33 : vector<128xf32> to vector<1x128xf32>
    %add3A_35 = vector.broadcast %broadcast_in_dim3A_34 : vector<1x128xf32> to vector<1000x128xf32>
    %add3A_36 = arith.addf %add3A_29, %add3A_35 : vector<1000x128xf32>
    %logistic3A = arith.negf %add3A_36 : vector<1000x128xf32>
    %logistic3A_37 = math.exp %logistic3A : vector<1000x128xf32>
    %logistic3A_38 = arith.constant 1.000000e+00 : f32
    %logistic3A_39 = vector.broadcast %logistic3A_38 : f32 to vector<1000x128xf32>
    %logistic3A_40 = arith.addf %logistic3A_39, %logistic3A_37 : vector<1000x128xf32>
    %logistic3A_41 = arith.divf %logistic3A_39, %logistic3A_40 : vector<1000x128xf32>
    %get3A_42 = arith.constant 2 : index
    %get3A_43 = arith.constant 0 : index
    %get3A_44 = arith.constant 0 : index
    %get3A_45 = vector.load %arg4[%get3A_42, %get3A_43, %get3A_44] : memref<6x128x128xf32, #tpu.memory_space<vmem>>, vector<1x128x128xf32>
    %get3A_46 = vector.shape_cast %get3A_45 : vector<1x128x128xf32> to vector<128x128xf32>
    %dot_general3A_47 = arith.constant dense<0.000000e+00> : vector<1000x128xf32>
    %dot_general3A_48 = tpu.matmul %div3A_12, %get3A_46, %dot_general3A_47 {dimension_numbers = #tpu.dot_dimension_numbers<[1], [0], [0], [1], [0, 0, 1, 1], [], []>, transpose_lhs_hint = false} : vector<1000x128xf32>, vector<128x128xf32>, vector<1000x128xf32> -> vector<1000x128xf32>
    %get3A_49 = arith.constant 3 : index
    %get3A_50 = arith.constant 0 : index
    %get3A_51 = arith.constant 0 : index
    %get3A_52 = vector.load %arg4[%get3A_49, %get3A_50, %get3A_51] : memref<6x128x128xf32, #tpu.memory_space<vmem>>, vector<1x128x128xf32>
    %get3A_53 = vector.shape_cast %get3A_52 : vector<1x128x128xf32> to vector<128x128xf32>
    %dot_general3A_54 = arith.constant dense<0.000000e+00> : vector<1000x128xf32>
    %dot_general3A_55 = tpu.matmul %get3A_15, %get3A_53, %dot_general3A_54 {dimension_numbers = #tpu.dot_dimension_numbers<[1], [0], [0], [1], [0, 0, 1, 1], [], []>, transpose_lhs_hint = false} : vector<1000x128xf32>, vector<128x128xf32>, vector<1000x128xf32> -> vector<1000x128xf32>
    %add3A_56 = arith.addf %dot_general3A_48, %dot_general3A_55 : vector<1000x128xf32>
    %get3A_57 = arith.constant 1 : index
    %get3A_58 = arith.constant 0 : index
    %get3A_59 = vector.load %arg5[%get3A_57, %get3A_58] : memref<3x128xf32, #tpu.memory_space<vmem>>, vector<1x128xf32>
    %get3A_60 = vector.shape_cast %get3A_59 : vector<1x128xf32> to vector<128xf32>
    %broadcast_in_dim3A_61 = vector.shape_cast %get3A_60 : vector<128xf32> to vector<1x128xf32>
    %add3A_62 = vector.broadcast %broadcast_in_dim3A_61 : vector<1x128xf32> to vector<1000x128xf32>
    %add3A_63 = arith.addf %add3A_56, %add3A_62 : vector<1000x128xf32>
    %logistic3A_64 = arith.negf %add3A_63 : vector<1000x128xf32>
    %logistic3A_65 = math.exp %logistic3A_64 : vector<1000x128xf32>
    %logistic3A_66 = arith.constant 1.000000e+00 : f32
    %logistic3A_67 = vector.broadcast %logistic3A_66 : f32 to vector<1000x128xf32>
    %logistic3A_68 = arith.addf %logistic3A_67, %logistic3A_65 : vector<1000x128xf32>
    %logistic3A_69 = arith.divf %logistic3A_67, %logistic3A_68 : vector<1000x128xf32>
    %get3A_70 = arith.constant 4 : index
    %get3A_71 = arith.constant 0 : index
    %get3A_72 = arith.constant 0 : index
    %get3A_73 = vector.load %arg4[%get3A_70, %get3A_71, %get3A_72] : memref<6x128x128xf32, #tpu.memory_space<vmem>>, vector<1x128x128xf32>
    %get3A_74 = vector.shape_cast %get3A_73 : vector<1x128x128xf32> to vector<128x128xf32>
    %dot_general3A_75 = arith.constant dense<0.000000e+00> : vector<1000x128xf32>
    %dot_general3A_76 = tpu.matmul %div3A_12, %get3A_74, %dot_general3A_75 {dimension_numbers = #tpu.dot_dimension_numbers<[1], [0], [0], [1], [0, 0, 1, 1], [], []>, transpose_lhs_hint = false} : vector<1000x128xf32>, vector<128x128xf32>, vector<1000x128xf32> -> vector<1000x128xf32>
    %mul3A = arith.mulf %logistic3A_41, %get3A_15 : vector<1000x128xf32>
    %get3A_77 = arith.constant 5 : index
    %get3A_78 = arith.constant 0 : index
    %get3A_79 = arith.constant 0 : index
    %get3A_80 = vector.load %arg4[%get3A_77, %get3A_78, %get3A_79] : memref<6x128x128xf32, #tpu.memory_space<vmem>>, vector<1x128x128xf32>
    %get3A_81 = vector.shape_cast %get3A_80 : vector<1x128x128xf32> to vector<128x128xf32>
    %dot_general3A_82 = arith.constant dense<0.000000e+00> : vector<1000x128xf32>
    %dot_general3A_83 = tpu.matmul %mul3A, %get3A_81, %dot_general3A_82 {dimension_numbers = #tpu.dot_dimension_numbers<[1], [0], [0], [1], [0, 0, 1, 1], [], []>, transpose_lhs_hint = false} : vector<1000x128xf32>, vector<128x128xf32>, vector<1000x128xf32> -> vector<1000x128xf32>
    %add3A_84 = arith.addf %dot_general3A_76, %dot_general3A_83 : vector<1000x128xf32>
    %get3A_85 = arith.constant 2 : index
    %get3A_86 = arith.constant 0 : index
    %get3A_87 = vector.load %arg5[%get3A_85, %get3A_86] : memref<3x128xf32, #tpu.memory_space<vmem>>, vector<1x128xf32>
    %get3A_88 = vector.shape_cast %get3A_87 : vector<1x128xf32> to vector<128xf32>
    %broadcast_in_dim3A_89 = vector.shape_cast %get3A_88 : vector<128xf32> to vector<1x128xf32>
    %add3A_90 = vector.broadcast %broadcast_in_dim3A_89 : vector<1x128xf32> to vector<1000x128xf32>
    %add3A_91 = arith.addf %add3A_84, %add3A_90 : vector<1000x128xf32>
    %tanh3A = math.tanh %add3A_91 : vector<1000x128xf32>
    %sub3A_92 = arith.constant 1.000000e+00 : f32
    %sub3A_93 = vector.broadcast %sub3A_92 : f32 to vector<1000x128xf32>
    %sub3A_94 = arith.subf %sub3A_93, %logistic3A_69 : vector<1000x128xf32>
    %mul3A_95 = arith.mulf %sub3A_94, %get3A_15 : vector<1000x128xf32>
    %mul3A_96 = arith.mulf %logistic3A_69, %tanh3A : vector<1000x128xf32>
    %add3A_97 = arith.addf %mul3A_95, %mul3A_96 : vector<1000x128xf32>
    %swap3A = arith.constant 0 : index
    %swap3A_98 = arith.constant 0 : index
    %swap3A_99 = vector.load %arg6[%swap3A, %swap3A_98] : memref<1000x128xf32, #tpu.memory_space<vmem>>, vector<1000x128xf32>
    tpu.vector_store %arg6[%swap3A, %swap3A_98], %add3A_97 {strides = array<i32>} : memref<1000x128xf32, #tpu.memory_space<vmem>>, vector<1000x128xf32>,
    return
  }
  func.func @transform_0(%arg0: i32) -> (i32, i32, i32) {
    %jit3A = arith.constant 5 : i32
    %div3A = arith.divsi %arg0, %jit3A : i32
    %sign3A = arith.constant 0 : i32
    %sign3A_0 = arith.cmpi sgt, %arg0, %sign3A : i32
    %sign3A_1 = arith.extui %sign3A_0 : i1 to i32
    %sign3A_2 = arith.constant 0 : i32
    %sign3A_3 = arith.cmpi slt, %arg0, %sign3A_2 : i32
    %sign3A_4 = arith.extui %sign3A_3 : i1 to i32
    %sign3A_5 = arith.subi %sign3A_1, %sign3A_4 : i32
    %sign3A_6 = arith.constant 0 : i32
    %sign3A_7 = arith.cmpi sgt, %jit3A, %sign3A_6 : i32
    %sign3A_8 = arith.extui %sign3A_7 : i1 to i32
    %sign3A_9 = arith.constant 0 : i32
    %sign3A_10 = arith.cmpi slt, %jit3A, %sign3A_9 : i32
    %sign3A_11 = arith.extui %sign3A_10 : i1 to i32
    %sign3A_12 = arith.subi %sign3A_8, %sign3A_11 : i32
    %ne3A = arith.cmpi ne, %sign3A_5, %sign3A_12 : i32
    %rem3A = arith.remsi %arg0, %jit3A : i32
    %ne3A_13 = arith.constant 0 : i32
    %ne3A_14 = arith.cmpi ne, %rem3A, %ne3A_13 : i32
    %and3A = arith.andi %ne3A, %ne3A_14 : i1
    %sub3A = arith.constant 1 : i32
    %sub3A_15 = arith.subi %div3A, %sub3A : i32
    %select_n3A = arith.select %and3A, %sub3A_15, %div3A : i32
    %jit3A_16 = arith.constant 5 : i32
    %eq3A = arith.constant 0 : i32
    %eq3A_17 = arith.cmpi eq, %jit3A_16, %eq3A : i32
    %jit3A_18 = arith.constant 1 : i32
    %select_n3A_19 = arith.select %eq3A_17, %jit3A_18, %jit3A_16 : i32
    %rem3A_20 = arith.remsi %arg0, %select_n3A_19 : i32
    %ne3A_21 = arith.constant 0 : i32
    %ne3A_22 = arith.cmpi ne, %rem3A_20, %ne3A_21 : i32
    %lt3A = arith.constant 0 : i32
    %lt3A_23 = arith.cmpi slt, %rem3A_20, %lt3A : i32
    %lt3A_24 = arith.constant 0 : i32
    %lt3A_25 = arith.cmpi slt, %select_n3A_19, %lt3A_24 : i32
    %ne3A_26 = arith.xori %lt3A_23, %lt3A_25 : i1
    %and3A_27 = arith.andi %ne3A_26, %ne3A_22 : i1
    %add3A = arith.addi %rem3A_20, %select_n3A_19 : i32
    %select_n3A_28 = arith.select %and3A_27, %add3A, %rem3A_20 : i32
    %c0_i32 = arith.constant 0 : i32
    %c0_i32_29 = arith.constant 0 : i32
    return %select_n3A, %select_n3A_28, %c0_i32 : i32, i32, i32
  }
  func.func @transform_1(%arg0: i32) -> (i32, i32) {
    %c0_i32 = arith.constant 0 : i32
    %c0_i32_0 = arith.constant 0 : i32
    return %arg0, %c0_i32 : i32, i32
  }
  func.func @transform_2(%arg0: i32) -> (i32, i32) {
    %c0_i32 = arith.constant 0 : i32
    %c0_i32_0 = arith.constant 0 : i32
    %c0_i32_1 = arith.constant 0 : i32
    return %c0_i32, %c0_i32_0 : i32, i32
  }
  func.func @transform_3(%arg0: i32) -> (i32, i32, i32) {
    %c0_i32 = arith.constant 0 : i32
    %c0_i32_0 = arith.constant 0 : i32
    %c0_i32_1 = arith.constant 0 : i32
    %c0_i32_2 = arith.constant 0 : i32
    return %c0_i32, %c0_i32_0, %c0_i32_1 : i32, i32, i32
  }
  func.func @transform_4(%arg0: i32) -> (i32, i32) {
    %c0_i32 = arith.constant 0 : i32
    %c0_i32_0 = arith.constant 0 : i32
    %c0_i32_1 = arith.constant 0 : i32
    return %c0_i32, %c0_i32_0 : i32, i32
  }
  func.func @transform_5(%arg0: i32) -> (i32, i32) {
    %c0_i32 = arith.constant 0 : i32
    %c0_i32_0 = arith.constant 0 : i32
    return %arg0, %c0_i32 : i32, i32
  }
}

</mosaic_0001>

<sc_bundles>
// kernel: kernel.5.cloned.1.call-start
scs
__scs_entry_jumppad:
0x0: {  	(pc) =	sbr.rel $0x88, $3  }
0x1: {  	(tag) =	ssettag $0x0;
	lr =	simm.s32 $0x1  }
0x2: {  	[smem:$0x3F98] =	sst lr;
	_ =	strace $0xD0000000  }
0x3: {  	_ = 	snop  }
0x4: {  	_ = 	snop  }
0x5: {  	_ = 	snop  }
0x6: {  	_ = 	snop  }
0x7: {  	_ = 	snop  }
__scs_overlays_trampoline_lowered:
0x8: {  	[smem:$0x3FA7] =	sst s0  }
0x9: {  	[smem:$0x3FA8] =	sst s1  }
0xa: {  	[smem:$0x3FA9] =	sst s2  }
0xb: {  	[smem:$0x3FAA] =	sst s3  }
0xc: {  	[smem:$0x3FAB] =	sst s4  }
0xd: {  	[smem:$0x3FAC] =	sst s5  }
0xe: {  	[smem:$0x3FAD] =	sst s6  }
0xf: {  	[smem:$0x3FAE] =	sst s7  }
0x10: {  	[smem:$0x3FAF] =	sst s8  }
0x11: {  	[smem:$0x3FB0] =	sst s9;
	s0 =	simm.s32 @!p0 $0x0  }
0x12: {  	s1 =	sld [smem:$0x3F96];
	s0 =	simm.s32 @p0 $0x1  }
0x13: {  	[smem:$0x3FB1] =	sst s0;
	s0 =	simm.s32 @!p1 $0x0  }
0x14: {  	s2 =	sld [smem:$0x3F95];
	s0 =	simm.s32 @p1 $0x1  }
0x15: {  	[smem:$0x3FB2] =	sst s0;
	s0 =	simm.s32 @!p2 $0x0  }
0x16: {  	s3 =	sld [smem:$0x3FDB];
	s0 =	simm.s32 @p2 $0x1  }
0x17: {  	s4 =	simm.s32 $0x1BF5;
	[smem:$0x3FB4] =	sst s0  }
0x18: {  	s0 =	sld [smem:$0x3F97];
	_ =	swait.ge [sflag:s4], $0x0  }
0x19: {  	s7 =	sld [smem:$0x3F98]  }
0x1a: {  	s8 =	sadd.s32 $0xFFFFE003, lr  }
0x1b: {  	s9 =	sadd.s32 $0xFFFFFEF7, lr;
	s5 =	simm.s32 $0xFFFFFFFF;
	p2 =	slt.u32 s8, $0xFFFFF086  }
0x1c: {  	p1 =	slt.u32 s9, $0xF7A;
	s5 =	simm.s32 @!p2 $0x0  }
0x1d: {  	s5 =	simm.s32 @p1 $0x1;
	p0 =	seq.s32 s7, s2  }
0x1e: {  	s7 =	smul.u32 @!p0 $0xF7A, s2;
	p2 =	seq.s32 @!p0 s5, $0x0  }
0x1f: {  	s9 =	smul.u32 $0xF7A, s1;
	s8 =	simm.s32 @!p0 $0x1BF5;
	p2 =	por !p2, p0  }
0x20: {  	[sflag:s8] =	ssyncset.s32 @!p0 $0xFFFFF086;
	s6 =	sadd.s32 @!p0 s3, s7;
	s7 =	simm.s32 @!p0 $0x108  }
0x21: {  	s3 =	sadd.s32 s3, s9;
	s6 =	sadd.s32 @!p0 $0x88, s6;
	s7 =	simm.s32 @p2 $0x1082  }
0x22: {  	[simem:s7], [sflag:s8] =	dma.local @!p0 [hbm:s6], $0xF7A  }
0x23: {  	s9 =	sor.u32 $0xD0000000, s2;
	s6 =	simm.s32 $0x108;
	_ =	swait.ge @!p0 [sflag:s8], $0x0  }
0x24: {  	s3 =	sadd.s32 $0x88, s3;
	s6 =	simm.s32 @!p1 $0x1082;
	[sflag:s4] =	ssyncset.s32 $0xFFFFF086  }
0x25: {  	[simem:s6], [sflag:s4] =	dma.local [hbm:s3], $0xF7A  }
0x26: {  	[smem:$0x3F98] =	sst s1;
	(tag) =	ssettag s2;
	_ =	strace s9  }
0x27: {  	s1 =	sld [smem:$0x3FA8]  }
0x28: {  	s2 =	sld [smem:$0x3FA9]  }
0x29: {  	s4 =	sld [smem:$0x3FAB]  }
0x2a: {  	p0 =	seq.s32 s5, $0x0;
	s5 =	sld [smem:$0x3FAC]  }
0x2b: {  	s6 =	sld [smem:$0x3FAD]  }
0x2c: {  	s7 =	sld [smem:$0x3FAE]  }
0x2d: {  	s3 =	simm.s32 $0x108;
	s8 =	sld [smem:$0x3FAF]  }
0x2e: {  	s3 =	simm.s32 @!p0 $0x1082;
	s9 =	sld [smem:$0x3FB0]  }
0x2f: {  	lr =	sadd.s32 s0, s3;
	s0 =	sld [smem:$0x3FA7]  }
0x30: {  	s3 =	sld [smem:$0x3FAA]  }
0x31: {  	[smem:$0x3FB3] =	sst s10  }
0x32: {  	s10 =	sld [smem:$0x3FB1];
	_ =	sdelay $0x3  }
0x33: {  	p0 =	seq.s32 s10, $0x1;
	s10 =	sld [smem:$0x3FB3];
	_ =	sdelay $0x3  }
0x34: {  	[smem:$0x3FB3] =	sst s10  }
0x35: {  	s10 =	sld [smem:$0x3FB2];
	_ =	sdelay $0x3  }
0x36: {  	p1 =	seq.s32 s10, $0x1;
	s10 =	sld [smem:$0x3FB3];
	_ =	sdelay $0x3  }
0x37: {  	[smem:$0x3FB3] =	sst s10  }
0x38: {  	s10 =	sld [smem:$0x3FB4]  }
0x39: {  	_ = 	snop;
	(pc) =	sbr.ind lr, $3  }
0x3a: {  	_ = 	snop  }
0x3b: {  	_ = 	snop  }
0x3c: {  	p2 =	seq.s32 s10, $0x1;
	s10 =	sld [smem:$0x3FB3]  }
0x3d: {  	_ =	shalt  }
0x3e: {  	_ =	shalt  }
0x3f: {  	_ =	shalt  }
0x40: {  	_ =	shalt  }
0x41: {  	_ =	shalt  }
0x42: {  	_ =	shalt  }
0x43: {  	_ =	shalt  }
0x44: {  	_ =	shalt  }
0x45: {  	_ =	shalt  }
0x46: {  	_ =	shalt  }
0x47: {  	_ =	shalt  }
0x48: {  	_ =	shalt  }
0x49: {  	_ =	shalt  }
0x4a: {  	_ =	shalt  }
0x4b: {  	_ =	shalt  }
0x4c: {  	_ =	shalt  }
0x4d: {  	_ =	shalt  }
0x4e: {  	_ =	shalt  }
0x4f: {  	_ =	shalt  }
0x50: {  	_ =	shalt  }
0x51: {  	_ =	shalt  }
0x52: {  	_ =	shalt  }
0x53: {  	_ =	shalt  }
0x54: {  	_ =	shalt  }
0x55: {  	_ =	shalt  }
0x56: {  	_ =	shalt  }
0x57: {  	_ =	shalt  }
0x58: {  	_ =	shalt  }
0x59: {  	_ =	shalt  }
0x5a: {  	_ =	shalt  }
0x5b: {  	_ =	shalt  }
0x5c: {  	_ =	shalt  }
0x5d: {  	_ =	shalt  }
0x5e: {  	_ =	shalt  }
0x5f: {  	_ =	shalt  }
0x60: {  	_ =	shalt  }
0x61: {  	_ =	shalt  }
0x62: {  	_ =	shalt  }
0x63: {  	_ =	shalt  }
0x64: {  	_ =	shalt  }
0x65: {  	_ =	shalt  }
0x66: {  	_ =	shalt  }
0x67: {  	_ =	shalt  }
0x68: {  	_ =	shalt  }
0x69: {  	_ =	shalt  }
0x6a: {  	_ =	shalt  }
0x6b: {  	_ =	shalt  }
0x6c: {  	_ =	shalt  }
0x6d: {  	_ =	shalt  }
0x6e: {  	_ =	shalt  }
0x6f: {  	_ =	shalt  }
0x70: {  	_ =	shalt  }
0x71: {  	_ =	shalt  }
0x72: {  	_ =	shalt  }
0x73: {  	_ =	shalt  }
0x74: {  	_ =	shalt  }
0x75: {  	_ =	shalt  }
0x76: {  	_ =	shalt  }
0x77: {  	_ =	shalt  }
0x78: {  	_ =	shalt  }
0x79: {  	_ =	shalt  }
0x7a: {  	_ =	shalt  }
0x7b: {  	_ =	shalt  }
0x7c: {  	_ =	shalt  }
0x7d: {  	_ =	shalt  }
0x7e: {  	_ =	shalt  }
0x7f: {  	_ =	shalt  }
0x80: {  	_ =	shalt  }
0x81: {  	_ =	shalt  }
0x82: {  	_ =	shalt  }
0x83: {  	_ =	shalt  }
0x84: {  	_ =	shalt  }
0x85: {  	_ =	shalt  }
0x86: {  	_ =	shalt  }
0x87: {  	_ =	shalt  }
.Lfunc_end0:
.L_simem_size_0:
called_computation_lowered:
.L_overlay_start_0:
0x88: {  	s2 =	sld [smem:$0x3FD9]  }
0x89: {  	s3 =	sld [smem:$0x3FFE];
	_ =	sdelay $0x1  }
0x8a: {  	s1 =	srdreg.scid  }
0x8b: {  	s0 =	sand.u32 $0x1, s1  }
0x8c: {  	s17 =	sshll.u32 s0, $0xA;
	s2 =	sadd.s32 s3, s2  }
0x8d: {  	s2 =	sadd.s32 s2, s17  }
0x8e: {  	[smem:$0x3FBF] =	sst s2  }
0x8f: {  	_ = 	snop  }
0x90: {  	s2 =	sld [smem:$0x3FD0];
	(tm) =	ssettm $0x1  }
0x91: {  	s18 =	sld [smem:$0x3FFB];
	_ =	sdelay $0x3  }
0x92: {  	_ =	strace s18  }
0x93: {  	s3 =	sld [smem:$0x3FFC];
	_ =	sdelay $0x3  }
0x94: {  	_ =	strace s3  }
0x95: {  	s3 =	sld [smem:$0x3FFD];
	_ =	sdelay $0x3  }
0x96: {  	_ =	strace s3  }
0x97: {  	_ =	strace $0x8FFFFFFF  }
0x98: {  	s19 =	sld [smem:$0x3FDB];
	_ =	sdelay $0x1  }
0x99: {  	s4 =	simm.s32 $_scs_section_size  }
0x9a: {  	s5 =	simm.s32 $_size__tile_overlayer_lowered;
	s6 =	simm.s32 $_tile_overlayer_lowered  }
0x9b: {  	s22 =	simm.s32 $0x1BFF;
	s21 =	sshll.u32 s6, $0x1;
	s3 =	sadd.s32 s4, s19  }
0x9c: {  	s7 =	simm.s32 $0x0;
	s20 =	sshll.u32 s5, $0x1;
	s5 =	sadd.s32 s21, s3  }
0x9d: {  	[timem:s7], [sflag:s22] =	dma.local [hbm:s5], s20  }
0x9e: {  	_ =	swait.ge [sflag:s22], s20  }
0x9f: {  	s4 =	ssub.s32 $0x0, s20;
	[sflag:s22] =	ssyncset.done $0x0  }
0xa0: {  	[sflag:s22] =	ssyncadd.s32 s4;
	_ =	sdelay $0x1  }
0xa1: {  	s23 =	simm.s32 $0x1B8B  }
0xa2: {  	_ =	swait.ge [sflag:s23], $0x1  }
0xa3: {  	[sflag:s23] =	ssyncset.done $0x0  }
0xa4: {  	s25 =	simm.s32 $0x1B8E;
	s24 =	sld [smem:$0x3FFE];
	[sflag:s23] =	ssyncadd.s32 $0xFFFFFFFF  }
0xa5: {  	s26 =	simm.s32 $execute0_lowered;
	[smem:$0x3FD2] =	sst s25  }
0xa6: {  	s5 =	sshll.u32 s26, $0x1;
	_ =	strace $0x80000046;
	[dreg:$0x1] =	wrdreg $0xFFFFFFFF  }
0xa7: {  	s28 =	simm.s32 $_size_execute0_lowered;
	s3 =	sadd.s32 s3, s5;
	[dreg:$0x0] =	wrdreg $0x0  }
0xa8: {  	s5 =	sshll.u32 s28, $0x1;
	[dreg:$0x2] =	wrdreg s3  }
0xa9: {  	[dreg:$0x3] =	wrdreg s5  }
0xaa: {  	[dreg:$0x4] =	wrdreg $0xC0  }
0xab: {  	_ =	task [dreg:s7], $0x5FFFF  }
0xac: {  	[dreg:$0x1] =	wrdreg $0xFFFFFFFF  }
0xad: {  	[dreg:$0x0] =	wrdreg $0x60  }
0xae: {  	[dreg:$0x2] =	wrdreg s2  }
0xaf: {  	[dreg:$0x3] =	wrdreg s24  }
0xb0: {  	[dreg:$0x4] =	wrdreg $0x9  }
0xb1: {  	_ =	task.clear_ibuf [dreg:s7], $0x5FFFF;
	_ =	strace $0x90000046  }
0xb2: {  	s29 =	simm.s32 $0x9;
	_ =	strace $0x80000048  }
0xb3: {  	_ =	swait.ge [sflag:s29], $0x1  }
0xb4: {  	[sflag:s29] =	ssyncadd.s32 $0xFFFFFFFF  }
0xb5: {  	_ =	strace $0x90000048  }
0xb6: {  	_ =	sfence  }
0xb7: {  	s30 =	sld [smem:$0x0];
	_ =	sdelay $0x2  }
0xb8: {  	s31 =	sshll.u32 s1, $0xD;
	s1 =	sshrl.u32 s1, $0x2  }
0xb9: {  	s3 =	sand.u32 $0x4000, s31;
	s1 =	sadd.s32 s1, s30  }
0xba: {  	s0 =	sor.u32 s3, s0;
	s1 =	sshll.u32 s1, $0x11  }
0xbb: {  	s0 =	sor.u32 s1, s0  }
0xbc: {  	s0 =	sadd.s32 $0x8F2B, s0  }
0xbd: {  	[sflag:s0] =	ssyncadd.remote.s32 $0x1  }
0xbe: {  	_ =	sfence.sel $0xFFFF  }
0xbf: {  	[dreg:$0x0] =	wrdreg $0xFFFFFFFF;
	(pc) =	sbr.abs _section_cstart, $3  }
0xc0: {  	[dreg:$0x1] =	wrdreg $0xFFFFFFFF  }
0xc1: {  	_ =	task.clear_ibuf [dreg:s7], $0x2FFFF;
	_ =	strace $0x9FFFFFFF  }
0xc2: {  	(tm) =	ssettm $0x7FFFFFFF  }
0xc3: {  	_ =	shalt  }
tec
execute0_lowered:
.L_overlay_start_1:
0x0: {  	(tag) =	ssettag $0x1  }
0x1: {  	s4 =	rddreg [dreg:$0x0]  }
0x2: {  	s0 =	srdreg.scid;
	s5 =	rddreg [dreg:$0x1]  }
0x3: {  	s2 =	simm.s32 $0x0;
	s12 =	simm.s32 $0x8A00;
	s13 =	simm.s32 $0x5E80  }
0x4: {  	s14 =	simm.s32 $0x9880;
	s15 =	simm.s32 $0x6D00;
	s16 =	simm.s32 $0xA700  }
0x5: {  	s17 =	simm.s32 $0x7B80;
	s18 =	simm.s32 $0xB580;
	s19 =	simm.s32 $0x80  }
0x6: {  	s20 =	simm.s32 $0x200;
	s22 =	simm.s32 $0xC400;
	s23 =	simm.s32 $0x0  }
0x7: {  	s3 =	sand.u32 $0x1, s0;
	s0 =	stileid.u32;
	[smem:$0x7FF] =	sst s2  }
0x8: {  	s1 =	sshll.u32 s3, $0x4;
	s10 =	sshll.u32 s0, $0x4;
	s3 =	ssub.s32 $0x2, s3  }
0x9: {  	s6 =	sor.u32 s0, s1;
	s1 =	rddreg [dreg:$0x2];
	_ =	strace $0x80000047  }
0xa: {  	s10 =	sand.u32 $0x70, s10;
	s30 =	sshrl.u32 s3, $0x1;
	s7 =	smul.u32 $0x500, s6  }
0xb: {  	s8 =	smul.u32 $0x700, s6;
	s10 =	sadd.s32 s10, s5;
	s6 =	sshll.u32 s6, $0x4  }
0xc: {  	s11 =	ssub.s32 s3, s30;
	s6 =	sand.u32 $0x180, s6;
	s9 =	sadd.s32 s7, s5  }
0xd: {  	s8 =	sadd.s32 s8, s5;
	s3 =	sadd.s32 s4, s7;
	s31 =	sadd.s32 s6, s10  }
0xe: {  	v0 =	vlaneseq.u32;
	s10 =	simm.s32 $0x2800;
	s4 =	sadd.s32 $0x2400, s9;
	s5 =	sadd.s32 $0xC400, s8  }
0xf: {  	v1 =	vimm.s32 $0x0;
	vm0 =	vmmov $0x1;
	vm1 =	vcmask $0x310;
	s6 =	sadd.s32 $0x1A400, s8;
	s7 =	sadd.s32 $0x28400, s31;
	s8 =	smax.u32 s11, $0x1  }
0x10: {  	vm2 =	vcmask $0x710;
	vm3 =	vcmask $0xB10;
	v0 =	vor.u32 $0x1388, v0;
	s9 =	simm.s32 $0x1;
	s11 =	simm.s32 $0x5000;
	s21 =	sadd.s32 $0x10, s5  }
.LBB2_1:
0x11: {  	[tilespmem:s2], [sflag:$0x1] =	stream.linear.gather [hbm4b:s3+s2], $0x2780, $0x38;
	[tilespmem:$0xC480] =	vst v63  }
0x12: {  	_ =	swait.ge [sflag:s9], $0x2780  }
0x13: {  	[sflag:s9] =	ssyncset.done $0x0  }
0x14: {  	[sflag:s9] =	ssyncadd.s32 $0xFFFFD880  }
0x15: {  	[tilespmem:s10], [sflag:$0x1] =	stream.linear.gather [hbm4b:s4+s2], $0x2780, $0x38;
	[tilespmem:$0xC480] =	vst v63  }
0x16: {  	_ =	swait.ge [sflag:s9], $0x2780  }
0x17: {  	[sflag:s9] =	ssyncset.done $0x0  }
0x18: {  	s24 =	simm.s32 $0x0;
	s25 =	simm.s32 $0x40;
	[sflag:s9] =	ssyncadd.s32 $0xFFFFD880  }
.LBB2_2:
0x19: {  	p0 =	sne.s32 s25, $0x3800;
	v3 =	vimm.s32 $0x0;
	[tilespmem:s24+$0xB580] =	vst v0  }
0x1a: {  	[tilespmem:s24+$0x5000] =	vst v3  }
0x1b: {  	[tilespmem:s24+$0x8A00] =	vst v0  }
.Ltmp0:
0x1c: {  	[tilespmem:s24+$0x5E80] =	vst v3;
	(pc) =	sbr.rel @p0 .LBB2_2-.Ltmp0, $4  }
0x1d: {  	[tilespmem:s24+$0x9880] =	vst v0  }
0x1e: {  	[tilespmem:s24+$0x6D00] =	vst v3  }
0x1f: {  	[tilespmem:s24+$0xA700] =	vst v0  }
0x20: {  	[tilespmem:s24+$0x7B80] =	vst v3;
	s24 =	sshra.s32 s25, $0x2;
	s25 =	sadd.s32 $0x40, s25  }
0x21: {  	[tilespmem:s24+$0xB580] =	vst v0  }
0x22: {  	[tilespmem:s24+$0x5000] =	vst v3  }
0x23: {  	[tilespmem:s24+$0x8A00] =	vst v0  }
0x24: {  	[tilespmem:s24+$0x5E80] =	vst v3  }
0x25: {  	[tilespmem:s24+$0x9880] =	vst v0  }
0x26: {  	[tilespmem:s24+$0x6D00] =	vst v3  }
0x27: {  	[tilespmem:s24+$0xA700] =	vst v0  }
0x28: {  	[tilespmem:s24+$0x7B80] =	vst v3;
	s31 =	simm.s32 $0x0  }
0x29: {  	v8 =	vld [tilespmem:s31+$0x0]  }
0x2a: {  	v6 =	vld [tilespmem:s31+$0x2800];
	_ =	sdelay $0x4  }
0x2b: {  	vm5 =	vlt.s32 v8, $0x1388;
	vm4 =	vlt.s32 v6, $0x1388  }
0x2c: {  	vm10 =	vge.s32 v6, $0x1388;
	vm9 =	vmand vm5, vm4  }
0x2d: {  	vm6 =	vge.s32 v8, $0x1388;
	vm8 =	vmand vm5, vm10;
	v2 =	vsel vm9, $0x1, v1  }
0x2e: {  	vm7 =	vmand vm4, vm6;
	vm6 =	vmand vm6, vm10;
	v4 =	vsel vm8, $0x1, v1;
	(xrf0) =	vadd.scan.msk.s32 $0xffff, v2  }
0x2f: {  	v9 =	vsel vm7, $0x1, v1;
	v14 =	vsel vm9, $0xFFFFFFFF, v1;
	v5 =	vmpcnt.ones.xlane vm8;
	(xrf0) =	vadd.scan.msk.s32 $0xffff, v4  }
0x30: {  	v10 =	vsel vm6, $0x1, v1;
	v15 =	vmpcnt.ones.xlane vm7;
	v2 =	vmpcnt.ones.xlane vm9;
	(xrf0) =	vadd.scan.msk.s32 $0xffff, v9  }
0x31: {  	v12 =	vmpcnt.ones.xlane vm6;
	v13 =	vsel vm7, $0xFFFFFFFF, v1;
	v14 =	vadd.s32 v14, v3;
	(xrf0) =	vadd.scan.msk.s32 $0xffff, v10  }
0x32: {  	v5 =	vadd.s32 v3, v5;
	v7 =	vadd.s32 v3, v2;
	v2 =	vsel vm8, $0xFFFFFFFF, v1  }
0x33: {  	v4 =	vadd.s32 v3, v15;
	v9 =	vimm.s32 $0x0;
	v11 =	vadd.s32 v2, v3  }
0x34: {  	s24 =	simm.s32 $0x40;
	v2 =	vadd.s32 v3, v12;
	v12 =	vsel vm6, $0xFFFFFFFF, v1;
	v10 =	vadd.s32 $0xFFFFEC78, v6;
	v15, _, _ =	vpop (xrf0)  }
.LBB2_4:
0x35: {  	p0 =	sne.s32 s24, $0x9DC0;
	v14 =	vadd.s32 v15, v14;
	v15, _, _ =	vpop (xrf0);
	v16 =	vmov v7;
	s25 =	smov.u32 s24;
	s24 =	sadd.s32 $0x40, s24  }
0x36: {  	v18 =	vadd.s32 v13, v3;
	s25 =	sshra.s32 s25, $0x2;
	v14 =	vnsel vm9, $0xE00, v14;
	v11 =	vadd.s32 v15, v11;
	v13, _, _ =	vpop (xrf0)  }
0x37: {  	v17 =	vadd.s32 v12, v9;
	v11 =	vnsel vm8, $0xE00, v11;
	v13 =	vadd.s32 v13, v18;
	v9, _, _ =	vpop (xrf0)  }
0x38: {  	v12 =	vadd.s32 $0xFFFFEC78, v8;
	v3 =	vmovc v4;
	v15 =	vadd.s32 v9, v17;
	v9 =	vmov v2  }
0x39: {  	v8 =	vsel vm5, v8, v12;
	v12 =	vnsel vm7, $0xE00, v13  }
0x3a: {  	v6 =	vsel vm4, v6, v10  }
0x3b: {  	v10 =	vnsel vm6, $0xE00, v15;
	[tilespmem:v14+s11+$0x0] =	vst.idx.msk $0xffff, v8  }
0x3c: {  	[tilespmem:v14+s12+$0x0] =	vst.idx.msk $0xffff, v6  }
0x3d: {  	[tilespmem:v11+s13+$0x0] =	vst.idx.msk $0xffff, v8  }
0x3e: {  	[tilespmem:v11+s14+$0x0] =	vst.idx.msk $0xffff, v6  }
0x3f: {  	[tilespmem:v12+s15+$0x0] =	vst.idx.msk $0xffff, v8  }
0x40: {  	[tilespmem:v12+s16+$0x0] =	vst.idx.msk $0xffff, v6  }
0x41: {  	[tilespmem:v10+s17+$0x0] =	vst.idx.msk $0xffff, v8  }
0x42: {  	[tilespmem:v10+s18+$0x0] =	vst.idx.msk $0xffff, v6  }
0x43: {  	v8 =	vld [tilespmem:s25+$0x0]  }
0x44: {  	v6 =	vld [tilespmem:s25+$0x2800];
	_ =	sdelay $0x3  }
0x45: {  	vm6 =	vge.s32 v8, $0x1388  }
0x46: {  	vm5 =	vlt.s32 v8, $0x1388;
	vm10 =	vge.s32 v6, $0x1388;
	vm4 =	vlt.s32 v6, $0x1388  }
0x47: {  	vm9 =	vmand vm5, vm4;
	vm8 =	vmand vm5, vm10;
	vm7 =	vmand vm4, vm6  }
0x48: {  	v10 =	vsel vm9, $0x1, v1;
	v11 =	vsel vm8, $0x1, v1;
	v12 =	vsel vm7, $0x1, v1  }
0x49: {  	vm6 =	vmand vm6, vm10;
	v14 =	vsel vm9, $0xFFFFFFFF, v1;
	v13 =	vmpcnt.ones.xlane vm9;
	(xrf0) =	vadd.scan.msk.s32 $0xffff, v10  }
0x4a: {  	v15 =	vsel vm6, $0x1, v1;
	v17 =	vmpcnt.ones.xlane vm6;
	v10 =	vmpcnt.ones.xlane vm8;
	(xrf0) =	vadd.scan.msk.s32 $0xffff, v11  }
.Ltmp1:
0x4b: {  	v18 =	vmpcnt.ones.xlane vm7;
	v7 =	vadd.s32 v7, v13;
	v11 =	vsel vm8, $0xFFFFFFFF, v1;
	(xrf0) =	vadd.scan.msk.s32 $0xffff, v12;
	(pc) =	sbr.rel @p0 .LBB2_4-.Ltmp1, $4  }
0x4c: {  	v2 =	vadd.s32 v2, v17;
	v11 =	vadd.s32 v11, v5;
	v5 =	vadd.s32 v5, v10;
	(xrf0) =	vadd.scan.msk.s32 $0xffff, v15  }
0x4d: {  	v13 =	vsel vm7, $0xFFFFFFFF, v1;
	v4 =	vadd.s32 v4, v18;
	v12 =	vsel vm6, $0xFFFFFFFF, v1  }
0x4e: {  	v14 =	vadd.s32 v14, v16;
	v10 =	vadd.s32 $0xFFFFEC78, v6  }
0x4f: {  	v15, _, _ =	vpop (xrf0)  }
0x50: {  	v14 =	vadd.s32 v15, v14;
	v3 =	vadd.s32 v13, v3  }
0x51: {  	v9 =	vadd.s32 v12, v9;
	v50 =	vadd.s32 $0xFFFFEC78, v8;
	v7 =	vadd.s32 $0xFF, v7  }
0x52: {  	v16, _, _ =	vpop (xrf0);
	v6 =	vsel vm4, v6, v10;
	v5 =	vadd.s32 $0xFF, v5;
	v4 =	vadd.s32 $0xFF, v4  }
0x53: {  	v2 =	vadd.s32 $0xFF, v2;
	v11 =	vadd.s32 v16, v11;
	v14 =	vnsel vm9, $0xE00, v14  }
0x54: {  	v8 =	vsel vm5, v8, v50;
	v51 =	vshra.s32 v7, $0x1F;
	v52 =	vand.u32 $0xFF, v7  }
0x55: {  	vm5 =	vlt.s32 v7, $0x1;
	v54 =	vshra.s32 v5, $0x1F;
	v55 =	vand.u32 $0xFF, v5  }
0x56: {  	v48, _, _ =	vpop (xrf0);
	v56 =	vshra.s32 v4, $0x1F;
	v58 =	vand.u32 $0xFF, v4;
	v59 =	vshra.s32 v2, $0x1F  }
0x57: {  	v60 =	vand.u32 $0xFF, v2;
	v11 =	vnsel vm8, $0xE00, v11;
	v3 =	vadd.s32 v48, v3  }
0x58: {  	v49, _, _ =	vpop (xrf0);
	v12 =	vshrl.u32 v51, $0x18;
	vm14 =	vne.s32 v52, $0x0;
	v10 =	vshrl.u32 v54, $0x18  }
0x59: {  	vm15 =	vne.s32 v60, $0x0;
	v9 =	vadd.s32 v49, v9;
	v3 =	vnsel vm7, $0xE00, v3  }
0x5a: {  	v7 =	vadd.s32 v12, v7;
	vm4 =	vmand vm5, vm14;
	vm5 =	vne.s32 v55, $0x0  }
0x5b: {  	v7 =	vshra.s32 v7, $0x8;
	v53 =	vsel vm4, $0xFFFFFFFF, v1;
	v9 =	vnsel vm6, $0xE00, v9  }
0x5c: {  	vm4 =	vlt.s32 v5, $0x1;
	v5 =	vadd.s32 v10, v5;
	v10 =	vshrl.u32 v56, $0x18  }
0x5d: {  	v7 =	vadd.s32 v53, v7;
	vm4 =	vmand vm4, vm5;
	v5 =	vshra.s32 v5, $0x8  }
0x5e: {  	v10 =	vadd.s32 v10, v4;
	vm5 =	vne.s32 v58, $0x0;
	v7 =	vshll.u32 v7, $0x1  }
0x5f: {  	v57 =	vsel vm4, $0xFFFFFFFF, v1;
	v10 =	vshra.s32 v10, $0x8;
	[tilespmem:v14+s11+$0x0] =	vst.idx.msk $0xffff, v8;
	vm4 =	vlt.s32 v4, $0x1  }
0x60: {  	v4 =	vshrl.u32 v59, $0x18;
	v7 =	vnsel vm0, $0x0, v7;
	v5 =	vadd.s32 v57, v5;
	[tilespmem:v14+s12+$0x0] =	vst.idx.msk $0xffff, v6  }
0x61: {  	vm4 =	vmand vm4, vm5;
	vm5 =	vlt.s32 v2, $0x1;
	v2 =	vadd.s32 v4, v2;
	[tilespmem:v11+s13+$0x0] =	vst.idx.msk $0xffff, v8  }
0x62: {  	v5 =	vshll.u32 v5, $0x1;
	v61 =	vsel vm4, $0xFFFFFFFF, v1;
	vm4 =	vmand vm5, vm15;
	[tilespmem:v11+s14+$0x0] =	vst.idx.msk $0xffff, v6  }
0x63: {  	v2 =	vshra.s32 v2, $0x8;
	v62 =	vadd.s32 v61, v10;
	v63 =	vsel vm4, $0xFFFFFFFF, v1;
	[tilespmem:v3+s15+$0x0] =	vst.idx.msk $0xffff, v8  }
0x64: {  	v4 =	vshll.u32 v62, $0x1;
	v2 =	vadd.s32 v63, v2;
	[tilespmem:v3+s16+$0x0] =	vst.idx.msk $0xffff, v6;
	v3 =	vsel vm1, v7, v5  }
0x65: {  	v2 =	vshll.u32 v2, $0x1;
	[tilespmem:v9+s17+$0x0] =	vst.idx.msk $0xffff, v8;
	v3 =	vsel vm2, v3, v4  }
0x66: {  	[tilespmem:v9+s18+$0x0] =	vst.idx.msk $0xffff, v6;
	v2 =	vsel vm3, v3, v2  }
0x67: {  	[tilespmem:$0xC400] =	vst v2  }
0x68: {  	[hbm4b:s5+s19] =	stream.strided.scatter [tilespmem:s11], [sflag:$0x1], $0xE00, s20, s19, $0x38;
	[tilespmem:$0xC480] =	vst v63  }
0x69: {  	_ =	swait.ge [sflag:s9], $0xE00  }
0x6a: {  	[sflag:s9] =	ssyncset.done $0x0  }
0x6b: {  	[sflag:s9] =	ssyncadd.s32 $0xFFFFF200  }
0x6c: {  	[hbm4b:s6+s19] =	stream.strided.scatter [tilespmem:s12], [sflag:$0x1], $0xE00, s20, s19, $0x38;
	[tilespmem:$0xC480] =	vst v63  }
0x6d: {  	_ =	swait.ge [sflag:s9], $0xE00  }
0x6e: {  	[sflag:s9] =	ssyncset.done $0x0  }
0x6f: {  	[sflag:s9] =	ssyncadd.s32 $0xFFFFF200  }
0x70: {  	[hbm4b:s21+s19] =	stream.strided.scatter [tilespmem:s13], [sflag:$0x1], $0xE00, s20, s19, $0x38;
	[tilespmem:$0xC480] =	vst v63  }
0x71: {  	_ =	swait.ge [sflag:s9], $0xE00  }
0x72: {  	[sflag:s9] =	ssyncset.done $0x0  }
0x73: {  	s24 =	sadd.s32 $0x10, s6;
	[sflag:s9] =	ssyncadd.s32 $0xFFFFF200  }
0x74: {  	[hbm4b:s24+s19] =	stream.strided.scatter [tilespmem:s14], [sflag:$0x1], $0xE00, s20, s19, $0x38;
	[tilespmem:$0xC480] =	vst v63  }
0x75: {  	_ =	swait.ge [sflag:s9], $0xE00  }
0x76: {  	[sflag:s9] =	ssyncset.done $0x0  }
0x77: {  	s28 =	sadd.s32 $0x20, s5;
	[sflag:s9] =	ssyncadd.s32 $0xFFFFF200  }
0x78: {  	[hbm4b:s28+s19] =	stream.strided.scatter [tilespmem:s15], [sflag:$0x1], $0xE00, s20, s19, $0x38;
	[tilespmem:$0xC480] =	vst v63  }
0x79: {  	_ =	swait.ge [sflag:s9], $0xE00  }
0x7a: {  	[sflag:s9] =	ssyncset.done $0x0  }
0x7b: {  	s29 =	sadd.s32 $0x20, s6;
	[sflag:s9] =	ssyncadd.s32 $0xFFFFF200  }
0x7c: {  	[hbm4b:s29+s19] =	stream.strided.scatter [tilespmem:s16], [sflag:$0x1], $0xE00, s20, s19, $0x38;
	[tilespmem:$0xC480] =	vst v63  }
0x7d: {  	_ =	swait.ge [sflag:s9], $0xE00  }
0x7e: {  	[sflag:s9] =	ssyncset.done $0x0  }
0x7f: {  	s30 =	sadd.s32 $0x30, s5;
	[sflag:s9] =	ssyncadd.s32 $0xFFFFF200  }
0x80: {  	[hbm4b:s30+s19] =	stream.strided.scatter [tilespmem:s17], [sflag:$0x1], $0xE00, s20, s19, $0x38;
	[tilespmem:$0xC480] =	vst v63  }
0x81: {  	_ =	swait.ge [sflag:s9], $0xE00  }
0x82: {  	[sflag:s9] =	ssyncset.done $0x0  }
0x83: {  	s31 =	sadd.s32 $0x30, s6;
	[sflag:s9] =	ssyncadd.s32 $0xFFFFF200  }
0x84: {  	[hbm4b:s31+s19] =	stream.strided.scatter [tilespmem:s18], [sflag:$0x1], $0xE00, s20, s19, $0x38;
	[tilespmem:$0xC480] =	vst v63  }
0x85: {  	s23 =	sadd.s32 $0x1, s23;
	_ =	swait.ge [sflag:s9], $0xE00  }
0x86: {  	p0 =	sne.s32 s23, s8;
	[sflag:s9] =	ssyncset.done $0x0  }
.Ltmp2:
0x87: {  	[sflag:s9] =	ssyncadd.s32 $0xFFFFF200;
	(pc) =	sbr.rel @p0 .LBB2_1-.Ltmp2, $4  }
0x88: {  	[hbm4b:s7+s2] =	stream.linear.scatter [tilespmem:s22], [sflag:$0x1], $0x80, $0x38;
	[tilespmem:$0xC480] =	vst v63  }
0x89: {  	_ =	swait.ge [sflag:s9], $0x80  }
0x8a: {  	[sflag:s9] =	ssyncset.done $0x0  }
0x8b: {  	[sflag:s9] =	ssyncadd.s32 $0xFFFFFF80  }
0x8c: {  	_ =	sfence.sel $0x180000  }
0x8d: {  	[bflag:$0x0] =	sbarrier.arrive $0xFFFF  }
0x8e: {  	p0 =	sne.s32 s0, $0x0;
	_ =	strace $0x90000047  }
0x8f: {  	s0 =	sadd.s32 @!p0 $0x100000, s1;
	[bflag:$0x2] =	sbarrier.arrive $0xFFFF  }
0x90: {  	[sflag:s0] =	ssyncadd.tile.s32 @!p0 $0x1;
	_ =	shalt  }
.Lfunc_end2:
_tile_overlayer_lowered:
.L_overlay_start_2:
0x91: {  	(tag) =	ssettag $0x2  }
0x92: {  	s0 =	rddreg [dreg:$0x0];
	s2 =	stileid.u32  }
0x93: {  	s1 =	rddreg [dreg:$0x1];
	p0 =	sne.s32 s2, $0x0  }
0x94: {  	s3 =	rddreg [dreg:$0x2];
	[bflag:$0x3] =	sbarrier.arrive $0xFFFF;
	s2 =	simm.s32 @!p0 $0x1C01  }
0x95: {  	[timem:s3], [sflag:s2] =	dma.local @!p0 [hbm:s0], s1  }
0x96: {  	s0 =	simm.s32 @!p0 $0x1  }
0x97: {  	_ =	swait.ge @!p0 [sflag:s0], s1  }
0x98: {  	s1 =	ssub.s32 @!p0 $0x0, s1;
	[sflag:s0] =	ssyncset.done @!p0 $0x0  }
0x99: {  	[sflag:s0] =	ssyncadd.s32 @!p0 s1  }
0x9a: {  	[bflag:$0x3] =	sbarrier.arrive $0xFFFF  }
0x9b: {  	_ =	shalt  }

// kernel: kernel.8.cloned.1.call-start
scs
__scs_entry_jumppad:
0x0: {  	(pc) =	sbr.rel $0x88, $3  }
0x1: {  	(tag) =	ssettag $0x0;
	lr =	simm.s32 $0x1  }
0x2: {  	[smem:$0x3F98] =	sst lr;
	_ =	strace $0xD0000000  }
0x3: {  	_ = 	snop  }
0x4: {  	_ = 	snop  }
0x5: {  	_ = 	snop  }
0x6: {  	_ = 	snop  }
0x7: {  	_ = 	snop  }
__scs_overlays_trampoline_lowered:
0x8: {  	[smem:$0x3FA7] =	sst s0  }
0x9: {  	[smem:$0x3FA8] =	sst s1  }
0xa: {  	[smem:$0x3FA9] =	sst s2  }
0xb: {  	[smem:$0x3FAA] =	sst s3  }
0xc: {  	[smem:$0x3FAB] =	sst s4  }
0xd: {  	[smem:$0x3FAC] =	sst s5  }
0xe: {  	[smem:$0x3FAD] =	sst s6  }
0xf: {  	[smem:$0x3FAE] =	sst s7  }
0x10: {  	[smem:$0x3FAF] =	sst s8  }
0x11: {  	[smem:$0x3FB0] =	sst s9;
	s0 =	simm.s32 @!p0 $0x0  }
0x12: {  	s1 =	sld [smem:$0x3F96];
	s0 =	simm.s32 @p0 $0x1  }
0x13: {  	[smem:$0x3FB1] =	sst s0;
	s0 =	simm.s32 @!p1 $0x0  }
0x14: {  	s2 =	sld [smem:$0x3F95];
	s0 =	simm.s32 @p1 $0x1  }
0x15: {  	[smem:$0x3FB2] =	sst s0;
	s0 =	simm.s32 @!p2 $0x0  }
0x16: {  	s3 =	sld [smem:$0x3FDB];
	s0 =	simm.s32 @p2 $0x1  }
0x17: {  	s4 =	simm.s32 $0x1BF5;
	[smem:$0x3FB4] =	sst s0  }
0x18: {  	s0 =	sld [smem:$0x3F97];
	_ =	swait.ge [sflag:s4], $0x0  }
0x19: {  	s7 =	sld [smem:$0x3F98]  }
0x1a: {  	s8 =	sadd.s32 $0xFFFFE003, lr  }
0x1b: {  	s9 =	sadd.s32 $0xFFFFFEF7, lr;
	s5 =	simm.s32 $0xFFFFFFFF;
	p2 =	slt.u32 s8, $0xFFFFF086  }
0x1c: {  	p1 =	slt.u32 s9, $0xF7A;
	s5 =	simm.s32 @!p2 $0x0  }
0x1d: {  	s5 =	simm.s32 @p1 $0x1;
	p0 =	seq.s32 s7, s2  }
0x1e: {  	s7 =	smul.u32 @!p0 $0xF7A, s2;
	p2 =	seq.s32 @!p0 s5, $0x0  }
0x1f: {  	s9 =	smul.u32 $0xF7A, s1;
	s8 =	simm.s32 @!p0 $0x1BF5;
	p2 =	por !p2, p0  }
0x20: {  	[sflag:s8] =	ssyncset.s32 @!p0 $0xFFFFF086;
	s6 =	sadd.s32 @!p0 s3, s7;
	s7 =	simm.s32 @!p0 $0x108  }
0x21: {  	s3 =	sadd.s32 s3, s9;
	s6 =	sadd.s32 @!p0 $0x88, s6;
	s7 =	simm.s32 @p2 $0x1082  }
0x22: {  	[simem:s7], [sflag:s8] =	dma.local @!p0 [hbm:s6], $0xF7A  }
0x23: {  	s9 =	sor.u32 $0xD0000000, s2;
	s6 =	simm.s32 $0x108;
	_ =	swait.ge @!p0 [sflag:s8], $0x0  }
0x24: {  	s3 =	sadd.s32 $0x88, s3;
	s6 =	simm.s32 @!p1 $0x1082;
	[sflag:s4] =	ssyncset.s32 $0xFFFFF086  }
0x25: {  	[simem:s6], [sflag:s4] =	dma.local [hbm:s3], $0xF7A  }
0x26: {  	[smem:$0x3F98] =	sst s1;
	(tag) =	ssettag s2;
	_ =	strace s9  }
0x27: {  	s1 =	sld [smem:$0x3FA8]  }
0x28: {  	s2 =	sld [smem:$0x3FA9]  }
0x29: {  	s4 =	sld [smem:$0x3FAB]  }
0x2a: {  	p0 =	seq.s32 s5, $0x0;
	s5 =	sld [smem:$0x3FAC]  }
0x2b: {  	s6 =	sld [smem:$0x3FAD]  }
0x2c: {  	s7 =	sld [smem:$0x3FAE]  }
0x2d: {  	s3 =	simm.s32 $0x108;
	s8 =	sld [smem:$0x3FAF]  }
0x2e: {  	s3 =	simm.s32 @!p0 $0x1082;
	s9 =	sld [smem:$0x3FB0]  }
0x2f: {  	lr =	sadd.s32 s0, s3;
	s0 =	sld [smem:$0x3FA7]  }
0x30: {  	s3 =	sld [smem:$0x3FAA]  }
0x31: {  	[smem:$0x3FB3] =	sst s10  }
0x32: {  	s10 =	sld [smem:$0x3FB1];
	_ =	sdelay $0x3  }
0x33: {  	p0 =	seq.s32 s10, $0x1;
	s10 =	sld [smem:$0x3FB3];
	_ =	sdelay $0x3  }
0x34: {  	[smem:$0x3FB3] =	sst s10  }
0x35: {  	s10 =	sld [smem:$0x3FB2];
	_ =	sdelay $0x3  }
0x36: {  	p1 =	seq.s32 s10, $0x1;
	s10 =	sld [smem:$0x3FB3];
	_ =	sdelay $0x3  }
0x37: {  	[smem:$0x3FB3] =	sst s10  }
0x38: {  	s10 =	sld [smem:$0x3FB4]  }
0x39: {  	_ = 	snop;
	(pc) =	sbr.ind lr, $3  }
0x3a: {  	_ = 	snop  }
0x3b: {  	_ = 	snop  }
0x3c: {  	p2 =	seq.s32 s10, $0x1;
	s10 =	sld [smem:$0x3FB3]  }
0x3d: {  	_ =	shalt  }
0x3e: {  	_ =	shalt  }
0x3f: {  	_ =	shalt  }
0x40: {  	_ =	shalt  }
0x41: {  	_ =	shalt  }
0x42: {  	_ =	shalt  }
0x43: {  	_ =	shalt  }
0x44: {  	_ =	shalt  }
0x45: {  	_ =	shalt  }
0x46: {  	_ =	shalt  }
0x47: {  	_ =	shalt  }
0x48: {  	_ =	shalt  }
0x49: {  	_ =	shalt  }
0x4a: {  	_ =	shalt  }
0x4b: {  	_ =	shalt  }
0x4c: {  	_ =	shalt  }
0x4d: {  	_ =	shalt  }
0x4e: {  	_ =	shalt  }
0x4f: {  	_ =	shalt  }
0x50: {  	_ =	shalt  }
0x51: {  	_ =	shalt  }
0x52: {  	_ =	shalt  }
0x53: {  	_ =	shalt  }
0x54: {  	_ =	shalt  }
0x55: {  	_ =	shalt  }
0x56: {  	_ =	shalt  }
0x57: {  	_ =	shalt  }
0x58: {  	_ =	shalt  }
0x59: {  	_ =	shalt  }
0x5a: {  	_ =	shalt  }
0x5b: {  	_ =	shalt  }
0x5c: {  	_ =	shalt  }
0x5d: {  	_ =	shalt  }
0x5e: {  	_ =	shalt  }
0x5f: {  	_ =	shalt  }
0x60: {  	_ =	shalt  }
0x61: {  	_ =	shalt  }
0x62: {  	_ =	shalt  }
0x63: {  	_ =	shalt  }
0x64: {  	_ =	shalt  }
0x65: {  	_ =	shalt  }
0x66: {  	_ =	shalt  }
0x67: {  	_ =	shalt  }
0x68: {  	_ =	shalt  }
0x69: {  	_ =	shalt  }
0x6a: {  	_ =	shalt  }
0x6b: {  	_ =	shalt  }
0x6c: {  	_ =	shalt  }
0x6d: {  	_ =	shalt  }
0x6e: {  	_ =	shalt  }
0x6f: {  	_ =	shalt  }
0x70: {  	_ =	shalt  }
0x71: {  	_ =	shalt  }
0x72: {  	_ =	shalt  }
0x73: {  	_ =	shalt  }
0x74: {  	_ =	shalt  }
0x75: {  	_ =	shalt  }
0x76: {  	_ =	shalt  }
0x77: {  	_ =	shalt  }
0x78: {  	_ =	shalt  }
0x79: {  	_ =	shalt  }
0x7a: {  	_ =	shalt  }
0x7b: {  	_ =	shalt  }
0x7c: {  	_ =	shalt  }
0x7d: {  	_ =	shalt  }
0x7e: {  	_ =	shalt  }
0x7f: {  	_ =	shalt  }
0x80: {  	_ =	shalt  }
0x81: {  	_ =	shalt  }
0x82: {  	_ =	shalt  }
0x83: {  	_ =	shalt  }
0x84: {  	_ =	shalt  }
0x85: {  	_ =	shalt  }
0x86: {  	_ =	shalt  }
0x87: {  	_ =	shalt  }
.Lfunc_end0:
.L_simem_size_0:
called_computation.1_lowered:
.L_overlay_start_0:
0x88: {  	s2 =	sld [smem:$0x3FD9]  }
0x89: {  	s3 =	sld [smem:$0x3FFE];
	_ =	sdelay $0x1  }
0x8a: {  	s1 =	srdreg.scid  }
0x8b: {  	s0 =	sand.u32 $0x1, s1  }
0x8c: {  	s17 =	sshll.u32 s0, $0xA;
	s2 =	sadd.s32 s3, s2  }
0x8d: {  	s2 =	sadd.s32 s2, s17  }
0x8e: {  	[smem:$0x3FBF] =	sst s2  }
0x8f: {  	_ = 	snop  }
0x90: {  	s2 =	sld [smem:$0x3FD0];
	(tm) =	ssettm $0x1  }
0x91: {  	s18 =	sld [smem:$0x3FFB];
	_ =	sdelay $0x3  }
0x92: {  	_ =	strace s18  }
0x93: {  	s3 =	sld [smem:$0x3FFC];
	_ =	sdelay $0x3  }
0x94: {  	_ =	strace s3  }
0x95: {  	s3 =	sld [smem:$0x3FFD];
	_ =	sdelay $0x3  }
0x96: {  	_ =	strace s3  }
0x97: {  	_ =	strace $0x8FFFFFFF  }
0x98: {  	s19 =	sld [smem:$0x3FDB];
	_ =	sdelay $0x1  }
0x99: {  	s4 =	simm.s32 $_scs_section_size  }
0x9a: {  	s5 =	simm.s32 $_size__tile_overlayer_lowered;
	s6 =	simm.s32 $_tile_overlayer_lowered  }
0x9b: {  	s22 =	simm.s32 $0x1BFF;
	s21 =	sshll.u32 s6, $0x1;
	s3 =	sadd.s32 s4, s19  }
0x9c: {  	s7 =	simm.s32 $0x0;
	s20 =	sshll.u32 s5, $0x1;
	s5 =	sadd.s32 s21, s3  }
0x9d: {  	[timem:s7], [sflag:s22] =	dma.local [hbm:s5], s20  }
0x9e: {  	_ =	swait.ge [sflag:s22], s20  }
0x9f: {  	s4 =	ssub.s32 $0x0, s20;
	[sflag:s22] =	ssyncset.done $0x0  }
0xa0: {  	[sflag:s22] =	ssyncadd.s32 s4;
	_ =	sdelay $0x1  }
0xa1: {  	s23 =	simm.s32 $0x1B8B  }
0xa2: {  	_ =	swait.ge [sflag:s23], $0x1  }
0xa3: {  	[sflag:s23] =	ssyncset.done $0x0  }
0xa4: {  	s25 =	simm.s32 $0x1B8E;
	s24 =	sld [smem:$0x3FFE];
	[sflag:s23] =	ssyncadd.s32 $0xFFFFFFFF  }
0xa5: {  	s26 =	simm.s32 $execute0_lowered;
	[smem:$0x3FD2] =	sst s25  }
0xa6: {  	s5 =	sshll.u32 s26, $0x1;
	_ =	strace $0x80000049;
	[dreg:$0x1] =	wrdreg $0xFFFFFFFF  }
0xa7: {  	s28 =	simm.s32 $_size_execute0_lowered;
	s3 =	sadd.s32 s3, s5;
	[dreg:$0x0] =	wrdreg $0x0  }
0xa8: {  	s5 =	sshll.u32 s28, $0x1;
	[dreg:$0x2] =	wrdreg s3  }
0xa9: {  	[dreg:$0x3] =	wrdreg s5  }
0xaa: {  	[dreg:$0x4] =	wrdreg $0xC0  }
0xab: {  	_ =	task [dreg:s7], $0x5FFFF  }
0xac: {  	[dreg:$0x1] =	wrdreg $0xFFFFFFFF  }
0xad: {  	[dreg:$0x0] =	wrdreg $0x60  }
0xae: {  	[dreg:$0x2] =	wrdreg s24  }
0xaf: {  	[dreg:$0x3] =	wrdreg s2  }
0xb0: {  	[dreg:$0x4] =	wrdreg $0xB8000  }
0xb1: {  	[dreg:$0x5] =	wrdreg $0x158000  }
0xb2: {  	[dreg:$0x6] =	wrdreg $0x9  }
0xb3: {  	_ =	task.clear_ibuf [dreg:s7], $0x7FFFF;
	_ =	strace $0x90000049  }
0xb4: {  	s29 =	simm.s32 $0x9;
	_ =	strace $0x8000004B  }
0xb5: {  	_ =	swait.ge [sflag:s29], $0x1  }
0xb6: {  	[sflag:s29] =	ssyncadd.s32 $0xFFFFFFFF  }
0xb7: {  	_ =	strace $0x9000004B  }
0xb8: {  	_ =	sfence  }
0xb9: {  	s30 =	sld [smem:$0x0];
	_ =	sdelay $0x2  }
0xba: {  	s31 =	sshll.u32 s1, $0xD;
	s1 =	sshrl.u32 s1, $0x2  }
0xbb: {  	s3 =	sand.u32 $0x4000, s31;
	s1 =	sadd.s32 s1, s30  }
0xbc: {  	s0 =	sor.u32 s3, s0;
	s1 =	sshll.u32 s1, $0x11  }
0xbd: {  	s0 =	sor.u32 s1, s0  }
0xbe: {  	s0 =	sadd.s32 $0x8F2B, s0  }
0xbf: {  	[sflag:s0] =	ssyncadd.remote.s32 $0x1  }
0xc0: {  	_ =	sfence.sel $0xFFFF  }
0xc1: {  	[dreg:$0x0] =	wrdreg $0xFFFFFFFF;
	(pc) =	sbr.abs _section_cstart, $3  }
0xc2: {  	[dreg:$0x1] =	wrdreg $0xFFFFFFFF  }
0xc3: {  	_ =	task.clear_ibuf [dreg:s7], $0x2FFFF;
	_ =	strace $0x9FFFFFFF  }
0xc4: {  	(tm) =	ssettm $0x7FFFFFFF  }
0xc5: {  	_ =	shalt  }
tec
execute0_lowered:
.L_overlay_start_1:
0x0: {  	(tag) =	ssettag $0x1  }
0x1: {  	s0 =	rddreg [dreg:$0x0]  }
0x2: {  	s4 =	rddreg [dreg:$0x1]  }
0x3: {  	s1 =	rddreg [dreg:$0x2]  }
0x4: {  	s2 =	rddreg [dreg:$0x3];
	s3 =	simm.s32 $0x0  }
0x5: {  	s5 =	srdreg.scid;
	s14 =	stileid.u32;
	s28 =	simm.s32 $0x3800  }
0x6: {  	s29 =	simm.s32 $0x1;
	s30 =	simm.s32 $0x7800;
	s31 =	simm.s32 $0x2  }
0x7: {  	[smem:$0x7FF] =	sst s3;
	s5 =	sand.u32 $0x1, s5;
	s6 =	sadd.s32 $0x28600, s0  }
0x8: {  	s7 =	sadd.s32 $0x2400, s0;
	s9 =	sadd.s32 $0x28400, s0;
	s10 =	sadd.s32 $0x12400, s0  }
0x9: {  	s25 =	sshll.u32 s14, $0x4;
	s12 =	sor.u32 $0x10, s14;
	s15 =	smul.u32 $0xA000, s14  }
0xa: {  	s16 =	sshll.u32 s14, $0xB;
	s19 =	smul.u32 $0x1400, s14;
	_ =	strace $0x8000004A  }
0xb: {  	s8 =	smul.u32 $0x14000, s5;
	[dreg:$0x5] =	wrdreg s10;
	s23 =	ssub.s32 $0x2, s5  }
0xc: {  	s11 =	sand.u32 $0x70, s25;
	s13 =	sshll.u32 s12, $0x4;
	s10 =	sadd.s32 s9, s25  }
0xd: {  	s12 =	sshll.u32 s12, $0xB;
	s21 =	sor.u32 $0x2, s5;
	s25 =	simm.s32 $0x2A00  }
0xe: {  	s24 =	sshrl.u32 s23, $0x1;
	[dreg:$0x6] =	wrdreg s10;
	s26 =	sand.u32 $0x180, s13  }
0xf: {  	s9 =	sadd.s32 s9, s11;
	s13 =	sadd.s32 s15, s2;
	s10 =	sshll.u32 s5, $0x9  }
0x10: {  	s11 =	sadd.s32 s7, s16;
	s17 =	sadd.s32 s15, s1;
	s18 =	sadd.s32 s6, s19  }
0x11: {  	s14 =	sadd.s32 s4, s12;
	s20 =	sshrl.u32 s15, $0x3;
	[dreg:$0x8] =	wrdreg s13  }
0x12: {  	s15 =	sadd.s32 s7, s12;
	s0 =	sadd.s32 s8, s0;
	[dreg:$0x9] =	wrdreg s17  }
0x13: {  	s8 =	ssub.s32 s23, s24;
	s9 =	sadd.s32 s26, s9;
	[dreg:$0xa] =	wrdreg s18  }
.Ltmp0:
0x14: {  	s23 =	simm.s32 $0x3;
	s24 =	simm.s32 $0xE00;
	(pc) =	sbr.rel .LBB2_1-.Ltmp0, $4  }
0x15: {  	s26 =	simm.s32 $0x80;
	[dreg:$0x7] =	wrdreg s9;
	s9 =	sadd.s32 s4, s16  }
0x16: {  	s4 =	sadd.s32 s6, s20;
	s16 =	sshll.u32 s21, $0x9;
	s0 =	sadd.s32 $0x50600, s0  }
0x17: {  	v2 =	vlaneseq.u32;
	v0 =	vmov s5;
	v1 =	vmov s21;
	s18 =	smax.u32 s8, $0x1;
	s20 =	simm.s32 $0x4;
	s17 =	sadd.s32 $0x13880, s4  }
0x18: {  	vm0 =	veq.s32 v0, v2;
	vm1 =	veq.s32 v1, v2;
	s22 =	sadd.s32 s19, s0;
	s0 =	simm.s32 $0x1C00;
	s19 =	simm.s32 $0x0  }
.LBB2_24:
0x19: {  	s7 =	simm.s32 $0x2A00  }
.LBB2_28:
0x1a: {  	s8 =	sadd.s32 $0xFFFFFF80, s6;
	[sflag:s20] =	ssyncadd.s32 @p0 $0xFFFFC000  }
0x1b: {  	[tilespmem:s30], [sflag:$0x2] =	stream.indirect.gather [spmem:s1], $0x80, s8, s26, $0xb8;
	[tilespmem:$0x1F900] =	vst v63  }
0x1c: {  	_ =	swait.ge [sflag:s29], $0x4000  }
0x1d: {  	s7 =	sadd.s32 @p0 $0x100, s7;
	[sflag:s29] =	ssyncset.done $0x0  }
0x1e: {  	s5 =	smov.u32 @p0 s7;
	[sflag:s29] =	ssyncadd.s32 $0xFFFFC000  }
0x1f: {  	[spmem:s2] =	stream.indirect.scatter.add.f32 [tilespmem:s28], [sflag:$0x4], $0x80, s5, s26, $0xb8;
	[tilespmem:$0x1F900] =	vst v63  }
0x20: {  	_ =	swait.ge [sflag:s20], $0x4000  }
0x21: {  	[sflag:s20] =	ssyncset.done $0x0  }
0x22: {  	[sflag:s20] =	ssyncadd.s32 $0xFFFFC000  }
0x23: {  	[tilespmem:s28], [sflag:$0x1] =	stream.indirect.gather [spmem:s1], $0x80, s6, s26, $0xb8;
	[tilespmem:$0x1F900] =	vst v63  }
0x24: {  	_ =	swait.ge [sflag:s31], $0x4000  }
0x25: {  	[sflag:s31] =	ssyncset.done $0x0  }
0x26: {  	s5 =	sadd.s32 $0x80, s5;
	[sflag:s31] =	ssyncadd.s32 $0xFFFFC000  }
0x27: {  	[spmem:s2] =	stream.indirect.scatter.add.f32 [tilespmem:s30], [sflag:$0x4], $0x80, s5, s26, $0xb8;
	[tilespmem:$0x1F900] =	vst v63  }
0x28: {  	_ =	swait.ge [sflag:s20], $0x4000  }
0x29: {  	[sflag:s20] =	ssyncset.done $0x0  }
0x2a: {  	[sflag:s20] =	ssyncadd.s32 $0xFFFFC000  }
.LBB2_29:
0x2b: {  	_ =	swait.ge [sflag:s29], $0x4000  }
0x2c: {  	s19 =	sadd.s32 $0x1, s19;
	[sflag:s29] =	ssyncset.done $0x0  }
0x2d: {  	p0 =	sne.s32 s19, s18;
	[sflag:s29] =	ssyncadd.s32 $0xFFFFC000  }
.Ltmp1:
0x2e: {  	[bflag:$0x0] =	sbarrier.arrive $0xFFFF;
	(pc) =	sbr.rel @!p0 .LBB2_30-.Ltmp1, $4  }
0x2f: {  	[hbm:s22], [sflag:s21] =	dma.local [spmem:s4], $0x1400  }
0x30: {  	_ =	swait.ge [sflag:s20], $0x1400  }
0x31: {  	[sflag:s20] =	ssyncset.done $0x0  }
0x32: {  	[sflag:s20] =	ssyncadd.s32 $0xFFFFEC00  }
.LBB2_1:
0x33: {  	s4 =	rddreg [dreg:$0x6];
	s5 =	simm.s32 $0x1F800  }
0x34: {  	[tilespmem:s5], [sflag:$0x4] =	stream.linear.gather [hbm4b:s4+s3], $0x80, $0x38;
	[tilespmem:$0x1F900] =	vst v63  }
0x35: {  	_ =	swait.ge [sflag:s20], $0x80  }
0x36: {  	s21 =	simm.s32 $0x1F880;
	[sflag:s20] =	ssyncset.done $0x0  }
0x37: {  	s6 =	stileid.u32;
	s13 =	rddreg [dreg:$0x7];
	[sflag:s20] =	ssyncadd.s32 $0xFFFFFF80  }
0x38: {  	[tilespmem:s21], [sflag:$0x4] =	stream.linear.gather [hbm4b:s13+s3], $0x80, $0x38;
	[tilespmem:$0x1F900] =	vst v63  }
0x39: {  	s4 =	sshll.u32 s6, $0x6;
	_ =	swait.ge [sflag:s20], $0x80  }
0x3a: {  	s21 =	sor.u32 $0x1C04, s4;
	[sflag:s20] =	ssyncset.done $0x0;
	s7 =	rddreg [dreg:$0x8]  }
0x3b: {  	s8 =	rddreg [dreg:$0x5];
	[sflag:s20] =	ssyncadd.s32 $0xFFFFFF80;
	s4 =	sshrl.u32 s7, $0x3  }
0x3c: {  	[spmem:s4], [sflag:s21] =	dma.local [hbm:s8], $0x1400  }
0x3d: {  	_ =	swait.ge [sflag:s20], $0x1400  }
0x3e: {  	[sflag:s20] =	ssyncset.done $0x0  }
0x3f: {  	s12 =	sadd.s32 s10, s9;
	[sflag:s20] =	ssyncadd.s32 $0xFFFFEC00  }
0x40: {  	[tilespmem:s3], [sflag:$0x3] =	stream.linear.gather [hbm4b:s12+s3], $0xE00, $0x38;
	[tilespmem:$0x1F900] =	vst v63  }
0x41: {  	s13 =	sadd.s32 s10, s11  }
0x42: {  	[tilespmem:s0], [sflag:$0x3] =	stream.linear.gather [hbm4b:s13+s3], $0xE00, $0x38;
	[tilespmem:$0x1F900] =	vst v63  }
0x43: {  	_ =	swait.ge [sflag:s23], $0xE00  }
0x44: {  	[sflag:s23] =	ssyncset.done $0x0  }
0x45: {  	[sflag:s23] =	ssyncadd.s32 $0xFFFFF200  }
0x46: {  	_ =	swait.ge [sflag:s23], $0xE00  }
0x47: {  	[sflag:s23] =	ssyncset.done $0x0  }
0x48: {  	[sflag:s23] =	ssyncadd.s32 $0xFFFFF200  }
0x49: {  	[bflag:$0x0] =	sbarrier.arrive $0xFFFF  }
0x4a: {  	s6 =	rddreg [dreg:$0x9]  }
0x4b: {  	s5 =	sshrl.u32 s6, $0x3;
	s6 =	rddreg [dreg:$0xa]  }
0x4c: {  	[spmem:s5], [sflag:s21] =	dma.local [hbm:s6], $0x1400  }
0x4d: {  	_ =	swait.ge [sflag:s20], $0x1400  }
0x4e: {  	[sflag:s20] =	ssyncset.done $0x0  }
0x4f: {  	[sflag:s20] =	ssyncadd.s32 $0xFFFFEC00  }
0x50: {  	s7 =	sadd.s32 s10, s14;
	[bflag:$0x0] =	sbarrier.arrive $0xFFFF  }
0x51: {  	[tilespmem:s24], [sflag:$0x3] =	stream.linear.gather [hbm4b:s7+s3], $0xE00, $0x38;
	[tilespmem:$0x1F900] =	vst v63  }
0x52: {  	s8 =	sadd.s32 s10, s15  }
0x53: {  	[tilespmem:s25], [sflag:$0x3] =	stream.linear.gather [hbm4b:s8+s3], $0xE00, $0x38;
	[tilespmem:$0x1F900] =	vst v63  }
0x54: {  	v0 =	vld [tilespmem:$0x1F800];
	_ =	sdelay $0x4  }
0x55: {  	v0 =	vnsel vm0, $0x0, v0  }
0x56: {  	(xrf0) =	vadd.scan.msk.s32 $0xffff, v0;
	_ =	sdelay $0x5  }
0x57: {  	v0, _, _ =	vpop (xrf0)  }
0x58: {  	(v2sf) =	vpush v0, $0xF;
	_ =	sdelay $0xe  }
0x59: {  	s12 =	spop (v2sf)  }
0x5a: {  	s7 =	sand.u32 $0x1, s12  }
0x5b: {  	p0 =	slt.s32 s12, $0x1;
	p1 =	seq.s32 s7, $0x1  }
0x5c: {  	s13 =	sshrl.u32 s12, $0x1F;
	p0 =	por !p0, !p1  }
0x5d: {  	s6 =	sadd.s32 s13, s12;
	s7 =	simm.s32 $0x1;
	p0 =	por !p0, !p0  }
0x5e: {  	s6 =	sshra.s32 s6, $0x1;
	s7 =	simm.s32 @!p0 $0x0  }
0x5f: {  	s7 =	ssub.s32 s6, s7  }
0x60: {  	p0 =	slt.s32 s7, $0x1  }
.Ltmp2:
0x61: {  	_ = 	snop;
	(pc) =	sbr.rel @p0 .LBB2_8-.Ltmp2, $3  }
0x62: {  	_ =	sdelay $0x1  }
0x63: {  	[tilespmem:s28], [sflag:$0x1] =	stream.indirect.gather [spmem:s1], $0x80, s3, s26, $0xb8;
	[tilespmem:$0x1F900] =	vst v63  }
0x64: {  	s6 =	simm.s32 $0x100  }
0x65: {  	p1 =	sne.s32 s7, $0x1  }
.Ltmp3:
0x66: {  	_ = 	snop;
	(pc) =	sbr.rel @!p1 .LBB2_3-.Ltmp3, $2  }
0x67: {  	_ =	sdelay $0x2  }
0x68: {  	s7 =	sadd.s32 $0xFFFFFFFF, s7;
	p0 =	por $0x0, $0x0  }
0x69: {  	s8 =	sadd.s32 $0xFFFFFF80, s6  }
0x6a: {  	[tilespmem:s30], [sflag:$0x2] =	stream.indirect.gather [spmem:s1], $0x80, s8, s26, $0xb8;
	[tilespmem:$0x1F900] =	vst v63  }
0x6b: {  	_ =	swait.ge [sflag:s29], $0x4000  }
0x6c: {  	[sflag:s29] =	ssyncset.done $0x0  }
0x6d: {  	[sflag:s29] =	ssyncadd.s32 $0xFFFFC000  }
0x6e: {  	[spmem:s2] =	stream.indirect.scatter.add.f32 [tilespmem:s28], [sflag:$0x4], $0x80, s0, s26, $0xb8;
	[tilespmem:$0x1F900] =	vst v63  }
0x6f: {  	_ =	swait.ge [sflag:s20], $0x4000  }
0x70: {  	[sflag:s20] =	ssyncset.done $0x0  }
0x71: {  	[sflag:s20] =	ssyncadd.s32 $0xFFFFC000  }
0x72: {  	[tilespmem:s28], [sflag:$0x1] =	stream.indirect.gather [spmem:s1], $0x80, s6, s26, $0xb8;
	[tilespmem:$0x1F900] =	vst v63  }
0x73: {  	p1 =	sne.s32 s7, $0x1;
	_ =	swait.ge [sflag:s31], $0x4000  }
.Ltmp4:
0x74: {  	[sflag:s31] =	ssyncset.done $0x0;
	(pc) =	sbr.rel @!p1 .LBB2_5-.Ltmp4, $4  }
0x75: {  	s13 =	sadd.s32 $0x80, s0;
	[sflag:s31] =	ssyncadd.s32 $0xFFFFC000  }
0x76: {  	[spmem:s2] =	stream.indirect.scatter.add.f32 [tilespmem:s30], [sflag:$0x4], $0x80, s13, s26, $0xb8;
	[tilespmem:$0x1F900] =	vst v63  }
0x77: {  	p0 =	por $0x1, $0x1;
	s8 =	sadd.s32 $0xFFFFFFFF, s7;
	_ =	swait.ge [sflag:s20], $0x4000  }
0x78: {  	s7 =	simm.s32 $0x1C00;
	s6 =	sadd.s32 $0x100, s6;
	[sflag:s20] =	ssyncset.done $0x0  }
.LBB2_6:
0x79: {  	s12 =	sadd.s32 $0xFFFFFF80, s6;
	[sflag:s20] =	ssyncadd.s32 $0xFFFFC000;
	s7 =	sadd.s32 $0x100, s7  }
0x7a: {  	[tilespmem:s30], [sflag:$0x2] =	stream.indirect.gather [spmem:s1], $0x80, s12, s26, $0xb8;
	[tilespmem:$0x1F900] =	vst v63  }
0x7b: {  	p1 =	sne.s32 s8, $0x1;
	s8 =	sadd.s32 $0xFFFFFFFF, s8;
	_ =	swait.ge [sflag:s29], $0x4000  }
0x7c: {  	[sflag:s29] =	ssyncset.done $0x0  }
0x7d: {  	[sflag:s29] =	ssyncadd.s32 $0xFFFFC000  }
0x7e: {  	[spmem:s2] =	stream.indirect.scatter.add.f32 [tilespmem:s28], [sflag:$0x4], $0x80, s7, s26, $0xb8;
	[tilespmem:$0x1F900] =	vst v63  }
0x7f: {  	_ =	swait.ge [sflag:s20], $0x4000  }
0x80: {  	[sflag:s20] =	ssyncset.done $0x0  }
0x81: {  	[sflag:s20] =	ssyncadd.s32 $0xFFFFC000  }
0x82: {  	[tilespmem:s28], [sflag:$0x1] =	stream.indirect.gather [spmem:s1], $0x80, s6, s26, $0xb8;
	[tilespmem:$0x1F900] =	vst v63  }
0x83: {  	_ =	swait.ge [sflag:s31], $0x4000  }
.Ltmp5:
0x84: {  	[sflag:s31] =	ssyncset.done $0x0;
	(pc) =	sbr.rel @p1 .LBB2_6-.Ltmp5, $4  }
0x85: {  	s12 =	sadd.s32 $0x80, s7;
	[sflag:s31] =	ssyncadd.s32 $0xFFFFC000  }
0x86: {  	[spmem:s2] =	stream.indirect.scatter.add.f32 [tilespmem:s30], [sflag:$0x4], $0x80, s12, s26, $0xb8;
	[tilespmem:$0x1F900] =	vst v63  }
0x87: {  	_ =	swait.ge [sflag:s20], $0x4000  }
0x88: {  	s6 =	sadd.s32 $0x100, s6;
	[sflag:s20] =	ssyncset.done $0x0  }
.LBB2_7:
0x89: {  	s8 =	sadd.s32 $0xFFFFFF80, s6;
	[sflag:s20] =	ssyncadd.s32 @p0 $0xFFFFC000  }
0x8a: {  	[tilespmem:s30], [sflag:$0x2] =	stream.indirect.gather [spmem:s1], $0x80, s8, s26, $0xb8;
	[tilespmem:$0x1F900] =	vst v63  }
0x8b: {  	_ =	swait.ge [sflag:s29], $0x4000  }
0x8c: {  	s7 =	sadd.s32 @p0 $0x100, s7;
	s8 =	simm.s32 $0x1C00;
	[sflag:s29] =	ssyncset.done $0x0  }
0x8d: {  	s8 =	smov.u32 @p0 s7;
	[sflag:s29] =	ssyncadd.s32 $0xFFFFC000  }
0x8e: {  	[spmem:s2] =	stream.indirect.scatter.add.f32 [tilespmem:s28], [sflag:$0x4], $0x80, s8, s26, $0xb8;
	[tilespmem:$0x1F900] =	vst v63  }
0x8f: {  	_ =	swait.ge [sflag:s20], $0x4000  }
0x90: {  	[sflag:s20] =	ssyncset.done $0x0  }
0x91: {  	[sflag:s20] =	ssyncadd.s32 $0xFFFFC000  }
0x92: {  	[tilespmem:s28], [sflag:$0x1] =	stream.indirect.gather [spmem:s1], $0x80, s6, s26, $0xb8;
	[tilespmem:$0x1F900] =	vst v63  }
0x93: {  	_ =	swait.ge [sflag:s31], $0x4000  }
0x94: {  	[sflag:s31] =	ssyncset.done $0x0  }
0x95: {  	s13 =	sadd.s32 $0x80, s8;
	[sflag:s31] =	ssyncadd.s32 $0xFFFFC000  }
0x96: {  	[spmem:s2] =	stream.indirect.scatter.add.f32 [tilespmem:s30], [sflag:$0x4], $0x80, s13, s26, $0xb8;
	[tilespmem:$0x1F900] =	vst v63  }
0x97: {  	_ =	swait.ge [sflag:s20], $0x4000  }
0x98: {  	[sflag:s20] =	ssyncset.done $0x0  }
0x99: {  	[sflag:s20] =	ssyncadd.s32 $0xFFFFC000  }
.LBB2_8:
0x9a: {  	_ =	swait.ge [sflag:s29], $0x4000  }
0x9b: {  	[sflag:s29] =	ssyncset.done $0x0  }
0x9c: {  	[sflag:s29] =	ssyncadd.s32 $0xFFFFC000  }
0x9d: {  	_ =	swait.ge [sflag:s23], $0xE00  }
0x9e: {  	[sflag:s23] =	ssyncset.done $0x0  }
0x9f: {  	[sflag:s23] =	ssyncadd.s32 $0xFFFFF200  }
0xa0: {  	_ =	swait.ge [sflag:s23], $0xE00  }
0xa1: {  	[sflag:s23] =	ssyncset.done $0x0  }
0xa2: {  	s6 =	sadd.s32 s16, s9;
	[sflag:s23] =	ssyncadd.s32 $0xFFFFF200  }
0xa3: {  	[tilespmem:s3], [sflag:$0x3] =	stream.linear.gather [hbm4b:s6+s3], $0xE00, $0x38;
	[tilespmem:$0x1F900] =	vst v63  }
0xa4: {  	s8 =	sadd.s32 s16, s11  }
0xa5: {  	[tilespmem:s0], [sflag:$0x3] =	stream.linear.gather [hbm4b:s8+s3], $0xE00, $0x38;
	[tilespmem:$0x1F900] =	vst v63  }
0xa6: {  	v0 =	vld [tilespmem:$0x1F880];
	_ =	sdelay $0x4  }
0xa7: {  	v0 =	vnsel vm0, $0x0, v0  }
0xa8: {  	(xrf0) =	vadd.scan.msk.s32 $0xffff, v0;
	_ =	sdelay $0x5  }
0xa9: {  	v0, _, _ =	vpop (xrf0)  }
0xaa: {  	(v2sf) =	vpush v0, $0xF;
	_ =	sdelay $0xe  }
0xab: {  	s12 =	spop (v2sf)  }
0xac: {  	s7 =	sand.u32 $0x1, s12  }
0xad: {  	p0 =	slt.s32 s12, $0x1;
	p1 =	seq.s32 s7, $0x1  }
0xae: {  	s13 =	sshrl.u32 s12, $0x1F;
	p0 =	por !p0, !p1  }
0xaf: {  	s6 =	sadd.s32 s13, s12;
	s7 =	simm.s32 $0x1;
	p0 =	por !p0, !p0  }
0xb0: {  	s6 =	sshra.s32 s6, $0x1;
	s7 =	simm.s32 @!p0 $0x0  }
0xb1: {  	s8 =	ssub.s32 s6, s7  }
0xb2: {  	p0 =	slt.s32 s8, $0x1  }
.Ltmp6:
0xb3: {  	_ = 	snop;
	(pc) =	sbr.rel @p0 .LBB2_15-.Ltmp6, $2  }
0xb4: {  	_ =	sdelay $0x2  }
0xb5: {  	[tilespmem:s28], [sflag:$0x1] =	stream.indirect.gather [spmem:s1], $0x80, s24, s26, $0xb8;
	[tilespmem:$0x1F900] =	vst v63  }
0xb6: {  	p1 =	sne.s32 s8, $0x1  }
.Ltmp7:
0xb7: {  	_ = 	snop;
	(pc) =	sbr.rel @!p1 .LBB2_10-.Ltmp7, $3  }
0xb8: {  	_ =	sdelay $0x1  }
0xb9: {  	s7 =	simm.s32 $0xF00  }
0xba: {  	s6 =	simm.s32 $0x2A00;
	s8 =	sadd.s32 $0xFFFFFFFF, s8;
	p0 =	por $0x0, $0x0  }
0xbb: {  	s12 =	simm.s32 $0xE80  }
0xbc: {  	[tilespmem:s30], [sflag:$0x2] =	stream.indirect.gather [spmem:s1], $0x80, s12, s26, $0xb8;
	[tilespmem:$0x1F900] =	vst v63  }
0xbd: {  	_ =	swait.ge [sflag:s29], $0x4000  }
0xbe: {  	[sflag:s29] =	ssyncset.done $0x0  }
0xbf: {  	[sflag:s29] =	ssyncadd.s32 $0xFFFFC000  }
0xc0: {  	[spmem:s2] =	stream.indirect.scatter.add.f32 [tilespmem:s28], [sflag:$0x4], $0x80, s6, s26, $0xb8;
	[tilespmem:$0x1F900] =	vst v63  }
0xc1: {  	_ =	swait.ge [sflag:s20], $0x4000  }
0xc2: {  	[sflag:s20] =	ssyncset.done $0x0  }
0xc3: {  	[sflag:s20] =	ssyncadd.s32 $0xFFFFC000  }
0xc4: {  	[tilespmem:s28], [sflag:$0x1] =	stream.indirect.gather [spmem:s1], $0x80, s7, s26, $0xb8;
	[tilespmem:$0x1F900] =	vst v63  }
0xc5: {  	p1 =	sne.s32 s8, $0x1;
	_ =	swait.ge [sflag:s31], $0x4000  }
.Ltmp8:
0xc6: {  	[sflag:s31] =	ssyncset.done $0x0;
	(pc) =	sbr.rel @!p1 .LBB2_12-.Ltmp8, $4  }
0xc7: {  	s13 =	simm.s32 $0x2A80;
	[sflag:s31] =	ssyncadd.s32 $0xFFFFC000  }
0xc8: {  	[spmem:s2] =	stream.indirect.scatter.add.f32 [tilespmem:s30], [sflag:$0x4], $0x80, s13, s26, $0xb8;
	[tilespmem:$0x1F900] =	vst v63  }
0xc9: {  	p0 =	por $0x1, $0x1;
	s12 =	sadd.s32 $0xFFFFFFFF, s8;
	_ =	swait.ge [sflag:s20], $0x4000  }
0xca: {  	s8 =	simm.s32 $0x2A00;
	s7 =	simm.s32 $0x1000;
	[sflag:s20] =	ssyncset.done $0x0  }
.LBB2_13:
0xcb: {  	s13 =	sadd.s32 $0xFFFFFF80, s7;
	[sflag:s20] =	ssyncadd.s32 $0xFFFFC000;
	s8 =	sadd.s32 $0x100, s8  }
0xcc: {  	[tilespmem:s30], [sflag:$0x2] =	stream.indirect.gather [spmem:s1], $0x80, s13, s26, $0xb8;
	[tilespmem:$0x1F900] =	vst v63  }
0xcd: {  	p1 =	sne.s32 s12, $0x1;
	s12 =	sadd.s32 $0xFFFFFFFF, s12;
	_ =	swait.ge [sflag:s29], $0x4000  }
0xce: {  	[sflag:s29] =	ssyncset.done $0x0  }
0xcf: {  	[sflag:s29] =	ssyncadd.s32 $0xFFFFC000  }
0xd0: {  	[spmem:s2] =	stream.indirect.scatter.add.f32 [tilespmem:s28], [sflag:$0x4], $0x80, s8, s26, $0xb8;
	[tilespmem:$0x1F900] =	vst v63  }
0xd1: {  	_ =	swait.ge [sflag:s20], $0x4000  }
0xd2: {  	[sflag:s20] =	ssyncset.done $0x0  }
0xd3: {  	[sflag:s20] =	ssyncadd.s32 $0xFFFFC000  }
0xd4: {  	[tilespmem:s28], [sflag:$0x1] =	stream.indirect.gather [spmem:s1], $0x80, s7, s26, $0xb8;
	[tilespmem:$0x1F900] =	vst v63  }
0xd5: {  	_ =	swait.ge [sflag:s31], $0x4000  }
.Ltmp9:
0xd6: {  	[sflag:s31] =	ssyncset.done $0x0;
	(pc) =	sbr.rel @p1 .LBB2_13-.Ltmp9, $4  }
0xd7: {  	s13 =	sadd.s32 $0x80, s8;
	[sflag:s31] =	ssyncadd.s32 $0xFFFFC000  }
0xd8: {  	[spmem:s2] =	stream.indirect.scatter.add.f32 [tilespmem:s30], [sflag:$0x4], $0x80, s13, s26, $0xb8;
	[tilespmem:$0x1F900] =	vst v63  }
0xd9: {  	_ =	swait.ge [sflag:s20], $0x4000  }
0xda: {  	s7 =	sadd.s32 $0x100, s7;
	[sflag:s20] =	ssyncset.done $0x0  }
.LBB2_14:
0xdb: {  	s12 =	sadd.s32 $0xFFFFFF80, s7;
	[sflag:s20] =	ssyncadd.s32 @p0 $0xFFFFC000  }
0xdc: {  	[tilespmem:s30], [sflag:$0x2] =	stream.indirect.gather [spmem:s1], $0x80, s12, s26, $0xb8;
	[tilespmem:$0x1F900] =	vst v63  }
0xdd: {  	_ =	swait.ge [sflag:s29], $0x4000  }
0xde: {  	s8 =	sadd.s32 @p0 $0x100, s8;
	[sflag:s29] =	ssyncset.done $0x0  }
0xdf: {  	s6 =	smov.u32 @p0 s8;
	[sflag:s29] =	ssyncadd.s32 $0xFFFFC000  }
0xe0: {  	[spmem:s2] =	stream.indirect.scatter.add.f32 [tilespmem:s28], [sflag:$0x4], $0x80, s6, s26, $0xb8;
	[tilespmem:$0x1F900] =	vst v63  }
0xe1: {  	_ =	swait.ge [sflag:s20], $0x4000  }
0xe2: {  	[sflag:s20] =	ssyncset.done $0x0  }
0xe3: {  	[sflag:s20] =	ssyncadd.s32 $0xFFFFC000  }
0xe4: {  	[tilespmem:s28], [sflag:$0x1] =	stream.indirect.gather [spmem:s1], $0x80, s7, s26, $0xb8;
	[tilespmem:$0x1F900] =	vst v63  }
0xe5: {  	_ =	swait.ge [sflag:s31], $0x4000  }
0xe6: {  	[sflag:s31] =	ssyncset.done $0x0  }
0xe7: {  	s6 =	sadd.s32 $0x80, s6;
	[sflag:s31] =	ssyncadd.s32 $0xFFFFC000  }
0xe8: {  	[spmem:s2] =	stream.indirect.scatter.add.f32 [tilespmem:s30], [sflag:$0x4], $0x80, s6, s26, $0xb8;
	[tilespmem:$0x1F900] =	vst v63  }
0xe9: {  	_ =	swait.ge [sflag:s20], $0x4000  }
0xea: {  	[sflag:s20] =	ssyncset.done $0x0  }
0xeb: {  	[sflag:s20] =	ssyncadd.s32 $0xFFFFC000  }
.LBB2_15:
0xec: {  	_ =	swait.ge [sflag:s29], $0x4000  }
0xed: {  	[sflag:s29] =	ssyncset.done $0x0  }
0xee: {  	[sflag:s29] =	ssyncadd.s32 $0xFFFFC000  }
0xef: {  	_ =	swait.ge [sflag:s23], $0xE00  }
0xf0: {  	[sflag:s23] =	ssyncset.done $0x0  }
0xf1: {  	[sflag:s23] =	ssyncadd.s32 $0xFFFFF200  }
0xf2: {  	_ =	swait.ge [sflag:s23], $0xE00  }
0xf3: {  	[sflag:s23] =	ssyncset.done $0x0  }
0xf4: {  	[sflag:s23] =	ssyncadd.s32 $0xFFFFF200  }
0xf5: {  	[bflag:$0x0] =	sbarrier.arrive $0xFFFF  }
0xf6: {  	[spmem:s5], [sflag:s21] =	dma.local [hbm:s17], $0x1400  }
0xf7: {  	_ =	swait.ge [sflag:s20], $0x1400  }
0xf8: {  	[sflag:s20] =	ssyncset.done $0x0  }
0xf9: {  	[sflag:s20] =	ssyncadd.s32 $0xFFFFEC00  }
0xfa: {  	s7 =	sadd.s32 s16, s14;
	[bflag:$0x0] =	sbarrier.arrive $0xFFFF  }
0xfb: {  	[tilespmem:s24], [sflag:$0x3] =	stream.linear.gather [hbm4b:s7+s3], $0xE00, $0x38;
	[tilespmem:$0x1F900] =	vst v63  }
0xfc: {  	s8 =	sadd.s32 s16, s15  }
0xfd: {  	[tilespmem:s25], [sflag:$0x3] =	stream.linear.gather [hbm4b:s8+s3], $0xE00, $0x38;
	[tilespmem:$0x1F900] =	vst v63  }
0xfe: {  	v0 =	vld [tilespmem:$0x1F800];
	_ =	sdelay $0x4  }
0xff: {  	v0 =	vnsel vm1, $0x0, v0  }
0x100: {  	(xrf0) =	vadd.scan.msk.s32 $0xffff, v0;
	_ =	sdelay $0x5  }
0x101: {  	v0, _, _ =	vpop (xrf0)  }
0x102: {  	(v2sf) =	vpush v0, $0xF;
	_ =	sdelay $0xe  }
0x103: {  	s12 =	spop (v2sf)  }
0x104: {  	s6 =	sand.u32 $0x1, s12  }
0x105: {  	p0 =	slt.s32 s12, $0x1;
	p1 =	seq.s32 s6, $0x1  }
0x106: {  	s13 =	sshrl.u32 s12, $0x1F;
	p0 =	por !p0, !p1  }
0x107: {  	s5 =	sadd.s32 s13, s12;
	s6 =	simm.s32 $0x1;
	p0 =	por !p0, !p0  }
0x108: {  	s5 =	sshra.s32 s5, $0x1;
	s6 =	simm.s32 @!p0 $0x0  }
0x109: {  	s7 =	ssub.s32 s5, s6  }
0x10a: {  	p0 =	slt.s32 s7, $0x1  }
.Ltmp10:
0x10b: {  	_ = 	snop;
	(pc) =	sbr.rel @p0 .LBB2_22-.Ltmp10, $2  }
0x10c: {  	_ =	sdelay $0x2  }
0x10d: {  	[tilespmem:s28], [sflag:$0x1] =	stream.indirect.gather [spmem:s1], $0x80, s3, s26, $0xb8;
	[tilespmem:$0x1F900] =	vst v63  }
0x10e: {  	p1 =	sne.s32 s7, $0x1  }
.Ltmp11:
0x10f: {  	_ = 	snop;
	(pc) =	sbr.rel @!p1 .LBB2_17-.Ltmp11, $3  }
0x110: {  	_ =	sdelay $0x1  }
0x111: {  	s6 =	simm.s32 $0x100  }
0x112: {  	s5 =	simm.s32 $0x1C00;
	s7 =	sadd.s32 $0xFFFFFFFF, s7;
	p0 =	por $0x0, $0x0  }
0x113: {  	s8 =	simm.s32 $0x80  }
0x114: {  	[tilespmem:s30], [sflag:$0x2] =	stream.indirect.gather [spmem:s1], $0x80, s8, s26, $0xb8;
	[tilespmem:$0x1F900] =	vst v63  }
0x115: {  	_ =	swait.ge [sflag:s29], $0x4000  }
0x116: {  	[sflag:s29] =	ssyncset.done $0x0  }
0x117: {  	[sflag:s29] =	ssyncadd.s32 $0xFFFFC000  }
0x118: {  	[spmem:s2] =	stream.indirect.scatter.add.f32 [tilespmem:s28], [sflag:$0x4], $0x80, s5, s26, $0xb8;
	[tilespmem:$0x1F900] =	vst v63  }
0x119: {  	_ =	swait.ge [sflag:s20], $0x4000  }
0x11a: {  	[sflag:s20] =	ssyncset.done $0x0  }
0x11b: {  	[sflag:s20] =	ssyncadd.s32 $0xFFFFC000  }
0x11c: {  	[tilespmem:s28], [sflag:$0x1] =	stream.indirect.gather [spmem:s1], $0x80, s6, s26, $0xb8;
	[tilespmem:$0x1F900] =	vst v63  }
0x11d: {  	p1 =	sne.s32 s7, $0x1;
	_ =	swait.ge [sflag:s31], $0x4000  }
.Ltmp12:
0x11e: {  	[sflag:s31] =	ssyncset.done $0x0;
	(pc) =	sbr.rel @!p1 .LBB2_19-.Ltmp12, $4  }
0x11f: {  	s13 =	simm.s32 $0x1C80;
	[sflag:s31] =	ssyncadd.s32 $0xFFFFC000  }
0x120: {  	[spmem:s2] =	stream.indirect.scatter.add.f32 [tilespmem:s30], [sflag:$0x4], $0x80, s13, s26, $0xb8;
	[tilespmem:$0x1F900] =	vst v63  }
0x121: {  	p0 =	por $0x1, $0x1;
	s8 =	sadd.s32 $0xFFFFFFFF, s7;
	_ =	swait.ge [sflag:s20], $0x4000  }
0x122: {  	s7 =	simm.s32 $0x1C00;
	s6 =	simm.s32 $0x200;
	[sflag:s20] =	ssyncset.done $0x0  }
.LBB2_20:
0x123: {  	s12 =	sadd.s32 $0xFFFFFF80, s6;
	[sflag:s20] =	ssyncadd.s32 $0xFFFFC000;
	s7 =	sadd.s32 $0x100, s7  }
0x124: {  	[tilespmem:s30], [sflag:$0x2] =	stream.indirect.gather [spmem:s1], $0x80, s12, s26, $0xb8;
	[tilespmem:$0x1F900] =	vst v63  }
0x125: {  	p1 =	sne.s32 s8, $0x1;
	s8 =	sadd.s32 $0xFFFFFFFF, s8;
	_ =	swait.ge [sflag:s29], $0x4000  }
0x126: {  	[sflag:s29] =	ssyncset.done $0x0  }
0x127: {  	[sflag:s29] =	ssyncadd.s32 $0xFFFFC000  }
0x128: {  	[spmem:s2] =	stream.indirect.scatter.add.f32 [tilespmem:s28], [sflag:$0x4], $0x80, s7, s26, $0xb8;
	[tilespmem:$0x1F900] =	vst v63  }
0x129: {  	_ =	swait.ge [sflag:s20], $0x4000  }
0x12a: {  	[sflag:s20] =	ssyncset.done $0x0  }
0x12b: {  	[sflag:s20] =	ssyncadd.s32 $0xFFFFC000  }
0x12c: {  	[tilespmem:s28], [sflag:$0x1] =	stream.indirect.gather [spmem:s1], $0x80, s6, s26, $0xb8;
	[tilespmem:$0x1F900] =	vst v63  }
0x12d: {  	_ =	swait.ge [sflag:s31], $0x4000  }
.Ltmp13:
0x12e: {  	[sflag:s31] =	ssyncset.done $0x0;
	(pc) =	sbr.rel @p1 .LBB2_20-.Ltmp13, $4  }
0x12f: {  	s12 =	sadd.s32 $0x80, s7;
	[sflag:s31] =	ssyncadd.s32 $0xFFFFC000  }
0x130: {  	[spmem:s2] =	stream.indirect.scatter.add.f32 [tilespmem:s30], [sflag:$0x4], $0x80, s12, s26, $0xb8;
	[tilespmem:$0x1F900] =	vst v63  }
0x131: {  	_ =	swait.ge [sflag:s20], $0x4000  }
0x132: {  	s6 =	sadd.s32 $0x100, s6;
	[sflag:s20] =	ssyncset.done $0x0  }
.LBB2_21:
0x133: {  	s8 =	sadd.s32 $0xFFFFFF80, s6;
	[sflag:s20] =	ssyncadd.s32 @p0 $0xFFFFC000  }
0x134: {  	[tilespmem:s30], [sflag:$0x2] =	stream.indirect.gather [spmem:s1], $0x80, s8, s26, $0xb8;
	[tilespmem:$0x1F900] =	vst v63  }
0x135: {  	_ =	swait.ge [sflag:s29], $0x4000  }
0x136: {  	s7 =	sadd.s32 @p0 $0x100, s7;
	[sflag:s29] =	ssyncset.done $0x0  }
0x137: {  	s5 =	smov.u32 @p0 s7;
	[sflag:s29] =	ssyncadd.s32 $0xFFFFC000  }
0x138: {  	[spmem:s2] =	stream.indirect.scatter.add.f32 [tilespmem:s28], [sflag:$0x4], $0x80, s5, s26, $0xb8;
	[tilespmem:$0x1F900] =	vst v63  }
0x139: {  	_ =	swait.ge [sflag:s20], $0x4000  }
0x13a: {  	[sflag:s20] =	ssyncset.done $0x0  }
0x13b: {  	[sflag:s20] =	ssyncadd.s32 $0xFFFFC000  }
0x13c: {  	[tilespmem:s28], [sflag:$0x1] =	stream.indirect.gather [spmem:s1], $0x80, s6, s26, $0xb8;
	[tilespmem:$0x1F900] =	vst v63  }
0x13d: {  	_ =	swait.ge [sflag:s31], $0x4000  }
0x13e: {  	[sflag:s31] =	ssyncset.done $0x0  }
0x13f: {  	s5 =	sadd.s32 $0x80, s5;
	[sflag:s31] =	ssyncadd.s32 $0xFFFFC000  }
0x140: {  	[spmem:s2] =	stream.indirect.scatter.add.f32 [tilespmem:s30], [sflag:$0x4], $0x80, s5, s26, $0xb8;
	[tilespmem:$0x1F900] =	vst v63  }
0x141: {  	_ =	swait.ge [sflag:s20], $0x4000  }
0x142: {  	[sflag:s20] =	ssyncset.done $0x0  }
0x143: {  	[sflag:s20] =	ssyncadd.s32 $0xFFFFC000  }
.LBB2_22:
0x144: {  	_ =	swait.ge [sflag:s29], $0x4000  }
0x145: {  	[sflag:s29] =	ssyncset.done $0x0  }
0x146: {  	[sflag:s29] =	ssyncadd.s32 $0xFFFFC000  }
0x147: {  	_ =	swait.ge [sflag:s23], $0xE00  }
0x148: {  	[sflag:s23] =	ssyncset.done $0x0  }
0x149: {  	[sflag:s23] =	ssyncadd.s32 $0xFFFFF200  }
0x14a: {  	_ =	swait.ge [sflag:s23], $0xE00  }
0x14b: {  	[sflag:s23] =	ssyncset.done $0x0  }
0x14c: {  	[sflag:s23] =	ssyncadd.s32 $0xFFFFF200  }
0x14d: {  	v0 =	vld [tilespmem:$0x1F880];
	_ =	sdelay $0x4  }
0x14e: {  	v0 =	vnsel vm1, $0x0, v0  }
0x14f: {  	(xrf0) =	vadd.scan.msk.s32 $0xffff, v0;
	_ =	sdelay $0x5  }
0x150: {  	v0, _, _ =	vpop (xrf0)  }
0x151: {  	(v2sf) =	vpush v0, $0xF;
	_ =	sdelay $0xe  }
0x152: {  	s5 =	spop (v2sf)  }
0x153: {  	s6 =	sand.u32 $0x1, s5  }
0x154: {  	p0 =	slt.s32 s5, $0x1;
	p1 =	seq.s32 s6, $0x1  }
0x155: {  	s13 =	sshrl.u32 s5, $0x1F;
	p0 =	por !p0, !p1  }
0x156: {  	s5 =	sadd.s32 s13, s5;
	s6 =	simm.s32 $0x1;
	p0 =	por !p0, !p0  }
0x157: {  	s5 =	sshra.s32 s5, $0x1;
	s6 =	simm.s32 @!p0 $0x0  }
0x158: {  	s7 =	ssub.s32 s5, s6  }
0x159: {  	p0 =	slt.s32 s7, $0x1  }
.Ltmp14:
0x15a: {  	_ = 	snop;
	(pc) =	sbr.rel @p0 .LBB2_29-.Ltmp14, $2  }
0x15b: {  	_ =	sdelay $0x2  }
0x15c: {  	[tilespmem:s28], [sflag:$0x1] =	stream.indirect.gather [spmem:s1], $0x80, s24, s26, $0xb8;
	[tilespmem:$0x1F900] =	vst v63  }
0x15d: {  	p1 =	sne.s32 s7, $0x1  }
.Ltmp15:
0x15e: {  	_ = 	snop;
	(pc) =	sbr.rel @!p1 .LBB2_24-.Ltmp15, $3  }
0x15f: {  	_ =	sdelay $0x1  }
0x160: {  	s6 =	simm.s32 $0xF00  }
0x161: {  	s5 =	simm.s32 $0x2A00;
	s7 =	sadd.s32 $0xFFFFFFFF, s7;
	p0 =	por $0x0, $0x0  }
0x162: {  	s8 =	simm.s32 $0xE80  }
0x163: {  	[tilespmem:s30], [sflag:$0x2] =	stream.indirect.gather [spmem:s1], $0x80, s8, s26, $0xb8;
	[tilespmem:$0x1F900] =	vst v63  }
0x164: {  	_ =	swait.ge [sflag:s29], $0x4000  }
0x165: {  	[sflag:s29] =	ssyncset.done $0x0  }
0x166: {  	[sflag:s29] =	ssyncadd.s32 $0xFFFFC000  }
0x167: {  	[spmem:s2] =	stream.indirect.scatter.add.f32 [tilespmem:s28], [sflag:$0x4], $0x80, s5, s26, $0xb8;
	[tilespmem:$0x1F900] =	vst v63  }
0x168: {  	_ =	swait.ge [sflag:s20], $0x4000  }
0x169: {  	[sflag:s20] =	ssyncset.done $0x0  }
0x16a: {  	[sflag:s20] =	ssyncadd.s32 $0xFFFFC000  }
0x16b: {  	[tilespmem:s28], [sflag:$0x1] =	stream.indirect.gather [spmem:s1], $0x80, s6, s26, $0xb8;
	[tilespmem:$0x1F900] =	vst v63  }
0x16c: {  	p1 =	sne.s32 s7, $0x1;
	_ =	swait.ge [sflag:s31], $0x4000  }
.Ltmp16:
0x16d: {  	[sflag:s31] =	ssyncset.done $0x0;
	(pc) =	sbr.rel @!p1 .LBB2_26-.Ltmp16, $4  }
0x16e: {  	s13 =	simm.s32 $0x2A80;
	[sflag:s31] =	ssyncadd.s32 $0xFFFFC000  }
0x16f: {  	[spmem:s2] =	stream.indirect.scatter.add.f32 [tilespmem:s30], [sflag:$0x4], $0x80, s13, s26, $0xb8;
	[tilespmem:$0x1F900] =	vst v63  }
0x170: {  	p0 =	por $0x1, $0x1;
	s8 =	sadd.s32 $0xFFFFFFFF, s7;
	_ =	swait.ge [sflag:s20], $0x4000  }
0x171: {  	s7 =	simm.s32 $0x2A00;
	s6 =	simm.s32 $0x1000;
	[sflag:s20] =	ssyncset.done $0x0  }
.LBB2_27:
0x172: {  	s12 =	sadd.s32 $0xFFFFFF80, s6;
	[sflag:s20] =	ssyncadd.s32 $0xFFFFC000;
	s7 =	sadd.s32 $0x100, s7  }
0x173: {  	[tilespmem:s30], [sflag:$0x2] =	stream.indirect.gather [spmem:s1], $0x80, s12, s26, $0xb8;
	[tilespmem:$0x1F900] =	vst v63  }
0x174: {  	p1 =	sne.s32 s8, $0x1;
	s8 =	sadd.s32 $0xFFFFFFFF, s8;
	_ =	swait.ge [sflag:s29], $0x4000  }
0x175: {  	[sflag:s29] =	ssyncset.done $0x0  }
0x176: {  	[sflag:s29] =	ssyncadd.s32 $0xFFFFC000  }
0x177: {  	[spmem:s2] =	stream.indirect.scatter.add.f32 [tilespmem:s28], [sflag:$0x4], $0x80, s7, s26, $0xb8;
	[tilespmem:$0x1F900] =	vst v63  }
0x178: {  	_ =	swait.ge [sflag:s20], $0x4000  }
0x179: {  	[sflag:s20] =	ssyncset.done $0x0  }
0x17a: {  	[sflag:s20] =	ssyncadd.s32 $0xFFFFC000  }
0x17b: {  	[tilespmem:s28], [sflag:$0x1] =	stream.indirect.gather [spmem:s1], $0x80, s6, s26, $0xb8;
	[tilespmem:$0x1F900] =	vst v63  }
0x17c: {  	_ =	swait.ge [sflag:s31], $0x4000  }
.Ltmp17:
0x17d: {  	[sflag:s31] =	ssyncset.done $0x0;
	(pc) =	sbr.rel @p1 .LBB2_27-.Ltmp17, $4  }
0x17e: {  	s12 =	sadd.s32 $0x80, s7;
	[sflag:s31] =	ssyncadd.s32 $0xFFFFC000  }
0x17f: {  	[spmem:s2] =	stream.indirect.scatter.add.f32 [tilespmem:s30], [sflag:$0x4], $0x80, s12, s26, $0xb8;
	[tilespmem:$0x1F900] =	vst v63  }
0x180: {  	_ =	swait.ge [sflag:s20], $0x4000  }
0x181: {  	s6 =	sadd.s32 $0x100, s6;
	[sflag:s20] =	ssyncset.done $0x0  }
.Ltmp18:
0x182: {  	_ = 	snop;
	(pc) =	sbr.rel .LBB2_28-.Ltmp18, $1  }
0x183: {  	_ =	sdelay $0x3  }
.LBB2_3:
.Ltmp19:
0x184: {  	(pc) =	sbr.rel .LBB2_7-.Ltmp19, $2  }
0x185: {  	_ =	sdelay $0x2  }
0x186: {  	s7 =	simm.s32 $0x1C00  }
.LBB2_10:
.Ltmp20:
0x187: {  	(pc) =	sbr.rel .LBB2_14-.Ltmp20, $2  }
0x188: {  	_ =	sdelay $0x2  }
0x189: {  	s8 =	simm.s32 $0x2A00  }
.LBB2_17:
.Ltmp21:
0x18a: {  	(pc) =	sbr.rel .LBB2_21-.Ltmp21, $2  }
0x18b: {  	_ =	sdelay $0x2  }
0x18c: {  	s7 =	simm.s32 $0x1C00  }
.LBB2_5:
.Ltmp22:
0x18d: {  	(pc) =	sbr.rel .LBB2_7-.Ltmp22, $2  }
0x18e: {  	_ =	sdelay $0x2  }
0x18f: {  	s7 =	simm.s32 $0x1C00  }
.LBB2_12:
.Ltmp23:
0x190: {  	(pc) =	sbr.rel .LBB2_14-.Ltmp23, $2  }
0x191: {  	_ =	sdelay $0x2  }
0x192: {  	s8 =	simm.s32 $0x2A00  }
.LBB2_19:
.Ltmp24:
0x193: {  	(pc) =	sbr.rel .LBB2_21-.Ltmp24, $2  }
0x194: {  	_ =	sdelay $0x2  }
0x195: {  	s7 =	simm.s32 $0x1C00  }
.LBB2_26:
.Ltmp25:
0x196: {  	(pc) =	sbr.rel .LBB2_28-.Ltmp25, $2  }
0x197: {  	_ =	sdelay $0x2  }
0x198: {  	s7 =	simm.s32 $0x2A00  }
.LBB2_30:
0x199: {  	_ =	sfence.sel $0x180000  }
0x19a: {  	[bflag:$0x0] =	sbarrier.arrive $0xFFFF  }
0x19b: {  	_ =	strace $0x9000004A  }
0x19c: {  	s0 =	stileid.u32;
	[bflag:$0x2] =	sbarrier.arrive $0xFFFF  }
0x19d: {  	p0 =	sne.s32 s0, $0x0;
	s0 =	rddreg [dreg:$0x4]  }
0x19e: {  	s0 =	sadd.s32 @!p0 $0x100000, s0  }
0x19f: {  	[sflag:s0] =	ssyncadd.tile.s32 @!p0 $0x1;
	_ =	shalt  }
.Lfunc_end2:
_tile_overlayer_lowered:
.L_overlay_start_2:
0x1a0: {  	(tag) =	ssettag $0x2  }
0x1a1: {  	s0 =	rddreg [dreg:$0x0];
	s2 =	stileid.u32  }
0x1a2: {  	s1 =	rddreg [dreg:$0x1];
	p0 =	sne.s32 s2, $0x0  }
0x1a3: {  	s3 =	rddreg [dreg:$0x2];
	[bflag:$0x3] =	sbarrier.arrive $0xFFFF;
	s2 =	simm.s32 @!p0 $0x1C04  }
0x1a4: {  	[timem:s3], [sflag:s2] =	dma.local @!p0 [hbm:s0], s1  }
0x1a5: {  	s0 =	simm.s32 @!p0 $0x4  }
0x1a6: {  	_ =	swait.ge @!p0 [sflag:s0], s1  }
0x1a7: {  	s1 =	ssub.s32 @!p0 $0x0, s1;
	[sflag:s0] =	ssyncset.done @!p0 $0x0  }
0x1a8: {  	[sflag:s0] =	ssyncadd.s32 @!p0 s1  }
0x1a9: {  	[bflag:$0x3] =	sbarrier.arrive $0xFFFF  }
0x1aa: {  	_ =	shalt  }

</sc_bundles>
